<compile_context>
chip_gen: v7x
topology: tpu7x:2x2x1
jax: 0.10.2.dev20260603
libtpu: 0.0.44.dev20260713+nightly
codegen_flags: <defaults>
</compile_context>

<pallas_src>
import functools

import jax
import jax.numpy as jnp
from jax import lax
from jax.experimental import pallas as pl
from jax.experimental.pallas import tpu as pltpu
from jax.experimental.pallas import tpu_sc as plsc

N = 10000
E = 160000
D = 256
DH = 128

NC = 2
NS = 16
NW = NC * NS

NPAD = 10240
R = 1280
GR = NPAD // R

K = 128
EPTP = 10240
EP = NS * EPTP
NBT = EPTP // K
NCH = 5
CH_R = NBT // NCH

EPW = E // NW
FULL_IT = EPW // 16
REM = EPW - FULL_IT * 16

STRIPE = NPAD // NS

_EPS = 1e-5


def _sc_mesh():
    return plsc.VectorSubcoreMesh(core_axis_name="c", subcore_axis_name="s")


def _deg_kernel(dst_flat, out, dst_v, acc):
    c = lax.axis_index("c")
    s = lax.axis_index("s")
    w = s * NC + c

    z16 = jnp.zeros((16,), jnp.float32)

    def zero_body(i, _):
        acc[pl.ds(i * 16, 16)] = z16
        return 0

    lax.fori_loop(0, NPAD // 16, zero_body, 0)
    dst_v[pl.ds(EPW, 16)] = jnp.zeros((16,), jnp.int32)
    pltpu.sync_copy(dst_flat.at[pl.ds(w * EPW, EPW)], dst_v.at[pl.ds(0, EPW)])

    ones = jnp.ones((16,), jnp.float32)

    def body(i, _):
        idx = dst_v[pl.ds(i * 16, 16)]
        plsc.addupdate_scatter(acc, [idx], ones)
        return 0

    lax.fori_loop(0, FULL_IT, body, 0)
    rem_mask = lax.broadcasted_iota(jnp.int32, (16,), 0) < REM
    idx = dst_v[pl.ds(FULL_IT * 16, 16)]
    plsc.addupdate_scatter(acc, [idx], ones, mask=rem_mask)

    pltpu.sync_copy(acc, out.at[w])


def _run_deg(dst_flat):
    f = pl.kernel(
        _deg_kernel,
        out_type=jax.ShapeDtypeStruct((NW, NPAD), jnp.float32),
        mesh=_sc_mesh(),
        compiler_params=pltpu.CompilerParams(needs_layout_passes=False),
        scratch_types=[
            pltpu.VMEM((EPW + 16,), jnp.int32),
            pltpu.VMEM((NPAD,), jnp.float32),
        ],
    )
    return f(dst_flat)


def _s_kernel(src_flat, dst_flat, dinv2d, out, src_v, dst_v, dinv_v, acc):
    c = lax.axis_index("c")
    s = lax.axis_index("s")
    w = s * NC + c

    z16 = jnp.zeros((16,), jnp.float32)

    def zero_body(i, _):
        acc[pl.ds(i * 16, 16)] = z16
        return 0

    lax.fori_loop(0, NPAD // 16, zero_body, 0)
    src_v[pl.ds(EPW, 16)] = jnp.zeros((16,), jnp.int32)
    dst_v[pl.ds(EPW, 16)] = jnp.zeros((16,), jnp.int32)
    pltpu.sync_copy(src_flat.at[pl.ds(w * EPW, EPW)], src_v.at[pl.ds(0, EPW)])
    pltpu.sync_copy(dst_flat.at[pl.ds(w * EPW, EPW)], dst_v.at[pl.ds(0, EPW)])
    pltpu.sync_copy(dinv2d, dinv_v)

    def step(i, mask):
        d_idx = dst_v[pl.ds(i * 16, 16)]
        val = plsc.load_gather(
            dinv_v,
            [lax.shift_right_logical(d_idx, 7), jnp.bitwise_and(d_idx, 127)],
            mask=mask,
        )
        s_idx = src_v[pl.ds(i * 16, 16)]
        plsc.addupdate_scatter(acc, [s_idx], val, mask=mask)

    full_mask = lax.broadcasted_iota(jnp.int32, (16,), 0) < 16

    def body(i, _):
        step(i, full_mask)
        return 0

    lax.fori_loop(0, FULL_IT, body, 0)
    rem_mask = lax.broadcasted_iota(jnp.int32, (16,), 0) < REM
    step(FULL_IT, rem_mask)

    pltpu.sync_copy(acc, out.at[w])


def _run_s(src_flat, dst_flat, dinv2d):
    f = pl.kernel(
        _s_kernel,
        out_type=jax.ShapeDtypeStruct((NW, NPAD), jnp.float32),
        mesh=_sc_mesh(),
        compiler_params=pltpu.CompilerParams(needs_layout_passes=False),
        scratch_types=[
            pltpu.VMEM((EPW + 16,), jnp.int32),
            pltpu.VMEM((EPW + 16,), jnp.int32),
            pltpu.VMEM((NPAD // 128, 128), jnp.float32),
            pltpu.VMEM((NPAD,), jnp.float32),
        ],
    )
    return f(src_flat, dst_flat, dinv2d)


def _spmm_kernel(hw_flat, src_rs, dst_rs, out, idxs_v, idxd_v, buf0, buf1,
                 acc, sems2):
    c = lax.axis_index("c")
    s = lax.axis_index("s")

    z16 = jnp.zeros((16,), jnp.float32)

    def zbuf_outer(j, _):
        def zbuf_inner(k, _2):
            buf0[j, pl.ds(k * 16, 16)] = z16
            return 0

        lax.fori_loop(0, DH // 16, zbuf_inner, 0)
        return 0

    lax.fori_loop(0, K, zbuf_outer, 0)

    for t in range(STRIPE // K):
        pltpu.sync_copy(buf0, acc.at[pl.ds(s * STRIPE + t * K, K)])
    plsc.subcore_barrier()

    offv = jnp.zeros((16,), jnp.int32) + (c * NPAD).astype(jnp.int32)
    bufs = (buf0, buf1)
    sems = (sems2.at[0], sems2.at[1])

    for ch in range(NCH):
        pltpu.sync_copy(src_rs.at[s, ch], idxs_v)
        pltpu.sync_copy(dst_rs.at[s, ch], idxd_v)

        def off_outer(j, _):
            def off_inner(k, _2):
                v = idxs_v[j, pl.ds(k * 16, 16)]
                idxs_v[j, pl.ds(k * 16, 16)] = v + offv
                return 0

            lax.fori_loop(0, K // 16, off_inner, 0)
            return 0

        lax.fori_loop(0, CH_R, off_outer, 0)

        pltpu.async_copy(hw_flat.at[idxs_v.at[0]], buf0, sems[0])

        @pl.loop(0, CH_R, step=2)
        def _(j):
            for b in range(2):
                nxt = j + b + 1

                @pl.when(nxt < CH_R)
                def _():
                    pltpu.async_copy(
                        hw_flat.at[idxs_v.at[nxt]], bufs[1 - b], sems[1 - b])

                pltpu.make_async_copy(
                    hw_flat.at[idxs_v.at[j + b]], bufs[b], sems[b]).wait()
                pltpu.sync_copy(bufs[b], acc.at[idxd_v.at[j + b]], add=True)

    plsc.subcore_barrier()

    pltpu.sync_copy(
        acc.at[pl.ds(s * STRIPE, STRIPE)],
        out.at[pl.ds(c * NPAD + s * STRIPE, STRIPE)],
    )


def _run_spmm(hw_flat, src_rs, dst_rs):
    f = pl.kernel(
        _spmm_kernel,
        out_type=jax.ShapeDtypeStruct((2 * NPAD, DH), jnp.float32),
        mesh=_sc_mesh(),
        compiler_params=pltpu.CompilerParams(needs_layout_passes=False),
        scratch_types=[
            pltpu.VMEM((CH_R, K), jnp.int32),
            pltpu.VMEM((CH_R, K), jnp.int32),
            pltpu.VMEM((K, DH), jnp.float32),
            pltpu.VMEM((K, DH), jnp.float32),
            pltpu.VMEM_SHARED((NPAD, DH), jnp.float32),
            pltpu.SemaphoreType.DMA((2,)),
        ],
    )
    return f(hw_flat, src_rs, dst_rs)


def _hw1_body(deg_ref, x_ref, w_ref, hwp_ref, dinvc_ref, dinv2d_ref):
    deg = jnp.sum(deg_ref[...], axis=0) + 1.0
    dinv_col = lax.rsqrt(deg).reshape(R, 1)
    hw = jnp.dot(x_ref[...], w_ref[...], preferred_element_type=jnp.float32)
    hwp_ref[0] = hw * dinv_col
    dinvc_ref[...] = jnp.broadcast_to(dinv_col, (R, DH))
    dinv2d_ref[...] = dinv_col.reshape(1, R // 128, 128)


def _run_hw1(deg_part, x, W1):
    return pl.pallas_call(
        _hw1_body,
        grid=(2, GR),
        in_specs=[
            pl.BlockSpec((NW, R), lambda h, r: (0, r)),
            pl.BlockSpec((R, D), lambda h, r: (r, 0)),
            pl.BlockSpec((D, DH), lambda h, r: (0, h)),
        ],
        out_specs=[
            pl.BlockSpec((1, R, DH), lambda h, r: (h, r, 0)),
            pl.BlockSpec((R, DH), lambda h, r: (r, 0)),
            pl.BlockSpec((1, R // 128, 128), lambda h, r: (r, 0, 0)),
        ],
        out_shape=[
            jax.ShapeDtypeStruct((2, NPAD, DH), jnp.float32),
            jax.ShapeDtypeStruct((NPAD, DH), jnp.float32),
            jax.ShapeDtypeStruct((GR, R // 128, 128), jnp.float32),
        ],
    )(deg_part, x, W1)


def _mid_body(scat_ref, hwp_ref, dinvc_ref, al_ref, be_ref, w2_ref, out_ref):
    dv = dinvc_ref[...]
    acc = None
    for hh in range(2):
        t = (scat_ref[hh] + hwp_ref[hh]) * dv
        h1 = jnp.maximum(t * al_ref[hh] + be_ref[hh], 0.0)
        p = jnp.dot(h1, w2_ref[hh], preferred_element_type=jnp.float32)
        acc = p if acc is None else acc + p
    out_ref[0] = acc * dv


def _run_mid(scat1, hwp1, dinvc, al1, be1, W2_rs):
    return pl.pallas_call(
        _mid_body,
        grid=(2, GR),
        in_specs=[
            pl.BlockSpec((2, R, DH), lambda h, r: (0, r, 0)),
            pl.BlockSpec((2, R, DH), lambda h, r: (0, r, 0)),
            pl.BlockSpec((R, DH), lambda h, r: (r, 0)),
            pl.BlockSpec((2, 128), lambda h, r: (0, 0)),
            pl.BlockSpec((2, 128), lambda h, r: (0, 0)),
            pl.BlockSpec((2, 128, 128), lambda h, r: (0, 0, h)),
        ],
        out_specs=pl.BlockSpec((1, R, DH), lambda h, r: (h, r, 0)),
        out_shape=jax.ShapeDtypeStruct((2, NPAD, DH), jnp.float32),
    )(scat1, hwp1, dinvc, al1, be1, W2_rs)


def _final_body(scat_ref, hwp_ref, dinvc_ref, al_ref, be_ref, deg_ref, s_ref,
                al3_ref, be3_ref, w3_ref, pw_ref, pb_ref, cw1_ref, cb1_ref,
                cw2_ref, cb2_ref, out_ref, acc_ref):
    r = pl.program_id(0)
    dv = dinvc_ref[...]
    row_ids = lax.broadcasted_iota(jnp.int32, (R, 1), 0) + r * R
    row_ok = row_ids < N

    parts = []
    for hh in range(2):
        t = (scat_ref[hh] + hwp_ref[hh]) * dv
        h2 = jnp.maximum(t * al_ref[hh] + be_ref[hh], 0.0)
        h2 = jnp.where(row_ok, h2, 0.0)
        parts.append(h2)

    deg_row = jnp.sum(deg_ref[...], axis=0, keepdims=True) + 1.0
    dinv_row = lax.rsqrt(deg_row)
    s_row = jnp.sum(s_ref[...], axis=0, keepdims=True)
    col_ids = lax.broadcasted_iota(jnp.int32, (1, R), 1) + r * R
    u = jnp.where(col_ids < N, dinv_row * (s_row + dinv_row), 0.0)
    u = u * (1.0 / N)

    part = jnp.concatenate(
        [jnp.dot(u, p, preferred_element_type=jnp.float32, precision=lax.Precision.HIGHEST) for p in parts],
        axis=1,
    )

    @pl.when(r == 0)
    def _():
        acc_ref[...] = part

    @pl.when(r > 0)
    def _():
        acc_ref[...] = acc_ref[...] + part

    @pl.when(r == GR - 1)
    def _():
        pooled = acc_ref[...]
        y = jnp.dot(pooled, w3_ref[...], preferred_element_type=jnp.float32, precision=lax.Precision.HIGHEST)
        z = y * al3_ref[...] + be3_ref[...]
        p = jnp.maximum(
            jnp.dot(z, pw_ref[...], preferred_element_type=jnp.float32, precision=lax.Precision.HIGHEST)
            + pb_ref[...], 0.0)
        cc = jnp.maximum(
            jnp.dot(p, cw1_ref[...], preferred_element_type=jnp.float32, precision=lax.Precision.HIGHEST)
            + cb1_ref[...], 0.0)
        out_ref[...] = (
            jnp.dot(cc, cw2_ref[...], preferred_element_type=jnp.float32, precision=lax.Precision.HIGHEST)
            + cb2_ref[...])


def _run_final(scat2, hwp2, dinvc, al2, be2, deg_part, s_part, al3, be3,
               W3, pW, pb, cW1, cb1, cW2, cb2):
    def full(shape):
        nz = len(shape)
        return pl.BlockSpec(shape, lambda r, _n=nz: (0,) * _n)

    return pl.pallas_call(
        _final_body,
        grid=(GR,),
        in_specs=[
            pl.BlockSpec((2, R, DH), lambda r: (0, r, 0)),
            pl.BlockSpec((2, R, DH), lambda r: (0, r, 0)),
            pl.BlockSpec((R, DH), lambda r: (r, 0)),
            full((2, 128)),
            full((2, 128)),
            pl.BlockSpec((NW, R), lambda r: (0, r)),
            pl.BlockSpec((NW, R), lambda r: (0, r)),
            full((1, D)),
            full((1, D)),
            full((D, D)),
            full((D, DH)),
            full((1, DH)),
            full((DH, 64)),
            full((1, 64)),
            full((64, DH)),
            full((1, DH)),
        ],
        out_specs=pl.BlockSpec((1, DH), lambda r: (0, 0)),
        out_shape=jax.ShapeDtypeStruct((1, DH), jnp.float32),
        scratch_shapes=[pltpu.VMEM((1, D), jnp.float32)],
    )(scat2, hwp2, dinvc, al2, be2, deg_part, s_part, al3, be3,
      W3, pW, pb, cW1, cb1, cW2, cb2)


def kernel(x, edge_index, W1, b1, g1, be1, m1, v1, W2, b2, g2, be2, m2, v2,
           W3, b3, g3, be3, m3, v3, pW, pb, cW1, cb1, cW2, cb2):
    def fold(b, g, be, m, v):
        scale = g * lax.rsqrt(v + _EPS)
        shift = b * scale + (be - m * scale)
        return scale, shift

    al1, bp1 = fold(b1, g1, be1, m1, v1)
    al2, bp2 = fold(b2, g2, be2, m2, v2)
    al3, bp3 = fold(b3, g3, be3, m3, v3)

    al1 = al1.reshape(2, 128)
    bp1 = bp1.reshape(2, 128)
    al2 = al2.reshape(2, 128)
    bp2 = bp2.reshape(2, 128)
    al3 = al3.reshape(1, D)
    bp3 = bp3.reshape(1, D)

    W2_rs = W2.reshape(2, 128, D)

    src_flat = edge_index[0]
    dst_flat = edge_index[1]
    pad_ids = jnp.arange(EP - E, dtype=jnp.int32)
    src_rs = jnp.concatenate(
        [src_flat, pad_ids % N]).reshape(NS, NCH, CH_R, K)
    dst_rs = jnp.concatenate(
        [dst_flat, N + pad_ids % (NPAD - N)]).reshape(NS, NCH, CH_R, K)

    deg_part = _run_deg(dst_flat)
    hwp1, dinvc, dinv2d = _run_hw1(deg_part, x, W1)
    dinv2d = dinv2d.reshape(NPAD // 128, 128)
    s_part = _run_s(src_flat, dst_flat, dinv2d)
    scat1 = _run_spmm(hwp1.reshape(2 * NPAD, DH), src_rs, dst_rs)
    hwp2 = _run_mid(scat1.reshape(2, NPAD, DH), hwp1, dinvc, al1, bp1, W2_rs)
    scat2 = _run_spmm(hwp2.reshape(2 * NPAD, DH), src_rs, dst_rs)
    out = _run_final(scat2.reshape(2, NPAD, DH), hwp2, dinvc, al2, bp2,
                     deg_part, s_part, al3, bp3, W3, pW,
                     pb.reshape(1, DH), cW1, cb1.reshape(1, 64),
                     cW2, cb2.reshape(1, DH))
    return out

# --- scband reference (transcript-rebuilt; emitter-appended) ---
"""Pipeline reference for scband-chess-gnn-3058016715244 (READ-ONLY COPY).

The authoritative reference and input builder live on the scoring server;
editing this copy changes nothing except your own understanding.
"""

import jax, jax.numpy as jnp
import numpy as np

N = 10000
E = 160000
D_IN = 256
D_H = 256
D_OUT = 128


def setup_inputs(seed: int = 0) -> dict:
    key = jax.random.key(seed)
    ks = jax.random.split(key, 40)
    inp = {}
    inp["x"] = jax.random.normal(ks[0], (N, D_IN), dtype=jnp.float32)
    inp["edge_index"] = jax.random.randint(ks[1], (2, E), 0, N, dtype=jnp.int32)
    def lin(k, fi, fo):
        return jax.random.normal(k, (fi, fo), dtype=jnp.float32) / np.sqrt(fi)
    dims = [(D_IN, D_H), (D_H, D_H), (D_H, D_H)]
    for i, (fi, fo) in enumerate(dims, start=1):
        inp[f"W{i}"] = lin(ks[2 * i], fi, fo)
        inp[f"b{i}"] = jnp.zeros((fo,), dtype=jnp.float32)
        inp[f"g{i}"] = 1.0 + 0.1 * jax.random.normal(ks[2 * i + 1], (fo,), dtype=jnp.float32)
        inp[f"be{i}"] = 0.1 * jax.random.normal(ks[10 + i], (fo,), dtype=jnp.float32)
        inp[f"m{i}"] = 0.1 * jax.random.normal(ks[14 + i], (fo,), dtype=jnp.float32)
        inp[f"v{i}"] = 0.5 + jax.random.uniform(ks[18 + i], (fo,), dtype=jnp.float32)
    inp["pW"] = lin(ks[25], D_H, D_H // 2)
    inp["pb"] = jnp.zeros((D_H // 2,), dtype=jnp.float32)
    inp["cW1"] = lin(ks[26], D_H // 2, D_H // 4)
    inp["cb1"] = jnp.zeros((D_H // 4,), dtype=jnp.float32)
    inp["cW2"] = lin(ks[27], D_H // 4, D_OUT)
    inp["cb2"] = jnp.zeros((D_OUT,), dtype=jnp.float32)
    return inp


def _bn(x, g, b, m, v, eps=1e-5):
    # BatchNorm1d in eval mode: uses running statistics
    return (x - m) / jnp.sqrt(v + eps) * g + b


def reference(x, edge_index, W1, b1, g1, be1, m1, v1, W2, b2, g2, be2, m2, v2,
              W3, b3, g3, be3, m3, v3, pW, pb, cW1, cb1, cW2, cb2):
    n = x.shape[0]
    loop = jnp.arange(n, dtype=edge_index.dtype)
    src = jnp.concatenate([edge_index[0], loop])
    dst = jnp.concatenate([edge_index[1], loop])
    # GCN symmetric normalization with self-loops (PyG gcn_norm)
    deg = jnp.zeros((n,), dtype=jnp.float32).at[dst].add(1.0)
    dinv = jnp.where(deg > 0, 1.0 / jnp.sqrt(deg), 0.0)
    norm = (dinv[src] * dinv[dst])[:, None]

    def gcn(h, W, b):
        hw = h @ W
        msg = hw[src] * norm
        agg = jnp.zeros((n, W.shape[1]), dtype=h.dtype).at[dst].add(msg)
        return agg + b

    h = jax.nn.relu(_bn(gcn(x, W1, b1), g1, be1, m1, v1))  # dropout no-op in eval
    h = jax.nn.relu(_bn(gcn(h, W2, b2), g2, be2, m2, v2))
    h = _bn(gcn(h, W3, b3), g3, be3, m3, v3)  # last layer: no relu
    pooled = jnp.mean(h, axis=0, keepdims=True)  # batch=None path
    p = jax.nn.relu(pooled @ pW + pb)
    c = jax.nn.relu(p @ cW1 + cb1)
    out = c @ cW2 + cb2
    return out

if __name__ == "__main__":
    import jax
    _d = setup_inputs()
    print(jax.jit(kernel)(*tuple(_d.values())))

</pallas_src>

<mosaic_0001>
#map = affine_map<(d0, d1) -> (0)>
#map1 = affine_map<(d0, d1) -> (0, 0)>
module attributes {stable_mosaic.version = 14 : i64} {
  func.func @_s_kernel(%arg0: i32, %arg1: i32, %arg2: memref<160000xi32, #tpu.memory_space<hbm>>, %arg3: memref<160000xi32, #tpu.memory_space<hbm>>, %arg4: memref<80x128xf32, #tpu.memory_space<hbm>>, %arg5: memref<32x10240xf32, #tpu.memory_space<hbm>>, %arg6: memref<5016xi32, #tpu.memory_space<vmem>>, %arg7: memref<5016xi32, #tpu.memory_space<vmem>>, %arg8: memref<80x128xf32, #tpu.memory_space<vmem>>, %arg9: memref<10240xf32, #tpu.memory_space<vmem>>) attributes {dimension_semantics = [#tpu.dimension_semantics<core_parallel>, #tpu.dimension_semantics<subcore_parallel>], iteration_bounds = array<i64: 2, 16>, scalar_prefetch = 0 : i64, scratch_operands = 4 : i64, tpu.core_type = #tpu.core_type<sc_vector_subcore>, window_params = [{transform_indices = #map}, {transform_indices = #map}, {transform_indices = #map1}, {transform_indices = #map1}]} {
    %mul3A = arith.constant 2 : i32
    %mul3A_0 = arith.muli %arg1, %mul3A : i32
    %add3A = arith.addi %mul3A_0, %arg0 : i32
    %broadcast_in_dim3A = arith.constant 0.000000e+00 : f32
    %broadcast_in_dim3A_1 = vector.broadcast %broadcast_in_dim3A : f32 to vector<16xf32>
    %scan3A = arith.constant 0 : i32
    %scan3A_2 = arith.constant 0 : i32
    %scan3A_3 = arith.constant 640 : i32
    %scan3A_4 = arith.addi %scan3A_2, %scan3A_3 : i32
    %scan3A_5 = arith.constant 1 : i32
    %scan3A_6 = scf.for %scan3A_39 = %scan3A_2 to %scan3A_4 step %scan3A_5 iter_args(%scan3A_40 = %scan3A) -> (i32)  : i32 {
      %mul3A_41 = arith.constant 16 : i32
      %mul3A_42 = arith.muli %scan3A_39, %mul3A_41 : i32
      %swap3A_43 = arith.index_cast %mul3A_42 : i32 to index
      %swap3A_44 = tpu.vector_load %arg9[%swap3A_43] {strides = array<i32>} : memref<10240xf32, #tpu.memory_space<vmem>>, vector<16xf32>,
      tpu.vector_store %arg9[%swap3A_43], %broadcast_in_dim3A_1 {strides = array<i32>} : memref<10240xf32, #tpu.memory_space<vmem>>, vector<16xf32>,
      %scan3A_45 = arith.constant 0 : i32
      scf.yield %scan3A_45 : i32
    }
    %scan3A_7 = arith.constant 640 : i32
    %broadcast_in_dim3A_8 = arith.constant 0 : i32
    %broadcast_in_dim3A_9 = vector.broadcast %broadcast_in_dim3A_8 : i32 to vector<16xi32>
    %swap3A = arith.constant 5000 : index
    %swap3A_10 = tpu.vector_load %arg6[%swap3A] {strides = array<i32>} : memref<5016xi32, #tpu.memory_space<vmem>>, vector<16xi32>,
    tpu.vector_store %arg6[%swap3A], %broadcast_in_dim3A_9 {strides = array<i32>} : memref<5016xi32, #tpu.memory_space<vmem>>, vector<16xi32>,
    %broadcast_in_dim3A_11 = arith.constant 0 : i32
    %broadcast_in_dim3A_12 = vector.broadcast %broadcast_in_dim3A_11 : i32 to vector<16xi32>
    %swap3A_13 = arith.constant 5000 : index
    %swap3A_14 = tpu.vector_load %arg7[%swap3A_13] {strides = array<i32>} : memref<5016xi32, #tpu.memory_space<vmem>>, vector<16xi32>,
    tpu.vector_store %arg7[%swap3A_13], %broadcast_in_dim3A_12 {strides = array<i32>} : memref<5016xi32, #tpu.memory_space<vmem>>, vector<16xi32>,
    %mul3A_15 = arith.constant 5000 : i32
    %mul3A_16 = arith.muli %add3A, %mul3A_15 : i32
    "tpu.region"() ({
      %run_scoped3A = tpu.sem_alloc : memref<!tpu.dma_semaphore, #tpu.memory_space<semaphore_mem>>
      %dma_start3A = arith.constant 0 : i32
      %dma_start3A_39 = tpu.memref_slice %arg6[%dma_start3A] : memref<5016xi32, #tpu.memory_space<vmem>> -> memref<5000xi32, #tpu.memory_space<vmem>>
      %dma_start3A_40 = tpu.memref_slice %arg2[%mul3A_16] : memref<160000xi32, #tpu.memory_space<hbm>> -> memref<5000xi32, #tpu.memory_space<hbm>>
      %dma_start3A_41 = arith.constant 0 : i32
      %dma_start3A_42 = tpu.memref_slice %arg6[%dma_start3A_41] : memref<5016xi32, #tpu.memory_space<vmem>> -> memref<5000xi32, #tpu.memory_space<vmem>>
      %dma_start3A_43 = tpu.memref_slice %arg2[%mul3A_16] : memref<160000xi32, #tpu.memory_space<hbm>> -> memref<5000xi32, #tpu.memory_space<hbm>>
      tpu.enqueue_dma source(%dma_start3A_43 : memref<5000xi32, #tpu.memory_space<hbm>>) target(%dma_start3A_42 : memref<5000xi32, #tpu.memory_space<vmem>>) target_semaphore(%run_scoped3A : memref<!tpu.dma_semaphore, #tpu.memory_space<semaphore_mem>>)
      %dma_wait3A = arith.constant 0 : i32
      %dma_wait3A_44 = tpu.memref_slice %arg6[%dma_wait3A] : memref<5016xi32, #tpu.memory_space<vmem>> -> memref<5000xi32, #tpu.memory_space<vmem>>
      %dma_wait3A_45 = tpu.memref_slice %arg2[%mul3A_16] : memref<160000xi32, #tpu.memory_space<hbm>> -> memref<5000xi32, #tpu.memory_space<hbm>>
      %dma_wait3A_46 = arith.constant 0 : i32
      %dma_wait3A_47 = tpu.memref_slice %arg6[%dma_wait3A_46] : memref<5016xi32, #tpu.memory_space<vmem>> -> memref<5000xi32, #tpu.memory_space<vmem>>
      %dma_wait3A_48 = tpu.memref_slice %arg2[%mul3A_16] : memref<160000xi32, #tpu.memory_space<hbm>> -> memref<5000xi32, #tpu.memory_space<hbm>>
      tpu.wait_dma2 semaphore(%run_scoped3A : memref<!tpu.dma_semaphore, #tpu.memory_space<semaphore_mem>>) src(%dma_wait3A_48 : memref<5000xi32, #tpu.memory_space<hbm>>) dst(%dma_wait3A_47 : memref<5000xi32, #tpu.memory_space<vmem>>)
      tpu.yield
    }) : () -> ()
    %mul3A_17 = arith.constant 5000 : i32
    %mul3A_18 = arith.muli %add3A, %mul3A_17 : i32
    "tpu.region"() ({
      %run_scoped3A = tpu.sem_alloc : memref<!tpu.dma_semaphore, #tpu.memory_space<semaphore_mem>>
      %dma_start3A = arith.constant 0 : i32
      %dma_start3A_39 = tpu.memref_slice %arg7[%dma_start3A] : memref<5016xi32, #tpu.memory_space<vmem>> -> memref<5000xi32, #tpu.memory_space<vmem>>
      %dma_start3A_40 = tpu.memref_slice %arg3[%mul3A_18] : memref<160000xi32, #tpu.memory_space<hbm>> -> memref<5000xi32, #tpu.memory_space<hbm>>
      %dma_start3A_41 = arith.constant 0 : i32
      %dma_start3A_42 = tpu.memref_slice %arg7[%dma_start3A_41] : memref<5016xi32, #tpu.memory_space<vmem>> -> memref<5000xi32, #tpu.memory_space<vmem>>
      %dma_start3A_43 = tpu.memref_slice %arg3[%mul3A_18] : memref<160000xi32, #tpu.memory_space<hbm>> -> memref<5000xi32, #tpu.memory_space<hbm>>
      tpu.enqueue_dma source(%dma_start3A_43 : memref<5000xi32, #tpu.memory_space<hbm>>) target(%dma_start3A_42 : memref<5000xi32, #tpu.memory_space<vmem>>) target_semaphore(%run_scoped3A : memref<!tpu.dma_semaphore, #tpu.memory_space<semaphore_mem>>)
      %dma_wait3A = arith.constant 0 : i32
      %dma_wait3A_44 = tpu.memref_slice %arg7[%dma_wait3A] : memref<5016xi32, #tpu.memory_space<vmem>> -> memref<5000xi32, #tpu.memory_space<vmem>>
      %dma_wait3A_45 = tpu.memref_slice %arg3[%mul3A_18] : memref<160000xi32, #tpu.memory_space<hbm>> -> memref<5000xi32, #tpu.memory_space<hbm>>
      %dma_wait3A_46 = arith.constant 0 : i32
      %dma_wait3A_47 = tpu.memref_slice %arg7[%dma_wait3A_46] : memref<5016xi32, #tpu.memory_space<vmem>> -> memref<5000xi32, #tpu.memory_space<vmem>>
      %dma_wait3A_48 = tpu.memref_slice %arg3[%mul3A_18] : memref<160000xi32, #tpu.memory_space<hbm>> -> memref<5000xi32, #tpu.memory_space<hbm>>
      tpu.wait_dma2 semaphore(%run_scoped3A : memref<!tpu.dma_semaphore, #tpu.memory_space<semaphore_mem>>) src(%dma_wait3A_48 : memref<5000xi32, #tpu.memory_space<hbm>>) dst(%dma_wait3A_47 : memref<5000xi32, #tpu.memory_space<vmem>>)
      tpu.yield
    }) : () -> ()
    "tpu.region"() ({
      %run_scoped3A = tpu.sem_alloc : memref<!tpu.dma_semaphore, #tpu.memory_space<semaphore_mem>>
      tpu.enqueue_dma source(%arg4 : memref<80x128xf32, #tpu.memory_space<hbm>>) target(%arg8 : memref<80x128xf32, #tpu.memory_space<vmem>>) target_semaphore(%run_scoped3A : memref<!tpu.dma_semaphore, #tpu.memory_space<semaphore_mem>>)
      tpu.wait_dma2 semaphore(%run_scoped3A : memref<!tpu.dma_semaphore, #tpu.memory_space<semaphore_mem>>) src(%arg4 : memref<80x128xf32, #tpu.memory_space<hbm>>) dst(%arg8 : memref<80x128xf32, #tpu.memory_space<vmem>>)
      tpu.yield
    }) : () -> ()
    %iota3A = tpu.iota {dimensions = array<i32: 0>} : vector<16xi32>
    %lt3A = arith.constant 16 : i32
    %lt3A_19 = vector.broadcast %lt3A : i32 to vector<16xi32>
    %lt3A_20 = arith.cmpi slt, %iota3A, %lt3A_19 : vector<16xi32>
    %scan3A_21 = arith.constant 0 : i32
    %scan3A_22 = arith.constant 0 : i32
    %scan3A_23 = arith.constant 312 : i32
    %scan3A_24 = arith.addi %scan3A_22, %scan3A_23 : i32
    %scan3A_25 = arith.constant 1 : i32
    %scan3A_26 = scf.for %scan3A_39 = %scan3A_22 to %scan3A_24 step %scan3A_25 iter_args(%scan3A_40 = %scan3A_21) -> (i32)  : i32 {
      %mul3A_41 = arith.constant 16 : i32
      %mul3A_42 = arith.muli %scan3A_39, %mul3A_41 : i32
      %get3A_43 = arith.index_cast %mul3A_42 : i32 to index
      %get3A_44 = tpu.vector_load %arg7[%get3A_43] {strides = array<i32>} : memref<5016xi32, #tpu.memory_space<vmem>>, vector<16xi32>,
      %shift_right_logical3A_45 = arith.constant 7 : i32
      %shift_right_logical3A_46 = vector.broadcast %shift_right_logical3A_45 : i32 to vector<16xi32>
      %shift_right_logical3A_47 = arith.shrui %get3A_44, %shift_right_logical3A_46 : vector<16xi32>
      %and3A_48 = arith.constant 127 : i32
      %and3A_49 = vector.broadcast %and3A_48 : i32 to vector<16xi32>
      %and3A_50 = arith.andi %get3A_44, %and3A_49 : vector<16xi32>
      %gather3A_51 = tpu.vector_load_idx %arg8[%shift_right_logical3A_47, %and3A_50] masked %lt3A_20 : memref<80x128xf32, #tpu.memory_space<vmem>>[vector<16xi32>, vector<16xi32>], vector<16xf32>, vector<16xi1>
      %mul3A_52 = arith.constant 16 : i32
      %mul3A_53 = arith.muli %scan3A_39, %mul3A_52 : i32
      %get3A_54 = arith.index_cast %mul3A_53 : i32 to index
      %get3A_55 = tpu.vector_load %arg6[%get3A_54] {strides = array<i32>} : memref<5016xi32, #tpu.memory_space<vmem>>, vector<16xi32>,
      tpu.vector_store_idx %arg9[%get3A_55], %gather3A_51 masked %lt3A_20 {add = true} : memref<10240xf32, #tpu.memory_space<vmem>>[vector<16xi32>], vector<16xf32>, vector<16xi1>
      %scan3A_56 = arith.constant 0 : i32
      scf.yield %scan3A_56 : i32
    }
    %scan3A_27 = arith.constant 312 : i32
    %iota3A_28 = tpu.iota {dimensions = array<i32: 0>} : vector<16xi32>
    %lt3A_29 = arith.constant 8 : i32
    %lt3A_30 = vector.broadcast %lt3A_29 : i32 to vector<16xi32>
    %lt3A_31 = arith.cmpi slt, %iota3A_28, %lt3A_30 : vector<16xi32>
    %get3A = arith.constant 4992 : index
    %get3A_32 = tpu.vector_load %arg7[%get3A] {strides = array<i32>} : memref<5016xi32, #tpu.memory_space<vmem>>, vector<16xi32>,
    %shift_right_logical3A = arith.constant 7 : i32
    %shift_right_logical3A_33 = vector.broadcast %shift_right_logical3A : i32 to vector<16xi32>
    %shift_right_logical3A_34 = arith.shrui %get3A_32, %shift_right_logical3A_33 : vector<16xi32>
    %and3A = arith.constant 127 : i32
    %and3A_35 = vector.broadcast %and3A : i32 to vector<16xi32>
    %and3A_36 = arith.andi %get3A_32, %and3A_35 : vector<16xi32>
    %gather3A = tpu.vector_load_idx %arg8[%shift_right_logical3A_34, %and3A_36] masked %lt3A_31 : memref<80x128xf32, #tpu.memory_space<vmem>>[vector<16xi32>, vector<16xi32>], vector<16xf32>, vector<16xi1>
    %get3A_37 = arith.constant 4992 : index
    %get3A_38 = tpu.vector_load %arg6[%get3A_37] {strides = array<i32>} : memref<5016xi32, #tpu.memory_space<vmem>>, vector<16xi32>,
    tpu.vector_store_idx %arg9[%get3A_38], %gather3A masked %lt3A_31 {add = true} : memref<10240xf32, #tpu.memory_space<vmem>>[vector<16xi32>], vector<16xf32>, vector<16xi1>
    "tpu.region"() ({
      %run_scoped3A = tpu.sem_alloc : memref<!tpu.dma_semaphore, #tpu.memory_space<semaphore_mem>>
      %dma_start3A = arith.constant 0 : i32
      %dma_start3A_39 = tpu.memref_slice %arg5[%add3A, %dma_start3A] : memref<32x10240xf32, #tpu.memory_space<hbm>> -> memref<1x10240xf32, #tpu.memory_space<hbm>>
      %dma_start3A_40 = tpu.memref_squeeze %dma_start3A_39 : memref<1x10240xf32, #tpu.memory_space<hbm>> -> memref<10240xf32, #tpu.memory_space<hbm>>
      %dma_start3A_41 = arith.constant 0 : i32
      %dma_start3A_42 = tpu.memref_slice %arg5[%add3A, %dma_start3A_41] : memref<32x10240xf32, #tpu.memory_space<hbm>> -> memref<1x10240xf32, #tpu.memory_space<hbm>>
      %dma_start3A_43 = tpu.memref_squeeze %dma_start3A_42 : memref<1x10240xf32, #tpu.memory_space<hbm>> -> memref<10240xf32, #tpu.memory_space<hbm>>
      tpu.enqueue_dma source(%arg9 : memref<10240xf32, #tpu.memory_space<vmem>>) target(%dma_start3A_43 : memref<10240xf32, #tpu.memory_space<hbm>>) target_semaphore(%run_scoped3A : memref<!tpu.dma_semaphore, #tpu.memory_space<semaphore_mem>>)
      %dma_wait3A = arith.constant 0 : i32
      %dma_wait3A_44 = tpu.memref_slice %arg5[%add3A, %dma_wait3A] : memref<32x10240xf32, #tpu.memory_space<hbm>> -> memref<1x10240xf32, #tpu.memory_space<hbm>>
      %dma_wait3A_45 = tpu.memref_squeeze %dma_wait3A_44 : memref<1x10240xf32, #tpu.memory_space<hbm>> -> memref<10240xf32, #tpu.memory_space<hbm>>
      %dma_wait3A_46 = arith.constant 0 : i32
      %dma_wait3A_47 = tpu.memref_slice %arg5[%add3A, %dma_wait3A_46] : memref<32x10240xf32, #tpu.memory_space<hbm>> -> memref<1x10240xf32, #tpu.memory_space<hbm>>
      %dma_wait3A_48 = tpu.memref_squeeze %dma_wait3A_47 : memref<1x10240xf32, #tpu.memory_space<hbm>> -> memref<10240xf32, #tpu.memory_space<hbm>>
      tpu.wait_dma2 semaphore(%run_scoped3A : memref<!tpu.dma_semaphore, #tpu.memory_space<semaphore_mem>>) src(%arg9 : memref<10240xf32, #tpu.memory_space<vmem>>) dst(%dma_wait3A_48 : memref<10240xf32, #tpu.memory_space<hbm>>)
      tpu.yield
    }) : () -> ()
    return
  }
}

#map = affine_map<(d0, d1) -> (0)>
#map1 = affine_map<(d0, d1) -> (0, 0)>
module attributes {stable_mosaic.version = 14 : i64} {
  func.func @_deg_kernel(%arg0: i32, %arg1: i32, %arg2: memref<160000xi32, #tpu.memory_space<hbm>>, %arg3: memref<32x10240xf32, #tpu.memory_space<hbm>>, %arg4: memref<5016xi32, #tpu.memory_space<vmem>>, %arg5: memref<10240xf32, #tpu.memory_space<vmem>>) attributes {dimension_semantics = [#tpu.dimension_semantics<core_parallel>, #tpu.dimension_semantics<subcore_parallel>], iteration_bounds = array<i64: 2, 16>, scalar_prefetch = 0 : i64, scratch_operands = 2 : i64, tpu.core_type = #tpu.core_type<sc_vector_subcore>, window_params = [{transform_indices = #map}, {transform_indices = #map1}]} {
    %mul3A = arith.constant 2 : i32
    %mul3A_0 = arith.muli %arg1, %mul3A : i32
    %add3A = arith.addi %mul3A_0, %arg0 : i32
    %broadcast_in_dim3A = arith.constant 0.000000e+00 : f32
    %broadcast_in_dim3A_1 = vector.broadcast %broadcast_in_dim3A : f32 to vector<16xf32>
    %scan3A = arith.constant 0 : i32
    %scan3A_2 = arith.constant 0 : i32
    %scan3A_3 = arith.constant 640 : i32
    %scan3A_4 = arith.addi %scan3A_2, %scan3A_3 : i32
    %scan3A_5 = arith.constant 1 : i32
    %scan3A_6 = scf.for %scan3A_25 = %scan3A_2 to %scan3A_4 step %scan3A_5 iter_args(%scan3A_26 = %scan3A) -> (i32)  : i32 {
      %mul3A_27 = arith.constant 16 : i32
      %mul3A_28 = arith.muli %scan3A_25, %mul3A_27 : i32
      %swap3A_29 = arith.index_cast %mul3A_28 : i32 to index
      %swap3A_30 = tpu.vector_load %arg5[%swap3A_29] {strides = array<i32>} : memref<10240xf32, #tpu.memory_space<vmem>>, vector<16xf32>,
      tpu.vector_store %arg5[%swap3A_29], %broadcast_in_dim3A_1 {strides = array<i32>} : memref<10240xf32, #tpu.memory_space<vmem>>, vector<16xf32>,
      %scan3A_31 = arith.constant 0 : i32
      scf.yield %scan3A_31 : i32
    }
    %scan3A_7 = arith.constant 640 : i32
    %broadcast_in_dim3A_8 = arith.constant 0 : i32
    %broadcast_in_dim3A_9 = vector.broadcast %broadcast_in_dim3A_8 : i32 to vector<16xi32>
    %swap3A = arith.constant 5000 : index
    %swap3A_10 = tpu.vector_load %arg4[%swap3A] {strides = array<i32>} : memref<5016xi32, #tpu.memory_space<vmem>>, vector<16xi32>,
    tpu.vector_store %arg4[%swap3A], %broadcast_in_dim3A_9 {strides = array<i32>} : memref<5016xi32, #tpu.memory_space<vmem>>, vector<16xi32>,
    %mul3A_11 = arith.constant 5000 : i32
    %mul3A_12 = arith.muli %add3A, %mul3A_11 : i32
    "tpu.region"() ({
      %run_scoped3A = tpu.sem_alloc : memref<!tpu.dma_semaphore, #tpu.memory_space<semaphore_mem>>
      %dma_start3A = arith.constant 0 : i32
      %dma_start3A_25 = tpu.memref_slice %arg4[%dma_start3A] : memref<5016xi32, #tpu.memory_space<vmem>> -> memref<5000xi32, #tpu.memory_space<vmem>>
      %dma_start3A_26 = tpu.memref_slice %arg2[%mul3A_12] : memref<160000xi32, #tpu.memory_space<hbm>> -> memref<5000xi32, #tpu.memory_space<hbm>>
      %dma_start3A_27 = arith.constant 0 : i32
      %dma_start3A_28 = tpu.memref_slice %arg4[%dma_start3A_27] : memref<5016xi32, #tpu.memory_space<vmem>> -> memref<5000xi32, #tpu.memory_space<vmem>>
      %dma_start3A_29 = tpu.memref_slice %arg2[%mul3A_12] : memref<160000xi32, #tpu.memory_space<hbm>> -> memref<5000xi32, #tpu.memory_space<hbm>>
      tpu.enqueue_dma source(%dma_start3A_29 : memref<5000xi32, #tpu.memory_space<hbm>>) target(%dma_start3A_28 : memref<5000xi32, #tpu.memory_space<vmem>>) target_semaphore(%run_scoped3A : memref<!tpu.dma_semaphore, #tpu.memory_space<semaphore_mem>>)
      %dma_wait3A = arith.constant 0 : i32
      %dma_wait3A_30 = tpu.memref_slice %arg4[%dma_wait3A] : memref<5016xi32, #tpu.memory_space<vmem>> -> memref<5000xi32, #tpu.memory_space<vmem>>
      %dma_wait3A_31 = tpu.memref_slice %arg2[%mul3A_12] : memref<160000xi32, #tpu.memory_space<hbm>> -> memref<5000xi32, #tpu.memory_space<hbm>>
      %dma_wait3A_32 = arith.constant 0 : i32
      %dma_wait3A_33 = tpu.memref_slice %arg4[%dma_wait3A_32] : memref<5016xi32, #tpu.memory_space<vmem>> -> memref<5000xi32, #tpu.memory_space<vmem>>
      %dma_wait3A_34 = tpu.memref_slice %arg2[%mul3A_12] : memref<160000xi32, #tpu.memory_space<hbm>> -> memref<5000xi32, #tpu.memory_space<hbm>>
      tpu.wait_dma2 semaphore(%run_scoped3A : memref<!tpu.dma_semaphore, #tpu.memory_space<semaphore_mem>>) src(%dma_wait3A_34 : memref<5000xi32, #tpu.memory_space<hbm>>) dst(%dma_wait3A_33 : memref<5000xi32, #tpu.memory_space<vmem>>)
      tpu.yield
    }) : () -> ()
    %broadcast_in_dim3A_13 = arith.constant 1.000000e+00 : f32
    %broadcast_in_dim3A_14 = vector.broadcast %broadcast_in_dim3A_13 : f32 to vector<16xf32>
    %scan3A_15 = arith.constant 0 : i32
    %scan3A_16 = arith.constant 0 : i32
    %scan3A_17 = arith.constant 312 : i32
    %scan3A_18 = arith.addi %scan3A_16, %scan3A_17 : i32
    %scan3A_19 = arith.constant 1 : i32
    %scan3A_20 = scf.for %scan3A_25 = %scan3A_16 to %scan3A_18 step %scan3A_19 iter_args(%scan3A_26 = %scan3A_15) -> (i32)  : i32 {
      %mul3A_27 = arith.constant 16 : i32
      %mul3A_28 = arith.muli %scan3A_25, %mul3A_27 : i32
      %get3A_29 = arith.index_cast %mul3A_28 : i32 to index
      %get3A_30 = tpu.vector_load %arg4[%get3A_29] {strides = array<i32>} : memref<5016xi32, #tpu.memory_space<vmem>>, vector<16xi32>,
      tpu.vector_store_idx %arg5[%get3A_30], %broadcast_in_dim3A_14 {add = true} : memref<10240xf32, #tpu.memory_space<vmem>>[vector<16xi32>], vector<16xf32>,
      %scan3A_31 = arith.constant 0 : i32
      scf.yield %scan3A_31 : i32
    }
    %scan3A_21 = arith.constant 312 : i32
    %iota3A = tpu.iota {dimensions = array<i32: 0>} : vector<16xi32>
    %lt3A = arith.constant 8 : i32
    %lt3A_22 = vector.broadcast %lt3A : i32 to vector<16xi32>
    %lt3A_23 = arith.cmpi slt, %iota3A, %lt3A_22 : vector<16xi32>
    %get3A = arith.constant 4992 : index
    %get3A_24 = tpu.vector_load %arg4[%get3A] {strides = array<i32>} : memref<5016xi32, #tpu.memory_space<vmem>>, vector<16xi32>,
    tpu.vector_store_idx %arg5[%get3A_24], %broadcast_in_dim3A_14 masked %lt3A_23 {add = true} : memref<10240xf32, #tpu.memory_space<vmem>>[vector<16xi32>], vector<16xf32>, vector<16xi1>
    "tpu.region"() ({
      %run_scoped3A = tpu.sem_alloc : memref<!tpu.dma_semaphore, #tpu.memory_space<semaphore_mem>>
      %dma_start3A = arith.constant 0 : i32
      %dma_start3A_25 = tpu.memref_slice %arg3[%add3A, %dma_start3A] : memref<32x10240xf32, #tpu.memory_space<hbm>> -> memref<1x10240xf32, #tpu.memory_space<hbm>>
      %dma_start3A_26 = tpu.memref_squeeze %dma_start3A_25 : memref<1x10240xf32, #tpu.memory_space<hbm>> -> memref<10240xf32, #tpu.memory_space<hbm>>
      %dma_start3A_27 = arith.constant 0 : i32
      %dma_start3A_28 = tpu.memref_slice %arg3[%add3A, %dma_start3A_27] : memref<32x10240xf32, #tpu.memory_space<hbm>> -> memref<1x10240xf32, #tpu.memory_space<hbm>>
      %dma_start3A_29 = tpu.memref_squeeze %dma_start3A_28 : memref<1x10240xf32, #tpu.memory_space<hbm>> -> memref<10240xf32, #tpu.memory_space<hbm>>
      tpu.enqueue_dma source(%arg5 : memref<10240xf32, #tpu.memory_space<vmem>>) target(%dma_start3A_29 : memref<10240xf32, #tpu.memory_space<hbm>>) target_semaphore(%run_scoped3A : memref<!tpu.dma_semaphore, #tpu.memory_space<semaphore_mem>>)
      %dma_wait3A = arith.constant 0 : i32
      %dma_wait3A_30 = tpu.memref_slice %arg3[%add3A, %dma_wait3A] : memref<32x10240xf32, #tpu.memory_space<hbm>> -> memref<1x10240xf32, #tpu.memory_space<hbm>>
      %dma_wait3A_31 = tpu.memref_squeeze %dma_wait3A_30 : memref<1x10240xf32, #tpu.memory_space<hbm>> -> memref<10240xf32, #tpu.memory_space<hbm>>
      %dma_wait3A_32 = arith.constant 0 : i32
      %dma_wait3A_33 = tpu.memref_slice %arg3[%add3A, %dma_wait3A_32] : memref<32x10240xf32, #tpu.memory_space<hbm>> -> memref<1x10240xf32, #tpu.memory_space<hbm>>
      %dma_wait3A_34 = tpu.memref_squeeze %dma_wait3A_33 : memref<1x10240xf32, #tpu.memory_space<hbm>> -> memref<10240xf32, #tpu.memory_space<hbm>>
      tpu.wait_dma2 semaphore(%run_scoped3A : memref<!tpu.dma_semaphore, #tpu.memory_space<semaphore_mem>>) src(%arg5 : memref<10240xf32, #tpu.memory_space<vmem>>) dst(%dma_wait3A_34 : memref<10240xf32, #tpu.memory_space<hbm>>)
      tpu.yield
    }) : () -> ()
    return
  }
}

#map = affine_map<(d0, d1) -> (0, 0)>
#map1 = affine_map<(d0, d1) -> (0, 0, 0, 0)>
module attributes {stable_mosaic.version = 14 : i64} {
  func.func @_spmm_kernel(%arg0: i32, %arg1: i32, %arg2: memref<20480x128xf32, #tpu.memory_space<hbm>>, %arg3: memref<16x5x16x128xi32, #tpu.memory_space<hbm>>, %arg4: memref<16x5x16x128xi32, #tpu.memory_space<hbm>>, %arg5: memref<20480x128xf32, #tpu.memory_space<hbm>>, %arg6: memref<16x128xi32, #tpu.memory_space<vmem>>, %arg7: memref<16x128xi32, #tpu.memory_space<vmem>>, %arg8: memref<128x128xf32, #tpu.memory_space<vmem>>, %arg9: memref<128x128xf32, #tpu.memory_space<vmem>>, %arg10: memref<10240x128xf32, #tpu.memory_space<vmem_shared>>, %arg11: memref<2x!tpu.dma_semaphore, #tpu.memory_space<semaphore_mem>>) attributes {dimension_semantics = [#tpu.dimension_semantics<core_parallel>, #tpu.dimension_semantics<subcore_parallel>], iteration_bounds = array<i64: 2, 16>, scalar_prefetch = 0 : i64, scratch_operands = 6 : i64, tpu.core_type = #tpu.core_type<sc_vector_subcore>, window_params = [{transform_indices = #map}, {transform_indices = #map1}, {transform_indices = #map1}, {transform_indices = #map}]} {
    %broadcast_in_dim3A = arith.constant 0.000000e+00 : f32
    %broadcast_in_dim3A_0 = vector.broadcast %broadcast_in_dim3A : f32 to vector<16xf32>
    %scan3A = arith.constant 0 : i32
    %scan3A_1 = arith.constant 0 : i32
    %scan3A_2 = arith.constant 128 : i32
    %scan3A_3 = arith.addi %scan3A_1, %scan3A_2 : i32
    %scan3A_4 = arith.constant 1 : i32
    %scan3A_5 = scf.for %scan3A_167 = %scan3A_1 to %scan3A_3 step %scan3A_4 iter_args(%scan3A_168 = %scan3A) -> (i32)  : i32 {
      %scan3A_169 = arith.constant 0 : i32
      %scan3A_170 = arith.constant 0 : i32
      %scan3A_171 = arith.constant 8 : i32
      %scan3A_172 = arith.addi %scan3A_170, %scan3A_171 : i32
      %scan3A_173 = arith.constant 1 : i32
      %scan3A_174 = scf.for %scan3A_177 = %scan3A_170 to %scan3A_172 step %scan3A_173 iter_args(%scan3A_178 = %scan3A_169) -> (i32)  : i32 {
        %mul3A_179 = arith.constant 16 : i32
        %mul3A_180 = arith.muli %scan3A_177, %mul3A_179 : i32
        %swap3A = arith.index_cast %scan3A_167 : i32 to index
        %swap3A_181 = arith.index_cast %mul3A_180 : i32 to index
        %swap3A_182 = tpu.vector_load %arg8[%swap3A, %swap3A_181] {strides = array<i32>} : memref<128x128xf32, #tpu.memory_space<vmem>>, vector<16xf32>,
        tpu.vector_store %arg8[%swap3A, %swap3A_181], %broadcast_in_dim3A_0 {strides = array<i32>} : memref<128x128xf32, #tpu.memory_space<vmem>>, vector<16xf32>,
        %scan3A_183 = arith.constant 0 : i32
        scf.yield %scan3A_183 : i32
      }
      %scan3A_175 = arith.constant 8 : i32
      %scan3A_176 = arith.constant 0 : i32
      scf.yield %scan3A_176 : i32
    }
    %scan3A_6 = arith.constant 128 : i32
    %mul3A = arith.constant 640 : i32
    %mul3A_7 = arith.muli %arg1, %mul3A : i32
    %add3A = arith.constant 0 : i32
    %add3A_8 = arith.addi %mul3A_7, %add3A : i32
    "tpu.region"() ({
      %run_scoped3A_167 = tpu.sem_alloc : memref<!tpu.dma_semaphore, #tpu.memory_space<semaphore_mem>>
      %dma_start3A_168 = arith.constant 0 : i32
      %dma_start3A_169 = tpu.memref_slice %arg10[%add3A_8, %dma_start3A_168] : memref<10240x128xf32, #tpu.memory_space<vmem_shared>> -> memref<128x128xf32, #tpu.memory_space<vmem_shared>>
      %dma_start3A_170 = arith.constant 0 : i32
      %dma_start3A_171 = tpu.memref_slice %arg10[%add3A_8, %dma_start3A_170] : memref<10240x128xf32, #tpu.memory_space<vmem_shared>> -> memref<128x128xf32, #tpu.memory_space<vmem_shared>>
      tpu.enqueue_dma source(%arg8 : memref<128x128xf32, #tpu.memory_space<vmem>>) target(%dma_start3A_171 : memref<128x128xf32, #tpu.memory_space<vmem_shared>>) target_semaphore(%run_scoped3A_167 : memref<!tpu.dma_semaphore, #tpu.memory_space<semaphore_mem>>)
      %dma_wait3A = arith.constant 0 : i32
      %dma_wait3A_172 = tpu.memref_slice %arg10[%add3A_8, %dma_wait3A] : memref<10240x128xf32, #tpu.memory_space<vmem_shared>> -> memref<128x128xf32, #tpu.memory_space<vmem_shared>>
      %dma_wait3A_173 = arith.constant 0 : i32
      %dma_wait3A_174 = tpu.memref_slice %arg10[%add3A_8, %dma_wait3A_173] : memref<10240x128xf32, #tpu.memory_space<vmem_shared>> -> memref<128x128xf32, #tpu.memory_space<vmem_shared>>
      tpu.wait_dma2 semaphore(%run_scoped3A_167 : memref<!tpu.dma_semaphore, #tpu.memory_space<semaphore_mem>>) src(%arg8 : memref<128x128xf32, #tpu.memory_space<vmem>>) dst(%dma_wait3A_174 : memref<128x128xf32, #tpu.memory_space<vmem_shared>>)
      tpu.yield
    }) : () -> ()
    %mul3A_9 = arith.constant 640 : i32
    %mul3A_10 = arith.muli %arg1, %mul3A_9 : i32
    %add3A_11 = arith.constant 128 : i32
    %add3A_12 = arith.addi %mul3A_10, %add3A_11 : i32
    "tpu.region"() ({
      %run_scoped3A_167 = tpu.sem_alloc : memref<!tpu.dma_semaphore, #tpu.memory_space<semaphore_mem>>
      %dma_start3A_168 = arith.constant 0 : i32
      %dma_start3A_169 = tpu.memref_slice %arg10[%add3A_12, %dma_start3A_168] : memref<10240x128xf32, #tpu.memory_space<vmem_shared>> -> memref<128x128xf32, #tpu.memory_space<vmem_shared>>
      %dma_start3A_170 = arith.constant 0 : i32
      %dma_start3A_171 = tpu.memref_slice %arg10[%add3A_12, %dma_start3A_170] : memref<10240x128xf32, #tpu.memory_space<vmem_shared>> -> memref<128x128xf32, #tpu.memory_space<vmem_shared>>
      tpu.enqueue_dma source(%arg8 : memref<128x128xf32, #tpu.memory_space<vmem>>) target(%dma_start3A_171 : memref<128x128xf32, #tpu.memory_space<vmem_shared>>) target_semaphore(%run_scoped3A_167 : memref<!tpu.dma_semaphore, #tpu.memory_space<semaphore_mem>>)
      %dma_wait3A = arith.constant 0 : i32
      %dma_wait3A_172 = tpu.memref_slice %arg10[%add3A_12, %dma_wait3A] : memref<10240x128xf32, #tpu.memory_space<vmem_shared>> -> memref<128x128xf32, #tpu.memory_space<vmem_shared>>
      %dma_wait3A_173 = arith.constant 0 : i32
      %dma_wait3A_174 = tpu.memref_slice %arg10[%add3A_12, %dma_wait3A_173] : memref<10240x128xf32, #tpu.memory_space<vmem_shared>> -> memref<128x128xf32, #tpu.memory_space<vmem_shared>>
      tpu.wait_dma2 semaphore(%run_scoped3A_167 : memref<!tpu.dma_semaphore, #tpu.memory_space<semaphore_mem>>) src(%arg8 : memref<128x128xf32, #tpu.memory_space<vmem>>) dst(%dma_wait3A_174 : memref<128x128xf32, #tpu.memory_space<vmem_shared>>)
      tpu.yield
    }) : () -> ()
    %mul3A_13 = arith.constant 640 : i32
    %mul3A_14 = arith.muli %arg1, %mul3A_13 : i32
    %add3A_15 = arith.constant 256 : i32
    %add3A_16 = arith.addi %mul3A_14, %add3A_15 : i32
    "tpu.region"() ({
      %run_scoped3A_167 = tpu.sem_alloc : memref<!tpu.dma_semaphore, #tpu.memory_space<semaphore_mem>>
      %dma_start3A_168 = arith.constant 0 : i32
      %dma_start3A_169 = tpu.memref_slice %arg10[%add3A_16, %dma_start3A_168] : memref<10240x128xf32, #tpu.memory_space<vmem_shared>> -> memref<128x128xf32, #tpu.memory_space<vmem_shared>>
      %dma_start3A_170 = arith.constant 0 : i32
      %dma_start3A_171 = tpu.memref_slice %arg10[%add3A_16, %dma_start3A_170] : memref<10240x128xf32, #tpu.memory_space<vmem_shared>> -> memref<128x128xf32, #tpu.memory_space<vmem_shared>>
      tpu.enqueue_dma source(%arg8 : memref<128x128xf32, #tpu.memory_space<vmem>>) target(%dma_start3A_171 : memref<128x128xf32, #tpu.memory_space<vmem_shared>>) target_semaphore(%run_scoped3A_167 : memref<!tpu.dma_semaphore, #tpu.memory_space<semaphore_mem>>)
      %dma_wait3A = arith.constant 0 : i32
      %dma_wait3A_172 = tpu.memref_slice %arg10[%add3A_16, %dma_wait3A] : memref<10240x128xf32, #tpu.memory_space<vmem_shared>> -> memref<128x128xf32, #tpu.memory_space<vmem_shared>>
      %dma_wait3A_173 = arith.constant 0 : i32
      %dma_wait3A_174 = tpu.memref_slice %arg10[%add3A_16, %dma_wait3A_173] : memref<10240x128xf32, #tpu.memory_space<vmem_shared>> -> memref<128x128xf32, #tpu.memory_space<vmem_shared>>
      tpu.wait_dma2 semaphore(%run_scoped3A_167 : memref<!tpu.dma_semaphore, #tpu.memory_space<semaphore_mem>>) src(%arg8 : memref<128x128xf32, #tpu.memory_space<vmem>>) dst(%dma_wait3A_174 : memref<128x128xf32, #tpu.memory_space<vmem_shared>>)
      tpu.yield
    }) : () -> ()
    %mul3A_17 = arith.constant 640 : i32
    %mul3A_18 = arith.muli %arg1, %mul3A_17 : i32
    %add3A_19 = arith.constant 384 : i32
    %add3A_20 = arith.addi %mul3A_18, %add3A_19 : i32
    "tpu.region"() ({
      %run_scoped3A_167 = tpu.sem_alloc : memref<!tpu.dma_semaphore, #tpu.memory_space<semaphore_mem>>
      %dma_start3A_168 = arith.constant 0 : i32
      %dma_start3A_169 = tpu.memref_slice %arg10[%add3A_20, %dma_start3A_168] : memref<10240x128xf32, #tpu.memory_space<vmem_shared>> -> memref<128x128xf32, #tpu.memory_space<vmem_shared>>
      %dma_start3A_170 = arith.constant 0 : i32
      %dma_start3A_171 = tpu.memref_slice %arg10[%add3A_20, %dma_start3A_170] : memref<10240x128xf32, #tpu.memory_space<vmem_shared>> -> memref<128x128xf32, #tpu.memory_space<vmem_shared>>
      tpu.enqueue_dma source(%arg8 : memref<128x128xf32, #tpu.memory_space<vmem>>) target(%dma_start3A_171 : memref<128x128xf32, #tpu.memory_space<vmem_shared>>) target_semaphore(%run_scoped3A_167 : memref<!tpu.dma_semaphore, #tpu.memory_space<semaphore_mem>>)
      %dma_wait3A = arith.constant 0 : i32
      %dma_wait3A_172 = tpu.memref_slice %arg10[%add3A_20, %dma_wait3A] : memref<10240x128xf32, #tpu.memory_space<vmem_shared>> -> memref<128x128xf32, #tpu.memory_space<vmem_shared>>
      %dma_wait3A_173 = arith.constant 0 : i32
      %dma_wait3A_174 = tpu.memref_slice %arg10[%add3A_20, %dma_wait3A_173] : memref<10240x128xf32, #tpu.memory_space<vmem_shared>> -> memref<128x128xf32, #tpu.memory_space<vmem_shared>>
      tpu.wait_dma2 semaphore(%run_scoped3A_167 : memref<!tpu.dma_semaphore, #tpu.memory_space<semaphore_mem>>) src(%arg8 : memref<128x128xf32, #tpu.memory_space<vmem>>) dst(%dma_wait3A_174 : memref<128x128xf32, #tpu.memory_space<vmem_shared>>)
      tpu.yield
    }) : () -> ()
    %mul3A_21 = arith.constant 640 : i32
    %mul3A_22 = arith.muli %arg1, %mul3A_21 : i32
    %add3A_23 = arith.constant 512 : i32
    %add3A_24 = arith.addi %mul3A_22, %add3A_23 : i32
    "tpu.region"() ({
      %run_scoped3A_167 = tpu.sem_alloc : memref<!tpu.dma_semaphore, #tpu.memory_space<semaphore_mem>>
      %dma_start3A_168 = arith.constant 0 : i32
      %dma_start3A_169 = tpu.memref_slice %arg10[%add3A_24, %dma_start3A_168] : memref<10240x128xf32, #tpu.memory_space<vmem_shared>> -> memref<128x128xf32, #tpu.memory_space<vmem_shared>>
      %dma_start3A_170 = arith.constant 0 : i32
      %dma_start3A_171 = tpu.memref_slice %arg10[%add3A_24, %dma_start3A_170] : memref<10240x128xf32, #tpu.memory_space<vmem_shared>> -> memref<128x128xf32, #tpu.memory_space<vmem_shared>>
      tpu.enqueue_dma source(%arg8 : memref<128x128xf32, #tpu.memory_space<vmem>>) target(%dma_start3A_171 : memref<128x128xf32, #tpu.memory_space<vmem_shared>>) target_semaphore(%run_scoped3A_167 : memref<!tpu.dma_semaphore, #tpu.memory_space<semaphore_mem>>)
      %dma_wait3A = arith.constant 0 : i32
      %dma_wait3A_172 = tpu.memref_slice %arg10[%add3A_24, %dma_wait3A] : memref<10240x128xf32, #tpu.memory_space<vmem_shared>> -> memref<128x128xf32, #tpu.memory_space<vmem_shared>>
      %dma_wait3A_173 = arith.constant 0 : i32
      %dma_wait3A_174 = tpu.memref_slice %arg10[%add3A_24, %dma_wait3A_173] : memref<10240x128xf32, #tpu.memory_space<vmem_shared>> -> memref<128x128xf32, #tpu.memory_space<vmem_shared>>
      tpu.wait_dma2 semaphore(%run_scoped3A_167 : memref<!tpu.dma_semaphore, #tpu.memory_space<semaphore_mem>>) src(%arg8 : memref<128x128xf32, #tpu.memory_space<vmem>>) dst(%dma_wait3A_174 : memref<128x128xf32, #tpu.memory_space<vmem_shared>>)
      tpu.yield
    }) : () -> ()
    %barrier3A = arith.constant 0 : index
    tpu.barrier barrier_id(%barrier3A)
    %broadcast_in_dim3A_25 = arith.constant 0 : i32
    %broadcast_in_dim3A_26 = vector.broadcast %broadcast_in_dim3A_25 : i32 to vector<16xi32>
    %mul3A_27 = arith.constant 10240 : i32
    %mul3A_28 = arith.muli %arg0, %mul3A_27 : i32
    %add3A_29 = vector.broadcast %mul3A_28 : i32 to vector<16xi32>
    %add3A_30 = arith.addi %broadcast_in_dim3A_26, %add3A_29 : vector<16xi32>
    %run_scoped3A = arith.constant 0 : i32
    "tpu.region"() ({
      %run_scoped3A_167 = tpu.sem_alloc : memref<!tpu.dma_semaphore, #tpu.memory_space<semaphore_mem>>
      %dma_start3A_168 = arith.constant 0 : i32
      %dma_start3A_169 = arith.constant 0 : i32
      %dma_start3A_170 = tpu.memref_slice %arg3[%arg1, %run_scoped3A, %dma_start3A_168, %dma_start3A_169] : memref<16x5x16x128xi32, #tpu.memory_space<hbm>> -> memref<1x1x16x128xi32, #tpu.memory_space<hbm>>
      %dma_start3A_171 = tpu.memref_squeeze %dma_start3A_170 : memref<1x1x16x128xi32, #tpu.memory_space<hbm>> -> memref<16x128xi32, #tpu.memory_space<hbm>>
      %dma_start3A_172 = arith.constant 0 : i32
      %dma_start3A_173 = arith.constant 0 : i32
      %dma_start3A_174 = tpu.memref_slice %arg3[%arg1, %run_scoped3A, %dma_start3A_172, %dma_start3A_173] : memref<16x5x16x128xi32, #tpu.memory_space<hbm>> -> memref<1x1x16x128xi32, #tpu.memory_space<hbm>>
      %dma_start3A_175 = tpu.memref_squeeze %dma_start3A_174 : memref<1x1x16x128xi32, #tpu.memory_space<hbm>> -> memref<16x128xi32, #tpu.memory_space<hbm>>
      tpu.enqueue_dma source(%dma_start3A_175 : memref<16x128xi32, #tpu.memory_space<hbm>>) target(%arg6 : memref<16x128xi32, #tpu.memory_space<vmem>>) target_semaphore(%run_scoped3A_167 : memref<!tpu.dma_semaphore, #tpu.memory_space<semaphore_mem>>)
      %dma_wait3A = arith.constant 0 : i32
      %dma_wait3A_176 = arith.constant 0 : i32
      %dma_wait3A_177 = tpu.memref_slice %arg3[%arg1, %run_scoped3A, %dma_wait3A, %dma_wait3A_176] : memref<16x5x16x128xi32, #tpu.memory_space<hbm>> -> memref<1x1x16x128xi32, #tpu.memory_space<hbm>>
      %dma_wait3A_178 = tpu.memref_squeeze %dma_wait3A_177 : memref<1x1x16x128xi32, #tpu.memory_space<hbm>> -> memref<16x128xi32, #tpu.memory_space<hbm>>
      %dma_wait3A_179 = arith.constant 0 : i32
      %dma_wait3A_180 = arith.constant 0 : i32
      %dma_wait3A_181 = tpu.memref_slice %arg3[%arg1, %run_scoped3A, %dma_wait3A_179, %dma_wait3A_180] : memref<16x5x16x128xi32, #tpu.memory_space<hbm>> -> memref<1x1x16x128xi32, #tpu.memory_space<hbm>>
      %dma_wait3A_182 = tpu.memref_squeeze %dma_wait3A_181 : memref<1x1x16x128xi32, #tpu.memory_space<hbm>> -> memref<16x128xi32, #tpu.memory_space<hbm>>
      tpu.wait_dma2 semaphore(%run_scoped3A_167 : memref<!tpu.dma_semaphore, #tpu.memory_space<semaphore_mem>>) src(%dma_wait3A_182 : memref<16x128xi32, #tpu.memory_space<hbm>>) dst(%arg6 : memref<16x128xi32, #tpu.memory_space<vmem>>)
      tpu.yield
    }) : () -> ()
    %run_scoped3A_31 = arith.constant 0 : i32
    "tpu.region"() ({
      %run_scoped3A_167 = tpu.sem_alloc : memref<!tpu.dma_semaphore, #tpu.memory_space<semaphore_mem>>
      %dma_start3A_168 = arith.constant 0 : i32
      %dma_start3A_169 = arith.constant 0 : i32
      %dma_start3A_170 = tpu.memref_slice %arg4[%arg1, %run_scoped3A_31, %dma_start3A_168, %dma_start3A_169] : memref<16x5x16x128xi32, #tpu.memory_space<hbm>> -> memref<1x1x16x128xi32, #tpu.memory_space<hbm>>
      %dma_start3A_171 = tpu.memref_squeeze %dma_start3A_170 : memref<1x1x16x128xi32, #tpu.memory_space<hbm>> -> memref<16x128xi32, #tpu.memory_space<hbm>>
      %dma_start3A_172 = arith.constant 0 : i32
      %dma_start3A_173 = arith.constant 0 : i32
      %dma_start3A_174 = tpu.memref_slice %arg4[%arg1, %run_scoped3A_31, %dma_start3A_172, %dma_start3A_173] : memref<16x5x16x128xi32, #tpu.memory_space<hbm>> -> memref<1x1x16x128xi32, #tpu.memory_space<hbm>>
      %dma_start3A_175 = tpu.memref_squeeze %dma_start3A_174 : memref<1x1x16x128xi32, #tpu.memory_space<hbm>> -> memref<16x128xi32, #tpu.memory_space<hbm>>
      tpu.enqueue_dma source(%dma_start3A_175 : memref<16x128xi32, #tpu.memory_space<hbm>>) target(%arg7 : memref<16x128xi32, #tpu.memory_space<vmem>>) target_semaphore(%run_scoped3A_167 : memref<!tpu.dma_semaphore, #tpu.memory_space<semaphore_mem>>)
      %dma_wait3A = arith.constant 0 : i32
      %dma_wait3A_176 = arith.constant 0 : i32
      %dma_wait3A_177 = tpu.memref_slice %arg4[%arg1, %run_scoped3A_31, %dma_wait3A, %dma_wait3A_176] : memref<16x5x16x128xi32, #tpu.memory_space<hbm>> -> memref<1x1x16x128xi32, #tpu.memory_space<hbm>>
      %dma_wait3A_178 = tpu.memref_squeeze %dma_wait3A_177 : memref<1x1x16x128xi32, #tpu.memory_space<hbm>> -> memref<16x128xi32, #tpu.memory_space<hbm>>
      %dma_wait3A_179 = arith.constant 0 : i32
      %dma_wait3A_180 = arith.constant 0 : i32
      %dma_wait3A_181 = tpu.memref_slice %arg4[%arg1, %run_scoped3A_31, %dma_wait3A_179, %dma_wait3A_180] : memref<16x5x16x128xi32, #tpu.memory_space<hbm>> -> memref<1x1x16x128xi32, #tpu.memory_space<hbm>>
      %dma_wait3A_182 = tpu.memref_squeeze %dma_wait3A_181 : memref<1x1x16x128xi32, #tpu.memory_space<hbm>> -> memref<16x128xi32, #tpu.memory_space<hbm>>
      tpu.wait_dma2 semaphore(%run_scoped3A_167 : memref<!tpu.dma_semaphore, #tpu.memory_space<semaphore_mem>>) src(%dma_wait3A_182 : memref<16x128xi32, #tpu.memory_space<hbm>>) dst(%arg7 : memref<16x128xi32, #tpu.memory_space<vmem>>)
      tpu.yield
    }) : () -> ()
    %scan3A_32 = arith.constant 0 : i32
    %scan3A_33 = arith.constant 0 : i32
    %scan3A_34 = arith.constant 16 : i32
    %scan3A_35 = arith.addi %scan3A_33, %scan3A_34 : i32
    %scan3A_36 = arith.constant 1 : i32
    %scan3A_37 = scf.for %scan3A_167 = %scan3A_33 to %scan3A_35 step %scan3A_36 iter_args(%scan3A_168 = %scan3A_32) -> (i32)  : i32 {
      %scan3A_169 = arith.constant 0 : i32
      %scan3A_170 = arith.constant 0 : i32
      %scan3A_171 = arith.constant 8 : i32
      %scan3A_172 = arith.addi %scan3A_170, %scan3A_171 : i32
      %scan3A_173 = arith.constant 1 : i32
      %scan3A_174 = scf.for %scan3A_177 = %scan3A_170 to %scan3A_172 step %scan3A_173 iter_args(%scan3A_178 = %scan3A_169) -> (i32)  : i32 {
        %mul3A_179 = arith.constant 16 : i32
        %mul3A_180 = arith.muli %scan3A_177, %mul3A_179 : i32
        %get3A = arith.index_cast %scan3A_167 : i32 to index
        %get3A_181 = arith.index_cast %mul3A_180 : i32 to index
        %get3A_182 = tpu.vector_load %arg6[%get3A, %get3A_181] {strides = array<i32>} : memref<16x128xi32, #tpu.memory_space<vmem>>, vector<16xi32>,
        %add3A_183 = arith.addi %get3A_182, %add3A_30 : vector<16xi32>
        %mul3A_184 = arith.constant 16 : i32
        %mul3A_185 = arith.muli %scan3A_177, %mul3A_184 : i32
        %swap3A = arith.index_cast %scan3A_167 : i32 to index
        %swap3A_186 = arith.index_cast %mul3A_185 : i32 to index
        %swap3A_187 = tpu.vector_load %arg6[%swap3A, %swap3A_186] {strides = array<i32>} : memref<16x128xi32, #tpu.memory_space<vmem>>, vector<16xi32>,
        tpu.vector_store %arg6[%swap3A, %swap3A_186], %add3A_183 {strides = array<i32>} : memref<16x128xi32, #tpu.memory_space<vmem>>, vector<16xi32>,
        %scan3A_188 = arith.constant 0 : i32
        scf.yield %scan3A_188 : i32
      }
      %scan3A_175 = arith.constant 8 : i32
      %scan3A_176 = arith.constant 0 : i32
      scf.yield %scan3A_176 : i32
    }
    %scan3A_38 = arith.constant 16 : i32
    %dma_start3A = arith.constant 0 : i32
    %dma_start3A_39 = arith.constant 0 : i32
    %dma_start3A_40 = arith.constant 0 : i32
    %dma_start3A_41 = tpu.memref_slice %arg6[%dma_start3A, %dma_start3A_40] : memref<16x128xi32, #tpu.memory_space<vmem>> -> memref<1x128xi32, #tpu.memory_space<vmem>>
    %dma_start3A_42 = tpu.memref_squeeze %dma_start3A_41 : memref<1x128xi32, #tpu.memory_space<vmem>> -> memref<128xi32, #tpu.memory_space<vmem>>
    %dma_start3A_43 = arith.constant 0 : i32
    %dma_start3A_44 = arith.constant 0 : i32
    %dma_start3A_45 = tpu.memref_slice %arg2[%dma_start3A_43, %dma_start3A_44] : memref<20480x128xf32, #tpu.memory_space<hbm>> -> memref<20480x128xf32, #tpu.memory_space<hbm>>
    %dma_start3A_46 = tpu.memref_slice %arg11[%dma_start3A_39] : memref<2x!tpu.dma_semaphore, #tpu.memory_space<semaphore_mem>> -> memref<1x!tpu.dma_semaphore, #tpu.memory_space<semaphore_mem>>
    %dma_start3A_47 = tpu.memref_squeeze %dma_start3A_46 : memref<1x!tpu.dma_semaphore, #tpu.memory_space<semaphore_mem>> -> memref<!tpu.dma_semaphore, #tpu.memory_space<semaphore_mem>>
    tpu.enqueue_indirect_dma source(%dma_start3A_45 : memref<20480x128xf32, #tpu.memory_space<hbm>>) target(%arg8 : memref<128x128xf32, #tpu.memory_space<vmem>>) offsets(%dma_start3A_42 : memref<128xi32, #tpu.memory_space<vmem>>) semaphore(%dma_start3A_47 : memref<!tpu.dma_semaphore, #tpu.memory_space<semaphore_mem>>)
    %scan3A_48 = arith.constant 1 : i32
    %scan3A_49 = arith.constant 0 : i32
    %scan3A_50 = arith.constant 0 : i32
    %scan3A_51 = arith.constant 8 : i32
    %scan3A_52 = arith.addi %scan3A_50, %scan3A_51 : i32
    %scan3A_53 = arith.constant 1 : i32
    scf.for %scan3A_167 = %scan3A_50 to %scan3A_52 step %scan3A_53  : i32 {
      %mul3A_168 = arith.constant 2 : i32
      %mul3A_169 = arith.muli %scan3A_167, %mul3A_168 : i32
      %add3A_170 = arith.constant 0 : i32
      %add3A_171 = arith.addi %add3A_170, %mul3A_169 : i32
      %add3A_172 = arith.constant 0 : i32
      %add3A_173 = arith.addi %add3A_171, %add3A_172 : i32
      %add3A_174 = arith.constant 1 : i32
      %add3A_175 = arith.addi %add3A_173, %add3A_174 : i32
      %lt3A = arith.constant 16 : i32
      %lt3A_176 = arith.cmpi slt, %add3A_175, %lt3A : i32
      %convert_element_type3A = arith.extui %lt3A_176 : i1 to i32
      %cond3A = arith.constant 0 : i32
      %cond3A_177 = arith.cmpi ne, %convert_element_type3A, %cond3A : i32
      scf.if %cond3A_177 {
        %dma_start3A_210 = arith.constant 0 : i32
        %dma_start3A_211 = tpu.memref_slice %arg6[%add3A_175, %dma_start3A_210] : memref<16x128xi32, #tpu.memory_space<vmem>> -> memref<1x128xi32, #tpu.memory_space<vmem>>
        %dma_start3A_212 = tpu.memref_squeeze %dma_start3A_211 : memref<1x128xi32, #tpu.memory_space<vmem>> -> memref<128xi32, #tpu.memory_space<vmem>>
        %dma_start3A_213 = arith.constant 0 : i32
        %dma_start3A_214 = arith.constant 0 : i32
        %dma_start3A_215 = tpu.memref_slice %arg2[%dma_start3A_213, %dma_start3A_214] : memref<20480x128xf32, #tpu.memory_space<hbm>> -> memref<20480x128xf32, #tpu.memory_space<hbm>>
        %dma_start3A_216 = tpu.memref_slice %arg11[%scan3A_48] : memref<2x!tpu.dma_semaphore, #tpu.memory_space<semaphore_mem>> -> memref<1x!tpu.dma_semaphore, #tpu.memory_space<semaphore_mem>>
        %dma_start3A_217 = tpu.memref_squeeze %dma_start3A_216 : memref<1x!tpu.dma_semaphore, #tpu.memory_space<semaphore_mem>> -> memref<!tpu.dma_semaphore, #tpu.memory_space<semaphore_mem>>
        tpu.enqueue_indirect_dma source(%dma_start3A_215 : memref<20480x128xf32, #tpu.memory_space<hbm>>) target(%arg9 : memref<128x128xf32, #tpu.memory_space<vmem>>) offsets(%dma_start3A_212 : memref<128xi32, #tpu.memory_space<vmem>>) semaphore(%dma_start3A_217 : memref<!tpu.dma_semaphore, #tpu.memory_space<semaphore_mem>>)
      } else {
      }
      %add3A_178 = arith.constant 0 : i32
      %add3A_179 = arith.addi %add3A_171, %add3A_178 : i32
      %dma_wait3A = arith.constant 0 : i32
      %dma_wait3A_180 = tpu.memref_slice %arg6[%add3A_179, %dma_wait3A] : memref<16x128xi32, #tpu.memory_space<vmem>> -> memref<1x128xi32, #tpu.memory_space<vmem>>
      %dma_wait3A_181 = tpu.memref_squeeze %dma_wait3A_180 : memref<1x128xi32, #tpu.memory_space<vmem>> -> memref<128xi32, #tpu.memory_space<vmem>>
      %dma_wait3A_182 = arith.constant 0 : i32
      %dma_wait3A_183 = arith.constant 0 : i32
      %dma_wait3A_184 = tpu.memref_slice %arg2[%dma_wait3A_182, %dma_wait3A_183] : memref<20480x128xf32, #tpu.memory_space<hbm>> -> memref<20480x128xf32, #tpu.memory_space<hbm>>
      %dma_wait3A_185 = tpu.memref_slice %arg11[%scan3A_49] : memref<2x!tpu.dma_semaphore, #tpu.memory_space<semaphore_mem>> -> memref<1x!tpu.dma_semaphore, #tpu.memory_space<semaphore_mem>>
      %dma_wait3A_186 = tpu.memref_squeeze %dma_wait3A_185 : memref<1x!tpu.dma_semaphore, #tpu.memory_space<semaphore_mem>> -> memref<!tpu.dma_semaphore, #tpu.memory_space<semaphore_mem>>
      tpu.wait_indirect_dma semaphore(%dma_wait3A_186 : memref<!tpu.dma_semaphore, #tpu.memory_space<semaphore_mem>>) src(%dma_wait3A_184 : memref<20480x128xf32, #tpu.memory_space<hbm>>) dst(%arg8 : memref<128x128xf32, #tpu.memory_space<vmem>>)
      %add3A_187 = arith.constant 0 : i32
      %add3A_188 = arith.addi %add3A_171, %add3A_187 : i32
      "tpu.region"() ({
        %run_scoped3A_210 = tpu.sem_alloc : memref<!tpu.dma_semaphore, #tpu.memory_space<semaphore_mem>>
        %dma_start3A_211 = arith.constant 0 : i32
        %dma_start3A_212 = tpu.memref_slice %arg7[%add3A_188, %dma_start3A_211] : memref<16x128xi32, #tpu.memory_space<vmem>> -> memref<1x128xi32, #tpu.memory_space<vmem>>
        %dma_start3A_213 = tpu.memref_squeeze %dma_start3A_212 : memref<1x128xi32, #tpu.memory_space<vmem>> -> memref<128xi32, #tpu.memory_space<vmem>>
        %dma_start3A_214 = arith.constant 0 : i32
        %dma_start3A_215 = arith.constant 0 : i32
        %dma_start3A_216 = tpu.memref_slice %arg10[%dma_start3A_214, %dma_start3A_215] : memref<10240x128xf32, #tpu.memory_space<vmem_shared>> -> memref<10240x128xf32, #tpu.memory_space<vmem_shared>>
        tpu.enqueue_indirect_dma source(%arg8 : memref<128x128xf32, #tpu.memory_space<vmem>>) target(%dma_start3A_216 : memref<10240x128xf32, #tpu.memory_space<vmem_shared>>) offsets(%dma_start3A_213 : memref<128xi32, #tpu.memory_space<vmem>>) semaphore(%run_scoped3A_210 : memref<!tpu.dma_semaphore, #tpu.memory_space<semaphore_mem>>) {add = true}
        %dma_wait3A_217 = arith.constant 0 : i32
        %dma_wait3A_218 = tpu.memref_slice %arg7[%add3A_188, %dma_wait3A_217] : memref<16x128xi32, #tpu.memory_space<vmem>> -> memref<1x128xi32, #tpu.memory_space<vmem>>
        %dma_wait3A_219 = tpu.memref_squeeze %dma_wait3A_218 : memref<1x128xi32, #tpu.memory_space<vmem>> -> memref<128xi32, #tpu.memory_space<vmem>>
        %dma_wait3A_220 = arith.constant 0 : i32
        %dma_wait3A_221 = arith.constant 0 : i32
        %dma_wait3A_222 = tpu.memref_slice %arg10[%dma_wait3A_220, %dma_wait3A_221] : memref<10240x128xf32, #tpu.memory_space<vmem_shared>> -> memref<10240x128xf32, #tpu.memory_space<vmem_shared>>
        tpu.wait_indirect_dma semaphore(%run_scoped3A_210 : memref<!tpu.dma_semaphore, #tpu.memory_space<semaphore_mem>>) src(%arg8 : memref<128x128xf32, #tpu.memory_space<vmem>>) dst(%dma_wait3A_222 : memref<10240x128xf32, #tpu.memory_space<vmem_shared>>)
        tpu.yield
      }) : () -> ()
      %add3A_189 = arith.constant 1 : i32
      %add3A_190 = arith.addi %add3A_171, %add3A_189 : i32
      %add3A_191 = arith.constant 1 : i32
      %add3A_192 = arith.addi %add3A_190, %add3A_191 : i32
      %lt3A_193 = arith.constant 16 : i32
      %lt3A_194 = arith.cmpi slt, %add3A_192, %lt3A_193 : i32
      %convert_element_type3A_195 = arith.extui %lt3A_194 : i1 to i32
      %cond3A_196 = arith.constant 0 : i32
      %cond3A_197 = arith.cmpi ne, %convert_element_type3A_195, %cond3A_196 : i32
      scf.if %cond3A_197 {
        %dma_start3A_210 = arith.constant 0 : i32
        %dma_start3A_211 = tpu.memref_slice %arg6[%add3A_192, %dma_start3A_210] : memref<16x128xi32, #tpu.memory_space<vmem>> -> memref<1x128xi32, #tpu.memory_space<vmem>>
        %dma_start3A_212 = tpu.memref_squeeze %dma_start3A_211 : memref<1x128xi32, #tpu.memory_space<vmem>> -> memref<128xi32, #tpu.memory_space<vmem>>
        %dma_start3A_213 = arith.constant 0 : i32
        %dma_start3A_214 = arith.constant 0 : i32
        %dma_start3A_215 = tpu.memref_slice %arg2[%dma_start3A_213, %dma_start3A_214] : memref<20480x128xf32, #tpu.memory_space<hbm>> -> memref<20480x128xf32, #tpu.memory_space<hbm>>
        %dma_start3A_216 = tpu.memref_slice %arg11[%scan3A_49] : memref<2x!tpu.dma_semaphore, #tpu.memory_space<semaphore_mem>> -> memref<1x!tpu.dma_semaphore, #tpu.memory_space<semaphore_mem>>
        %dma_start3A_217 = tpu.memref_squeeze %dma_start3A_216 : memref<1x!tpu.dma_semaphore, #tpu.memory_space<semaphore_mem>> -> memref<!tpu.dma_semaphore, #tpu.memory_space<semaphore_mem>>
        tpu.enqueue_indirect_dma source(%dma_start3A_215 : memref<20480x128xf32, #tpu.memory_space<hbm>>) target(%arg8 : memref<128x128xf32, #tpu.memory_space<vmem>>) offsets(%dma_start3A_212 : memref<128xi32, #tpu.memory_space<vmem>>) semaphore(%dma_start3A_217 : memref<!tpu.dma_semaphore, #tpu.memory_space<semaphore_mem>>)
      } else {
      }
      %add3A_198 = arith.constant 1 : i32
      %add3A_199 = arith.addi %add3A_171, %add3A_198 : i32
      %dma_wait3A_200 = arith.constant 0 : i32
      %dma_wait3A_201 = tpu.memref_slice %arg6[%add3A_199, %dma_wait3A_200] : memref<16x128xi32, #tpu.memory_space<vmem>> -> memref<1x128xi32, #tpu.memory_space<vmem>>
      %dma_wait3A_202 = tpu.memref_squeeze %dma_wait3A_201 : memref<1x128xi32, #tpu.memory_space<vmem>> -> memref<128xi32, #tpu.memory_space<vmem>>
      %dma_wait3A_203 = arith.constant 0 : i32
      %dma_wait3A_204 = arith.constant 0 : i32
      %dma_wait3A_205 = tpu.memref_slice %arg2[%dma_wait3A_203, %dma_wait3A_204] : memref<20480x128xf32, #tpu.memory_space<hbm>> -> memref<20480x128xf32, #tpu.memory_space<hbm>>
      %dma_wait3A_206 = tpu.memref_slice %arg11[%scan3A_48] : memref<2x!tpu.dma_semaphore, #tpu.memory_space<semaphore_mem>> -> memref<1x!tpu.dma_semaphore, #tpu.memory_space<semaphore_mem>>
      %dma_wait3A_207 = tpu.memref_squeeze %dma_wait3A_206 : memref<1x!tpu.dma_semaphore, #tpu.memory_space<semaphore_mem>> -> memref<!tpu.dma_semaphore, #tpu.memory_space<semaphore_mem>>
      tpu.wait_indirect_dma semaphore(%dma_wait3A_207 : memref<!tpu.dma_semaphore, #tpu.memory_space<semaphore_mem>>) src(%dma_wait3A_205 : memref<20480x128xf32, #tpu.memory_space<hbm>>) dst(%arg9 : memref<128x128xf32, #tpu.memory_space<vmem>>)
      %add3A_208 = arith.constant 1 : i32
      %add3A_209 = arith.addi %add3A_171, %add3A_208 : i32
      "tpu.region"() ({
        %run_scoped3A_210 = tpu.sem_alloc : memref<!tpu.dma_semaphore, #tpu.memory_space<semaphore_mem>>
        %dma_start3A_211 = arith.constant 0 : i32
        %dma_start3A_212 = tpu.memref_slice %arg7[%add3A_209, %dma_start3A_211] : memref<16x128xi32, #tpu.memory_space<vmem>> -> memref<1x128xi32, #tpu.memory_space<vmem>>
        %dma_start3A_213 = tpu.memref_squeeze %dma_start3A_212 : memref<1x128xi32, #tpu.memory_space<vmem>> -> memref<128xi32, #tpu.memory_space<vmem>>
        %dma_start3A_214 = arith.constant 0 : i32
        %dma_start3A_215 = arith.constant 0 : i32
        %dma_start3A_216 = tpu.memref_slice %arg10[%dma_start3A_214, %dma_start3A_215] : memref<10240x128xf32, #tpu.memory_space<vmem_shared>> -> memref<10240x128xf32, #tpu.memory_space<vmem_shared>>
        tpu.enqueue_indirect_dma source(%arg9 : memref<128x128xf32, #tpu.memory_space<vmem>>) target(%dma_start3A_216 : memref<10240x128xf32, #tpu.memory_space<vmem_shared>>) offsets(%dma_start3A_213 : memref<128xi32, #tpu.memory_space<vmem>>) semaphore(%run_scoped3A_210 : memref<!tpu.dma_semaphore, #tpu.memory_space<semaphore_mem>>) {add = true}
        %dma_wait3A_217 = arith.constant 0 : i32
        %dma_wait3A_218 = tpu.memref_slice %arg7[%add3A_209, %dma_wait3A_217] : memref<16x128xi32, #tpu.memory_space<vmem>> -> memref<1x128xi32, #tpu.memory_space<vmem>>
        %dma_wait3A_219 = tpu.memref_squeeze %dma_wait3A_218 : memref<1x128xi32, #tpu.memory_space<vmem>> -> memref<128xi32, #tpu.memory_space<vmem>>
        %dma_wait3A_220 = arith.constant 0 : i32
        %dma_wait3A_221 = arith.constant 0 : i32
        %dma_wait3A_222 = tpu.memref_slice %arg10[%dma_wait3A_220, %dma_wait3A_221] : memref<10240x128xf32, #tpu.memory_space<vmem_shared>> -> memref<10240x128xf32, #tpu.memory_space<vmem_shared>>
        tpu.wait_indirect_dma semaphore(%run_scoped3A_210 : memref<!tpu.dma_semaphore, #tpu.memory_space<semaphore_mem>>) src(%arg9 : memref<128x128xf32, #tpu.memory_space<vmem>>) dst(%dma_wait3A_222 : memref<10240x128xf32, #tpu.memory_space<vmem_shared>>)
        tpu.yield
      }) : () -> ()
    }
    %scan3A_54 = arith.constant 8 : i32
    %run_scoped3A_55 = arith.constant 1 : i32
    "tpu.region"() ({
      %run_scoped3A_167 = tpu.sem_alloc : memref<!tpu.dma_semaphore, #tpu.memory_space<semaphore_mem>>
      %dma_start3A_168 = arith.constant 0 : i32
      %dma_start3A_169 = arith.constant 0 : i32
      %dma_start3A_170 = tpu.memref_slice %arg3[%arg1, %run_scoped3A_55, %dma_start3A_168, %dma_start3A_169] : memref<16x5x16x128xi32, #tpu.memory_space<hbm>> -> memref<1x1x16x128xi32, #tpu.memory_space<hbm>>
      %dma_start3A_171 = tpu.memref_squeeze %dma_start3A_170 : memref<1x1x16x128xi32, #tpu.memory_space<hbm>> -> memref<16x128xi32, #tpu.memory_space<hbm>>
      %dma_start3A_172 = arith.constant 0 : i32
      %dma_start3A_173 = arith.constant 0 : i32
      %dma_start3A_174 = tpu.memref_slice %arg3[%arg1, %run_scoped3A_55, %dma_start3A_172, %dma_start3A_173] : memref<16x5x16x128xi32, #tpu.memory_space<hbm>> -> memref<1x1x16x128xi32, #tpu.memory_space<hbm>>
      %dma_start3A_175 = tpu.memref_squeeze %dma_start3A_174 : memref<1x1x16x128xi32, #tpu.memory_space<hbm>> -> memref<16x128xi32, #tpu.memory_space<hbm>>
      tpu.enqueue_dma source(%dma_start3A_175 : memref<16x128xi32, #tpu.memory_space<hbm>>) target(%arg6 : memref<16x128xi32, #tpu.memory_space<vmem>>) target_semaphore(%run_scoped3A_167 : memref<!tpu.dma_semaphore, #tpu.memory_space<semaphore_mem>>)
      %dma_wait3A = arith.constant 0 : i32
      %dma_wait3A_176 = arith.constant 0 : i32
      %dma_wait3A_177 = tpu.memref_slice %arg3[%arg1, %run_scoped3A_55, %dma_wait3A, %dma_wait3A_176] : memref<16x5x16x128xi32, #tpu.memory_space<hbm>> -> memref<1x1x16x128xi32, #tpu.memory_space<hbm>>
      %dma_wait3A_178 = tpu.memref_squeeze %dma_wait3A_177 : memref<1x1x16x128xi32, #tpu.memory_space<hbm>> -> memref<16x128xi32, #tpu.memory_space<hbm>>
      %dma_wait3A_179 = arith.constant 0 : i32
      %dma_wait3A_180 = arith.constant 0 : i32
      %dma_wait3A_181 = tpu.memref_slice %arg3[%arg1, %run_scoped3A_55, %dma_wait3A_179, %dma_wait3A_180] : memref<16x5x16x128xi32, #tpu.memory_space<hbm>> -> memref<1x1x16x128xi32, #tpu.memory_space<hbm>>
      %dma_wait3A_182 = tpu.memref_squeeze %dma_wait3A_181 : memref<1x1x16x128xi32, #tpu.memory_space<hbm>> -> memref<16x128xi32, #tpu.memory_space<hbm>>
      tpu.wait_dma2 semaphore(%run_scoped3A_167 : memref<!tpu.dma_semaphore, #tpu.memory_space<semaphore_mem>>) src(%dma_wait3A_182 : memref<16x128xi32, #tpu.memory_space<hbm>>) dst(%arg6 : memref<16x128xi32, #tpu.memory_space<vmem>>)
      tpu.yield
    }) : () -> ()
    %run_scoped3A_56 = arith.constant 1 : i32
    "tpu.region"() ({
      %run_scoped3A_167 = tpu.sem_alloc : memref<!tpu.dma_semaphore, #tpu.memory_space<semaphore_mem>>
      %dma_start3A_168 = arith.constant 0 : i32
      %dma_start3A_169 = arith.constant 0 : i32
      %dma_start3A_170 = tpu.memref_slice %arg4[%arg1, %run_scoped3A_56, %dma_start3A_168, %dma_start3A_169] : memref<16x5x16x128xi32, #tpu.memory_space<hbm>> -> memref<1x1x16x128xi32, #tpu.memory_space<hbm>>
      %dma_start3A_171 = tpu.memref_squeeze %dma_start3A_170 : memref<1x1x16x128xi32, #tpu.memory_space<hbm>> -> memref<16x128xi32, #tpu.memory_space<hbm>>
      %dma_start3A_172 = arith.constant 0 : i32
      %dma_start3A_173 = arith.constant 0 : i32
      %dma_start3A_174 = tpu.memref_slice %arg4[%arg1, %run_scoped3A_56, %dma_start3A_172, %dma_start3A_173] : memref<16x5x16x128xi32, #tpu.memory_space<hbm>> -> memref<1x1x16x128xi32, #tpu.memory_space<hbm>>
      %dma_start3A_175 = tpu.memref_squeeze %dma_start3A_174 : memref<1x1x16x128xi32, #tpu.memory_space<hbm>> -> memref<16x128xi32, #tpu.memory_space<hbm>>
      tpu.enqueue_dma source(%dma_start3A_175 : memref<16x128xi32, #tpu.memory_space<hbm>>) target(%arg7 : memref<16x128xi32, #tpu.memory_space<vmem>>) target_semaphore(%run_scoped3A_167 : memref<!tpu.dma_semaphore, #tpu.memory_space<semaphore_mem>>)
      %dma_wait3A = arith.constant 0 : i32
      %dma_wait3A_176 = arith.constant 0 : i32
      %dma_wait3A_177 = tpu.memref_slice %arg4[%arg1, %run_scoped3A_56, %dma_wait3A, %dma_wait3A_176] : memref<16x5x16x128xi32, #tpu.memory_space<hbm>> -> memref<1x1x16x128xi32, #tpu.memory_space<hbm>>
      %dma_wait3A_178 = tpu.memref_squeeze %dma_wait3A_177 : memref<1x1x16x128xi32, #tpu.memory_space<hbm>> -> memref<16x128xi32, #tpu.memory_space<hbm>>
      %dma_wait3A_179 = arith.constant 0 : i32
      %dma_wait3A_180 = arith.constant 0 : i32
      %dma_wait3A_181 = tpu.memref_slice %arg4[%arg1, %run_scoped3A_56, %dma_wait3A_179, %dma_wait3A_180] : memref<16x5x16x128xi32, #tpu.memory_space<hbm>> -> memref<1x1x16x128xi32, #tpu.memory_space<hbm>>
      %dma_wait3A_182 = tpu.memref_squeeze %dma_wait3A_181 : memref<1x1x16x128xi32, #tpu.memory_space<hbm>> -> memref<16x128xi32, #tpu.memory_space<hbm>>
      tpu.wait_dma2 semaphore(%run_scoped3A_167 : memref<!tpu.dma_semaphore, #tpu.memory_space<semaphore_mem>>) src(%dma_wait3A_182 : memref<16x128xi32, #tpu.memory_space<hbm>>) dst(%arg7 : memref<16x128xi32, #tpu.memory_space<vmem>>)
      tpu.yield
    }) : () -> ()
    %scan3A_57 = arith.constant 0 : i32
    %scan3A_58 = arith.constant 0 : i32
    %scan3A_59 = arith.constant 16 : i32
    %scan3A_60 = arith.addi %scan3A_58, %scan3A_59 : i32
    %scan3A_61 = arith.constant 1 : i32
    %scan3A_62 = scf.for %scan3A_167 = %scan3A_58 to %scan3A_60 step %scan3A_61 iter_args(%scan3A_168 = %scan3A_57) -> (i32)  : i32 {
      %scan3A_169 = arith.constant 0 : i32
      %scan3A_170 = arith.constant 0 : i32
      %scan3A_171 = arith.constant 8 : i32
      %scan3A_172 = arith.addi %scan3A_170, %scan3A_171 : i32
      %scan3A_173 = arith.constant 1 : i32
      %scan3A_174 = scf.for %scan3A_177 = %scan3A_170 to %scan3A_172 step %scan3A_173 iter_args(%scan3A_178 = %scan3A_169) -> (i32)  : i32 {
        %mul3A_179 = arith.constant 16 : i32
        %mul3A_180 = arith.muli %scan3A_177, %mul3A_179 : i32
        %get3A = arith.index_cast %scan3A_167 : i32 to index
        %get3A_181 = arith.index_cast %mul3A_180 : i32 to index
        %get3A_182 = tpu.vector_load %arg6[%get3A, %get3A_181] {strides = array<i32>} : memref<16x128xi32, #tpu.memory_space<vmem>>, vector<16xi32>,
        %add3A_183 = arith.addi %get3A_182, %add3A_30 : vector<16xi32>
        %mul3A_184 = arith.constant 16 : i32
        %mul3A_185 = arith.muli %scan3A_177, %mul3A_184 : i32
        %swap3A = arith.index_cast %scan3A_167 : i32 to index
        %swap3A_186 = arith.index_cast %mul3A_185 : i32 to index
        %swap3A_187 = tpu.vector_load %arg6[%swap3A, %swap3A_186] {strides = array<i32>} : memref<16x128xi32, #tpu.memory_space<vmem>>, vector<16xi32>,
        tpu.vector_store %arg6[%swap3A, %swap3A_186], %add3A_183 {strides = array<i32>} : memref<16x128xi32, #tpu.memory_space<vmem>>, vector<16xi32>,
        %scan3A_188 = arith.constant 0 : i32
        scf.yield %scan3A_188 : i32
      }
      %scan3A_175 = arith.constant 8 : i32
      %scan3A_176 = arith.constant 0 : i32
      scf.yield %scan3A_176 : i32
    }
    %scan3A_63 = arith.constant 16 : i32
    %dma_start3A_64 = arith.constant 0 : i32
    %dma_start3A_65 = arith.constant 0 : i32
    %dma_start3A_66 = arith.constant 0 : i32
    %dma_start3A_67 = tpu.memref_slice %arg6[%dma_start3A_64, %dma_start3A_66] : memref<16x128xi32, #tpu.memory_space<vmem>> -> memref<1x128xi32, #tpu.memory_space<vmem>>
    %dma_start3A_68 = tpu.memref_squeeze %dma_start3A_67 : memref<1x128xi32, #tpu.memory_space<vmem>> -> memref<128xi32, #tpu.memory_space<vmem>>
    %dma_start3A_69 = arith.constant 0 : i32
    %dma_start3A_70 = arith.constant 0 : i32
    %dma_start3A_71 = tpu.memref_slice %arg2[%dma_start3A_69, %dma_start3A_70] : memref<20480x128xf32, #tpu.memory_space<hbm>> -> memref<20480x128xf32, #tpu.memory_space<hbm>>
    %dma_start3A_72 = tpu.memref_slice %arg11[%dma_start3A_65] : memref<2x!tpu.dma_semaphore, #tpu.memory_space<semaphore_mem>> -> memref<1x!tpu.dma_semaphore, #tpu.memory_space<semaphore_mem>>
    %dma_start3A_73 = tpu.memref_squeeze %dma_start3A_72 : memref<1x!tpu.dma_semaphore, #tpu.memory_space<semaphore_mem>> -> memref<!tpu.dma_semaphore, #tpu.memory_space<semaphore_mem>>
    tpu.enqueue_indirect_dma source(%dma_start3A_71 : memref<20480x128xf32, #tpu.memory_space<hbm>>) target(%arg8 : memref<128x128xf32, #tpu.memory_space<vmem>>) offsets(%dma_start3A_68 : memref<128xi32, #tpu.memory_space<vmem>>) semaphore(%dma_start3A_73 : memref<!tpu.dma_semaphore, #tpu.memory_space<semaphore_mem>>)
    %scan3A_74 = arith.constant 1 : i32
    %scan3A_75 = arith.constant 0 : i32
    %scan3A_76 = arith.constant 0 : i32
    %scan3A_77 = arith.constant 8 : i32
    %scan3A_78 = arith.addi %scan3A_76, %scan3A_77 : i32
    %scan3A_79 = arith.constant 1 : i32
    scf.for %scan3A_167 = %scan3A_76 to %scan3A_78 step %scan3A_79  : i32 {
      %mul3A_168 = arith.constant 2 : i32
      %mul3A_169 = arith.muli %scan3A_167, %mul3A_168 : i32
      %add3A_170 = arith.constant 0 : i32
      %add3A_171 = arith.addi %add3A_170, %mul3A_169 : i32
      %add3A_172 = arith.constant 0 : i32
      %add3A_173 = arith.addi %add3A_171, %add3A_172 : i32
      %add3A_174 = arith.constant 1 : i32
      %add3A_175 = arith.addi %add3A_173, %add3A_174 : i32
      %lt3A = arith.constant 16 : i32
      %lt3A_176 = arith.cmpi slt, %add3A_175, %lt3A : i32
      %convert_element_type3A = arith.extui %lt3A_176 : i1 to i32
      %cond3A = arith.constant 0 : i32
      %cond3A_177 = arith.cmpi ne, %convert_element_type3A, %cond3A : i32
      scf.if %cond3A_177 {
        %dma_start3A_210 = arith.constant 0 : i32
        %dma_start3A_211 = tpu.memref_slice %arg6[%add3A_175, %dma_start3A_210] : memref<16x128xi32, #tpu.memory_space<vmem>> -> memref<1x128xi32, #tpu.memory_space<vmem>>
        %dma_start3A_212 = tpu.memref_squeeze %dma_start3A_211 : memref<1x128xi32, #tpu.memory_space<vmem>> -> memref<128xi32, #tpu.memory_space<vmem>>
        %dma_start3A_213 = arith.constant 0 : i32
        %dma_start3A_214 = arith.constant 0 : i32
        %dma_start3A_215 = tpu.memref_slice %arg2[%dma_start3A_213, %dma_start3A_214] : memref<20480x128xf32, #tpu.memory_space<hbm>> -> memref<20480x128xf32, #tpu.memory_space<hbm>>
        %dma_start3A_216 = tpu.memref_slice %arg11[%scan3A_74] : memref<2x!tpu.dma_semaphore, #tpu.memory_space<semaphore_mem>> -> memref<1x!tpu.dma_semaphore, #tpu.memory_space<semaphore_mem>>
        %dma_start3A_217 = tpu.memref_squeeze %dma_start3A_216 : memref<1x!tpu.dma_semaphore, #tpu.memory_space<semaphore_mem>> -> memref<!tpu.dma_semaphore, #tpu.memory_space<semaphore_mem>>
        tpu.enqueue_indirect_dma source(%dma_start3A_215 : memref<20480x128xf32, #tpu.memory_space<hbm>>) target(%arg9 : memref<128x128xf32, #tpu.memory_space<vmem>>) offsets(%dma_start3A_212 : memref<128xi32, #tpu.memory_space<vmem>>) semaphore(%dma_start3A_217 : memref<!tpu.dma_semaphore, #tpu.memory_space<semaphore_mem>>)
      } else {
      }
      %add3A_178 = arith.constant 0 : i32
      %add3A_179 = arith.addi %add3A_171, %add3A_178 : i32
      %dma_wait3A = arith.constant 0 : i32
      %dma_wait3A_180 = tpu.memref_slice %arg6[%add3A_179, %dma_wait3A] : memref<16x128xi32, #tpu.memory_space<vmem>> -> memref<1x128xi32, #tpu.memory_space<vmem>>
      %dma_wait3A_181 = tpu.memref_squeeze %dma_wait3A_180 : memref<1x128xi32, #tpu.memory_space<vmem>> -> memref<128xi32, #tpu.memory_space<vmem>>
      %dma_wait3A_182 = arith.constant 0 : i32
      %dma_wait3A_183 = arith.constant 0 : i32
      %dma_wait3A_184 = tpu.memref_slice %arg2[%dma_wait3A_182, %dma_wait3A_183] : memref<20480x128xf32, #tpu.memory_space<hbm>> -> memref<20480x128xf32, #tpu.memory_space<hbm>>
      %dma_wait3A_185 = tpu.memref_slice %arg11[%scan3A_75] : memref<2x!tpu.dma_semaphore, #tpu.memory_space<semaphore_mem>> -> memref<1x!tpu.dma_semaphore, #tpu.memory_space<semaphore_mem>>
      %dma_wait3A_186 = tpu.memref_squeeze %dma_wait3A_185 : memref<1x!tpu.dma_semaphore, #tpu.memory_space<semaphore_mem>> -> memref<!tpu.dma_semaphore, #tpu.memory_space<semaphore_mem>>
      tpu.wait_indirect_dma semaphore(%dma_wait3A_186 : memref<!tpu.dma_semaphore, #tpu.memory_space<semaphore_mem>>) src(%dma_wait3A_184 : memref<20480x128xf32, #tpu.memory_space<hbm>>) dst(%arg8 : memref<128x128xf32, #tpu.memory_space<vmem>>)
      %add3A_187 = arith.constant 0 : i32
      %add3A_188 = arith.addi %add3A_171, %add3A_187 : i32
      "tpu.region"() ({
        %run_scoped3A_210 = tpu.sem_alloc : memref<!tpu.dma_semaphore, #tpu.memory_space<semaphore_mem>>
        %dma_start3A_211 = arith.constant 0 : i32
        %dma_start3A_212 = tpu.memref_slice %arg7[%add3A_188, %dma_start3A_211] : memref<16x128xi32, #tpu.memory_space<vmem>> -> memref<1x128xi32, #tpu.memory_space<vmem>>
        %dma_start3A_213 = tpu.memref_squeeze %dma_start3A_212 : memref<1x128xi32, #tpu.memory_space<vmem>> -> memref<128xi32, #tpu.memory_space<vmem>>
        %dma_start3A_214 = arith.constant 0 : i32
        %dma_start3A_215 = arith.constant 0 : i32
        %dma_start3A_216 = tpu.memref_slice %arg10[%dma_start3A_214, %dma_start3A_215] : memref<10240x128xf32, #tpu.memory_space<vmem_shared>> -> memref<10240x128xf32, #tpu.memory_space<vmem_shared>>
        tpu.enqueue_indirect_dma source(%arg8 : memref<128x128xf32, #tpu.memory_space<vmem>>) target(%dma_start3A_216 : memref<10240x128xf32, #tpu.memory_space<vmem_shared>>) offsets(%dma_start3A_213 : memref<128xi32, #tpu.memory_space<vmem>>) semaphore(%run_scoped3A_210 : memref<!tpu.dma_semaphore, #tpu.memory_space<semaphore_mem>>) {add = true}
        %dma_wait3A_217 = arith.constant 0 : i32
        %dma_wait3A_218 = tpu.memref_slice %arg7[%add3A_188, %dma_wait3A_217] : memref<16x128xi32, #tpu.memory_space<vmem>> -> memref<1x128xi32, #tpu.memory_space<vmem>>
        %dma_wait3A_219 = tpu.memref_squeeze %dma_wait3A_218 : memref<1x128xi32, #tpu.memory_space<vmem>> -> memref<128xi32, #tpu.memory_space<vmem>>
        %dma_wait3A_220 = arith.constant 0 : i32
        %dma_wait3A_221 = arith.constant 0 : i32
        %dma_wait3A_222 = tpu.memref_slice %arg10[%dma_wait3A_220, %dma_wait3A_221] : memref<10240x128xf32, #tpu.memory_space<vmem_shared>> -> memref<10240x128xf32, #tpu.memory_space<vmem_shared>>
        tpu.wait_indirect_dma semaphore(%run_scoped3A_210 : memref<!tpu.dma_semaphore, #tpu.memory_space<semaphore_mem>>) src(%arg8 : memref<128x128xf32, #tpu.memory_space<vmem>>) dst(%dma_wait3A_222 : memref<10240x128xf32, #tpu.memory_space<vmem_shared>>)
        tpu.yield
      }) : () -> ()
      %add3A_189 = arith.constant 1 : i32
      %add3A_190 = arith.addi %add3A_171, %add3A_189 : i32
      %add3A_191 = arith.constant 1 : i32
      %add3A_192 = arith.addi %add3A_190, %add3A_191 : i32
      %lt3A_193 = arith.constant 16 : i32
      %lt3A_194 = arith.cmpi slt, %add3A_192, %lt3A_193 : i32
      %convert_element_type3A_195 = arith.extui %lt3A_194 : i1 to i32
      %cond3A_196 = arith.constant 0 : i32
      %cond3A_197 = arith.cmpi ne, %convert_element_type3A_195, %cond3A_196 : i32
      scf.if %cond3A_197 {
        %dma_start3A_210 = arith.constant 0 : i32
        %dma_start3A_211 = tpu.memref_slice %arg6[%add3A_192, %dma_start3A_210] : memref<16x128xi32, #tpu.memory_space<vmem>> -> memref<1x128xi32, #tpu.memory_space<vmem>>
        %dma_start3A_212 = tpu.memref_squeeze %dma_start3A_211 : memref<1x128xi32, #tpu.memory_space<vmem>> -> memref<128xi32, #tpu.memory_space<vmem>>
        %dma_start3A_213 = arith.constant 0 : i32
        %dma_start3A_214 = arith.constant 0 : i32
        %dma_start3A_215 = tpu.memref_slice %arg2[%dma_start3A_213, %dma_start3A_214] : memref<20480x128xf32, #tpu.memory_space<hbm>> -> memref<20480x128xf32, #tpu.memory_space<hbm>>
        %dma_start3A_216 = tpu.memref_slice %arg11[%scan3A_75] : memref<2x!tpu.dma_semaphore, #tpu.memory_space<semaphore_mem>> -> memref<1x!tpu.dma_semaphore, #tpu.memory_space<semaphore_mem>>
        %dma_start3A_217 = tpu.memref_squeeze %dma_start3A_216 : memref<1x!tpu.dma_semaphore, #tpu.memory_space<semaphore_mem>> -> memref<!tpu.dma_semaphore, #tpu.memory_space<semaphore_mem>>
        tpu.enqueue_indirect_dma source(%dma_start3A_215 : memref<20480x128xf32, #tpu.memory_space<hbm>>) target(%arg8 : memref<128x128xf32, #tpu.memory_space<vmem>>) offsets(%dma_start3A_212 : memref<128xi32, #tpu.memory_space<vmem>>) semaphore(%dma_start3A_217 : memref<!tpu.dma_semaphore, #tpu.memory_space<semaphore_mem>>)
      } else {
      }
      %add3A_198 = arith.constant 1 : i32
      %add3A_199 = arith.addi %add3A_171, %add3A_198 : i32
      %dma_wait3A_200 = arith.constant 0 : i32
      %dma_wait3A_201 = tpu.memref_slice %arg6[%add3A_199, %dma_wait3A_200] : memref<16x128xi32, #tpu.memory_space<vmem>> -> memref<1x128xi32, #tpu.memory_space<vmem>>
      %dma_wait3A_202 = tpu.memref_squeeze %dma_wait3A_201 : memref<1x128xi32, #tpu.memory_space<vmem>> -> memref<128xi32, #tpu.memory_space<vmem>>
      %dma_wait3A_203 = arith.constant 0 : i32
      %dma_wait3A_204 = arith.constant 0 : i32
      %dma_wait3A_205 = tpu.memref_slice %arg2[%dma_wait3A_203, %dma_wait3A_204] : memref<20480x128xf32, #tpu.memory_space<hbm>> -> memref<20480x128xf32, #tpu.memory_space<hbm>>
      %dma_wait3A_206 = tpu.memref_slice %arg11[%scan3A_74] : memref<2x!tpu.dma_semaphore, #tpu.memory_space<semaphore_mem>> -> memref<1x!tpu.dma_semaphore, #tpu.memory_space<semaphore_mem>>
      %dma_wait3A_207 = tpu.memref_squeeze %dma_wait3A_206 : memref<1x!tpu.dma_semaphore, #tpu.memory_space<semaphore_mem>> -> memref<!tpu.dma_semaphore, #tpu.memory_space<semaphore_mem>>
      tpu.wait_indirect_dma semaphore(%dma_wait3A_207 : memref<!tpu.dma_semaphore, #tpu.memory_space<semaphore_mem>>) src(%dma_wait3A_205 : memref<20480x128xf32, #tpu.memory_space<hbm>>) dst(%arg9 : memref<128x128xf32, #tpu.memory_space<vmem>>)
      %add3A_208 = arith.constant 1 : i32
      %add3A_209 = arith.addi %add3A_171, %add3A_208 : i32
      "tpu.region"() ({
        %run_scoped3A_210 = tpu.sem_alloc : memref<!tpu.dma_semaphore, #tpu.memory_space<semaphore_mem>>
        %dma_start3A_211 = arith.constant 0 : i32
        %dma_start3A_212 = tpu.memref_slice %arg7[%add3A_209, %dma_start3A_211] : memref<16x128xi32, #tpu.memory_space<vmem>> -> memref<1x128xi32, #tpu.memory_space<vmem>>
        %dma_start3A_213 = tpu.memref_squeeze %dma_start3A_212 : memref<1x128xi32, #tpu.memory_space<vmem>> -> memref<128xi32, #tpu.memory_space<vmem>>
        %dma_start3A_214 = arith.constant 0 : i32
        %dma_start3A_215 = arith.constant 0 : i32
        %dma_start3A_216 = tpu.memref_slice %arg10[%dma_start3A_214, %dma_start3A_215] : memref<10240x128xf32, #tpu.memory_space<vmem_shared>> -> memref<10240x128xf32, #tpu.memory_space<vmem_shared>>
        tpu.enqueue_indirect_dma source(%arg9 : memref<128x128xf32, #tpu.memory_space<vmem>>) target(%dma_start3A_216 : memref<10240x128xf32, #tpu.memory_space<vmem_shared>>) offsets(%dma_start3A_213 : memref<128xi32, #tpu.memory_space<vmem>>) semaphore(%run_scoped3A_210 : memref<!tpu.dma_semaphore, #tpu.memory_space<semaphore_mem>>) {add = true}
        %dma_wait3A_217 = arith.constant 0 : i32
        %dma_wait3A_218 = tpu.memref_slice %arg7[%add3A_209, %dma_wait3A_217] : memref<16x128xi32, #tpu.memory_space<vmem>> -> memref<1x128xi32, #tpu.memory_space<vmem>>
        %dma_wait3A_219 = tpu.memref_squeeze %dma_wait3A_218 : memref<1x128xi32, #tpu.memory_space<vmem>> -> memref<128xi32, #tpu.memory_space<vmem>>
        %dma_wait3A_220 = arith.constant 0 : i32
        %dma_wait3A_221 = arith.constant 0 : i32
        %dma_wait3A_222 = tpu.memref_slice %arg10[%dma_wait3A_220, %dma_wait3A_221] : memref<10240x128xf32, #tpu.memory_space<vmem_shared>> -> memref<10240x128xf32, #tpu.memory_space<vmem_shared>>
        tpu.wait_indirect_dma semaphore(%run_scoped3A_210 : memref<!tpu.dma_semaphore, #tpu.memory_space<semaphore_mem>>) src(%arg9 : memref<128x128xf32, #tpu.memory_space<vmem>>) dst(%dma_wait3A_222 : memref<10240x128xf32, #tpu.memory_space<vmem_shared>>)
        tpu.yield
      }) : () -> ()
    }
    %scan3A_80 = arith.constant 8 : i32
    %run_scoped3A_81 = arith.constant 2 : i32
    "tpu.region"() ({
      %run_scoped3A_167 = tpu.sem_alloc : memref<!tpu.dma_semaphore, #tpu.memory_space<semaphore_mem>>
      %dma_start3A_168 = arith.constant 0 : i32
      %dma_start3A_169 = arith.constant 0 : i32
      %dma_start3A_170 = tpu.memref_slice %arg3[%arg1, %run_scoped3A_81, %dma_start3A_168, %dma_start3A_169] : memref<16x5x16x128xi32, #tpu.memory_space<hbm>> -> memref<1x1x16x128xi32, #tpu.memory_space<hbm>>
      %dma_start3A_171 = tpu.memref_squeeze %dma_start3A_170 : memref<1x1x16x128xi32, #tpu.memory_space<hbm>> -> memref<16x128xi32, #tpu.memory_space<hbm>>
      %dma_start3A_172 = arith.constant 0 : i32
      %dma_start3A_173 = arith.constant 0 : i32
      %dma_start3A_174 = tpu.memref_slice %arg3[%arg1, %run_scoped3A_81, %dma_start3A_172, %dma_start3A_173] : memref<16x5x16x128xi32, #tpu.memory_space<hbm>> -> memref<1x1x16x128xi32, #tpu.memory_space<hbm>>
      %dma_start3A_175 = tpu.memref_squeeze %dma_start3A_174 : memref<1x1x16x128xi32, #tpu.memory_space<hbm>> -> memref<16x128xi32, #tpu.memory_space<hbm>>
      tpu.enqueue_dma source(%dma_start3A_175 : memref<16x128xi32, #tpu.memory_space<hbm>>) target(%arg6 : memref<16x128xi32, #tpu.memory_space<vmem>>) target_semaphore(%run_scoped3A_167 : memref<!tpu.dma_semaphore, #tpu.memory_space<semaphore_mem>>)
      %dma_wait3A = arith.constant 0 : i32
      %dma_wait3A_176 = arith.constant 0 : i32
      %dma_wait3A_177 = tpu.memref_slice %arg3[%arg1, %run_scoped3A_81, %dma_wait3A, %dma_wait3A_176] : memref<16x5x16x128xi32, #tpu.memory_space<hbm>> -> memref<1x1x16x128xi32, #tpu.memory_space<hbm>>
      %dma_wait3A_178 = tpu.memref_squeeze %dma_wait3A_177 : memref<1x1x16x128xi32, #tpu.memory_space<hbm>> -> memref<16x128xi32, #tpu.memory_space<hbm>>
      %dma_wait3A_179 = arith.constant 0 : i32
      %dma_wait3A_180 = arith.constant 0 : i32
      %dma_wait3A_181 = tpu.memref_slice %arg3[%arg1, %run_scoped3A_81, %dma_wait3A_179, %dma_wait3A_180] : memref<16x5x16x128xi32, #tpu.memory_space<hbm>> -> memref<1x1x16x128xi32, #tpu.memory_space<hbm>>
      %dma_wait3A_182 = tpu.memref_squeeze %dma_wait3A_181 : memref<1x1x16x128xi32, #tpu.memory_space<hbm>> -> memref<16x128xi32, #tpu.memory_space<hbm>>
      tpu.wait_dma2 semaphore(%run_scoped3A_167 : memref<!tpu.dma_semaphore, #tpu.memory_space<semaphore_mem>>) src(%dma_wait3A_182 : memref<16x128xi32, #tpu.memory_space<hbm>>) dst(%arg6 : memref<16x128xi32, #tpu.memory_space<vmem>>)
      tpu.yield
    }) : () -> ()
    %run_scoped3A_82 = arith.constant 2 : i32
    "tpu.region"() ({
      %run_scoped3A_167 = tpu.sem_alloc : memref<!tpu.dma_semaphore, #tpu.memory_space<semaphore_mem>>
      %dma_start3A_168 = arith.constant 0 : i32
      %dma_start3A_169 = arith.constant 0 : i32
      %dma_start3A_170 = tpu.memref_slice %arg4[%arg1, %run_scoped3A_82, %dma_start3A_168, %dma_start3A_169] : memref<16x5x16x128xi32, #tpu.memory_space<hbm>> -> memref<1x1x16x128xi32, #tpu.memory_space<hbm>>
      %dma_start3A_171 = tpu.memref_squeeze %dma_start3A_170 : memref<1x1x16x128xi32, #tpu.memory_space<hbm>> -> memref<16x128xi32, #tpu.memory_space<hbm>>
      %dma_start3A_172 = arith.constant 0 : i32
      %dma_start3A_173 = arith.constant 0 : i32
      %dma_start3A_174 = tpu.memref_slice %arg4[%arg1, %run_scoped3A_82, %dma_start3A_172, %dma_start3A_173] : memref<16x5x16x128xi32, #tpu.memory_space<hbm>> -> memref<1x1x16x128xi32, #tpu.memory_space<hbm>>
      %dma_start3A_175 = tpu.memref_squeeze %dma_start3A_174 : memref<1x1x16x128xi32, #tpu.memory_space<hbm>> -> memref<16x128xi32, #tpu.memory_space<hbm>>
      tpu.enqueue_dma source(%dma_start3A_175 : memref<16x128xi32, #tpu.memory_space<hbm>>) target(%arg7 : memref<16x128xi32, #tpu.memory_space<vmem>>) target_semaphore(%run_scoped3A_167 : memref<!tpu.dma_semaphore, #tpu.memory_space<semaphore_mem>>)
      %dma_wait3A = arith.constant 0 : i32
      %dma_wait3A_176 = arith.constant 0 : i32
      %dma_wait3A_177 = tpu.memref_slice %arg4[%arg1, %run_scoped3A_82, %dma_wait3A, %dma_wait3A_176] : memref<16x5x16x128xi32, #tpu.memory_space<hbm>> -> memref<1x1x16x128xi32, #tpu.memory_space<hbm>>
      %dma_wait3A_178 = tpu.memref_squeeze %dma_wait3A_177 : memref<1x1x16x128xi32, #tpu.memory_space<hbm>> -> memref<16x128xi32, #tpu.memory_space<hbm>>
      %dma_wait3A_179 = arith.constant 0 : i32
      %dma_wait3A_180 = arith.constant 0 : i32
      %dma_wait3A_181 = tpu.memref_slice %arg4[%arg1, %run_scoped3A_82, %dma_wait3A_179, %dma_wait3A_180] : memref<16x5x16x128xi32, #tpu.memory_space<hbm>> -> memref<1x1x16x128xi32, #tpu.memory_space<hbm>>
      %dma_wait3A_182 = tpu.memref_squeeze %dma_wait3A_181 : memref<1x1x16x128xi32, #tpu.memory_space<hbm>> -> memref<16x128xi32, #tpu.memory_space<hbm>>
      tpu.wait_dma2 semaphore(%run_scoped3A_167 : memref<!tpu.dma_semaphore, #tpu.memory_space<semaphore_mem>>) src(%dma_wait3A_182 : memref<16x128xi32, #tpu.memory_space<hbm>>) dst(%arg7 : memref<16x128xi32, #tpu.memory_space<vmem>>)
      tpu.yield
    }) : () -> ()
    %scan3A_83 = arith.constant 0 : i32
    %scan3A_84 = arith.constant 0 : i32
    %scan3A_85 = arith.constant 16 : i32
    %scan3A_86 = arith.addi %scan3A_84, %scan3A_85 : i32
    %scan3A_87 = arith.constant 1 : i32
    %scan3A_88 = scf.for %scan3A_167 = %scan3A_84 to %scan3A_86 step %scan3A_87 iter_args(%scan3A_168 = %scan3A_83) -> (i32)  : i32 {
      %scan3A_169 = arith.constant 0 : i32
      %scan3A_170 = arith.constant 0 : i32
      %scan3A_171 = arith.constant 8 : i32
      %scan3A_172 = arith.addi %scan3A_170, %scan3A_171 : i32
      %scan3A_173 = arith.constant 1 : i32
      %scan3A_174 = scf.for %scan3A_177 = %scan3A_170 to %scan3A_172 step %scan3A_173 iter_args(%scan3A_178 = %scan3A_169) -> (i32)  : i32 {
        %mul3A_179 = arith.constant 16 : i32
        %mul3A_180 = arith.muli %scan3A_177, %mul3A_179 : i32
        %get3A = arith.index_cast %scan3A_167 : i32 to index
        %get3A_181 = arith.index_cast %mul3A_180 : i32 to index
        %get3A_182 = tpu.vector_load %arg6[%get3A, %get3A_181] {strides = array<i32>} : memref<16x128xi32, #tpu.memory_space<vmem>>, vector<16xi32>,
        %add3A_183 = arith.addi %get3A_182, %add3A_30 : vector<16xi32>
        %mul3A_184 = arith.constant 16 : i32
        %mul3A_185 = arith.muli %scan3A_177, %mul3A_184 : i32
        %swap3A = arith.index_cast %scan3A_167 : i32 to index
        %swap3A_186 = arith.index_cast %mul3A_185 : i32 to index
        %swap3A_187 = tpu.vector_load %arg6[%swap3A, %swap3A_186] {strides = array<i32>} : memref<16x128xi32, #tpu.memory_space<vmem>>, vector<16xi32>,
        tpu.vector_store %arg6[%swap3A, %swap3A_186], %add3A_183 {strides = array<i32>} : memref<16x128xi32, #tpu.memory_space<vmem>>, vector<16xi32>,
        %scan3A_188 = arith.constant 0 : i32
        scf.yield %scan3A_188 : i32
      }
      %scan3A_175 = arith.constant 8 : i32
      %scan3A_176 = arith.constant 0 : i32
      scf.yield %scan3A_176 : i32
    }
    %scan3A_89 = arith.constant 16 : i32
    %dma_start3A_90 = arith.constant 0 : i32
    %dma_start3A_91 = arith.constant 0 : i32
    %dma_start3A_92 = arith.constant 0 : i32
    %dma_start3A_93 = tpu.memref_slice %arg6[%dma_start3A_90, %dma_start3A_92] : memref<16x128xi32, #tpu.memory_space<vmem>> -> memref<1x128xi32, #tpu.memory_space<vmem>>
    %dma_start3A_94 = tpu.memref_squeeze %dma_start3A_93 : memref<1x128xi32, #tpu.memory_space<vmem>> -> memref<128xi32, #tpu.memory_space<vmem>>
    %dma_start3A_95 = arith.constant 0 : i32
    %dma_start3A_96 = arith.constant 0 : i32
    %dma_start3A_97 = tpu.memref_slice %arg2[%dma_start3A_95, %dma_start3A_96] : memref<20480x128xf32, #tpu.memory_space<hbm>> -> memref<20480x128xf32, #tpu.memory_space<hbm>>
    %dma_start3A_98 = tpu.memref_slice %arg11[%dma_start3A_91] : memref<2x!tpu.dma_semaphore, #tpu.memory_space<semaphore_mem>> -> memref<1x!tpu.dma_semaphore, #tpu.memory_space<semaphore_mem>>
    %dma_start3A_99 = tpu.memref_squeeze %dma_start3A_98 : memref<1x!tpu.dma_semaphore, #tpu.memory_space<semaphore_mem>> -> memref<!tpu.dma_semaphore, #tpu.memory_space<semaphore_mem>>
    tpu.enqueue_indirect_dma source(%dma_start3A_97 : memref<20480x128xf32, #tpu.memory_space<hbm>>) target(%arg8 : memref<128x128xf32, #tpu.memory_space<vmem>>) offsets(%dma_start3A_94 : memref<128xi32, #tpu.memory_space<vmem>>) semaphore(%dma_start3A_99 : memref<!tpu.dma_semaphore, #tpu.memory_space<semaphore_mem>>)
    %scan3A_100 = arith.constant 1 : i32
    %scan3A_101 = arith.constant 0 : i32
    %scan3A_102 = arith.constant 0 : i32
    %scan3A_103 = arith.constant 8 : i32
    %scan3A_104 = arith.addi %scan3A_102, %scan3A_103 : i32
    %scan3A_105 = arith.constant 1 : i32
    scf.for %scan3A_167 = %scan3A_102 to %scan3A_104 step %scan3A_105  : i32 {
      %mul3A_168 = arith.constant 2 : i32
      %mul3A_169 = arith.muli %scan3A_167, %mul3A_168 : i32
      %add3A_170 = arith.constant 0 : i32
      %add3A_171 = arith.addi %add3A_170, %mul3A_169 : i32
      %add3A_172 = arith.constant 0 : i32
      %add3A_173 = arith.addi %add3A_171, %add3A_172 : i32
      %add3A_174 = arith.constant 1 : i32
      %add3A_175 = arith.addi %add3A_173, %add3A_174 : i32
      %lt3A = arith.constant 16 : i32
      %lt3A_176 = arith.cmpi slt, %add3A_175, %lt3A : i32
      %convert_element_type3A = arith.extui %lt3A_176 : i1 to i32
      %cond3A = arith.constant 0 : i32
      %cond3A_177 = arith.cmpi ne, %convert_element_type3A, %cond3A : i32
      scf.if %cond3A_177 {
        %dma_start3A_210 = arith.constant 0 : i32
        %dma_start3A_211 = tpu.memref_slice %arg6[%add3A_175, %dma_start3A_210] : memref<16x128xi32, #tpu.memory_space<vmem>> -> memref<1x128xi32, #tpu.memory_space<vmem>>
        %dma_start3A_212 = tpu.memref_squeeze %dma_start3A_211 : memref<1x128xi32, #tpu.memory_space<vmem>> -> memref<128xi32, #tpu.memory_space<vmem>>
        %dma_start3A_213 = arith.constant 0 : i32
        %dma_start3A_214 = arith.constant 0 : i32
        %dma_start3A_215 = tpu.memref_slice %arg2[%dma_start3A_213, %dma_start3A_214] : memref<20480x128xf32, #tpu.memory_space<hbm>> -> memref<20480x128xf32, #tpu.memory_space<hbm>>
        %dma_start3A_216 = tpu.memref_slice %arg11[%scan3A_100] : memref<2x!tpu.dma_semaphore, #tpu.memory_space<semaphore_mem>> -> memref<1x!tpu.dma_semaphore, #tpu.memory_space<semaphore_mem>>
        %dma_start3A_217 = tpu.memref_squeeze %dma_start3A_216 : memref<1x!tpu.dma_semaphore, #tpu.memory_space<semaphore_mem>> -> memref<!tpu.dma_semaphore, #tpu.memory_space<semaphore_mem>>
        tpu.enqueue_indirect_dma source(%dma_start3A_215 : memref<20480x128xf32, #tpu.memory_space<hbm>>) target(%arg9 : memref<128x128xf32, #tpu.memory_space<vmem>>) offsets(%dma_start3A_212 : memref<128xi32, #tpu.memory_space<vmem>>) semaphore(%dma_start3A_217 : memref<!tpu.dma_semaphore, #tpu.memory_space<semaphore_mem>>)
      } else {
      }
      %add3A_178 = arith.constant 0 : i32
      %add3A_179 = arith.addi %add3A_171, %add3A_178 : i32
      %dma_wait3A = arith.constant 0 : i32
      %dma_wait3A_180 = tpu.memref_slice %arg6[%add3A_179, %dma_wait3A] : memref<16x128xi32, #tpu.memory_space<vmem>> -> memref<1x128xi32, #tpu.memory_space<vmem>>
      %dma_wait3A_181 = tpu.memref_squeeze %dma_wait3A_180 : memref<1x128xi32, #tpu.memory_space<vmem>> -> memref<128xi32, #tpu.memory_space<vmem>>
      %dma_wait3A_182 = arith.constant 0 : i32
      %dma_wait3A_183 = arith.constant 0 : i32
      %dma_wait3A_184 = tpu.memref_slice %arg2[%dma_wait3A_182, %dma_wait3A_183] : memref<20480x128xf32, #tpu.memory_space<hbm>> -> memref<20480x128xf32, #tpu.memory_space<hbm>>
      %dma_wait3A_185 = tpu.memref_slice %arg11[%scan3A_101] : memref<2x!tpu.dma_semaphore, #tpu.memory_space<semaphore_mem>> -> memref<1x!tpu.dma_semaphore, #tpu.memory_space<semaphore_mem>>
      %dma_wait3A_186 = tpu.memref_squeeze %dma_wait3A_185 : memref<1x!tpu.dma_semaphore, #tpu.memory_space<semaphore_mem>> -> memref<!tpu.dma_semaphore, #tpu.memory_space<semaphore_mem>>
      tpu.wait_indirect_dma semaphore(%dma_wait3A_186 : memref<!tpu.dma_semaphore, #tpu.memory_space<semaphore_mem>>) src(%dma_wait3A_184 : memref<20480x128xf32, #tpu.memory_space<hbm>>) dst(%arg8 : memref<128x128xf32, #tpu.memory_space<vmem>>)
      %add3A_187 = arith.constant 0 : i32
      %add3A_188 = arith.addi %add3A_171, %add3A_187 : i32
      "tpu.region"() ({
        %run_scoped3A_210 = tpu.sem_alloc : memref<!tpu.dma_semaphore, #tpu.memory_space<semaphore_mem>>
        %dma_start3A_211 = arith.constant 0 : i32
        %dma_start3A_212 = tpu.memref_slice %arg7[%add3A_188, %dma_start3A_211] : memref<16x128xi32, #tpu.memory_space<vmem>> -> memref<1x128xi32, #tpu.memory_space<vmem>>
        %dma_start3A_213 = tpu.memref_squeeze %dma_start3A_212 : memref<1x128xi32, #tpu.memory_space<vmem>> -> memref<128xi32, #tpu.memory_space<vmem>>
        %dma_start3A_214 = arith.constant 0 : i32
        %dma_start3A_215 = arith.constant 0 : i32
        %dma_start3A_216 = tpu.memref_slice %arg10[%dma_start3A_214, %dma_start3A_215] : memref<10240x128xf32, #tpu.memory_space<vmem_shared>> -> memref<10240x128xf32, #tpu.memory_space<vmem_shared>>
        tpu.enqueue_indirect_dma source(%arg8 : memref<128x128xf32, #tpu.memory_space<vmem>>) target(%dma_start3A_216 : memref<10240x128xf32, #tpu.memory_space<vmem_shared>>) offsets(%dma_start3A_213 : memref<128xi32, #tpu.memory_space<vmem>>) semaphore(%run_scoped3A_210 : memref<!tpu.dma_semaphore, #tpu.memory_space<semaphore_mem>>) {add = true}
        %dma_wait3A_217 = arith.constant 0 : i32
        %dma_wait3A_218 = tpu.memref_slice %arg7[%add3A_188, %dma_wait3A_217] : memref<16x128xi32, #tpu.memory_space<vmem>> -> memref<1x128xi32, #tpu.memory_space<vmem>>
        %dma_wait3A_219 = tpu.memref_squeeze %dma_wait3A_218 : memref<1x128xi32, #tpu.memory_space<vmem>> -> memref<128xi32, #tpu.memory_space<vmem>>
        %dma_wait3A_220 = arith.constant 0 : i32
        %dma_wait3A_221 = arith.constant 0 : i32
        %dma_wait3A_222 = tpu.memref_slice %arg10[%dma_wait3A_220, %dma_wait3A_221] : memref<10240x128xf32, #tpu.memory_space<vmem_shared>> -> memref<10240x128xf32, #tpu.memory_space<vmem_shared>>
        tpu.wait_indirect_dma semaphore(%run_scoped3A_210 : memref<!tpu.dma_semaphore, #tpu.memory_space<semaphore_mem>>) src(%arg8 : memref<128x128xf32, #tpu.memory_space<vmem>>) dst(%dma_wait3A_222 : memref<10240x128xf32, #tpu.memory_space<vmem_shared>>)
        tpu.yield
      }) : () -> ()
      %add3A_189 = arith.constant 1 : i32
      %add3A_190 = arith.addi %add3A_171, %add3A_189 : i32
      %add3A_191 = arith.constant 1 : i32
      %add3A_192 = arith.addi %add3A_190, %add3A_191 : i32
      %lt3A_193 = arith.constant 16 : i32
      %lt3A_194 = arith.cmpi slt, %add3A_192, %lt3A_193 : i32
      %convert_element_type3A_195 = arith.extui %lt3A_194 : i1 to i32
      %cond3A_196 = arith.constant 0 : i32
      %cond3A_197 = arith.cmpi ne, %convert_element_type3A_195, %cond3A_196 : i32
      scf.if %cond3A_197 {
        %dma_start3A_210 = arith.constant 0 : i32
        %dma_start3A_211 = tpu.memref_slice %arg6[%add3A_192, %dma_start3A_210] : memref<16x128xi32, #tpu.memory_space<vmem>> -> memref<1x128xi32, #tpu.memory_space<vmem>>
        %dma_start3A_212 = tpu.memref_squeeze %dma_start3A_211 : memref<1x128xi32, #tpu.memory_space<vmem>> -> memref<128xi32, #tpu.memory_space<vmem>>
        %dma_start3A_213 = arith.constant 0 : i32
        %dma_start3A_214 = arith.constant 0 : i32
        %dma_start3A_215 = tpu.memref_slice %arg2[%dma_start3A_213, %dma_start3A_214] : memref<20480x128xf32, #tpu.memory_space<hbm>> -> memref<20480x128xf32, #tpu.memory_space<hbm>>
        %dma_start3A_216 = tpu.memref_slice %arg11[%scan3A_101] : memref<2x!tpu.dma_semaphore, #tpu.memory_space<semaphore_mem>> -> memref<1x!tpu.dma_semaphore, #tpu.memory_space<semaphore_mem>>
        %dma_start3A_217 = tpu.memref_squeeze %dma_start3A_216 : memref<1x!tpu.dma_semaphore, #tpu.memory_space<semaphore_mem>> -> memref<!tpu.dma_semaphore, #tpu.memory_space<semaphore_mem>>
        tpu.enqueue_indirect_dma source(%dma_start3A_215 : memref<20480x128xf32, #tpu.memory_space<hbm>>) target(%arg8 : memref<128x128xf32, #tpu.memory_space<vmem>>) offsets(%dma_start3A_212 : memref<128xi32, #tpu.memory_space<vmem>>) semaphore(%dma_start3A_217 : memref<!tpu.dma_semaphore, #tpu.memory_space<semaphore_mem>>)
      } else {
      }
      %add3A_198 = arith.constant 1 : i32
      %add3A_199 = arith.addi %add3A_171, %add3A_198 : i32
      %dma_wait3A_200 = arith.constant 0 : i32
      %dma_wait3A_201 = tpu.memref_slice %arg6[%add3A_199, %dma_wait3A_200] : memref<16x128xi32, #tpu.memory_space<vmem>> -> memref<1x128xi32, #tpu.memory_space<vmem>>
      %dma_wait3A_202 = tpu.memref_squeeze %dma_wait3A_201 : memref<1x128xi32, #tpu.memory_space<vmem>> -> memref<128xi32, #tpu.memory_space<vmem>>
      %dma_wait3A_203 = arith.constant 0 : i32
      %dma_wait3A_204 = arith.constant 0 : i32
      %dma_wait3A_205 = tpu.memref_slice %arg2[%dma_wait3A_203, %dma_wait3A_204] : memref<20480x128xf32, #tpu.memory_space<hbm>> -> memref<20480x128xf32, #tpu.memory_space<hbm>>
      %dma_wait3A_206 = tpu.memref_slice %arg11[%scan3A_100] : memref<2x!tpu.dma_semaphore, #tpu.memory_space<semaphore_mem>> -> memref<1x!tpu.dma_semaphore, #tpu.memory_space<semaphore_mem>>
      %dma_wait3A_207 = tpu.memref_squeeze %dma_wait3A_206 : memref<1x!tpu.dma_semaphore, #tpu.memory_space<semaphore_mem>> -> memref<!tpu.dma_semaphore, #tpu.memory_space<semaphore_mem>>
      tpu.wait_indirect_dma semaphore(%dma_wait3A_207 : memref<!tpu.dma_semaphore, #tpu.memory_space<semaphore_mem>>) src(%dma_wait3A_205 : memref<20480x128xf32, #tpu.memory_space<hbm>>) dst(%arg9 : memref<128x128xf32, #tpu.memory_space<vmem>>)
      %add3A_208 = arith.constant 1 : i32
      %add3A_209 = arith.addi %add3A_171, %add3A_208 : i32
      "tpu.region"() ({
        %run_scoped3A_210 = tpu.sem_alloc : memref<!tpu.dma_semaphore, #tpu.memory_space<semaphore_mem>>
        %dma_start3A_211 = arith.constant 0 : i32
        %dma_start3A_212 = tpu.memref_slice %arg7[%add3A_209, %dma_start3A_211] : memref<16x128xi32, #tpu.memory_space<vmem>> -> memref<1x128xi32, #tpu.memory_space<vmem>>
        %dma_start3A_213 = tpu.memref_squeeze %dma_start3A_212 : memref<1x128xi32, #tpu.memory_space<vmem>> -> memref<128xi32, #tpu.memory_space<vmem>>
        %dma_start3A_214 = arith.constant 0 : i32
        %dma_start3A_215 = arith.constant 0 : i32
        %dma_start3A_216 = tpu.memref_slice %arg10[%dma_start3A_214, %dma_start3A_215] : memref<10240x128xf32, #tpu.memory_space<vmem_shared>> -> memref<10240x128xf32, #tpu.memory_space<vmem_shared>>
        tpu.enqueue_indirect_dma source(%arg9 : memref<128x128xf32, #tpu.memory_space<vmem>>) target(%dma_start3A_216 : memref<10240x128xf32, #tpu.memory_space<vmem_shared>>) offsets(%dma_start3A_213 : memref<128xi32, #tpu.memory_space<vmem>>) semaphore(%run_scoped3A_210 : memref<!tpu.dma_semaphore, #tpu.memory_space<semaphore_mem>>) {add = true}
        %dma_wait3A_217 = arith.constant 0 : i32
        %dma_wait3A_218 = tpu.memref_slice %arg7[%add3A_209, %dma_wait3A_217] : memref<16x128xi32, #tpu.memory_space<vmem>> -> memref<1x128xi32, #tpu.memory_space<vmem>>
        %dma_wait3A_219 = tpu.memref_squeeze %dma_wait3A_218 : memref<1x128xi32, #tpu.memory_space<vmem>> -> memref<128xi32, #tpu.memory_space<vmem>>
        %dma_wait3A_220 = arith.constant 0 : i32
        %dma_wait3A_221 = arith.constant 0 : i32
        %dma_wait3A_222 = tpu.memref_slice %arg10[%dma_wait3A_220, %dma_wait3A_221] : memref<10240x128xf32, #tpu.memory_space<vmem_shared>> -> memref<10240x128xf32, #tpu.memory_space<vmem_shared>>
        tpu.wait_indirect_dma semaphore(%run_scoped3A_210 : memref<!tpu.dma_semaphore, #tpu.memory_space<semaphore_mem>>) src(%arg9 : memref<128x128xf32, #tpu.memory_space<vmem>>) dst(%dma_wait3A_222 : memref<10240x128xf32, #tpu.memory_space<vmem_shared>>)
        tpu.yield
      }) : () -> ()
    }
    %scan3A_106 = arith.constant 8 : i32
    %run_scoped3A_107 = arith.constant 3 : i32
    "tpu.region"() ({
      %run_scoped3A_167 = tpu.sem_alloc : memref<!tpu.dma_semaphore, #tpu.memory_space<semaphore_mem>>
      %dma_start3A_168 = arith.constant 0 : i32
      %dma_start3A_169 = arith.constant 0 : i32
      %dma_start3A_170 = tpu.memref_slice %arg3[%arg1, %run_scoped3A_107, %dma_start3A_168, %dma_start3A_169] : memref<16x5x16x128xi32, #tpu.memory_space<hbm>> -> memref<1x1x16x128xi32, #tpu.memory_space<hbm>>
      %dma_start3A_171 = tpu.memref_squeeze %dma_start3A_170 : memref<1x1x16x128xi32, #tpu.memory_space<hbm>> -> memref<16x128xi32, #tpu.memory_space<hbm>>
      %dma_start3A_172 = arith.constant 0 : i32
      %dma_start3A_173 = arith.constant 0 : i32
      %dma_start3A_174 = tpu.memref_slice %arg3[%arg1, %run_scoped3A_107, %dma_start3A_172, %dma_start3A_173] : memref<16x5x16x128xi32, #tpu.memory_space<hbm>> -> memref<1x1x16x128xi32, #tpu.memory_space<hbm>>
      %dma_start3A_175 = tpu.memref_squeeze %dma_start3A_174 : memref<1x1x16x128xi32, #tpu.memory_space<hbm>> -> memref<16x128xi32, #tpu.memory_space<hbm>>
      tpu.enqueue_dma source(%dma_start3A_175 : memref<16x128xi32, #tpu.memory_space<hbm>>) target(%arg6 : memref<16x128xi32, #tpu.memory_space<vmem>>) target_semaphore(%run_scoped3A_167 : memref<!tpu.dma_semaphore, #tpu.memory_space<semaphore_mem>>)
      %dma_wait3A = arith.constant 0 : i32
      %dma_wait3A_176 = arith.constant 0 : i32
      %dma_wait3A_177 = tpu.memref_slice %arg3[%arg1, %run_scoped3A_107, %dma_wait3A, %dma_wait3A_176] : memref<16x5x16x128xi32, #tpu.memory_space<hbm>> -> memref<1x1x16x128xi32, #tpu.memory_space<hbm>>
      %dma_wait3A_178 = tpu.memref_squeeze %dma_wait3A_177 : memref<1x1x16x128xi32, #tpu.memory_space<hbm>> -> memref<16x128xi32, #tpu.memory_space<hbm>>
      %dma_wait3A_179 = arith.constant 0 : i32
      %dma_wait3A_180 = arith.constant 0 : i32
      %dma_wait3A_181 = tpu.memref_slice %arg3[%arg1, %run_scoped3A_107, %dma_wait3A_179, %dma_wait3A_180] : memref<16x5x16x128xi32, #tpu.memory_space<hbm>> -> memref<1x1x16x128xi32, #tpu.memory_space<hbm>>
      %dma_wait3A_182 = tpu.memref_squeeze %dma_wait3A_181 : memref<1x1x16x128xi32, #tpu.memory_space<hbm>> -> memref<16x128xi32, #tpu.memory_space<hbm>>
      tpu.wait_dma2 semaphore(%run_scoped3A_167 : memref<!tpu.dma_semaphore, #tpu.memory_space<semaphore_mem>>) src(%dma_wait3A_182 : memref<16x128xi32, #tpu.memory_space<hbm>>) dst(%arg6 : memref<16x128xi32, #tpu.memory_space<vmem>>)
      tpu.yield
    }) : () -> ()
    %run_scoped3A_108 = arith.constant 3 : i32
    "tpu.region"() ({
      %run_scoped3A_167 = tpu.sem_alloc : memref<!tpu.dma_semaphore, #tpu.memory_space<semaphore_mem>>
      %dma_start3A_168 = arith.constant 0 : i32
      %dma_start3A_169 = arith.constant 0 : i32
      %dma_start3A_170 = tpu.memref_slice %arg4[%arg1, %run_scoped3A_108, %dma_start3A_168, %dma_start3A_169] : memref<16x5x16x128xi32, #tpu.memory_space<hbm>> -> memref<1x1x16x128xi32, #tpu.memory_space<hbm>>
      %dma_start3A_171 = tpu.memref_squeeze %dma_start3A_170 : memref<1x1x16x128xi32, #tpu.memory_space<hbm>> -> memref<16x128xi32, #tpu.memory_space<hbm>>
      %dma_start3A_172 = arith.constant 0 : i32
      %dma_start3A_173 = arith.constant 0 : i32
      %dma_start3A_174 = tpu.memref_slice %arg4[%arg1, %run_scoped3A_108, %dma_start3A_172, %dma_start3A_173] : memref<16x5x16x128xi32, #tpu.memory_space<hbm>> -> memref<1x1x16x128xi32, #tpu.memory_space<hbm>>
      %dma_start3A_175 = tpu.memref_squeeze %dma_start3A_174 : memref<1x1x16x128xi32, #tpu.memory_space<hbm>> -> memref<16x128xi32, #tpu.memory_space<hbm>>
      tpu.enqueue_dma source(%dma_start3A_175 : memref<16x128xi32, #tpu.memory_space<hbm>>) target(%arg7 : memref<16x128xi32, #tpu.memory_space<vmem>>) target_semaphore(%run_scoped3A_167 : memref<!tpu.dma_semaphore, #tpu.memory_space<semaphore_mem>>)
      %dma_wait3A = arith.constant 0 : i32
      %dma_wait3A_176 = arith.constant 0 : i32
      %dma_wait3A_177 = tpu.memref_slice %arg4[%arg1, %run_scoped3A_108, %dma_wait3A, %dma_wait3A_176] : memref<16x5x16x128xi32, #tpu.memory_space<hbm>> -> memref<1x1x16x128xi32, #tpu.memory_space<hbm>>
      %dma_wait3A_178 = tpu.memref_squeeze %dma_wait3A_177 : memref<1x1x16x128xi32, #tpu.memory_space<hbm>> -> memref<16x128xi32, #tpu.memory_space<hbm>>
      %dma_wait3A_179 = arith.constant 0 : i32
      %dma_wait3A_180 = arith.constant 0 : i32
      %dma_wait3A_181 = tpu.memref_slice %arg4[%arg1, %run_scoped3A_108, %dma_wait3A_179, %dma_wait3A_180] : memref<16x5x16x128xi32, #tpu.memory_space<hbm>> -> memref<1x1x16x128xi32, #tpu.memory_space<hbm>>
      %dma_wait3A_182 = tpu.memref_squeeze %dma_wait3A_181 : memref<1x1x16x128xi32, #tpu.memory_space<hbm>> -> memref<16x128xi32, #tpu.memory_space<hbm>>
      tpu.wait_dma2 semaphore(%run_scoped3A_167 : memref<!tpu.dma_semaphore, #tpu.memory_space<semaphore_mem>>) src(%dma_wait3A_182 : memref<16x128xi32, #tpu.memory_space<hbm>>) dst(%arg7 : memref<16x128xi32, #tpu.memory_space<vmem>>)
      tpu.yield
    }) : () -> ()
    %scan3A_109 = arith.constant 0 : i32
    %scan3A_110 = arith.constant 0 : i32
    %scan3A_111 = arith.constant 16 : i32
    %scan3A_112 = arith.addi %scan3A_110, %scan3A_111 : i32
    %scan3A_113 = arith.constant 1 : i32
    %scan3A_114 = scf.for %scan3A_167 = %scan3A_110 to %scan3A_112 step %scan3A_113 iter_args(%scan3A_168 = %scan3A_109) -> (i32)  : i32 {
      %scan3A_169 = arith.constant 0 : i32
      %scan3A_170 = arith.constant 0 : i32
      %scan3A_171 = arith.constant 8 : i32
      %scan3A_172 = arith.addi %scan3A_170, %scan3A_171 : i32
      %scan3A_173 = arith.constant 1 : i32
      %scan3A_174 = scf.for %scan3A_177 = %scan3A_170 to %scan3A_172 step %scan3A_173 iter_args(%scan3A_178 = %scan3A_169) -> (i32)  : i32 {
        %mul3A_179 = arith.constant 16 : i32
        %mul3A_180 = arith.muli %scan3A_177, %mul3A_179 : i32
        %get3A = arith.index_cast %scan3A_167 : i32 to index
        %get3A_181 = arith.index_cast %mul3A_180 : i32 to index
        %get3A_182 = tpu.vector_load %arg6[%get3A, %get3A_181] {strides = array<i32>} : memref<16x128xi32, #tpu.memory_space<vmem>>, vector<16xi32>,
        %add3A_183 = arith.addi %get3A_182, %add3A_30 : vector<16xi32>
        %mul3A_184 = arith.constant 16 : i32
        %mul3A_185 = arith.muli %scan3A_177, %mul3A_184 : i32
        %swap3A = arith.index_cast %scan3A_167 : i32 to index
        %swap3A_186 = arith.index_cast %mul3A_185 : i32 to index
        %swap3A_187 = tpu.vector_load %arg6[%swap3A, %swap3A_186] {strides = array<i32>} : memref<16x128xi32, #tpu.memory_space<vmem>>, vector<16xi32>,
        tpu.vector_store %arg6[%swap3A, %swap3A_186], %add3A_183 {strides = array<i32>} : memref<16x128xi32, #tpu.memory_space<vmem>>, vector<16xi32>,
        %scan3A_188 = arith.constant 0 : i32
        scf.yield %scan3A_188 : i32
      }
      %scan3A_175 = arith.constant 8 : i32
      %scan3A_176 = arith.constant 0 : i32
      scf.yield %scan3A_176 : i32
    }
    %scan3A_115 = arith.constant 16 : i32
    %dma_start3A_116 = arith.constant 0 : i32
    %dma_start3A_117 = arith.constant 0 : i32
    %dma_start3A_118 = arith.constant 0 : i32
    %dma_start3A_119 = tpu.memref_slice %arg6[%dma_start3A_116, %dma_start3A_118] : memref<16x128xi32, #tpu.memory_space<vmem>> -> memref<1x128xi32, #tpu.memory_space<vmem>>
    %dma_start3A_120 = tpu.memref_squeeze %dma_start3A_119 : memref<1x128xi32, #tpu.memory_space<vmem>> -> memref<128xi32, #tpu.memory_space<vmem>>
    %dma_start3A_121 = arith.constant 0 : i32
    %dma_start3A_122 = arith.constant 0 : i32
    %dma_start3A_123 = tpu.memref_slice %arg2[%dma_start3A_121, %dma_start3A_122] : memref<20480x128xf32, #tpu.memory_space<hbm>> -> memref<20480x128xf32, #tpu.memory_space<hbm>>
    %dma_start3A_124 = tpu.memref_slice %arg11[%dma_start3A_117] : memref<2x!tpu.dma_semaphore, #tpu.memory_space<semaphore_mem>> -> memref<1x!tpu.dma_semaphore, #tpu.memory_space<semaphore_mem>>
    %dma_start3A_125 = tpu.memref_squeeze %dma_start3A_124 : memref<1x!tpu.dma_semaphore, #tpu.memory_space<semaphore_mem>> -> memref<!tpu.dma_semaphore, #tpu.memory_space<semaphore_mem>>
    tpu.enqueue_indirect_dma source(%dma_start3A_123 : memref<20480x128xf32, #tpu.memory_space<hbm>>) target(%arg8 : memref<128x128xf32, #tpu.memory_space<vmem>>) offsets(%dma_start3A_120 : memref<128xi32, #tpu.memory_space<vmem>>) semaphore(%dma_start3A_125 : memref<!tpu.dma_semaphore, #tpu.memory_space<semaphore_mem>>)
    %scan3A_126 = arith.constant 1 : i32
    %scan3A_127 = arith.constant 0 : i32
    %scan3A_128 = arith.constant 0 : i32
    %scan3A_129 = arith.constant 8 : i32
    %scan3A_130 = arith.addi %scan3A_128, %scan3A_129 : i32
    %scan3A_131 = arith.constant 1 : i32
    scf.for %scan3A_167 = %scan3A_128 to %scan3A_130 step %scan3A_131  : i32 {
      %mul3A_168 = arith.constant 2 : i32
      %mul3A_169 = arith.muli %scan3A_167, %mul3A_168 : i32
      %add3A_170 = arith.constant 0 : i32
      %add3A_171 = arith.addi %add3A_170, %mul3A_169 : i32
      %add3A_172 = arith.constant 0 : i32
      %add3A_173 = arith.addi %add3A_171, %add3A_172 : i32
      %add3A_174 = arith.constant 1 : i32
      %add3A_175 = arith.addi %add3A_173, %add3A_174 : i32
      %lt3A = arith.constant 16 : i32
      %lt3A_176 = arith.cmpi slt, %add3A_175, %lt3A : i32
      %convert_element_type3A = arith.extui %lt3A_176 : i1 to i32
      %cond3A = arith.constant 0 : i32
      %cond3A_177 = arith.cmpi ne, %convert_element_type3A, %cond3A : i32
      scf.if %cond3A_177 {
        %dma_start3A_210 = arith.constant 0 : i32
        %dma_start3A_211 = tpu.memref_slice %arg6[%add3A_175, %dma_start3A_210] : memref<16x128xi32, #tpu.memory_space<vmem>> -> memref<1x128xi32, #tpu.memory_space<vmem>>
        %dma_start3A_212 = tpu.memref_squeeze %dma_start3A_211 : memref<1x128xi32, #tpu.memory_space<vmem>> -> memref<128xi32, #tpu.memory_space<vmem>>
        %dma_start3A_213 = arith.constant 0 : i32
        %dma_start3A_214 = arith.constant 0 : i32
        %dma_start3A_215 = tpu.memref_slice %arg2[%dma_start3A_213, %dma_start3A_214] : memref<20480x128xf32, #tpu.memory_space<hbm>> -> memref<20480x128xf32, #tpu.memory_space<hbm>>
        %dma_start3A_216 = tpu.memref_slice %arg11[%scan3A_126] : memref<2x!tpu.dma_semaphore, #tpu.memory_space<semaphore_mem>> -> memref<1x!tpu.dma_semaphore, #tpu.memory_space<semaphore_mem>>
        %dma_start3A_217 = tpu.memref_squeeze %dma_start3A_216 : memref<1x!tpu.dma_semaphore, #tpu.memory_space<semaphore_mem>> -> memref<!tpu.dma_semaphore, #tpu.memory_space<semaphore_mem>>
        tpu.enqueue_indirect_dma source(%dma_start3A_215 : memref<20480x128xf32, #tpu.memory_space<hbm>>) target(%arg9 : memref<128x128xf32, #tpu.memory_space<vmem>>) offsets(%dma_start3A_212 : memref<128xi32, #tpu.memory_space<vmem>>) semaphore(%dma_start3A_217 : memref<!tpu.dma_semaphore, #tpu.memory_space<semaphore_mem>>)
      } else {
      }
      %add3A_178 = arith.constant 0 : i32
      %add3A_179 = arith.addi %add3A_171, %add3A_178 : i32
      %dma_wait3A = arith.constant 0 : i32
      %dma_wait3A_180 = tpu.memref_slice %arg6[%add3A_179, %dma_wait3A] : memref<16x128xi32, #tpu.memory_space<vmem>> -> memref<1x128xi32, #tpu.memory_space<vmem>>
      %dma_wait3A_181 = tpu.memref_squeeze %dma_wait3A_180 : memref<1x128xi32, #tpu.memory_space<vmem>> -> memref<128xi32, #tpu.memory_space<vmem>>
      %dma_wait3A_182 = arith.constant 0 : i32
      %dma_wait3A_183 = arith.constant 0 : i32
      %dma_wait3A_184 = tpu.memref_slice %arg2[%dma_wait3A_182, %dma_wait3A_183] : memref<20480x128xf32, #tpu.memory_space<hbm>> -> memref<20480x128xf32, #tpu.memory_space<hbm>>
      %dma_wait3A_185 = tpu.memref_slice %arg11[%scan3A_127] : memref<2x!tpu.dma_semaphore, #tpu.memory_space<semaphore_mem>> -> memref<1x!tpu.dma_semaphore, #tpu.memory_space<semaphore_mem>>
      %dma_wait3A_186 = tpu.memref_squeeze %dma_wait3A_185 : memref<1x!tpu.dma_semaphore, #tpu.memory_space<semaphore_mem>> -> memref<!tpu.dma_semaphore, #tpu.memory_space<semaphore_mem>>
      tpu.wait_indirect_dma semaphore(%dma_wait3A_186 : memref<!tpu.dma_semaphore, #tpu.memory_space<semaphore_mem>>) src(%dma_wait3A_184 : memref<20480x128xf32, #tpu.memory_space<hbm>>) dst(%arg8 : memref<128x128xf32, #tpu.memory_space<vmem>>)
      %add3A_187 = arith.constant 0 : i32
      %add3A_188 = arith.addi %add3A_171, %add3A_187 : i32
      "tpu.region"() ({
        %run_scoped3A_210 = tpu.sem_alloc : memref<!tpu.dma_semaphore, #tpu.memory_space<semaphore_mem>>
        %dma_start3A_211 = arith.constant 0 : i32
        %dma_start3A_212 = tpu.memref_slice %arg7[%add3A_188, %dma_start3A_211] : memref<16x128xi32, #tpu.memory_space<vmem>> -> memref<1x128xi32, #tpu.memory_space<vmem>>
        %dma_start3A_213 = tpu.memref_squeeze %dma_start3A_212 : memref<1x128xi32, #tpu.memory_space<vmem>> -> memref<128xi32, #tpu.memory_space<vmem>>
        %dma_start3A_214 = arith.constant 0 : i32
        %dma_start3A_215 = arith.constant 0 : i32
        %dma_start3A_216 = tpu.memref_slice %arg10[%dma_start3A_214, %dma_start3A_215] : memref<10240x128xf32, #tpu.memory_space<vmem_shared>> -> memref<10240x128xf32, #tpu.memory_space<vmem_shared>>
        tpu.enqueue_indirect_dma source(%arg8 : memref<128x128xf32, #tpu.memory_space<vmem>>) target(%dma_start3A_216 : memref<10240x128xf32, #tpu.memory_space<vmem_shared>>) offsets(%dma_start3A_213 : memref<128xi32, #tpu.memory_space<vmem>>) semaphore(%run_scoped3A_210 : memref<!tpu.dma_semaphore, #tpu.memory_space<semaphore_mem>>) {add = true}
        %dma_wait3A_217 = arith.constant 0 : i32
        %dma_wait3A_218 = tpu.memref_slice %arg7[%add3A_188, %dma_wait3A_217] : memref<16x128xi32, #tpu.memory_space<vmem>> -> memref<1x128xi32, #tpu.memory_space<vmem>>
        %dma_wait3A_219 = tpu.memref_squeeze %dma_wait3A_218 : memref<1x128xi32, #tpu.memory_space<vmem>> -> memref<128xi32, #tpu.memory_space<vmem>>
        %dma_wait3A_220 = arith.constant 0 : i32
        %dma_wait3A_221 = arith.constant 0 : i32
        %dma_wait3A_222 = tpu.memref_slice %arg10[%dma_wait3A_220, %dma_wait3A_221] : memref<10240x128xf32, #tpu.memory_space<vmem_shared>> -> memref<10240x128xf32, #tpu.memory_space<vmem_shared>>
        tpu.wait_indirect_dma semaphore(%run_scoped3A_210 : memref<!tpu.dma_semaphore, #tpu.memory_space<semaphore_mem>>) src(%arg8 : memref<128x128xf32, #tpu.memory_space<vmem>>) dst(%dma_wait3A_222 : memref<10240x128xf32, #tpu.memory_space<vmem_shared>>)
        tpu.yield
      }) : () -> ()
      %add3A_189 = arith.constant 1 : i32
      %add3A_190 = arith.addi %add3A_171, %add3A_189 : i32
      %add3A_191 = arith.constant 1 : i32
      %add3A_192 = arith.addi %add3A_190, %add3A_191 : i32
      %lt3A_193 = arith.constant 16 : i32
      %lt3A_194 = arith.cmpi slt, %add3A_192, %lt3A_193 : i32
      %convert_element_type3A_195 = arith.extui %lt3A_194 : i1 to i32
      %cond3A_196 = arith.constant 0 : i32
      %cond3A_197 = arith.cmpi ne, %convert_element_type3A_195, %cond3A_196 : i32
      scf.if %cond3A_197 {
        %dma_start3A_210 = arith.constant 0 : i32
        %dma_start3A_211 = tpu.memref_slice %arg6[%add3A_192, %dma_start3A_210] : memref<16x128xi32, #tpu.memory_space<vmem>> -> memref<1x128xi32, #tpu.memory_space<vmem>>
        %dma_start3A_212 = tpu.memref_squeeze %dma_start3A_211 : memref<1x128xi32, #tpu.memory_space<vmem>> -> memref<128xi32, #tpu.memory_space<vmem>>
        %dma_start3A_213 = arith.constant 0 : i32
        %dma_start3A_214 = arith.constant 0 : i32
        %dma_start3A_215 = tpu.memref_slice %arg2[%dma_start3A_213, %dma_start3A_214] : memref<20480x128xf32, #tpu.memory_space<hbm>> -> memref<20480x128xf32, #tpu.memory_space<hbm>>
        %dma_start3A_216 = tpu.memref_slice %arg11[%scan3A_127] : memref<2x!tpu.dma_semaphore, #tpu.memory_space<semaphore_mem>> -> memref<1x!tpu.dma_semaphore, #tpu.memory_space<semaphore_mem>>
        %dma_start3A_217 = tpu.memref_squeeze %dma_start3A_216 : memref<1x!tpu.dma_semaphore, #tpu.memory_space<semaphore_mem>> -> memref<!tpu.dma_semaphore, #tpu.memory_space<semaphore_mem>>
        tpu.enqueue_indirect_dma source(%dma_start3A_215 : memref<20480x128xf32, #tpu.memory_space<hbm>>) target(%arg8 : memref<128x128xf32, #tpu.memory_space<vmem>>) offsets(%dma_start3A_212 : memref<128xi32, #tpu.memory_space<vmem>>) semaphore(%dma_start3A_217 : memref<!tpu.dma_semaphore, #tpu.memory_space<semaphore_mem>>)
      } else {
      }
      %add3A_198 = arith.constant 1 : i32
      %add3A_199 = arith.addi %add3A_171, %add3A_198 : i32
      %dma_wait3A_200 = arith.constant 0 : i32
      %dma_wait3A_201 = tpu.memref_slice %arg6[%add3A_199, %dma_wait3A_200] : memref<16x128xi32, #tpu.memory_space<vmem>> -> memref<1x128xi32, #tpu.memory_space<vmem>>
      %dma_wait3A_202 = tpu.memref_squeeze %dma_wait3A_201 : memref<1x128xi32, #tpu.memory_space<vmem>> -> memref<128xi32, #tpu.memory_space<vmem>>
      %dma_wait3A_203 = arith.constant 0 : i32
      %dma_wait3A_204 = arith.constant 0 : i32
      %dma_wait3A_205 = tpu.memref_slice %arg2[%dma_wait3A_203, %dma_wait3A_204] : memref<20480x128xf32, #tpu.memory_space<hbm>> -> memref<20480x128xf32, #tpu.memory_space<hbm>>
      %dma_wait3A_206 = tpu.memref_slice %arg11[%scan3A_126] : memref<2x!tpu.dma_semaphore, #tpu.memory_space<semaphore_mem>> -> memref<1x!tpu.dma_semaphore, #tpu.memory_space<semaphore_mem>>
      %dma_wait3A_207 = tpu.memref_squeeze %dma_wait3A_206 : memref<1x!tpu.dma_semaphore, #tpu.memory_space<semaphore_mem>> -> memref<!tpu.dma_semaphore, #tpu.memory_space<semaphore_mem>>
      tpu.wait_indirect_dma semaphore(%dma_wait3A_207 : memref<!tpu.dma_semaphore, #tpu.memory_space<semaphore_mem>>) src(%dma_wait3A_205 : memref<20480x128xf32, #tpu.memory_space<hbm>>) dst(%arg9 : memref<128x128xf32, #tpu.memory_space<vmem>>)
      %add3A_208 = arith.constant 1 : i32
      %add3A_209 = arith.addi %add3A_171, %add3A_208 : i32
      "tpu.region"() ({
        %run_scoped3A_210 = tpu.sem_alloc : memref<!tpu.dma_semaphore, #tpu.memory_space<semaphore_mem>>
        %dma_start3A_211 = arith.constant 0 : i32
        %dma_start3A_212 = tpu.memref_slice %arg7[%add3A_209, %dma_start3A_211] : memref<16x128xi32, #tpu.memory_space<vmem>> -> memref<1x128xi32, #tpu.memory_space<vmem>>
        %dma_start3A_213 = tpu.memref_squeeze %dma_start3A_212 : memref<1x128xi32, #tpu.memory_space<vmem>> -> memref<128xi32, #tpu.memory_space<vmem>>
        %dma_start3A_214 = arith.constant 0 : i32
        %dma_start3A_215 = arith.constant 0 : i32
        %dma_start3A_216 = tpu.memref_slice %arg10[%dma_start3A_214, %dma_start3A_215] : memref<10240x128xf32, #tpu.memory_space<vmem_shared>> -> memref<10240x128xf32, #tpu.memory_space<vmem_shared>>
        tpu.enqueue_indirect_dma source(%arg9 : memref<128x128xf32, #tpu.memory_space<vmem>>) target(%dma_start3A_216 : memref<10240x128xf32, #tpu.memory_space<vmem_shared>>) offsets(%dma_start3A_213 : memref<128xi32, #tpu.memory_space<vmem>>) semaphore(%run_scoped3A_210 : memref<!tpu.dma_semaphore, #tpu.memory_space<semaphore_mem>>) {add = true}
        %dma_wait3A_217 = arith.constant 0 : i32
        %dma_wait3A_218 = tpu.memref_slice %arg7[%add3A_209, %dma_wait3A_217] : memref<16x128xi32, #tpu.memory_space<vmem>> -> memref<1x128xi32, #tpu.memory_space<vmem>>
        %dma_wait3A_219 = tpu.memref_squeeze %dma_wait3A_218 : memref<1x128xi32, #tpu.memory_space<vmem>> -> memref<128xi32, #tpu.memory_space<vmem>>
        %dma_wait3A_220 = arith.constant 0 : i32
        %dma_wait3A_221 = arith.constant 0 : i32
        %dma_wait3A_222 = tpu.memref_slice %arg10[%dma_wait3A_220, %dma_wait3A_221] : memref<10240x128xf32, #tpu.memory_space<vmem_shared>> -> memref<10240x128xf32, #tpu.memory_space<vmem_shared>>
        tpu.wait_indirect_dma semaphore(%run_scoped3A_210 : memref<!tpu.dma_semaphore, #tpu.memory_space<semaphore_mem>>) src(%arg9 : memref<128x128xf32, #tpu.memory_space<vmem>>) dst(%dma_wait3A_222 : memref<10240x128xf32, #tpu.memory_space<vmem_shared>>)
        tpu.yield
      }) : () -> ()
    }
    %scan3A_132 = arith.constant 8 : i32
    %run_scoped3A_133 = arith.constant 4 : i32
    "tpu.region"() ({
      %run_scoped3A_167 = tpu.sem_alloc : memref<!tpu.dma_semaphore, #tpu.memory_space<semaphore_mem>>
      %dma_start3A_168 = arith.constant 0 : i32
      %dma_start3A_169 = arith.constant 0 : i32
      %dma_start3A_170 = tpu.memref_slice %arg3[%arg1, %run_scoped3A_133, %dma_start3A_168, %dma_start3A_169] : memref<16x5x16x128xi32, #tpu.memory_space<hbm>> -> memref<1x1x16x128xi32, #tpu.memory_space<hbm>>
      %dma_start3A_171 = tpu.memref_squeeze %dma_start3A_170 : memref<1x1x16x128xi32, #tpu.memory_space<hbm>> -> memref<16x128xi32, #tpu.memory_space<hbm>>
      %dma_start3A_172 = arith.constant 0 : i32
      %dma_start3A_173 = arith.constant 0 : i32
      %dma_start3A_174 = tpu.memref_slice %arg3[%arg1, %run_scoped3A_133, %dma_start3A_172, %dma_start3A_173] : memref<16x5x16x128xi32, #tpu.memory_space<hbm>> -> memref<1x1x16x128xi32, #tpu.memory_space<hbm>>
      %dma_start3A_175 = tpu.memref_squeeze %dma_start3A_174 : memref<1x1x16x128xi32, #tpu.memory_space<hbm>> -> memref<16x128xi32, #tpu.memory_space<hbm>>
      tpu.enqueue_dma source(%dma_start3A_175 : memref<16x128xi32, #tpu.memory_space<hbm>>) target(%arg6 : memref<16x128xi32, #tpu.memory_space<vmem>>) target_semaphore(%run_scoped3A_167 : memref<!tpu.dma_semaphore, #tpu.memory_space<semaphore_mem>>)
      %dma_wait3A = arith.constant 0 : i32
      %dma_wait3A_176 = arith.constant 0 : i32
      %dma_wait3A_177 = tpu.memref_slice %arg3[%arg1, %run_scoped3A_133, %dma_wait3A, %dma_wait3A_176] : memref<16x5x16x128xi32, #tpu.memory_space<hbm>> -> memref<1x1x16x128xi32, #tpu.memory_space<hbm>>
      %dma_wait3A_178 = tpu.memref_squeeze %dma_wait3A_177 : memref<1x1x16x128xi32, #tpu.memory_space<hbm>> -> memref<16x128xi32, #tpu.memory_space<hbm>>
      %dma_wait3A_179 = arith.constant 0 : i32
      %dma_wait3A_180 = arith.constant 0 : i32
      %dma_wait3A_181 = tpu.memref_slice %arg3[%arg1, %run_scoped3A_133, %dma_wait3A_179, %dma_wait3A_180] : memref<16x5x16x128xi32, #tpu.memory_space<hbm>> -> memref<1x1x16x128xi32, #tpu.memory_space<hbm>>
      %dma_wait3A_182 = tpu.memref_squeeze %dma_wait3A_181 : memref<1x1x16x128xi32, #tpu.memory_space<hbm>> -> memref<16x128xi32, #tpu.memory_space<hbm>>
      tpu.wait_dma2 semaphore(%run_scoped3A_167 : memref<!tpu.dma_semaphore, #tpu.memory_space<semaphore_mem>>) src(%dma_wait3A_182 : memref<16x128xi32, #tpu.memory_space<hbm>>) dst(%arg6 : memref<16x128xi32, #tpu.memory_space<vmem>>)
      tpu.yield
    }) : () -> ()
    %run_scoped3A_134 = arith.constant 4 : i32
    "tpu.region"() ({
      %run_scoped3A_167 = tpu.sem_alloc : memref<!tpu.dma_semaphore, #tpu.memory_space<semaphore_mem>>
      %dma_start3A_168 = arith.constant 0 : i32
      %dma_start3A_169 = arith.constant 0 : i32
      %dma_start3A_170 = tpu.memref_slice %arg4[%arg1, %run_scoped3A_134, %dma_start3A_168, %dma_start3A_169] : memref<16x5x16x128xi32, #tpu.memory_space<hbm>> -> memref<1x1x16x128xi32, #tpu.memory_space<hbm>>
      %dma_start3A_171 = tpu.memref_squeeze %dma_start3A_170 : memref<1x1x16x128xi32, #tpu.memory_space<hbm>> -> memref<16x128xi32, #tpu.memory_space<hbm>>
      %dma_start3A_172 = arith.constant 0 : i32
      %dma_start3A_173 = arith.constant 0 : i32
      %dma_start3A_174 = tpu.memref_slice %arg4[%arg1, %run_scoped3A_134, %dma_start3A_172, %dma_start3A_173] : memref<16x5x16x128xi32, #tpu.memory_space<hbm>> -> memref<1x1x16x128xi32, #tpu.memory_space<hbm>>
      %dma_start3A_175 = tpu.memref_squeeze %dma_start3A_174 : memref<1x1x16x128xi32, #tpu.memory_space<hbm>> -> memref<16x128xi32, #tpu.memory_space<hbm>>
      tpu.enqueue_dma source(%dma_start3A_175 : memref<16x128xi32, #tpu.memory_space<hbm>>) target(%arg7 : memref<16x128xi32, #tpu.memory_space<vmem>>) target_semaphore(%run_scoped3A_167 : memref<!tpu.dma_semaphore, #tpu.memory_space<semaphore_mem>>)
      %dma_wait3A = arith.constant 0 : i32
      %dma_wait3A_176 = arith.constant 0 : i32
      %dma_wait3A_177 = tpu.memref_slice %arg4[%arg1, %run_scoped3A_134, %dma_wait3A, %dma_wait3A_176] : memref<16x5x16x128xi32, #tpu.memory_space<hbm>> -> memref<1x1x16x128xi32, #tpu.memory_space<hbm>>
      %dma_wait3A_178 = tpu.memref_squeeze %dma_wait3A_177 : memref<1x1x16x128xi32, #tpu.memory_space<hbm>> -> memref<16x128xi32, #tpu.memory_space<hbm>>
      %dma_wait3A_179 = arith.constant 0 : i32
      %dma_wait3A_180 = arith.constant 0 : i32
      %dma_wait3A_181 = tpu.memref_slice %arg4[%arg1, %run_scoped3A_134, %dma_wait3A_179, %dma_wait3A_180] : memref<16x5x16x128xi32, #tpu.memory_space<hbm>> -> memref<1x1x16x128xi32, #tpu.memory_space<hbm>>
      %dma_wait3A_182 = tpu.memref_squeeze %dma_wait3A_181 : memref<1x1x16x128xi32, #tpu.memory_space<hbm>> -> memref<16x128xi32, #tpu.memory_space<hbm>>
      tpu.wait_dma2 semaphore(%run_scoped3A_167 : memref<!tpu.dma_semaphore, #tpu.memory_space<semaphore_mem>>) src(%dma_wait3A_182 : memref<16x128xi32, #tpu.memory_space<hbm>>) dst(%arg7 : memref<16x128xi32, #tpu.memory_space<vmem>>)
      tpu.yield
    }) : () -> ()
    %scan3A_135 = arith.constant 0 : i32
    %scan3A_136 = arith.constant 0 : i32
    %scan3A_137 = arith.constant 16 : i32
    %scan3A_138 = arith.addi %scan3A_136, %scan3A_137 : i32
    %scan3A_139 = arith.constant 1 : i32
    %scan3A_140 = scf.for %scan3A_167 = %scan3A_136 to %scan3A_138 step %scan3A_139 iter_args(%scan3A_168 = %scan3A_135) -> (i32)  : i32 {
      %scan3A_169 = arith.constant 0 : i32
      %scan3A_170 = arith.constant 0 : i32
      %scan3A_171 = arith.constant 8 : i32
      %scan3A_172 = arith.addi %scan3A_170, %scan3A_171 : i32
      %scan3A_173 = arith.constant 1 : i32
      %scan3A_174 = scf.for %scan3A_177 = %scan3A_170 to %scan3A_172 step %scan3A_173 iter_args(%scan3A_178 = %scan3A_169) -> (i32)  : i32 {
        %mul3A_179 = arith.constant 16 : i32
        %mul3A_180 = arith.muli %scan3A_177, %mul3A_179 : i32
        %get3A = arith.index_cast %scan3A_167 : i32 to index
        %get3A_181 = arith.index_cast %mul3A_180 : i32 to index
        %get3A_182 = tpu.vector_load %arg6[%get3A, %get3A_181] {strides = array<i32>} : memref<16x128xi32, #tpu.memory_space<vmem>>, vector<16xi32>,
        %add3A_183 = arith.addi %get3A_182, %add3A_30 : vector<16xi32>
        %mul3A_184 = arith.constant 16 : i32
        %mul3A_185 = arith.muli %scan3A_177, %mul3A_184 : i32
        %swap3A = arith.index_cast %scan3A_167 : i32 to index
        %swap3A_186 = arith.index_cast %mul3A_185 : i32 to index
        %swap3A_187 = tpu.vector_load %arg6[%swap3A, %swap3A_186] {strides = array<i32>} : memref<16x128xi32, #tpu.memory_space<vmem>>, vector<16xi32>,
        tpu.vector_store %arg6[%swap3A, %swap3A_186], %add3A_183 {strides = array<i32>} : memref<16x128xi32, #tpu.memory_space<vmem>>, vector<16xi32>,
        %scan3A_188 = arith.constant 0 : i32
        scf.yield %scan3A_188 : i32
      }
      %scan3A_175 = arith.constant 8 : i32
      %scan3A_176 = arith.constant 0 : i32
      scf.yield %scan3A_176 : i32
    }
    %scan3A_141 = arith.constant 16 : i32
    %dma_start3A_142 = arith.constant 0 : i32
    %dma_start3A_143 = arith.constant 0 : i32
    %dma_start3A_144 = arith.constant 0 : i32
    %dma_start3A_145 = tpu.memref_slice %arg6[%dma_start3A_142, %dma_start3A_144] : memref<16x128xi32, #tpu.memory_space<vmem>> -> memref<1x128xi32, #tpu.memory_space<vmem>>
    %dma_start3A_146 = tpu.memref_squeeze %dma_start3A_145 : memref<1x128xi32, #tpu.memory_space<vmem>> -> memref<128xi32, #tpu.memory_space<vmem>>
    %dma_start3A_147 = arith.constant 0 : i32
    %dma_start3A_148 = arith.constant 0 : i32
    %dma_start3A_149 = tpu.memref_slice %arg2[%dma_start3A_147, %dma_start3A_148] : memref<20480x128xf32, #tpu.memory_space<hbm>> -> memref<20480x128xf32, #tpu.memory_space<hbm>>
    %dma_start3A_150 = tpu.memref_slice %arg11[%dma_start3A_143] : memref<2x!tpu.dma_semaphore, #tpu.memory_space<semaphore_mem>> -> memref<1x!tpu.dma_semaphore, #tpu.memory_space<semaphore_mem>>
    %dma_start3A_151 = tpu.memref_squeeze %dma_start3A_150 : memref<1x!tpu.dma_semaphore, #tpu.memory_space<semaphore_mem>> -> memref<!tpu.dma_semaphore, #tpu.memory_space<semaphore_mem>>
    tpu.enqueue_indirect_dma source(%dma_start3A_149 : memref<20480x128xf32, #tpu.memory_space<hbm>>) target(%arg8 : memref<128x128xf32, #tpu.memory_space<vmem>>) offsets(%dma_start3A_146 : memref<128xi32, #tpu.memory_space<vmem>>) semaphore(%dma_start3A_151 : memref<!tpu.dma_semaphore, #tpu.memory_space<semaphore_mem>>)
    %scan3A_152 = arith.constant 1 : i32
    %scan3A_153 = arith.constant 0 : i32
    %scan3A_154 = arith.constant 0 : i32
    %scan3A_155 = arith.constant 8 : i32
    %scan3A_156 = arith.addi %scan3A_154, %scan3A_155 : i32
    %scan3A_157 = arith.constant 1 : i32
    scf.for %scan3A_167 = %scan3A_154 to %scan3A_156 step %scan3A_157  : i32 {
      %mul3A_168 = arith.constant 2 : i32
      %mul3A_169 = arith.muli %scan3A_167, %mul3A_168 : i32
      %add3A_170 = arith.constant 0 : i32
      %add3A_171 = arith.addi %add3A_170, %mul3A_169 : i32
      %add3A_172 = arith.constant 0 : i32
      %add3A_173 = arith.addi %add3A_171, %add3A_172 : i32
      %add3A_174 = arith.constant 1 : i32
      %add3A_175 = arith.addi %add3A_173, %add3A_174 : i32
      %lt3A = arith.constant 16 : i32
      %lt3A_176 = arith.cmpi slt, %add3A_175, %lt3A : i32
      %convert_element_type3A = arith.extui %lt3A_176 : i1 to i32
      %cond3A = arith.constant 0 : i32
      %cond3A_177 = arith.cmpi ne, %convert_element_type3A, %cond3A : i32
      scf.if %cond3A_177 {
        %dma_start3A_210 = arith.constant 0 : i32
        %dma_start3A_211 = tpu.memref_slice %arg6[%add3A_175, %dma_start3A_210] : memref<16x128xi32, #tpu.memory_space<vmem>> -> memref<1x128xi32, #tpu.memory_space<vmem>>
        %dma_start3A_212 = tpu.memref_squeeze %dma_start3A_211 : memref<1x128xi32, #tpu.memory_space<vmem>> -> memref<128xi32, #tpu.memory_space<vmem>>
        %dma_start3A_213 = arith.constant 0 : i32
        %dma_start3A_214 = arith.constant 0 : i32
        %dma_start3A_215 = tpu.memref_slice %arg2[%dma_start3A_213, %dma_start3A_214] : memref<20480x128xf32, #tpu.memory_space<hbm>> -> memref<20480x128xf32, #tpu.memory_space<hbm>>
        %dma_start3A_216 = tpu.memref_slice %arg11[%scan3A_152] : memref<2x!tpu.dma_semaphore, #tpu.memory_space<semaphore_mem>> -> memref<1x!tpu.dma_semaphore, #tpu.memory_space<semaphore_mem>>
        %dma_start3A_217 = tpu.memref_squeeze %dma_start3A_216 : memref<1x!tpu.dma_semaphore, #tpu.memory_space<semaphore_mem>> -> memref<!tpu.dma_semaphore, #tpu.memory_space<semaphore_mem>>
        tpu.enqueue_indirect_dma source(%dma_start3A_215 : memref<20480x128xf32, #tpu.memory_space<hbm>>) target(%arg9 : memref<128x128xf32, #tpu.memory_space<vmem>>) offsets(%dma_start3A_212 : memref<128xi32, #tpu.memory_space<vmem>>) semaphore(%dma_start3A_217 : memref<!tpu.dma_semaphore, #tpu.memory_space<semaphore_mem>>)
      } else {
      }
      %add3A_178 = arith.constant 0 : i32
      %add3A_179 = arith.addi %add3A_171, %add3A_178 : i32
      %dma_wait3A = arith.constant 0 : i32
      %dma_wait3A_180 = tpu.memref_slice %arg6[%add3A_179, %dma_wait3A] : memref<16x128xi32, #tpu.memory_space<vmem>> -> memref<1x128xi32, #tpu.memory_space<vmem>>
      %dma_wait3A_181 = tpu.memref_squeeze %dma_wait3A_180 : memref<1x128xi32, #tpu.memory_space<vmem>> -> memref<128xi32, #tpu.memory_space<vmem>>
      %dma_wait3A_182 = arith.constant 0 : i32
      %dma_wait3A_183 = arith.constant 0 : i32
      %dma_wait3A_184 = tpu.memref_slice %arg2[%dma_wait3A_182, %dma_wait3A_183] : memref<20480x128xf32, #tpu.memory_space<hbm>> -> memref<20480x128xf32, #tpu.memory_space<hbm>>
      %dma_wait3A_185 = tpu.memref_slice %arg11[%scan3A_153] : memref<2x!tpu.dma_semaphore, #tpu.memory_space<semaphore_mem>> -> memref<1x!tpu.dma_semaphore, #tpu.memory_space<semaphore_mem>>
      %dma_wait3A_186 = tpu.memref_squeeze %dma_wait3A_185 : memref<1x!tpu.dma_semaphore, #tpu.memory_space<semaphore_mem>> -> memref<!tpu.dma_semaphore, #tpu.memory_space<semaphore_mem>>
      tpu.wait_indirect_dma semaphore(%dma_wait3A_186 : memref<!tpu.dma_semaphore, #tpu.memory_space<semaphore_mem>>) src(%dma_wait3A_184 : memref<20480x128xf32, #tpu.memory_space<hbm>>) dst(%arg8 : memref<128x128xf32, #tpu.memory_space<vmem>>)
      %add3A_187 = arith.constant 0 : i32
      %add3A_188 = arith.addi %add3A_171, %add3A_187 : i32
      "tpu.region"() ({
        %run_scoped3A_210 = tpu.sem_alloc : memref<!tpu.dma_semaphore, #tpu.memory_space<semaphore_mem>>
        %dma_start3A_211 = arith.constant 0 : i32
        %dma_start3A_212 = tpu.memref_slice %arg7[%add3A_188, %dma_start3A_211] : memref<16x128xi32, #tpu.memory_space<vmem>> -> memref<1x128xi32, #tpu.memory_space<vmem>>
        %dma_start3A_213 = tpu.memref_squeeze %dma_start3A_212 : memref<1x128xi32, #tpu.memory_space<vmem>> -> memref<128xi32, #tpu.memory_space<vmem>>
        %dma_start3A_214 = arith.constant 0 : i32
        %dma_start3A_215 = arith.constant 0 : i32
        %dma_start3A_216 = tpu.memref_slice %arg10[%dma_start3A_214, %dma_start3A_215] : memref<10240x128xf32, #tpu.memory_space<vmem_shared>> -> memref<10240x128xf32, #tpu.memory_space<vmem_shared>>
        tpu.enqueue_indirect_dma source(%arg8 : memref<128x128xf32, #tpu.memory_space<vmem>>) target(%dma_start3A_216 : memref<10240x128xf32, #tpu.memory_space<vmem_shared>>) offsets(%dma_start3A_213 : memref<128xi32, #tpu.memory_space<vmem>>) semaphore(%run_scoped3A_210 : memref<!tpu.dma_semaphore, #tpu.memory_space<semaphore_mem>>) {add = true}
        %dma_wait3A_217 = arith.constant 0 : i32
        %dma_wait3A_218 = tpu.memref_slice %arg7[%add3A_188, %dma_wait3A_217] : memref<16x128xi32, #tpu.memory_space<vmem>> -> memref<1x128xi32, #tpu.memory_space<vmem>>
        %dma_wait3A_219 = tpu.memref_squeeze %dma_wait3A_218 : memref<1x128xi32, #tpu.memory_space<vmem>> -> memref<128xi32, #tpu.memory_space<vmem>>
        %dma_wait3A_220 = arith.constant 0 : i32
        %dma_wait3A_221 = arith.constant 0 : i32
        %dma_wait3A_222 = tpu.memref_slice %arg10[%dma_wait3A_220, %dma_wait3A_221] : memref<10240x128xf32, #tpu.memory_space<vmem_shared>> -> memref<10240x128xf32, #tpu.memory_space<vmem_shared>>
        tpu.wait_indirect_dma semaphore(%run_scoped3A_210 : memref<!tpu.dma_semaphore, #tpu.memory_space<semaphore_mem>>) src(%arg8 : memref<128x128xf32, #tpu.memory_space<vmem>>) dst(%dma_wait3A_222 : memref<10240x128xf32, #tpu.memory_space<vmem_shared>>)
        tpu.yield
      }) : () -> ()
      %add3A_189 = arith.constant 1 : i32
      %add3A_190 = arith.addi %add3A_171, %add3A_189 : i32
      %add3A_191 = arith.constant 1 : i32
      %add3A_192 = arith.addi %add3A_190, %add3A_191 : i32
      %lt3A_193 = arith.constant 16 : i32
      %lt3A_194 = arith.cmpi slt, %add3A_192, %lt3A_193 : i32
      %convert_element_type3A_195 = arith.extui %lt3A_194 : i1 to i32
      %cond3A_196 = arith.constant 0 : i32
      %cond3A_197 = arith.cmpi ne, %convert_element_type3A_195, %cond3A_196 : i32
      scf.if %cond3A_197 {
        %dma_start3A_210 = arith.constant 0 : i32
        %dma_start3A_211 = tpu.memref_slice %arg6[%add3A_192, %dma_start3A_210] : memref<16x128xi32, #tpu.memory_space<vmem>> -> memref<1x128xi32, #tpu.memory_space<vmem>>
        %dma_start3A_212 = tpu.memref_squeeze %dma_start3A_211 : memref<1x128xi32, #tpu.memory_space<vmem>> -> memref<128xi32, #tpu.memory_space<vmem>>
        %dma_start3A_213 = arith.constant 0 : i32
        %dma_start3A_214 = arith.constant 0 : i32
        %dma_start3A_215 = tpu.memref_slice %arg2[%dma_start3A_213, %dma_start3A_214] : memref<20480x128xf32, #tpu.memory_space<hbm>> -> memref<20480x128xf32, #tpu.memory_space<hbm>>
        %dma_start3A_216 = tpu.memref_slice %arg11[%scan3A_153] : memref<2x!tpu.dma_semaphore, #tpu.memory_space<semaphore_mem>> -> memref<1x!tpu.dma_semaphore, #tpu.memory_space<semaphore_mem>>
        %dma_start3A_217 = tpu.memref_squeeze %dma_start3A_216 : memref<1x!tpu.dma_semaphore, #tpu.memory_space<semaphore_mem>> -> memref<!tpu.dma_semaphore, #tpu.memory_space<semaphore_mem>>
        tpu.enqueue_indirect_dma source(%dma_start3A_215 : memref<20480x128xf32, #tpu.memory_space<hbm>>) target(%arg8 : memref<128x128xf32, #tpu.memory_space<vmem>>) offsets(%dma_start3A_212 : memref<128xi32, #tpu.memory_space<vmem>>) semaphore(%dma_start3A_217 : memref<!tpu.dma_semaphore, #tpu.memory_space<semaphore_mem>>)
      } else {
      }
      %add3A_198 = arith.constant 1 : i32
      %add3A_199 = arith.addi %add3A_171, %add3A_198 : i32
      %dma_wait3A_200 = arith.constant 0 : i32
      %dma_wait3A_201 = tpu.memref_slice %arg6[%add3A_199, %dma_wait3A_200] : memref<16x128xi32, #tpu.memory_space<vmem>> -> memref<1x128xi32, #tpu.memory_space<vmem>>
      %dma_wait3A_202 = tpu.memref_squeeze %dma_wait3A_201 : memref<1x128xi32, #tpu.memory_space<vmem>> -> memref<128xi32, #tpu.memory_space<vmem>>
      %dma_wait3A_203 = arith.constant 0 : i32
      %dma_wait3A_204 = arith.constant 0 : i32
      %dma_wait3A_205 = tpu.memref_slice %arg2[%dma_wait3A_203, %dma_wait3A_204] : memref<20480x128xf32, #tpu.memory_space<hbm>> -> memref<20480x128xf32, #tpu.memory_space<hbm>>
      %dma_wait3A_206 = tpu.memref_slice %arg11[%scan3A_152] : memref<2x!tpu.dma_semaphore, #tpu.memory_space<semaphore_mem>> -> memref<1x!tpu.dma_semaphore, #tpu.memory_space<semaphore_mem>>
      %dma_wait3A_207 = tpu.memref_squeeze %dma_wait3A_206 : memref<1x!tpu.dma_semaphore, #tpu.memory_space<semaphore_mem>> -> memref<!tpu.dma_semaphore, #tpu.memory_space<semaphore_mem>>
      tpu.wait_indirect_dma semaphore(%dma_wait3A_207 : memref<!tpu.dma_semaphore, #tpu.memory_space<semaphore_mem>>) src(%dma_wait3A_205 : memref<20480x128xf32, #tpu.memory_space<hbm>>) dst(%arg9 : memref<128x128xf32, #tpu.memory_space<vmem>>)
      %add3A_208 = arith.constant 1 : i32
      %add3A_209 = arith.addi %add3A_171, %add3A_208 : i32
      "tpu.region"() ({
        %run_scoped3A_210 = tpu.sem_alloc : memref<!tpu.dma_semaphore, #tpu.memory_space<semaphore_mem>>
        %dma_start3A_211 = arith.constant 0 : i32
        %dma_start3A_212 = tpu.memref_slice %arg7[%add3A_209, %dma_start3A_211] : memref<16x128xi32, #tpu.memory_space<vmem>> -> memref<1x128xi32, #tpu.memory_space<vmem>>
        %dma_start3A_213 = tpu.memref_squeeze %dma_start3A_212 : memref<1x128xi32, #tpu.memory_space<vmem>> -> memref<128xi32, #tpu.memory_space<vmem>>
        %dma_start3A_214 = arith.constant 0 : i32
        %dma_start3A_215 = arith.constant 0 : i32
        %dma_start3A_216 = tpu.memref_slice %arg10[%dma_start3A_214, %dma_start3A_215] : memref<10240x128xf32, #tpu.memory_space<vmem_shared>> -> memref<10240x128xf32, #tpu.memory_space<vmem_shared>>
        tpu.enqueue_indirect_dma source(%arg9 : memref<128x128xf32, #tpu.memory_space<vmem>>) target(%dma_start3A_216 : memref<10240x128xf32, #tpu.memory_space<vmem_shared>>) offsets(%dma_start3A_213 : memref<128xi32, #tpu.memory_space<vmem>>) semaphore(%run_scoped3A_210 : memref<!tpu.dma_semaphore, #tpu.memory_space<semaphore_mem>>) {add = true}
        %dma_wait3A_217 = arith.constant 0 : i32
        %dma_wait3A_218 = tpu.memref_slice %arg7[%add3A_209, %dma_wait3A_217] : memref<16x128xi32, #tpu.memory_space<vmem>> -> memref<1x128xi32, #tpu.memory_space<vmem>>
        %dma_wait3A_219 = tpu.memref_squeeze %dma_wait3A_218 : memref<1x128xi32, #tpu.memory_space<vmem>> -> memref<128xi32, #tpu.memory_space<vmem>>
        %dma_wait3A_220 = arith.constant 0 : i32
        %dma_wait3A_221 = arith.constant 0 : i32
        %dma_wait3A_222 = tpu.memref_slice %arg10[%dma_wait3A_220, %dma_wait3A_221] : memref<10240x128xf32, #tpu.memory_space<vmem_shared>> -> memref<10240x128xf32, #tpu.memory_space<vmem_shared>>
        tpu.wait_indirect_dma semaphore(%run_scoped3A_210 : memref<!tpu.dma_semaphore, #tpu.memory_space<semaphore_mem>>) src(%arg9 : memref<128x128xf32, #tpu.memory_space<vmem>>) dst(%dma_wait3A_222 : memref<10240x128xf32, #tpu.memory_space<vmem_shared>>)
        tpu.yield
      }) : () -> ()
    }
    %scan3A_158 = arith.constant 8 : i32
    %barrier3A_159 = arith.constant 0 : index
    tpu.barrier barrier_id(%barrier3A_159)
    %mul3A_160 = arith.constant 640 : i32
    %mul3A_161 = arith.muli %arg1, %mul3A_160 : i32
    %mul3A_162 = arith.constant 10240 : i32
    %mul3A_163 = arith.muli %arg0, %mul3A_162 : i32
    %mul3A_164 = arith.constant 640 : i32
    %mul3A_165 = arith.muli %arg1, %mul3A_164 : i32
    %add3A_166 = arith.addi %mul3A_163, %mul3A_165 : i32
    "tpu.region"() ({
      %run_scoped3A_167 = tpu.sem_alloc : memref<!tpu.dma_semaphore, #tpu.memory_space<semaphore_mem>>
      %dma_start3A_168 = arith.constant 0 : i32
      %dma_start3A_169 = tpu.memref_slice %arg5[%add3A_166, %dma_start3A_168] : memref<20480x128xf32, #tpu.memory_space<hbm>> -> memref<640x128xf32, #tpu.memory_space<hbm>>
      %dma_start3A_170 = arith.constant 0 : i32
      %dma_start3A_171 = tpu.memref_slice %arg10[%mul3A_161, %dma_start3A_170] : memref<10240x128xf32, #tpu.memory_space<vmem_shared>> -> memref<640x128xf32, #tpu.memory_space<vmem_shared>>
      tpu.enqueue_dma source(%dma_start3A_171 : memref<640x128xf32, #tpu.memory_space<vmem_shared>>) target(%dma_start3A_169 : memref<640x128xf32, #tpu.memory_space<hbm>>) target_semaphore(%run_scoped3A_167 : memref<!tpu.dma_semaphore, #tpu.memory_space<semaphore_mem>>)
      %dma_wait3A = arith.constant 0 : i32
      %dma_wait3A_172 = tpu.memref_slice %arg5[%add3A_166, %dma_wait3A] : memref<20480x128xf32, #tpu.memory_space<hbm>> -> memref<640x128xf32, #tpu.memory_space<hbm>>
      %dma_wait3A_173 = arith.constant 0 : i32
      %dma_wait3A_174 = tpu.memref_slice %arg10[%mul3A_161, %dma_wait3A_173] : memref<10240x128xf32, #tpu.memory_space<vmem_shared>> -> memref<640x128xf32, #tpu.memory_space<vmem_shared>>
      tpu.wait_dma2 semaphore(%run_scoped3A_167 : memref<!tpu.dma_semaphore, #tpu.memory_space<semaphore_mem>>) src(%dma_wait3A_174 : memref<640x128xf32, #tpu.memory_space<vmem_shared>>) dst(%dma_wait3A_172 : memref<640x128xf32, #tpu.memory_space<hbm>>)
      tpu.yield
    }) : () -> ()
    return
  }
}

#map = affine_map<(d0, d1) -> (0, 0)>
#map1 = affine_map<(d0, d1) -> (0, 0, 0, 0)>
module attributes {stable_mosaic.version = 14 : i64} {
  func.func @_spmm_kernel(%arg0: i32, %arg1: i32, %arg2: memref<20480x128xf32, #tpu.memory_space<hbm>>, %arg3: memref<16x5x16x128xi32, #tpu.memory_space<hbm>>, %arg4: memref<16x5x16x128xi32, #tpu.memory_space<hbm>>, %arg5: memref<20480x128xf32, #tpu.memory_space<hbm>>, %arg6: memref<16x128xi32, #tpu.memory_space<vmem>>, %arg7: memref<16x128xi32, #tpu.memory_space<vmem>>, %arg8: memref<128x128xf32, #tpu.memory_space<vmem>>, %arg9: memref<128x128xf32, #tpu.memory_space<vmem>>, %arg10: memref<10240x128xf32, #tpu.memory_space<vmem_shared>>, %arg11: memref<2x!tpu.dma_semaphore, #tpu.memory_space<semaphore_mem>>) attributes {dimension_semantics = [#tpu.dimension_semantics<core_parallel>, #tpu.dimension_semantics<subcore_parallel>], iteration_bounds = array<i64: 2, 16>, scalar_prefetch = 0 : i64, scratch_operands = 6 : i64, tpu.core_type = #tpu.core_type<sc_vector_subcore>, window_params = [{transform_indices = #map}, {transform_indices = #map1}, {transform_indices = #map1}, {transform_indices = #map}]} {
    %broadcast_in_dim3A = arith.constant 0.000000e+00 : f32
    %broadcast_in_dim3A_0 = vector.broadcast %broadcast_in_dim3A : f32 to vector<16xf32>
    %scan3A = arith.constant 0 : i32
    %scan3A_1 = arith.constant 0 : i32
    %scan3A_2 = arith.constant 128 : i32
    %scan3A_3 = arith.addi %scan3A_1, %scan3A_2 : i32
    %scan3A_4 = arith.constant 1 : i32
    %scan3A_5 = scf.for %scan3A_167 = %scan3A_1 to %scan3A_3 step %scan3A_4 iter_args(%scan3A_168 = %scan3A) -> (i32)  : i32 {
      %scan3A_169 = arith.constant 0 : i32
      %scan3A_170 = arith.constant 0 : i32
      %scan3A_171 = arith.constant 8 : i32
      %scan3A_172 = arith.addi %scan3A_170, %scan3A_171 : i32
      %scan3A_173 = arith.constant 1 : i32
      %scan3A_174 = scf.for %scan3A_177 = %scan3A_170 to %scan3A_172 step %scan3A_173 iter_args(%scan3A_178 = %scan3A_169) -> (i32)  : i32 {
        %mul3A_179 = arith.constant 16 : i32
        %mul3A_180 = arith.muli %scan3A_177, %mul3A_179 : i32
        %swap3A = arith.index_cast %scan3A_167 : i32 to index
        %swap3A_181 = arith.index_cast %mul3A_180 : i32 to index
        %swap3A_182 = tpu.vector_load %arg8[%swap3A, %swap3A_181] {strides = array<i32>} : memref<128x128xf32, #tpu.memory_space<vmem>>, vector<16xf32>,
        tpu.vector_store %arg8[%swap3A, %swap3A_181], %broadcast_in_dim3A_0 {strides = array<i32>} : memref<128x128xf32, #tpu.memory_space<vmem>>, vector<16xf32>,
        %scan3A_183 = arith.constant 0 : i32
        scf.yield %scan3A_183 : i32
      }
      %scan3A_175 = arith.constant 8 : i32
      %scan3A_176 = arith.constant 0 : i32
      scf.yield %scan3A_176 : i32
    }
    %scan3A_6 = arith.constant 128 : i32
    %mul3A = arith.constant 640 : i32
    %mul3A_7 = arith.muli %arg1, %mul3A : i32
    %add3A = arith.constant 0 : i32
    %add3A_8 = arith.addi %mul3A_7, %add3A : i32
    "tpu.region"() ({
      %run_scoped3A_167 = tpu.sem_alloc : memref<!tpu.dma_semaphore, #tpu.memory_space<semaphore_mem>>
      %dma_start3A_168 = arith.constant 0 : i32
      %dma_start3A_169 = tpu.memref_slice %arg10[%add3A_8, %dma_start3A_168] : memref<10240x128xf32, #tpu.memory_space<vmem_shared>> -> memref<128x128xf32, #tpu.memory_space<vmem_shared>>
      %dma_start3A_170 = arith.constant 0 : i32
      %dma_start3A_171 = tpu.memref_slice %arg10[%add3A_8, %dma_start3A_170] : memref<10240x128xf32, #tpu.memory_space<vmem_shared>> -> memref<128x128xf32, #tpu.memory_space<vmem_shared>>
      tpu.enqueue_dma source(%arg8 : memref<128x128xf32, #tpu.memory_space<vmem>>) target(%dma_start3A_171 : memref<128x128xf32, #tpu.memory_space<vmem_shared>>) target_semaphore(%run_scoped3A_167 : memref<!tpu.dma_semaphore, #tpu.memory_space<semaphore_mem>>)
      %dma_wait3A = arith.constant 0 : i32
      %dma_wait3A_172 = tpu.memref_slice %arg10[%add3A_8, %dma_wait3A] : memref<10240x128xf32, #tpu.memory_space<vmem_shared>> -> memref<128x128xf32, #tpu.memory_space<vmem_shared>>
      %dma_wait3A_173 = arith.constant 0 : i32
      %dma_wait3A_174 = tpu.memref_slice %arg10[%add3A_8, %dma_wait3A_173] : memref<10240x128xf32, #tpu.memory_space<vmem_shared>> -> memref<128x128xf32, #tpu.memory_space<vmem_shared>>
      tpu.wait_dma2 semaphore(%run_scoped3A_167 : memref<!tpu.dma_semaphore, #tpu.memory_space<semaphore_mem>>) src(%arg8 : memref<128x128xf32, #tpu.memory_space<vmem>>) dst(%dma_wait3A_174 : memref<128x128xf32, #tpu.memory_space<vmem_shared>>)
      tpu.yield
    }) : () -> ()
    %mul3A_9 = arith.constant 640 : i32
    %mul3A_10 = arith.muli %arg1, %mul3A_9 : i32
    %add3A_11 = arith.constant 128 : i32
    %add3A_12 = arith.addi %mul3A_10, %add3A_11 : i32
    "tpu.region"() ({
      %run_scoped3A_167 = tpu.sem_alloc : memref<!tpu.dma_semaphore, #tpu.memory_space<semaphore_mem>>
      %dma_start3A_168 = arith.constant 0 : i32
      %dma_start3A_169 = tpu.memref_slice %arg10[%add3A_12, %dma_start3A_168] : memref<10240x128xf32, #tpu.memory_space<vmem_shared>> -> memref<128x128xf32, #tpu.memory_space<vmem_shared>>
      %dma_start3A_170 = arith.constant 0 : i32
      %dma_start3A_171 = tpu.memref_slice %arg10[%add3A_12, %dma_start3A_170] : memref<10240x128xf32, #tpu.memory_space<vmem_shared>> -> memref<128x128xf32, #tpu.memory_space<vmem_shared>>
      tpu.enqueue_dma source(%arg8 : memref<128x128xf32, #tpu.memory_space<vmem>>) target(%dma_start3A_171 : memref<128x128xf32, #tpu.memory_space<vmem_shared>>) target_semaphore(%run_scoped3A_167 : memref<!tpu.dma_semaphore, #tpu.memory_space<semaphore_mem>>)
      %dma_wait3A = arith.constant 0 : i32
      %dma_wait3A_172 = tpu.memref_slice %arg10[%add3A_12, %dma_wait3A] : memref<10240x128xf32, #tpu.memory_space<vmem_shared>> -> memref<128x128xf32, #tpu.memory_space<vmem_shared>>
      %dma_wait3A_173 = arith.constant 0 : i32
      %dma_wait3A_174 = tpu.memref_slice %arg10[%add3A_12, %dma_wait3A_173] : memref<10240x128xf32, #tpu.memory_space<vmem_shared>> -> memref<128x128xf32, #tpu.memory_space<vmem_shared>>
      tpu.wait_dma2 semaphore(%run_scoped3A_167 : memref<!tpu.dma_semaphore, #tpu.memory_space<semaphore_mem>>) src(%arg8 : memref<128x128xf32, #tpu.memory_space<vmem>>) dst(%dma_wait3A_174 : memref<128x128xf32, #tpu.memory_space<vmem_shared>>)
      tpu.yield
    }) : () -> ()
    %mul3A_13 = arith.constant 640 : i32
    %mul3A_14 = arith.muli %arg1, %mul3A_13 : i32
    %add3A_15 = arith.constant 256 : i32
    %add3A_16 = arith.addi %mul3A_14, %add3A_15 : i32
    "tpu.region"() ({
      %run_scoped3A_167 = tpu.sem_alloc : memref<!tpu.dma_semaphore, #tpu.memory_space<semaphore_mem>>
      %dma_start3A_168 = arith.constant 0 : i32
      %dma_start3A_169 = tpu.memref_slice %arg10[%add3A_16, %dma_start3A_168] : memref<10240x128xf32, #tpu.memory_space<vmem_shared>> -> memref<128x128xf32, #tpu.memory_space<vmem_shared>>
      %dma_start3A_170 = arith.constant 0 : i32
      %dma_start3A_171 = tpu.memref_slice %arg10[%add3A_16, %dma_start3A_170] : memref<10240x128xf32, #tpu.memory_space<vmem_shared>> -> memref<128x128xf32, #tpu.memory_space<vmem_shared>>
      tpu.enqueue_dma source(%arg8 : memref<128x128xf32, #tpu.memory_space<vmem>>) target(%dma_start3A_171 : memref<128x128xf32, #tpu.memory_space<vmem_shared>>) target_semaphore(%run_scoped3A_167 : memref<!tpu.dma_semaphore, #tpu.memory_space<semaphore_mem>>)
      %dma_wait3A = arith.constant 0 : i32
      %dma_wait3A_172 = tpu.memref_slice %arg10[%add3A_16, %dma_wait3A] : memref<10240x128xf32, #tpu.memory_space<vmem_shared>> -> memref<128x128xf32, #tpu.memory_space<vmem_shared>>
      %dma_wait3A_173 = arith.constant 0 : i32
      %dma_wait3A_174 = tpu.memref_slice %arg10[%add3A_16, %dma_wait3A_173] : memref<10240x128xf32, #tpu.memory_space<vmem_shared>> -> memref<128x128xf32, #tpu.memory_space<vmem_shared>>
      tpu.wait_dma2 semaphore(%run_scoped3A_167 : memref<!tpu.dma_semaphore, #tpu.memory_space<semaphore_mem>>) src(%arg8 : memref<128x128xf32, #tpu.memory_space<vmem>>) dst(%dma_wait3A_174 : memref<128x128xf32, #tpu.memory_space<vmem_shared>>)
      tpu.yield
    }) : () -> ()
    %mul3A_17 = arith.constant 640 : i32
    %mul3A_18 = arith.muli %arg1, %mul3A_17 : i32
    %add3A_19 = arith.constant 384 : i32
    %add3A_20 = arith.addi %mul3A_18, %add3A_19 : i32
    "tpu.region"() ({
      %run_scoped3A_167 = tpu.sem_alloc : memref<!tpu.dma_semaphore, #tpu.memory_space<semaphore_mem>>
      %dma_start3A_168 = arith.constant 0 : i32
      %dma_start3A_169 = tpu.memref_slice %arg10[%add3A_20, %dma_start3A_168] : memref<10240x128xf32, #tpu.memory_space<vmem_shared>> -> memref<128x128xf32, #tpu.memory_space<vmem_shared>>
      %dma_start3A_170 = arith.constant 0 : i32
      %dma_start3A_171 = tpu.memref_slice %arg10[%add3A_20, %dma_start3A_170] : memref<10240x128xf32, #tpu.memory_space<vmem_shared>> -> memref<128x128xf32, #tpu.memory_space<vmem_shared>>
      tpu.enqueue_dma source(%arg8 : memref<128x128xf32, #tpu.memory_space<vmem>>) target(%dma_start3A_171 : memref<128x128xf32, #tpu.memory_space<vmem_shared>>) target_semaphore(%run_scoped3A_167 : memref<!tpu.dma_semaphore, #tpu.memory_space<semaphore_mem>>)
      %dma_wait3A = arith.constant 0 : i32
      %dma_wait3A_172 = tpu.memref_slice %arg10[%add3A_20, %dma_wait3A] : memref<10240x128xf32, #tpu.memory_space<vmem_shared>> -> memref<128x128xf32, #tpu.memory_space<vmem_shared>>
      %dma_wait3A_173 = arith.constant 0 : i32
      %dma_wait3A_174 = tpu.memref_slice %arg10[%add3A_20, %dma_wait3A_173] : memref<10240x128xf32, #tpu.memory_space<vmem_shared>> -> memref<128x128xf32, #tpu.memory_space<vmem_shared>>
      tpu.wait_dma2 semaphore(%run_scoped3A_167 : memref<!tpu.dma_semaphore, #tpu.memory_space<semaphore_mem>>) src(%arg8 : memref<128x128xf32, #tpu.memory_space<vmem>>) dst(%dma_wait3A_174 : memref<128x128xf32, #tpu.memory_space<vmem_shared>>)
      tpu.yield
    }) : () -> ()
    %mul3A_21 = arith.constant 640 : i32
    %mul3A_22 = arith.muli %arg1, %mul3A_21 : i32
    %add3A_23 = arith.constant 512 : i32
    %add3A_24 = arith.addi %mul3A_22, %add3A_23 : i32
    "tpu.region"() ({
      %run_scoped3A_167 = tpu.sem_alloc : memref<!tpu.dma_semaphore, #tpu.memory_space<semaphore_mem>>
      %dma_start3A_168 = arith.constant 0 : i32
      %dma_start3A_169 = tpu.memref_slice %arg10[%add3A_24, %dma_start3A_168] : memref<10240x128xf32, #tpu.memory_space<vmem_shared>> -> memref<128x128xf32, #tpu.memory_space<vmem_shared>>
      %dma_start3A_170 = arith.constant 0 : i32
      %dma_start3A_171 = tpu.memref_slice %arg10[%add3A_24, %dma_start3A_170] : memref<10240x128xf32, #tpu.memory_space<vmem_shared>> -> memref<128x128xf32, #tpu.memory_space<vmem_shared>>
      tpu.enqueue_dma source(%arg8 : memref<128x128xf32, #tpu.memory_space<vmem>>) target(%dma_start3A_171 : memref<128x128xf32, #tpu.memory_space<vmem_shared>>) target_semaphore(%run_scoped3A_167 : memref<!tpu.dma_semaphore, #tpu.memory_space<semaphore_mem>>)
      %dma_wait3A = arith.constant 0 : i32
      %dma_wait3A_172 = tpu.memref_slice %arg10[%add3A_24, %dma_wait3A] : memref<10240x128xf32, #tpu.memory_space<vmem_shared>> -> memref<128x128xf32, #tpu.memory_space<vmem_shared>>
      %dma_wait3A_173 = arith.constant 0 : i32
      %dma_wait3A_174 = tpu.memref_slice %arg10[%add3A_24, %dma_wait3A_173] : memref<10240x128xf32, #tpu.memory_space<vmem_shared>> -> memref<128x128xf32, #tpu.memory_space<vmem_shared>>
      tpu.wait_dma2 semaphore(%run_scoped3A_167 : memref<!tpu.dma_semaphore, #tpu.memory_space<semaphore_mem>>) src(%arg8 : memref<128x128xf32, #tpu.memory_space<vmem>>) dst(%dma_wait3A_174 : memref<128x128xf32, #tpu.memory_space<vmem_shared>>)
      tpu.yield
    }) : () -> ()
    %barrier3A = arith.constant 0 : index
    tpu.barrier barrier_id(%barrier3A)
    %broadcast_in_dim3A_25 = arith.constant 0 : i32
    %broadcast_in_dim3A_26 = vector.broadcast %broadcast_in_dim3A_25 : i32 to vector<16xi32>
    %mul3A_27 = arith.constant 10240 : i32
    %mul3A_28 = arith.muli %arg0, %mul3A_27 : i32
    %add3A_29 = vector.broadcast %mul3A_28 : i32 to vector<16xi32>
    %add3A_30 = arith.addi %broadcast_in_dim3A_26, %add3A_29 : vector<16xi32>
    %run_scoped3A = arith.constant 0 : i32
    "tpu.region"() ({
      %run_scoped3A_167 = tpu.sem_alloc : memref<!tpu.dma_semaphore, #tpu.memory_space<semaphore_mem>>
      %dma_start3A_168 = arith.constant 0 : i32
      %dma_start3A_169 = arith.constant 0 : i32
      %dma_start3A_170 = tpu.memref_slice %arg3[%arg1, %run_scoped3A, %dma_start3A_168, %dma_start3A_169] : memref<16x5x16x128xi32, #tpu.memory_space<hbm>> -> memref<1x1x16x128xi32, #tpu.memory_space<hbm>>
      %dma_start3A_171 = tpu.memref_squeeze %dma_start3A_170 : memref<1x1x16x128xi32, #tpu.memory_space<hbm>> -> memref<16x128xi32, #tpu.memory_space<hbm>>
      %dma_start3A_172 = arith.constant 0 : i32
      %dma_start3A_173 = arith.constant 0 : i32
      %dma_start3A_174 = tpu.memref_slice %arg3[%arg1, %run_scoped3A, %dma_start3A_172, %dma_start3A_173] : memref<16x5x16x128xi32, #tpu.memory_space<hbm>> -> memref<1x1x16x128xi32, #tpu.memory_space<hbm>>
      %dma_start3A_175 = tpu.memref_squeeze %dma_start3A_174 : memref<1x1x16x128xi32, #tpu.memory_space<hbm>> -> memref<16x128xi32, #tpu.memory_space<hbm>>
      tpu.enqueue_dma source(%dma_start3A_175 : memref<16x128xi32, #tpu.memory_space<hbm>>) target(%arg6 : memref<16x128xi32, #tpu.memory_space<vmem>>) target_semaphore(%run_scoped3A_167 : memref<!tpu.dma_semaphore, #tpu.memory_space<semaphore_mem>>)
      %dma_wait3A = arith.constant 0 : i32
      %dma_wait3A_176 = arith.constant 0 : i32
      %dma_wait3A_177 = tpu.memref_slice %arg3[%arg1, %run_scoped3A, %dma_wait3A, %dma_wait3A_176] : memref<16x5x16x128xi32, #tpu.memory_space<hbm>> -> memref<1x1x16x128xi32, #tpu.memory_space<hbm>>
      %dma_wait3A_178 = tpu.memref_squeeze %dma_wait3A_177 : memref<1x1x16x128xi32, #tpu.memory_space<hbm>> -> memref<16x128xi32, #tpu.memory_space<hbm>>
      %dma_wait3A_179 = arith.constant 0 : i32
      %dma_wait3A_180 = arith.constant 0 : i32
      %dma_wait3A_181 = tpu.memref_slice %arg3[%arg1, %run_scoped3A, %dma_wait3A_179, %dma_wait3A_180] : memref<16x5x16x128xi32, #tpu.memory_space<hbm>> -> memref<1x1x16x128xi32, #tpu.memory_space<hbm>>
      %dma_wait3A_182 = tpu.memref_squeeze %dma_wait3A_181 : memref<1x1x16x128xi32, #tpu.memory_space<hbm>> -> memref<16x128xi32, #tpu.memory_space<hbm>>
      tpu.wait_dma2 semaphore(%run_scoped3A_167 : memref<!tpu.dma_semaphore, #tpu.memory_space<semaphore_mem>>) src(%dma_wait3A_182 : memref<16x128xi32, #tpu.memory_space<hbm>>) dst(%arg6 : memref<16x128xi32, #tpu.memory_space<vmem>>)
      tpu.yield
    }) : () -> ()
    %run_scoped3A_31 = arith.constant 0 : i32
    "tpu.region"() ({
      %run_scoped3A_167 = tpu.sem_alloc : memref<!tpu.dma_semaphore, #tpu.memory_space<semaphore_mem>>
      %dma_start3A_168 = arith.constant 0 : i32
      %dma_start3A_169 = arith.constant 0 : i32
      %dma_start3A_170 = tpu.memref_slice %arg4[%arg1, %run_scoped3A_31, %dma_start3A_168, %dma_start3A_169] : memref<16x5x16x128xi32, #tpu.memory_space<hbm>> -> memref<1x1x16x128xi32, #tpu.memory_space<hbm>>
      %dma_start3A_171 = tpu.memref_squeeze %dma_start3A_170 : memref<1x1x16x128xi32, #tpu.memory_space<hbm>> -> memref<16x128xi32, #tpu.memory_space<hbm>>
      %dma_start3A_172 = arith.constant 0 : i32
      %dma_start3A_173 = arith.constant 0 : i32
      %dma_start3A_174 = tpu.memref_slice %arg4[%arg1, %run_scoped3A_31, %dma_start3A_172, %dma_start3A_173] : memref<16x5x16x128xi32, #tpu.memory_space<hbm>> -> memref<1x1x16x128xi32, #tpu.memory_space<hbm>>
      %dma_start3A_175 = tpu.memref_squeeze %dma_start3A_174 : memref<1x1x16x128xi32, #tpu.memory_space<hbm>> -> memref<16x128xi32, #tpu.memory_space<hbm>>
      tpu.enqueue_dma source(%dma_start3A_175 : memref<16x128xi32, #tpu.memory_space<hbm>>) target(%arg7 : memref<16x128xi32, #tpu.memory_space<vmem>>) target_semaphore(%run_scoped3A_167 : memref<!tpu.dma_semaphore, #tpu.memory_space<semaphore_mem>>)
      %dma_wait3A = arith.constant 0 : i32
      %dma_wait3A_176 = arith.constant 0 : i32
      %dma_wait3A_177 = tpu.memref_slice %arg4[%arg1, %run_scoped3A_31, %dma_wait3A, %dma_wait3A_176] : memref<16x5x16x128xi32, #tpu.memory_space<hbm>> -> memref<1x1x16x128xi32, #tpu.memory_space<hbm>>
      %dma_wait3A_178 = tpu.memref_squeeze %dma_wait3A_177 : memref<1x1x16x128xi32, #tpu.memory_space<hbm>> -> memref<16x128xi32, #tpu.memory_space<hbm>>
      %dma_wait3A_179 = arith.constant 0 : i32
      %dma_wait3A_180 = arith.constant 0 : i32
      %dma_wait3A_181 = tpu.memref_slice %arg4[%arg1, %run_scoped3A_31, %dma_wait3A_179, %dma_wait3A_180] : memref<16x5x16x128xi32, #tpu.memory_space<hbm>> -> memref<1x1x16x128xi32, #tpu.memory_space<hbm>>
      %dma_wait3A_182 = tpu.memref_squeeze %dma_wait3A_181 : memref<1x1x16x128xi32, #tpu.memory_space<hbm>> -> memref<16x128xi32, #tpu.memory_space<hbm>>
      tpu.wait_dma2 semaphore(%run_scoped3A_167 : memref<!tpu.dma_semaphore, #tpu.memory_space<semaphore_mem>>) src(%dma_wait3A_182 : memref<16x128xi32, #tpu.memory_space<hbm>>) dst(%arg7 : memref<16x128xi32, #tpu.memory_space<vmem>>)
      tpu.yield
    }) : () -> ()
    %scan3A_32 = arith.constant 0 : i32
    %scan3A_33 = arith.constant 0 : i32
    %scan3A_34 = arith.constant 16 : i32
    %scan3A_35 = arith.addi %scan3A_33, %scan3A_34 : i32
    %scan3A_36 = arith.constant 1 : i32
    %scan3A_37 = scf.for %scan3A_167 = %scan3A_33 to %scan3A_35 step %scan3A_36 iter_args(%scan3A_168 = %scan3A_32) -> (i32)  : i32 {
      %scan3A_169 = arith.constant 0 : i32
      %scan3A_170 = arith.constant 0 : i32
      %scan3A_171 = arith.constant 8 : i32
      %scan3A_172 = arith.addi %scan3A_170, %scan3A_171 : i32
      %scan3A_173 = arith.constant 1 : i32
      %scan3A_174 = scf.for %scan3A_177 = %scan3A_170 to %scan3A_172 step %scan3A_173 iter_args(%scan3A_178 = %scan3A_169) -> (i32)  : i32 {
        %mul3A_179 = arith.constant 16 : i32
        %mul3A_180 = arith.muli %scan3A_177, %mul3A_179 : i32
        %get3A = arith.index_cast %scan3A_167 : i32 to index
        %get3A_181 = arith.index_cast %mul3A_180 : i32 to index
        %get3A_182 = tpu.vector_load %arg6[%get3A, %get3A_181] {strides = array<i32>} : memref<16x128xi32, #tpu.memory_space<vmem>>, vector<16xi32>,
        %add3A_183 = arith.addi %get3A_182, %add3A_30 : vector<16xi32>
        %mul3A_184 = arith.constant 16 : i32
        %mul3A_185 = arith.muli %scan3A_177, %mul3A_184 : i32
        %swap3A = arith.index_cast %scan3A_167 : i32 to index
        %swap3A_186 = arith.index_cast %mul3A_185 : i32 to index
        %swap3A_187 = tpu.vector_load %arg6[%swap3A, %swap3A_186] {strides = array<i32>} : memref<16x128xi32, #tpu.memory_space<vmem>>, vector<16xi32>,
        tpu.vector_store %arg6[%swap3A, %swap3A_186], %add3A_183 {strides = array<i32>} : memref<16x128xi32, #tpu.memory_space<vmem>>, vector<16xi32>,
        %scan3A_188 = arith.constant 0 : i32
        scf.yield %scan3A_188 : i32
      }
      %scan3A_175 = arith.constant 8 : i32
      %scan3A_176 = arith.constant 0 : i32
      scf.yield %scan3A_176 : i32
    }
    %scan3A_38 = arith.constant 16 : i32
    %dma_start3A = arith.constant 0 : i32
    %dma_start3A_39 = arith.constant 0 : i32
    %dma_start3A_40 = arith.constant 0 : i32
    %dma_start3A_41 = tpu.memref_slice %arg6[%dma_start3A, %dma_start3A_40] : memref<16x128xi32, #tpu.memory_space<vmem>> -> memref<1x128xi32, #tpu.memory_space<vmem>>
    %dma_start3A_42 = tpu.memref_squeeze %dma_start3A_41 : memref<1x128xi32, #tpu.memory_space<vmem>> -> memref<128xi32, #tpu.memory_space<vmem>>
    %dma_start3A_43 = arith.constant 0 : i32
    %dma_start3A_44 = arith.constant 0 : i32
    %dma_start3A_45 = tpu.memref_slice %arg2[%dma_start3A_43, %dma_start3A_44] : memref<20480x128xf32, #tpu.memory_space<hbm>> -> memref<20480x128xf32, #tpu.memory_space<hbm>>
    %dma_start3A_46 = tpu.memref_slice %arg11[%dma_start3A_39] : memref<2x!tpu.dma_semaphore, #tpu.memory_space<semaphore_mem>> -> memref<1x!tpu.dma_semaphore, #tpu.memory_space<semaphore_mem>>
    %dma_start3A_47 = tpu.memref_squeeze %dma_start3A_46 : memref<1x!tpu.dma_semaphore, #tpu.memory_space<semaphore_mem>> -> memref<!tpu.dma_semaphore, #tpu.memory_space<semaphore_mem>>
    tpu.enqueue_indirect_dma source(%dma_start3A_45 : memref<20480x128xf32, #tpu.memory_space<hbm>>) target(%arg8 : memref<128x128xf32, #tpu.memory_space<vmem>>) offsets(%dma_start3A_42 : memref<128xi32, #tpu.memory_space<vmem>>) semaphore(%dma_start3A_47 : memref<!tpu.dma_semaphore, #tpu.memory_space<semaphore_mem>>)
    %scan3A_48 = arith.constant 1 : i32
    %scan3A_49 = arith.constant 0 : i32
    %scan3A_50 = arith.constant 0 : i32
    %scan3A_51 = arith.constant 8 : i32
    %scan3A_52 = arith.addi %scan3A_50, %scan3A_51 : i32
    %scan3A_53 = arith.constant 1 : i32
    scf.for %scan3A_167 = %scan3A_50 to %scan3A_52 step %scan3A_53  : i32 {
      %mul3A_168 = arith.constant 2 : i32
      %mul3A_169 = arith.muli %scan3A_167, %mul3A_168 : i32
      %add3A_170 = arith.constant 0 : i32
      %add3A_171 = arith.addi %add3A_170, %mul3A_169 : i32
      %add3A_172 = arith.constant 0 : i32
      %add3A_173 = arith.addi %add3A_171, %add3A_172 : i32
      %add3A_174 = arith.constant 1 : i32
      %add3A_175 = arith.addi %add3A_173, %add3A_174 : i32
      %lt3A = arith.constant 16 : i32
      %lt3A_176 = arith.cmpi slt, %add3A_175, %lt3A : i32
      %convert_element_type3A = arith.extui %lt3A_176 : i1 to i32
      %cond3A = arith.constant 0 : i32
      %cond3A_177 = arith.cmpi ne, %convert_element_type3A, %cond3A : i32
      scf.if %cond3A_177 {
        %dma_start3A_210 = arith.constant 0 : i32
        %dma_start3A_211 = tpu.memref_slice %arg6[%add3A_175, %dma_start3A_210] : memref<16x128xi32, #tpu.memory_space<vmem>> -> memref<1x128xi32, #tpu.memory_space<vmem>>
        %dma_start3A_212 = tpu.memref_squeeze %dma_start3A_211 : memref<1x128xi32, #tpu.memory_space<vmem>> -> memref<128xi32, #tpu.memory_space<vmem>>
        %dma_start3A_213 = arith.constant 0 : i32
        %dma_start3A_214 = arith.constant 0 : i32
        %dma_start3A_215 = tpu.memref_slice %arg2[%dma_start3A_213, %dma_start3A_214] : memref<20480x128xf32, #tpu.memory_space<hbm>> -> memref<20480x128xf32, #tpu.memory_space<hbm>>
        %dma_start3A_216 = tpu.memref_slice %arg11[%scan3A_48] : memref<2x!tpu.dma_semaphore, #tpu.memory_space<semaphore_mem>> -> memref<1x!tpu.dma_semaphore, #tpu.memory_space<semaphore_mem>>
        %dma_start3A_217 = tpu.memref_squeeze %dma_start3A_216 : memref<1x!tpu.dma_semaphore, #tpu.memory_space<semaphore_mem>> -> memref<!tpu.dma_semaphore, #tpu.memory_space<semaphore_mem>>
        tpu.enqueue_indirect_dma source(%dma_start3A_215 : memref<20480x128xf32, #tpu.memory_space<hbm>>) target(%arg9 : memref<128x128xf32, #tpu.memory_space<vmem>>) offsets(%dma_start3A_212 : memref<128xi32, #tpu.memory_space<vmem>>) semaphore(%dma_start3A_217 : memref<!tpu.dma_semaphore, #tpu.memory_space<semaphore_mem>>)
      } else {
      }
      %add3A_178 = arith.constant 0 : i32
      %add3A_179 = arith.addi %add3A_171, %add3A_178 : i32
      %dma_wait3A = arith.constant 0 : i32
      %dma_wait3A_180 = tpu.memref_slice %arg6[%add3A_179, %dma_wait3A] : memref<16x128xi32, #tpu.memory_space<vmem>> -> memref<1x128xi32, #tpu.memory_space<vmem>>
      %dma_wait3A_181 = tpu.memref_squeeze %dma_wait3A_180 : memref<1x128xi32, #tpu.memory_space<vmem>> -> memref<128xi32, #tpu.memory_space<vmem>>
      %dma_wait3A_182 = arith.constant 0 : i32
      %dma_wait3A_183 = arith.constant 0 : i32
      %dma_wait3A_184 = tpu.memref_slice %arg2[%dma_wait3A_182, %dma_wait3A_183] : memref<20480x128xf32, #tpu.memory_space<hbm>> -> memref<20480x128xf32, #tpu.memory_space<hbm>>
      %dma_wait3A_185 = tpu.memref_slice %arg11[%scan3A_49] : memref<2x!tpu.dma_semaphore, #tpu.memory_space<semaphore_mem>> -> memref<1x!tpu.dma_semaphore, #tpu.memory_space<semaphore_mem>>
      %dma_wait3A_186 = tpu.memref_squeeze %dma_wait3A_185 : memref<1x!tpu.dma_semaphore, #tpu.memory_space<semaphore_mem>> -> memref<!tpu.dma_semaphore, #tpu.memory_space<semaphore_mem>>
      tpu.wait_indirect_dma semaphore(%dma_wait3A_186 : memref<!tpu.dma_semaphore, #tpu.memory_space<semaphore_mem>>) src(%dma_wait3A_184 : memref<20480x128xf32, #tpu.memory_space<hbm>>) dst(%arg8 : memref<128x128xf32, #tpu.memory_space<vmem>>)
      %add3A_187 = arith.constant 0 : i32
      %add3A_188 = arith.addi %add3A_171, %add3A_187 : i32
      "tpu.region"() ({
        %run_scoped3A_210 = tpu.sem_alloc : memref<!tpu.dma_semaphore, #tpu.memory_space<semaphore_mem>>
        %dma_start3A_211 = arith.constant 0 : i32
        %dma_start3A_212 = tpu.memref_slice %arg7[%add3A_188, %dma_start3A_211] : memref<16x128xi32, #tpu.memory_space<vmem>> -> memref<1x128xi32, #tpu.memory_space<vmem>>
        %dma_start3A_213 = tpu.memref_squeeze %dma_start3A_212 : memref<1x128xi32, #tpu.memory_space<vmem>> -> memref<128xi32, #tpu.memory_space<vmem>>
        %dma_start3A_214 = arith.constant 0 : i32
        %dma_start3A_215 = arith.constant 0 : i32
        %dma_start3A_216 = tpu.memref_slice %arg10[%dma_start3A_214, %dma_start3A_215] : memref<10240x128xf32, #tpu.memory_space<vmem_shared>> -> memref<10240x128xf32, #tpu.memory_space<vmem_shared>>
        tpu.enqueue_indirect_dma source(%arg8 : memref<128x128xf32, #tpu.memory_space<vmem>>) target(%dma_start3A_216 : memref<10240x128xf32, #tpu.memory_space<vmem_shared>>) offsets(%dma_start3A_213 : memref<128xi32, #tpu.memory_space<vmem>>) semaphore(%run_scoped3A_210 : memref<!tpu.dma_semaphore, #tpu.memory_space<semaphore_mem>>) {add = true}
        %dma_wait3A_217 = arith.constant 0 : i32
        %dma_wait3A_218 = tpu.memref_slice %arg7[%add3A_188, %dma_wait3A_217] : memref<16x128xi32, #tpu.memory_space<vmem>> -> memref<1x128xi32, #tpu.memory_space<vmem>>
        %dma_wait3A_219 = tpu.memref_squeeze %dma_wait3A_218 : memref<1x128xi32, #tpu.memory_space<vmem>> -> memref<128xi32, #tpu.memory_space<vmem>>
        %dma_wait3A_220 = arith.constant 0 : i32
        %dma_wait3A_221 = arith.constant 0 : i32
        %dma_wait3A_222 = tpu.memref_slice %arg10[%dma_wait3A_220, %dma_wait3A_221] : memref<10240x128xf32, #tpu.memory_space<vmem_shared>> -> memref<10240x128xf32, #tpu.memory_space<vmem_shared>>
        tpu.wait_indirect_dma semaphore(%run_scoped3A_210 : memref<!tpu.dma_semaphore, #tpu.memory_space<semaphore_mem>>) src(%arg8 : memref<128x128xf32, #tpu.memory_space<vmem>>) dst(%dma_wait3A_222 : memref<10240x128xf32, #tpu.memory_space<vmem_shared>>)
        tpu.yield
      }) : () -> ()
      %add3A_189 = arith.constant 1 : i32
      %add3A_190 = arith.addi %add3A_171, %add3A_189 : i32
      %add3A_191 = arith.constant 1 : i32
      %add3A_192 = arith.addi %add3A_190, %add3A_191 : i32
      %lt3A_193 = arith.constant 16 : i32
      %lt3A_194 = arith.cmpi slt, %add3A_192, %lt3A_193 : i32
      %convert_element_type3A_195 = arith.extui %lt3A_194 : i1 to i32
      %cond3A_196 = arith.constant 0 : i32
      %cond3A_197 = arith.cmpi ne, %convert_element_type3A_195, %cond3A_196 : i32
      scf.if %cond3A_197 {
        %dma_start3A_210 = arith.constant 0 : i32
        %dma_start3A_211 = tpu.memref_slice %arg6[%add3A_192, %dma_start3A_210] : memref<16x128xi32, #tpu.memory_space<vmem>> -> memref<1x128xi32, #tpu.memory_space<vmem>>
        %dma_start3A_212 = tpu.memref_squeeze %dma_start3A_211 : memref<1x128xi32, #tpu.memory_space<vmem>> -> memref<128xi32, #tpu.memory_space<vmem>>
        %dma_start3A_213 = arith.constant 0 : i32
        %dma_start3A_214 = arith.constant 0 : i32
        %dma_start3A_215 = tpu.memref_slice %arg2[%dma_start3A_213, %dma_start3A_214] : memref<20480x128xf32, #tpu.memory_space<hbm>> -> memref<20480x128xf32, #tpu.memory_space<hbm>>
        %dma_start3A_216 = tpu.memref_slice %arg11[%scan3A_49] : memref<2x!tpu.dma_semaphore, #tpu.memory_space<semaphore_mem>> -> memref<1x!tpu.dma_semaphore, #tpu.memory_space<semaphore_mem>>
        %dma_start3A_217 = tpu.memref_squeeze %dma_start3A_216 : memref<1x!tpu.dma_semaphore, #tpu.memory_space<semaphore_mem>> -> memref<!tpu.dma_semaphore, #tpu.memory_space<semaphore_mem>>
        tpu.enqueue_indirect_dma source(%dma_start3A_215 : memref<20480x128xf32, #tpu.memory_space<hbm>>) target(%arg8 : memref<128x128xf32, #tpu.memory_space<vmem>>) offsets(%dma_start3A_212 : memref<128xi32, #tpu.memory_space<vmem>>) semaphore(%dma_start3A_217 : memref<!tpu.dma_semaphore, #tpu.memory_space<semaphore_mem>>)
      } else {
      }
      %add3A_198 = arith.constant 1 : i32
      %add3A_199 = arith.addi %add3A_171, %add3A_198 : i32
      %dma_wait3A_200 = arith.constant 0 : i32
      %dma_wait3A_201 = tpu.memref_slice %arg6[%add3A_199, %dma_wait3A_200] : memref<16x128xi32, #tpu.memory_space<vmem>> -> memref<1x128xi32, #tpu.memory_space<vmem>>
      %dma_wait3A_202 = tpu.memref_squeeze %dma_wait3A_201 : memref<1x128xi32, #tpu.memory_space<vmem>> -> memref<128xi32, #tpu.memory_space<vmem>>
      %dma_wait3A_203 = arith.constant 0 : i32
      %dma_wait3A_204 = arith.constant 0 : i32
      %dma_wait3A_205 = tpu.memref_slice %arg2[%dma_wait3A_203, %dma_wait3A_204] : memref<20480x128xf32, #tpu.memory_space<hbm>> -> memref<20480x128xf32, #tpu.memory_space<hbm>>
      %dma_wait3A_206 = tpu.memref_slice %arg11[%scan3A_48] : memref<2x!tpu.dma_semaphore, #tpu.memory_space<semaphore_mem>> -> memref<1x!tpu.dma_semaphore, #tpu.memory_space<semaphore_mem>>
      %dma_wait3A_207 = tpu.memref_squeeze %dma_wait3A_206 : memref<1x!tpu.dma_semaphore, #tpu.memory_space<semaphore_mem>> -> memref<!tpu.dma_semaphore, #tpu.memory_space<semaphore_mem>>
      tpu.wait_indirect_dma semaphore(%dma_wait3A_207 : memref<!tpu.dma_semaphore, #tpu.memory_space<semaphore_mem>>) src(%dma_wait3A_205 : memref<20480x128xf32, #tpu.memory_space<hbm>>) dst(%arg9 : memref<128x128xf32, #tpu.memory_space<vmem>>)
      %add3A_208 = arith.constant 1 : i32
      %add3A_209 = arith.addi %add3A_171, %add3A_208 : i32
      "tpu.region"() ({
        %run_scoped3A_210 = tpu.sem_alloc : memref<!tpu.dma_semaphore, #tpu.memory_space<semaphore_mem>>
        %dma_start3A_211 = arith.constant 0 : i32
        %dma_start3A_212 = tpu.memref_slice %arg7[%add3A_209, %dma_start3A_211] : memref<16x128xi32, #tpu.memory_space<vmem>> -> memref<1x128xi32, #tpu.memory_space<vmem>>
        %dma_start3A_213 = tpu.memref_squeeze %dma_start3A_212 : memref<1x128xi32, #tpu.memory_space<vmem>> -> memref<128xi32, #tpu.memory_space<vmem>>
        %dma_start3A_214 = arith.constant 0 : i32
        %dma_start3A_215 = arith.constant 0 : i32
        %dma_start3A_216 = tpu.memref_slice %arg10[%dma_start3A_214, %dma_start3A_215] : memref<10240x128xf32, #tpu.memory_space<vmem_shared>> -> memref<10240x128xf32, #tpu.memory_space<vmem_shared>>
        tpu.enqueue_indirect_dma source(%arg9 : memref<128x128xf32, #tpu.memory_space<vmem>>) target(%dma_start3A_216 : memref<10240x128xf32, #tpu.memory_space<vmem_shared>>) offsets(%dma_start3A_213 : memref<128xi32, #tpu.memory_space<vmem>>) semaphore(%run_scoped3A_210 : memref<!tpu.dma_semaphore, #tpu.memory_space<semaphore_mem>>) {add = true}
        %dma_wait3A_217 = arith.constant 0 : i32
        %dma_wait3A_218 = tpu.memref_slice %arg7[%add3A_209, %dma_wait3A_217] : memref<16x128xi32, #tpu.memory_space<vmem>> -> memref<1x128xi32, #tpu.memory_space<vmem>>
        %dma_wait3A_219 = tpu.memref_squeeze %dma_wait3A_218 : memref<1x128xi32, #tpu.memory_space<vmem>> -> memref<128xi32, #tpu.memory_space<vmem>>
        %dma_wait3A_220 = arith.constant 0 : i32
        %dma_wait3A_221 = arith.constant 0 : i32
        %dma_wait3A_222 = tpu.memref_slice %arg10[%dma_wait3A_220, %dma_wait3A_221] : memref<10240x128xf32, #tpu.memory_space<vmem_shared>> -> memref<10240x128xf32, #tpu.memory_space<vmem_shared>>
        tpu.wait_indirect_dma semaphore(%run_scoped3A_210 : memref<!tpu.dma_semaphore, #tpu.memory_space<semaphore_mem>>) src(%arg9 : memref<128x128xf32, #tpu.memory_space<vmem>>) dst(%dma_wait3A_222 : memref<10240x128xf32, #tpu.memory_space<vmem_shared>>)
        tpu.yield
      }) : () -> ()
    }
    %scan3A_54 = arith.constant 8 : i32
    %run_scoped3A_55 = arith.constant 1 : i32
    "tpu.region"() ({
      %run_scoped3A_167 = tpu.sem_alloc : memref<!tpu.dma_semaphore, #tpu.memory_space<semaphore_mem>>
      %dma_start3A_168 = arith.constant 0 : i32
      %dma_start3A_169 = arith.constant 0 : i32
      %dma_start3A_170 = tpu.memref_slice %arg3[%arg1, %run_scoped3A_55, %dma_start3A_168, %dma_start3A_169] : memref<16x5x16x128xi32, #tpu.memory_space<hbm>> -> memref<1x1x16x128xi32, #tpu.memory_space<hbm>>
      %dma_start3A_171 = tpu.memref_squeeze %dma_start3A_170 : memref<1x1x16x128xi32, #tpu.memory_space<hbm>> -> memref<16x128xi32, #tpu.memory_space<hbm>>
      %dma_start3A_172 = arith.constant 0 : i32
      %dma_start3A_173 = arith.constant 0 : i32
      %dma_start3A_174 = tpu.memref_slice %arg3[%arg1, %run_scoped3A_55, %dma_start3A_172, %dma_start3A_173] : memref<16x5x16x128xi32, #tpu.memory_space<hbm>> -> memref<1x1x16x128xi32, #tpu.memory_space<hbm>>
      %dma_start3A_175 = tpu.memref_squeeze %dma_start3A_174 : memref<1x1x16x128xi32, #tpu.memory_space<hbm>> -> memref<16x128xi32, #tpu.memory_space<hbm>>
      tpu.enqueue_dma source(%dma_start3A_175 : memref<16x128xi32, #tpu.memory_space<hbm>>) target(%arg6 : memref<16x128xi32, #tpu.memory_space<vmem>>) target_semaphore(%run_scoped3A_167 : memref<!tpu.dma_semaphore, #tpu.memory_space<semaphore_mem>>)
      %dma_wait3A = arith.constant 0 : i32
      %dma_wait3A_176 = arith.constant 0 : i32
      %dma_wait3A_177 = tpu.memref_slice %arg3[%arg1, %run_scoped3A_55, %dma_wait3A, %dma_wait3A_176] : memref<16x5x16x128xi32, #tpu.memory_space<hbm>> -> memref<1x1x16x128xi32, #tpu.memory_space<hbm>>
      %dma_wait3A_178 = tpu.memref_squeeze %dma_wait3A_177 : memref<1x1x16x128xi32, #tpu.memory_space<hbm>> -> memref<16x128xi32, #tpu.memory_space<hbm>>
      %dma_wait3A_179 = arith.constant 0 : i32
      %dma_wait3A_180 = arith.constant 0 : i32
      %dma_wait3A_181 = tpu.memref_slice %arg3[%arg1, %run_scoped3A_55, %dma_wait3A_179, %dma_wait3A_180] : memref<16x5x16x128xi32, #tpu.memory_space<hbm>> -> memref<1x1x16x128xi32, #tpu.memory_space<hbm>>
      %dma_wait3A_182 = tpu.memref_squeeze %dma_wait3A_181 : memref<1x1x16x128xi32, #tpu.memory_space<hbm>> -> memref<16x128xi32, #tpu.memory_space<hbm>>
      tpu.wait_dma2 semaphore(%run_scoped3A_167 : memref<!tpu.dma_semaphore, #tpu.memory_space<semaphore_mem>>) src(%dma_wait3A_182 : memref<16x128xi32, #tpu.memory_space<hbm>>) dst(%arg6 : memref<16x128xi32, #tpu.memory_space<vmem>>)
      tpu.yield
    }) : () -> ()
    %run_scoped3A_56 = arith.constant 1 : i32
    "tpu.region"() ({
      %run_scoped3A_167 = tpu.sem_alloc : memref<!tpu.dma_semaphore, #tpu.memory_space<semaphore_mem>>
      %dma_start3A_168 = arith.constant 0 : i32
      %dma_start3A_169 = arith.constant 0 : i32
      %dma_start3A_170 = tpu.memref_slice %arg4[%arg1, %run_scoped3A_56, %dma_start3A_168, %dma_start3A_169] : memref<16x5x16x128xi32, #tpu.memory_space<hbm>> -> memref<1x1x16x128xi32, #tpu.memory_space<hbm>>
      %dma_start3A_171 = tpu.memref_squeeze %dma_start3A_170 : memref<1x1x16x128xi32, #tpu.memory_space<hbm>> -> memref<16x128xi32, #tpu.memory_space<hbm>>
      %dma_start3A_172 = arith.constant 0 : i32
      %dma_start3A_173 = arith.constant 0 : i32
      %dma_start3A_174 = tpu.memref_slice %arg4[%arg1, %run_scoped3A_56, %dma_start3A_172, %dma_start3A_173] : memref<16x5x16x128xi32, #tpu.memory_space<hbm>> -> memref<1x1x16x128xi32, #tpu.memory_space<hbm>>
      %dma_start3A_175 = tpu.memref_squeeze %dma_start3A_174 : memref<1x1x16x128xi32, #tpu.memory_space<hbm>> -> memref<16x128xi32, #tpu.memory_space<hbm>>
      tpu.enqueue_dma source(%dma_start3A_175 : memref<16x128xi32, #tpu.memory_space<hbm>>) target(%arg7 : memref<16x128xi32, #tpu.memory_space<vmem>>) target_semaphore(%run_scoped3A_167 : memref<!tpu.dma_semaphore, #tpu.memory_space<semaphore_mem>>)
      %dma_wait3A = arith.constant 0 : i32
      %dma_wait3A_176 = arith.constant 0 : i32
      %dma_wait3A_177 = tpu.memref_slice %arg4[%arg1, %run_scoped3A_56, %dma_wait3A, %dma_wait3A_176] : memref<16x5x16x128xi32, #tpu.memory_space<hbm>> -> memref<1x1x16x128xi32, #tpu.memory_space<hbm>>
      %dma_wait3A_178 = tpu.memref_squeeze %dma_wait3A_177 : memref<1x1x16x128xi32, #tpu.memory_space<hbm>> -> memref<16x128xi32, #tpu.memory_space<hbm>>
      %dma_wait3A_179 = arith.constant 0 : i32
      %dma_wait3A_180 = arith.constant 0 : i32
      %dma_wait3A_181 = tpu.memref_slice %arg4[%arg1, %run_scoped3A_56, %dma_wait3A_179, %dma_wait3A_180] : memref<16x5x16x128xi32, #tpu.memory_space<hbm>> -> memref<1x1x16x128xi32, #tpu.memory_space<hbm>>
      %dma_wait3A_182 = tpu.memref_squeeze %dma_wait3A_181 : memref<1x1x16x128xi32, #tpu.memory_space<hbm>> -> memref<16x128xi32, #tpu.memory_space<hbm>>
      tpu.wait_dma2 semaphore(%run_scoped3A_167 : memref<!tpu.dma_semaphore, #tpu.memory_space<semaphore_mem>>) src(%dma_wait3A_182 : memref<16x128xi32, #tpu.memory_space<hbm>>) dst(%arg7 : memref<16x128xi32, #tpu.memory_space<vmem>>)
      tpu.yield
    }) : () -> ()
    %scan3A_57 = arith.constant 0 : i32
    %scan3A_58 = arith.constant 0 : i32
    %scan3A_59 = arith.constant 16 : i32
    %scan3A_60 = arith.addi %scan3A_58, %scan3A_59 : i32
    %scan3A_61 = arith.constant 1 : i32
    %scan3A_62 = scf.for %scan3A_167 = %scan3A_58 to %scan3A_60 step %scan3A_61 iter_args(%scan3A_168 = %scan3A_57) -> (i32)  : i32 {
      %scan3A_169 = arith.constant 0 : i32
      %scan3A_170 = arith.constant 0 : i32
      %scan3A_171 = arith.constant 8 : i32
      %scan3A_172 = arith.addi %scan3A_170, %scan3A_171 : i32
      %scan3A_173 = arith.constant 1 : i32
      %scan3A_174 = scf.for %scan3A_177 = %scan3A_170 to %scan3A_172 step %scan3A_173 iter_args(%scan3A_178 = %scan3A_169) -> (i32)  : i32 {
        %mul3A_179 = arith.constant 16 : i32
        %mul3A_180 = arith.muli %scan3A_177, %mul3A_179 : i32
        %get3A = arith.index_cast %scan3A_167 : i32 to index
        %get3A_181 = arith.index_cast %mul3A_180 : i32 to index
        %get3A_182 = tpu.vector_load %arg6[%get3A, %get3A_181] {strides = array<i32>} : memref<16x128xi32, #tpu.memory_space<vmem>>, vector<16xi32>,
        %add3A_183 = arith.addi %get3A_182, %add3A_30 : vector<16xi32>
        %mul3A_184 = arith.constant 16 : i32
        %mul3A_185 = arith.muli %scan3A_177, %mul3A_184 : i32
        %swap3A = arith.index_cast %scan3A_167 : i32 to index
        %swap3A_186 = arith.index_cast %mul3A_185 : i32 to index
        %swap3A_187 = tpu.vector_load %arg6[%swap3A, %swap3A_186] {strides = array<i32>} : memref<16x128xi32, #tpu.memory_space<vmem>>, vector<16xi32>,
        tpu.vector_store %arg6[%swap3A, %swap3A_186], %add3A_183 {strides = array<i32>} : memref<16x128xi32, #tpu.memory_space<vmem>>, vector<16xi32>,
        %scan3A_188 = arith.constant 0 : i32
        scf.yield %scan3A_188 : i32
      }
      %scan3A_175 = arith.constant 8 : i32
      %scan3A_176 = arith.constant 0 : i32
      scf.yield %scan3A_176 : i32
    }
    %scan3A_63 = arith.constant 16 : i32
    %dma_start3A_64 = arith.constant 0 : i32
    %dma_start3A_65 = arith.constant 0 : i32
    %dma_start3A_66 = arith.constant 0 : i32
    %dma_start3A_67 = tpu.memref_slice %arg6[%dma_start3A_64, %dma_start3A_66] : memref<16x128xi32, #tpu.memory_space<vmem>> -> memref<1x128xi32, #tpu.memory_space<vmem>>
    %dma_start3A_68 = tpu.memref_squeeze %dma_start3A_67 : memref<1x128xi32, #tpu.memory_space<vmem>> -> memref<128xi32, #tpu.memory_space<vmem>>
    %dma_start3A_69 = arith.constant 0 : i32
    %dma_start3A_70 = arith.constant 0 : i32
    %dma_start3A_71 = tpu.memref_slice %arg2[%dma_start3A_69, %dma_start3A_70] : memref<20480x128xf32, #tpu.memory_space<hbm>> -> memref<20480x128xf32, #tpu.memory_space<hbm>>
    %dma_start3A_72 = tpu.memref_slice %arg11[%dma_start3A_65] : memref<2x!tpu.dma_semaphore, #tpu.memory_space<semaphore_mem>> -> memref<1x!tpu.dma_semaphore, #tpu.memory_space<semaphore_mem>>
    %dma_start3A_73 = tpu.memref_squeeze %dma_start3A_72 : memref<1x!tpu.dma_semaphore, #tpu.memory_space<semaphore_mem>> -> memref<!tpu.dma_semaphore, #tpu.memory_space<semaphore_mem>>
    tpu.enqueue_indirect_dma source(%dma_start3A_71 : memref<20480x128xf32, #tpu.memory_space<hbm>>) target(%arg8 : memref<128x128xf32, #tpu.memory_space<vmem>>) offsets(%dma_start3A_68 : memref<128xi32, #tpu.memory_space<vmem>>) semaphore(%dma_start3A_73 : memref<!tpu.dma_semaphore, #tpu.memory_space<semaphore_mem>>)
    %scan3A_74 = arith.constant 1 : i32
    %scan3A_75 = arith.constant 0 : i32
    %scan3A_76 = arith.constant 0 : i32
    %scan3A_77 = arith.constant 8 : i32
    %scan3A_78 = arith.addi %scan3A_76, %scan3A_77 : i32
    %scan3A_79 = arith.constant 1 : i32
    scf.for %scan3A_167 = %scan3A_76 to %scan3A_78 step %scan3A_79  : i32 {
      %mul3A_168 = arith.constant 2 : i32
      %mul3A_169 = arith.muli %scan3A_167, %mul3A_168 : i32
      %add3A_170 = arith.constant 0 : i32
      %add3A_171 = arith.addi %add3A_170, %mul3A_169 : i32
      %add3A_172 = arith.constant 0 : i32
      %add3A_173 = arith.addi %add3A_171, %add3A_172 : i32
      %add3A_174 = arith.constant 1 : i32
      %add3A_175 = arith.addi %add3A_173, %add3A_174 : i32
      %lt3A = arith.constant 16 : i32
      %lt3A_176 = arith.cmpi slt, %add3A_175, %lt3A : i32
      %convert_element_type3A = arith.extui %lt3A_176 : i1 to i32
      %cond3A = arith.constant 0 : i32
      %cond3A_177 = arith.cmpi ne, %convert_element_type3A, %cond3A : i32
      scf.if %cond3A_177 {
        %dma_start3A_210 = arith.constant 0 : i32
        %dma_start3A_211 = tpu.memref_slice %arg6[%add3A_175, %dma_start3A_210] : memref<16x128xi32, #tpu.memory_space<vmem>> -> memref<1x128xi32, #tpu.memory_space<vmem>>
        %dma_start3A_212 = tpu.memref_squeeze %dma_start3A_211 : memref<1x128xi32, #tpu.memory_space<vmem>> -> memref<128xi32, #tpu.memory_space<vmem>>
        %dma_start3A_213 = arith.constant 0 : i32
        %dma_start3A_214 = arith.constant 0 : i32
        %dma_start3A_215 = tpu.memref_slice %arg2[%dma_start3A_213, %dma_start3A_214] : memref<20480x128xf32, #tpu.memory_space<hbm>> -> memref<20480x128xf32, #tpu.memory_space<hbm>>
        %dma_start3A_216 = tpu.memref_slice %arg11[%scan3A_74] : memref<2x!tpu.dma_semaphore, #tpu.memory_space<semaphore_mem>> -> memref<1x!tpu.dma_semaphore, #tpu.memory_space<semaphore_mem>>
        %dma_start3A_217 = tpu.memref_squeeze %dma_start3A_216 : memref<1x!tpu.dma_semaphore, #tpu.memory_space<semaphore_mem>> -> memref<!tpu.dma_semaphore, #tpu.memory_space<semaphore_mem>>
        tpu.enqueue_indirect_dma source(%dma_start3A_215 : memref<20480x128xf32, #tpu.memory_space<hbm>>) target(%arg9 : memref<128x128xf32, #tpu.memory_space<vmem>>) offsets(%dma_start3A_212 : memref<128xi32, #tpu.memory_space<vmem>>) semaphore(%dma_start3A_217 : memref<!tpu.dma_semaphore, #tpu.memory_space<semaphore_mem>>)
      } else {
      }
      %add3A_178 = arith.constant 0 : i32
      %add3A_179 = arith.addi %add3A_171, %add3A_178 : i32
      %dma_wait3A = arith.constant 0 : i32
      %dma_wait3A_180 = tpu.memref_slice %arg6[%add3A_179, %dma_wait3A] : memref<16x128xi32, #tpu.memory_space<vmem>> -> memref<1x128xi32, #tpu.memory_space<vmem>>
      %dma_wait3A_181 = tpu.memref_squeeze %dma_wait3A_180 : memref<1x128xi32, #tpu.memory_space<vmem>> -> memref<128xi32, #tpu.memory_space<vmem>>
      %dma_wait3A_182 = arith.constant 0 : i32
      %dma_wait3A_183 = arith.constant 0 : i32
      %dma_wait3A_184 = tpu.memref_slice %arg2[%dma_wait3A_182, %dma_wait3A_183] : memref<20480x128xf32, #tpu.memory_space<hbm>> -> memref<20480x128xf32, #tpu.memory_space<hbm>>
      %dma_wait3A_185 = tpu.memref_slice %arg11[%scan3A_75] : memref<2x!tpu.dma_semaphore, #tpu.memory_space<semaphore_mem>> -> memref<1x!tpu.dma_semaphore, #tpu.memory_space<semaphore_mem>>
      %dma_wait3A_186 = tpu.memref_squeeze %dma_wait3A_185 : memref<1x!tpu.dma_semaphore, #tpu.memory_space<semaphore_mem>> -> memref<!tpu.dma_semaphore, #tpu.memory_space<semaphore_mem>>
      tpu.wait_indirect_dma semaphore(%dma_wait3A_186 : memref<!tpu.dma_semaphore, #tpu.memory_space<semaphore_mem>>) src(%dma_wait3A_184 : memref<20480x128xf32, #tpu.memory_space<hbm>>) dst(%arg8 : memref<128x128xf32, #tpu.memory_space<vmem>>)
      %add3A_187 = arith.constant 0 : i32
      %add3A_188 = arith.addi %add3A_171, %add3A_187 : i32
      "tpu.region"() ({
        %run_scoped3A_210 = tpu.sem_alloc : memref<!tpu.dma_semaphore, #tpu.memory_space<semaphore_mem>>
        %dma_start3A_211 = arith.constant 0 : i32
        %dma_start3A_212 = tpu.memref_slice %arg7[%add3A_188, %dma_start3A_211] : memref<16x128xi32, #tpu.memory_space<vmem>> -> memref<1x128xi32, #tpu.memory_space<vmem>>
        %dma_start3A_213 = tpu.memref_squeeze %dma_start3A_212 : memref<1x128xi32, #tpu.memory_space<vmem>> -> memref<128xi32, #tpu.memory_space<vmem>>
        %dma_start3A_214 = arith.constant 0 : i32
        %dma_start3A_215 = arith.constant 0 : i32
        %dma_start3A_216 = tpu.memref_slice %arg10[%dma_start3A_214, %dma_start3A_215] : memref<10240x128xf32, #tpu.memory_space<vmem_shared>> -> memref<10240x128xf32, #tpu.memory_space<vmem_shared>>
        tpu.enqueue_indirect_dma source(%arg8 : memref<128x128xf32, #tpu.memory_space<vmem>>) target(%dma_start3A_216 : memref<10240x128xf32, #tpu.memory_space<vmem_shared>>) offsets(%dma_start3A_213 : memref<128xi32, #tpu.memory_space<vmem>>) semaphore(%run_scoped3A_210 : memref<!tpu.dma_semaphore, #tpu.memory_space<semaphore_mem>>) {add = true}
        %dma_wait3A_217 = arith.constant 0 : i32
        %dma_wait3A_218 = tpu.memref_slice %arg7[%add3A_188, %dma_wait3A_217] : memref<16x128xi32, #tpu.memory_space<vmem>> -> memref<1x128xi32, #tpu.memory_space<vmem>>
        %dma_wait3A_219 = tpu.memref_squeeze %dma_wait3A_218 : memref<1x128xi32, #tpu.memory_space<vmem>> -> memref<128xi32, #tpu.memory_space<vmem>>
        %dma_wait3A_220 = arith.constant 0 : i32
        %dma_wait3A_221 = arith.constant 0 : i32
        %dma_wait3A_222 = tpu.memref_slice %arg10[%dma_wait3A_220, %dma_wait3A_221] : memref<10240x128xf32, #tpu.memory_space<vmem_shared>> -> memref<10240x128xf32, #tpu.memory_space<vmem_shared>>
        tpu.wait_indirect_dma semaphore(%run_scoped3A_210 : memref<!tpu.dma_semaphore, #tpu.memory_space<semaphore_mem>>) src(%arg8 : memref<128x128xf32, #tpu.memory_space<vmem>>) dst(%dma_wait3A_222 : memref<10240x128xf32, #tpu.memory_space<vmem_shared>>)
        tpu.yield
      }) : () -> ()
      %add3A_189 = arith.constant 1 : i32
      %add3A_190 = arith.addi %add3A_171, %add3A_189 : i32
      %add3A_191 = arith.constant 1 : i32
      %add3A_192 = arith.addi %add3A_190, %add3A_191 : i32
      %lt3A_193 = arith.constant 16 : i32
      %lt3A_194 = arith.cmpi slt, %add3A_192, %lt3A_193 : i32
      %convert_element_type3A_195 = arith.extui %lt3A_194 : i1 to i32
      %cond3A_196 = arith.constant 0 : i32
      %cond3A_197 = arith.cmpi ne, %convert_element_type3A_195, %cond3A_196 : i32
      scf.if %cond3A_197 {
        %dma_start3A_210 = arith.constant 0 : i32
        %dma_start3A_211 = tpu.memref_slice %arg6[%add3A_192, %dma_start3A_210] : memref<16x128xi32, #tpu.memory_space<vmem>> -> memref<1x128xi32, #tpu.memory_space<vmem>>
        %dma_start3A_212 = tpu.memref_squeeze %dma_start3A_211 : memref<1x128xi32, #tpu.memory_space<vmem>> -> memref<128xi32, #tpu.memory_space<vmem>>
        %dma_start3A_213 = arith.constant 0 : i32
        %dma_start3A_214 = arith.constant 0 : i32
        %dma_start3A_215 = tpu.memref_slice %arg2[%dma_start3A_213, %dma_start3A_214] : memref<20480x128xf32, #tpu.memory_space<hbm>> -> memref<20480x128xf32, #tpu.memory_space<hbm>>
        %dma_start3A_216 = tpu.memref_slice %arg11[%scan3A_75] : memref<2x!tpu.dma_semaphore, #tpu.memory_space<semaphore_mem>> -> memref<1x!tpu.dma_semaphore, #tpu.memory_space<semaphore_mem>>
        %dma_start3A_217 = tpu.memref_squeeze %dma_start3A_216 : memref<1x!tpu.dma_semaphore, #tpu.memory_space<semaphore_mem>> -> memref<!tpu.dma_semaphore, #tpu.memory_space<semaphore_mem>>
        tpu.enqueue_indirect_dma source(%dma_start3A_215 : memref<20480x128xf32, #tpu.memory_space<hbm>>) target(%arg8 : memref<128x128xf32, #tpu.memory_space<vmem>>) offsets(%dma_start3A_212 : memref<128xi32, #tpu.memory_space<vmem>>) semaphore(%dma_start3A_217 : memref<!tpu.dma_semaphore, #tpu.memory_space<semaphore_mem>>)
      } else {
      }
      %add3A_198 = arith.constant 1 : i32
      %add3A_199 = arith.addi %add3A_171, %add3A_198 : i32
      %dma_wait3A_200 = arith.constant 0 : i32
      %dma_wait3A_201 = tpu.memref_slice %arg6[%add3A_199, %dma_wait3A_200] : memref<16x128xi32, #tpu.memory_space<vmem>> -> memref<1x128xi32, #tpu.memory_space<vmem>>
      %dma_wait3A_202 = tpu.memref_squeeze %dma_wait3A_201 : memref<1x128xi32, #tpu.memory_space<vmem>> -> memref<128xi32, #tpu.memory_space<vmem>>
      %dma_wait3A_203 = arith.constant 0 : i32
      %dma_wait3A_204 = arith.constant 0 : i32
      %dma_wait3A_205 = tpu.memref_slice %arg2[%dma_wait3A_203, %dma_wait3A_204] : memref<20480x128xf32, #tpu.memory_space<hbm>> -> memref<20480x128xf32, #tpu.memory_space<hbm>>
      %dma_wait3A_206 = tpu.memref_slice %arg11[%scan3A_74] : memref<2x!tpu.dma_semaphore, #tpu.memory_space<semaphore_mem>> -> memref<1x!tpu.dma_semaphore, #tpu.memory_space<semaphore_mem>>
      %dma_wait3A_207 = tpu.memref_squeeze %dma_wait3A_206 : memref<1x!tpu.dma_semaphore, #tpu.memory_space<semaphore_mem>> -> memref<!tpu.dma_semaphore, #tpu.memory_space<semaphore_mem>>
      tpu.wait_indirect_dma semaphore(%dma_wait3A_207 : memref<!tpu.dma_semaphore, #tpu.memory_space<semaphore_mem>>) src(%dma_wait3A_205 : memref<20480x128xf32, #tpu.memory_space<hbm>>) dst(%arg9 : memref<128x128xf32, #tpu.memory_space<vmem>>)
      %add3A_208 = arith.constant 1 : i32
      %add3A_209 = arith.addi %add3A_171, %add3A_208 : i32
      "tpu.region"() ({
        %run_scoped3A_210 = tpu.sem_alloc : memref<!tpu.dma_semaphore, #tpu.memory_space<semaphore_mem>>
        %dma_start3A_211 = arith.constant 0 : i32
        %dma_start3A_212 = tpu.memref_slice %arg7[%add3A_209, %dma_start3A_211] : memref<16x128xi32, #tpu.memory_space<vmem>> -> memref<1x128xi32, #tpu.memory_space<vmem>>
        %dma_start3A_213 = tpu.memref_squeeze %dma_start3A_212 : memref<1x128xi32, #tpu.memory_space<vmem>> -> memref<128xi32, #tpu.memory_space<vmem>>
        %dma_start3A_214 = arith.constant 0 : i32
        %dma_start3A_215 = arith.constant 0 : i32
        %dma_start3A_216 = tpu.memref_slice %arg10[%dma_start3A_214, %dma_start3A_215] : memref<10240x128xf32, #tpu.memory_space<vmem_shared>> -> memref<10240x128xf32, #tpu.memory_space<vmem_shared>>
        tpu.enqueue_indirect_dma source(%arg9 : memref<128x128xf32, #tpu.memory_space<vmem>>) target(%dma_start3A_216 : memref<10240x128xf32, #tpu.memory_space<vmem_shared>>) offsets(%dma_start3A_213 : memref<128xi32, #tpu.memory_space<vmem>>) semaphore(%run_scoped3A_210 : memref<!tpu.dma_semaphore, #tpu.memory_space<semaphore_mem>>) {add = true}
        %dma_wait3A_217 = arith.constant 0 : i32
        %dma_wait3A_218 = tpu.memref_slice %arg7[%add3A_209, %dma_wait3A_217] : memref<16x128xi32, #tpu.memory_space<vmem>> -> memref<1x128xi32, #tpu.memory_space<vmem>>
        %dma_wait3A_219 = tpu.memref_squeeze %dma_wait3A_218 : memref<1x128xi32, #tpu.memory_space<vmem>> -> memref<128xi32, #tpu.memory_space<vmem>>
        %dma_wait3A_220 = arith.constant 0 : i32
        %dma_wait3A_221 = arith.constant 0 : i32
        %dma_wait3A_222 = tpu.memref_slice %arg10[%dma_wait3A_220, %dma_wait3A_221] : memref<10240x128xf32, #tpu.memory_space<vmem_shared>> -> memref<10240x128xf32, #tpu.memory_space<vmem_shared>>
        tpu.wait_indirect_dma semaphore(%run_scoped3A_210 : memref<!tpu.dma_semaphore, #tpu.memory_space<semaphore_mem>>) src(%arg9 : memref<128x128xf32, #tpu.memory_space<vmem>>) dst(%dma_wait3A_222 : memref<10240x128xf32, #tpu.memory_space<vmem_shared>>)
        tpu.yield
      }) : () -> ()
    }
    %scan3A_80 = arith.constant 8 : i32
    %run_scoped3A_81 = arith.constant 2 : i32
    "tpu.region"() ({
      %run_scoped3A_167 = tpu.sem_alloc : memref<!tpu.dma_semaphore, #tpu.memory_space<semaphore_mem>>
      %dma_start3A_168 = arith.constant 0 : i32
      %dma_start3A_169 = arith.constant 0 : i32
      %dma_start3A_170 = tpu.memref_slice %arg3[%arg1, %run_scoped3A_81, %dma_start3A_168, %dma_start3A_169] : memref<16x5x16x128xi32, #tpu.memory_space<hbm>> -> memref<1x1x16x128xi32, #tpu.memory_space<hbm>>
      %dma_start3A_171 = tpu.memref_squeeze %dma_start3A_170 : memref<1x1x16x128xi32, #tpu.memory_space<hbm>> -> memref<16x128xi32, #tpu.memory_space<hbm>>
      %dma_start3A_172 = arith.constant 0 : i32
      %dma_start3A_173 = arith.constant 0 : i32
      %dma_start3A_174 = tpu.memref_slice %arg3[%arg1, %run_scoped3A_81, %dma_start3A_172, %dma_start3A_173] : memref<16x5x16x128xi32, #tpu.memory_space<hbm>> -> memref<1x1x16x128xi32, #tpu.memory_space<hbm>>
      %dma_start3A_175 = tpu.memref_squeeze %dma_start3A_174 : memref<1x1x16x128xi32, #tpu.memory_space<hbm>> -> memref<16x128xi32, #tpu.memory_space<hbm>>
      tpu.enqueue_dma source(%dma_start3A_175 : memref<16x128xi32, #tpu.memory_space<hbm>>) target(%arg6 : memref<16x128xi32, #tpu.memory_space<vmem>>) target_semaphore(%run_scoped3A_167 : memref<!tpu.dma_semaphore, #tpu.memory_space<semaphore_mem>>)
      %dma_wait3A = arith.constant 0 : i32
      %dma_wait3A_176 = arith.constant 0 : i32
      %dma_wait3A_177 = tpu.memref_slice %arg3[%arg1, %run_scoped3A_81, %dma_wait3A, %dma_wait3A_176] : memref<16x5x16x128xi32, #tpu.memory_space<hbm>> -> memref<1x1x16x128xi32, #tpu.memory_space<hbm>>
      %dma_wait3A_178 = tpu.memref_squeeze %dma_wait3A_177 : memref<1x1x16x128xi32, #tpu.memory_space<hbm>> -> memref<16x128xi32, #tpu.memory_space<hbm>>
      %dma_wait3A_179 = arith.constant 0 : i32
      %dma_wait3A_180 = arith.constant 0 : i32
      %dma_wait3A_181 = tpu.memref_slice %arg3[%arg1, %run_scoped3A_81, %dma_wait3A_179, %dma_wait3A_180] : memref<16x5x16x128xi32, #tpu.memory_space<hbm>> -> memref<1x1x16x128xi32, #tpu.memory_space<hbm>>
      %dma_wait3A_182 = tpu.memref_squeeze %dma_wait3A_181 : memref<1x1x16x128xi32, #tpu.memory_space<hbm>> -> memref<16x128xi32, #tpu.memory_space<hbm>>
      tpu.wait_dma2 semaphore(%run_scoped3A_167 : memref<!tpu.dma_semaphore, #tpu.memory_space<semaphore_mem>>) src(%dma_wait3A_182 : memref<16x128xi32, #tpu.memory_space<hbm>>) dst(%arg6 : memref<16x128xi32, #tpu.memory_space<vmem>>)
      tpu.yield
    }) : () -> ()
    %run_scoped3A_82 = arith.constant 2 : i32
    "tpu.region"() ({
      %run_scoped3A_167 = tpu.sem_alloc : memref<!tpu.dma_semaphore, #tpu.memory_space<semaphore_mem>>
      %dma_start3A_168 = arith.constant 0 : i32
      %dma_start3A_169 = arith.constant 0 : i32
      %dma_start3A_170 = tpu.memref_slice %arg4[%arg1, %run_scoped3A_82, %dma_start3A_168, %dma_start3A_169] : memref<16x5x16x128xi32, #tpu.memory_space<hbm>> -> memref<1x1x16x128xi32, #tpu.memory_space<hbm>>
      %dma_start3A_171 = tpu.memref_squeeze %dma_start3A_170 : memref<1x1x16x128xi32, #tpu.memory_space<hbm>> -> memref<16x128xi32, #tpu.memory_space<hbm>>
      %dma_start3A_172 = arith.constant 0 : i32
      %dma_start3A_173 = arith.constant 0 : i32
      %dma_start3A_174 = tpu.memref_slice %arg4[%arg1, %run_scoped3A_82, %dma_start3A_172, %dma_start3A_173] : memref<16x5x16x128xi32, #tpu.memory_space<hbm>> -> memref<1x1x16x128xi32, #tpu.memory_space<hbm>>
      %dma_start3A_175 = tpu.memref_squeeze %dma_start3A_174 : memref<1x1x16x128xi32, #tpu.memory_space<hbm>> -> memref<16x128xi32, #tpu.memory_space<hbm>>
      tpu.enqueue_dma source(%dma_start3A_175 : memref<16x128xi32, #tpu.memory_space<hbm>>) target(%arg7 : memref<16x128xi32, #tpu.memory_space<vmem>>) target_semaphore(%run_scoped3A_167 : memref<!tpu.dma_semaphore, #tpu.memory_space<semaphore_mem>>)
      %dma_wait3A = arith.constant 0 : i32
      %dma_wait3A_176 = arith.constant 0 : i32
      %dma_wait3A_177 = tpu.memref_slice %arg4[%arg1, %run_scoped3A_82, %dma_wait3A, %dma_wait3A_176] : memref<16x5x16x128xi32, #tpu.memory_space<hbm>> -> memref<1x1x16x128xi32, #tpu.memory_space<hbm>>
      %dma_wait3A_178 = tpu.memref_squeeze %dma_wait3A_177 : memref<1x1x16x128xi32, #tpu.memory_space<hbm>> -> memref<16x128xi32, #tpu.memory_space<hbm>>
      %dma_wait3A_179 = arith.constant 0 : i32
      %dma_wait3A_180 = arith.constant 0 : i32
      %dma_wait3A_181 = tpu.memref_slice %arg4[%arg1, %run_scoped3A_82, %dma_wait3A_179, %dma_wait3A_180] : memref<16x5x16x128xi32, #tpu.memory_space<hbm>> -> memref<1x1x16x128xi32, #tpu.memory_space<hbm>>
      %dma_wait3A_182 = tpu.memref_squeeze %dma_wait3A_181 : memref<1x1x16x128xi32, #tpu.memory_space<hbm>> -> memref<16x128xi32, #tpu.memory_space<hbm>>
      tpu.wait_dma2 semaphore(%run_scoped3A_167 : memref<!tpu.dma_semaphore, #tpu.memory_space<semaphore_mem>>) src(%dma_wait3A_182 : memref<16x128xi32, #tpu.memory_space<hbm>>) dst(%arg7 : memref<16x128xi32, #tpu.memory_space<vmem>>)
      tpu.yield
    }) : () -> ()
    %scan3A_83 = arith.constant 0 : i32
    %scan3A_84 = arith.constant 0 : i32
    %scan3A_85 = arith.constant 16 : i32
    %scan3A_86 = arith.addi %scan3A_84, %scan3A_85 : i32
    %scan3A_87 = arith.constant 1 : i32
    %scan3A_88 = scf.for %scan3A_167 = %scan3A_84 to %scan3A_86 step %scan3A_87 iter_args(%scan3A_168 = %scan3A_83) -> (i32)  : i32 {
      %scan3A_169 = arith.constant 0 : i32
      %scan3A_170 = arith.constant 0 : i32
      %scan3A_171 = arith.constant 8 : i32
      %scan3A_172 = arith.addi %scan3A_170, %scan3A_171 : i32
      %scan3A_173 = arith.constant 1 : i32
      %scan3A_174 = scf.for %scan3A_177 = %scan3A_170 to %scan3A_172 step %scan3A_173 iter_args(%scan3A_178 = %scan3A_169) -> (i32)  : i32 {
        %mul3A_179 = arith.constant 16 : i32
        %mul3A_180 = arith.muli %scan3A_177, %mul3A_179 : i32
        %get3A = arith.index_cast %scan3A_167 : i32 to index
        %get3A_181 = arith.index_cast %mul3A_180 : i32 to index
        %get3A_182 = tpu.vector_load %arg6[%get3A, %get3A_181] {strides = array<i32>} : memref<16x128xi32, #tpu.memory_space<vmem>>, vector<16xi32>,
        %add3A_183 = arith.addi %get3A_182, %add3A_30 : vector<16xi32>
        %mul3A_184 = arith.constant 16 : i32
        %mul3A_185 = arith.muli %scan3A_177, %mul3A_184 : i32
        %swap3A = arith.index_cast %scan3A_167 : i32 to index
        %swap3A_186 = arith.index_cast %mul3A_185 : i32 to index
        %swap3A_187 = tpu.vector_load %arg6[%swap3A, %swap3A_186] {strides = array<i32>} : memref<16x128xi32, #tpu.memory_space<vmem>>, vector<16xi32>,
        tpu.vector_store %arg6[%swap3A, %swap3A_186], %add3A_183 {strides = array<i32>} : memref<16x128xi32, #tpu.memory_space<vmem>>, vector<16xi32>,
        %scan3A_188 = arith.constant 0 : i32
        scf.yield %scan3A_188 : i32
      }
      %scan3A_175 = arith.constant 8 : i32
      %scan3A_176 = arith.constant 0 : i32
      scf.yield %scan3A_176 : i32
    }
    %scan3A_89 = arith.constant 16 : i32
    %dma_start3A_90 = arith.constant 0 : i32
    %dma_start3A_91 = arith.constant 0 : i32
    %dma_start3A_92 = arith.constant 0 : i32
    %dma_start3A_93 = tpu.memref_slice %arg6[%dma_start3A_90, %dma_start3A_92] : memref<16x128xi32, #tpu.memory_space<vmem>> -> memref<1x128xi32, #tpu.memory_space<vmem>>
    %dma_start3A_94 = tpu.memref_squeeze %dma_start3A_93 : memref<1x128xi32, #tpu.memory_space<vmem>> -> memref<128xi32, #tpu.memory_space<vmem>>
    %dma_start3A_95 = arith.constant 0 : i32
    %dma_start3A_96 = arith.constant 0 : i32
    %dma_start3A_97 = tpu.memref_slice %arg2[%dma_start3A_95, %dma_start3A_96] : memref<20480x128xf32, #tpu.memory_space<hbm>> -> memref<20480x128xf32, #tpu.memory_space<hbm>>
    %dma_start3A_98 = tpu.memref_slice %arg11[%dma_start3A_91] : memref<2x!tpu.dma_semaphore, #tpu.memory_space<semaphore_mem>> -> memref<1x!tpu.dma_semaphore, #tpu.memory_space<semaphore_mem>>
    %dma_start3A_99 = tpu.memref_squeeze %dma_start3A_98 : memref<1x!tpu.dma_semaphore, #tpu.memory_space<semaphore_mem>> -> memref<!tpu.dma_semaphore, #tpu.memory_space<semaphore_mem>>
    tpu.enqueue_indirect_dma source(%dma_start3A_97 : memref<20480x128xf32, #tpu.memory_space<hbm>>) target(%arg8 : memref<128x128xf32, #tpu.memory_space<vmem>>) offsets(%dma_start3A_94 : memref<128xi32, #tpu.memory_space<vmem>>) semaphore(%dma_start3A_99 : memref<!tpu.dma_semaphore, #tpu.memory_space<semaphore_mem>>)
    %scan3A_100 = arith.constant 1 : i32
    %scan3A_101 = arith.constant 0 : i32
    %scan3A_102 = arith.constant 0 : i32
    %scan3A_103 = arith.constant 8 : i32
    %scan3A_104 = arith.addi %scan3A_102, %scan3A_103 : i32
    %scan3A_105 = arith.constant 1 : i32
    scf.for %scan3A_167 = %scan3A_102 to %scan3A_104 step %scan3A_105  : i32 {
      %mul3A_168 = arith.constant 2 : i32
      %mul3A_169 = arith.muli %scan3A_167, %mul3A_168 : i32
      %add3A_170 = arith.constant 0 : i32
      %add3A_171 = arith.addi %add3A_170, %mul3A_169 : i32
      %add3A_172 = arith.constant 0 : i32
      %add3A_173 = arith.addi %add3A_171, %add3A_172 : i32
      %add3A_174 = arith.constant 1 : i32
      %add3A_175 = arith.addi %add3A_173, %add3A_174 : i32
      %lt3A = arith.constant 16 : i32
      %lt3A_176 = arith.cmpi slt, %add3A_175, %lt3A : i32
      %convert_element_type3A = arith.extui %lt3A_176 : i1 to i32
      %cond3A = arith.constant 0 : i32
      %cond3A_177 = arith.cmpi ne, %convert_element_type3A, %cond3A : i32
      scf.if %cond3A_177 {
        %dma_start3A_210 = arith.constant 0 : i32
        %dma_start3A_211 = tpu.memref_slice %arg6[%add3A_175, %dma_start3A_210] : memref<16x128xi32, #tpu.memory_space<vmem>> -> memref<1x128xi32, #tpu.memory_space<vmem>>
        %dma_start3A_212 = tpu.memref_squeeze %dma_start3A_211 : memref<1x128xi32, #tpu.memory_space<vmem>> -> memref<128xi32, #tpu.memory_space<vmem>>
        %dma_start3A_213 = arith.constant 0 : i32
        %dma_start3A_214 = arith.constant 0 : i32
        %dma_start3A_215 = tpu.memref_slice %arg2[%dma_start3A_213, %dma_start3A_214] : memref<20480x128xf32, #tpu.memory_space<hbm>> -> memref<20480x128xf32, #tpu.memory_space<hbm>>
        %dma_start3A_216 = tpu.memref_slice %arg11[%scan3A_100] : memref<2x!tpu.dma_semaphore, #tpu.memory_space<semaphore_mem>> -> memref<1x!tpu.dma_semaphore, #tpu.memory_space<semaphore_mem>>
        %dma_start3A_217 = tpu.memref_squeeze %dma_start3A_216 : memref<1x!tpu.dma_semaphore, #tpu.memory_space<semaphore_mem>> -> memref<!tpu.dma_semaphore, #tpu.memory_space<semaphore_mem>>
        tpu.enqueue_indirect_dma source(%dma_start3A_215 : memref<20480x128xf32, #tpu.memory_space<hbm>>) target(%arg9 : memref<128x128xf32, #tpu.memory_space<vmem>>) offsets(%dma_start3A_212 : memref<128xi32, #tpu.memory_space<vmem>>) semaphore(%dma_start3A_217 : memref<!tpu.dma_semaphore, #tpu.memory_space<semaphore_mem>>)
      } else {
      }
      %add3A_178 = arith.constant 0 : i32
      %add3A_179 = arith.addi %add3A_171, %add3A_178 : i32
      %dma_wait3A = arith.constant 0 : i32
      %dma_wait3A_180 = tpu.memref_slice %arg6[%add3A_179, %dma_wait3A] : memref<16x128xi32, #tpu.memory_space<vmem>> -> memref<1x128xi32, #tpu.memory_space<vmem>>
      %dma_wait3A_181 = tpu.memref_squeeze %dma_wait3A_180 : memref<1x128xi32, #tpu.memory_space<vmem>> -> memref<128xi32, #tpu.memory_space<vmem>>
      %dma_wait3A_182 = arith.constant 0 : i32
      %dma_wait3A_183 = arith.constant 0 : i32
      %dma_wait3A_184 = tpu.memref_slice %arg2[%dma_wait3A_182, %dma_wait3A_183] : memref<20480x128xf32, #tpu.memory_space<hbm>> -> memref<20480x128xf32, #tpu.memory_space<hbm>>
      %dma_wait3A_185 = tpu.memref_slice %arg11[%scan3A_101] : memref<2x!tpu.dma_semaphore, #tpu.memory_space<semaphore_mem>> -> memref<1x!tpu.dma_semaphore, #tpu.memory_space<semaphore_mem>>
      %dma_wait3A_186 = tpu.memref_squeeze %dma_wait3A_185 : memref<1x!tpu.dma_semaphore, #tpu.memory_space<semaphore_mem>> -> memref<!tpu.dma_semaphore, #tpu.memory_space<semaphore_mem>>
      tpu.wait_indirect_dma semaphore(%dma_wait3A_186 : memref<!tpu.dma_semaphore, #tpu.memory_space<semaphore_mem>>) src(%dma_wait3A_184 : memref<20480x128xf32, #tpu.memory_space<hbm>>) dst(%arg8 : memref<128x128xf32, #tpu.memory_space<vmem>>)
      %add3A_187 = arith.constant 0 : i32
      %add3A_188 = arith.addi %add3A_171, %add3A_187 : i32
      "tpu.region"() ({
        %run_scoped3A_210 = tpu.sem_alloc : memref<!tpu.dma_semaphore, #tpu.memory_space<semaphore_mem>>
        %dma_start3A_211 = arith.constant 0 : i32
        %dma_start3A_212 = tpu.memref_slice %arg7[%add3A_188, %dma_start3A_211] : memref<16x128xi32, #tpu.memory_space<vmem>> -> memref<1x128xi32, #tpu.memory_space<vmem>>
        %dma_start3A_213 = tpu.memref_squeeze %dma_start3A_212 : memref<1x128xi32, #tpu.memory_space<vmem>> -> memref<128xi32, #tpu.memory_space<vmem>>
        %dma_start3A_214 = arith.constant 0 : i32
        %dma_start3A_215 = arith.constant 0 : i32
        %dma_start3A_216 = tpu.memref_slice %arg10[%dma_start3A_214, %dma_start3A_215] : memref<10240x128xf32, #tpu.memory_space<vmem_shared>> -> memref<10240x128xf32, #tpu.memory_space<vmem_shared>>
        tpu.enqueue_indirect_dma source(%arg8 : memref<128x128xf32, #tpu.memory_space<vmem>>) target(%dma_start3A_216 : memref<10240x128xf32, #tpu.memory_space<vmem_shared>>) offsets(%dma_start3A_213 : memref<128xi32, #tpu.memory_space<vmem>>) semaphore(%run_scoped3A_210 : memref<!tpu.dma_semaphore, #tpu.memory_space<semaphore_mem>>) {add = true}
        %dma_wait3A_217 = arith.constant 0 : i32
        %dma_wait3A_218 = tpu.memref_slice %arg7[%add3A_188, %dma_wait3A_217] : memref<16x128xi32, #tpu.memory_space<vmem>> -> memref<1x128xi32, #tpu.memory_space<vmem>>
        %dma_wait3A_219 = tpu.memref_squeeze %dma_wait3A_218 : memref<1x128xi32, #tpu.memory_space<vmem>> -> memref<128xi32, #tpu.memory_space<vmem>>
        %dma_wait3A_220 = arith.constant 0 : i32
        %dma_wait3A_221 = arith.constant 0 : i32
        %dma_wait3A_222 = tpu.memref_slice %arg10[%dma_wait3A_220, %dma_wait3A_221] : memref<10240x128xf32, #tpu.memory_space<vmem_shared>> -> memref<10240x128xf32, #tpu.memory_space<vmem_shared>>
        tpu.wait_indirect_dma semaphore(%run_scoped3A_210 : memref<!tpu.dma_semaphore, #tpu.memory_space<semaphore_mem>>) src(%arg8 : memref<128x128xf32, #tpu.memory_space<vmem>>) dst(%dma_wait3A_222 : memref<10240x128xf32, #tpu.memory_space<vmem_shared>>)
        tpu.yield
      }) : () -> ()
      %add3A_189 = arith.constant 1 : i32
      %add3A_190 = arith.addi %add3A_171, %add3A_189 : i32
      %add3A_191 = arith.constant 1 : i32
      %add3A_192 = arith.addi %add3A_190, %add3A_191 : i32
      %lt3A_193 = arith.constant 16 : i32
      %lt3A_194 = arith.cmpi slt, %add3A_192, %lt3A_193 : i32
      %convert_element_type3A_195 = arith.extui %lt3A_194 : i1 to i32
      %cond3A_196 = arith.constant 0 : i32
      %cond3A_197 = arith.cmpi ne, %convert_element_type3A_195, %cond3A_196 : i32
      scf.if %cond3A_197 {
        %dma_start3A_210 = arith.constant 0 : i32
        %dma_start3A_211 = tpu.memref_slice %arg6[%add3A_192, %dma_start3A_210] : memref<16x128xi32, #tpu.memory_space<vmem>> -> memref<1x128xi32, #tpu.memory_space<vmem>>
        %dma_start3A_212 = tpu.memref_squeeze %dma_start3A_211 : memref<1x128xi32, #tpu.memory_space<vmem>> -> memref<128xi32, #tpu.memory_space<vmem>>
        %dma_start3A_213 = arith.constant 0 : i32
        %dma_start3A_214 = arith.constant 0 : i32
        %dma_start3A_215 = tpu.memref_slice %arg2[%dma_start3A_213, %dma_start3A_214] : memref<20480x128xf32, #tpu.memory_space<hbm>> -> memref<20480x128xf32, #tpu.memory_space<hbm>>
        %dma_start3A_216 = tpu.memref_slice %arg11[%scan3A_101] : memref<2x!tpu.dma_semaphore, #tpu.memory_space<semaphore_mem>> -> memref<1x!tpu.dma_semaphore, #tpu.memory_space<semaphore_mem>>
        %dma_start3A_217 = tpu.memref_squeeze %dma_start3A_216 : memref<1x!tpu.dma_semaphore, #tpu.memory_space<semaphore_mem>> -> memref<!tpu.dma_semaphore, #tpu.memory_space<semaphore_mem>>
        tpu.enqueue_indirect_dma source(%dma_start3A_215 : memref<20480x128xf32, #tpu.memory_space<hbm>>) target(%arg8 : memref<128x128xf32, #tpu.memory_space<vmem>>) offsets(%dma_start3A_212 : memref<128xi32, #tpu.memory_space<vmem>>) semaphore(%dma_start3A_217 : memref<!tpu.dma_semaphore, #tpu.memory_space<semaphore_mem>>)
      } else {
      }
      %add3A_198 = arith.constant 1 : i32
      %add3A_199 = arith.addi %add3A_171, %add3A_198 : i32
      %dma_wait3A_200 = arith.constant 0 : i32
      %dma_wait3A_201 = tpu.memref_slice %arg6[%add3A_199, %dma_wait3A_200] : memref<16x128xi32, #tpu.memory_space<vmem>> -> memref<1x128xi32, #tpu.memory_space<vmem>>
      %dma_wait3A_202 = tpu.memref_squeeze %dma_wait3A_201 : memref<1x128xi32, #tpu.memory_space<vmem>> -> memref<128xi32, #tpu.memory_space<vmem>>
      %dma_wait3A_203 = arith.constant 0 : i32
      %dma_wait3A_204 = arith.constant 0 : i32
      %dma_wait3A_205 = tpu.memref_slice %arg2[%dma_wait3A_203, %dma_wait3A_204] : memref<20480x128xf32, #tpu.memory_space<hbm>> -> memref<20480x128xf32, #tpu.memory_space<hbm>>
      %dma_wait3A_206 = tpu.memref_slice %arg11[%scan3A_100] : memref<2x!tpu.dma_semaphore, #tpu.memory_space<semaphore_mem>> -> memref<1x!tpu.dma_semaphore, #tpu.memory_space<semaphore_mem>>
      %dma_wait3A_207 = tpu.memref_squeeze %dma_wait3A_206 : memref<1x!tpu.dma_semaphore, #tpu.memory_space<semaphore_mem>> -> memref<!tpu.dma_semaphore, #tpu.memory_space<semaphore_mem>>
      tpu.wait_indirect_dma semaphore(%dma_wait3A_207 : memref<!tpu.dma_semaphore, #tpu.memory_space<semaphore_mem>>) src(%dma_wait3A_205 : memref<20480x128xf32, #tpu.memory_space<hbm>>) dst(%arg9 : memref<128x128xf32, #tpu.memory_space<vmem>>)
      %add3A_208 = arith.constant 1 : i32
      %add3A_209 = arith.addi %add3A_171, %add3A_208 : i32
      "tpu.region"() ({
        %run_scoped3A_210 = tpu.sem_alloc : memref<!tpu.dma_semaphore, #tpu.memory_space<semaphore_mem>>
        %dma_start3A_211 = arith.constant 0 : i32
        %dma_start3A_212 = tpu.memref_slice %arg7[%add3A_209, %dma_start3A_211] : memref<16x128xi32, #tpu.memory_space<vmem>> -> memref<1x128xi32, #tpu.memory_space<vmem>>
        %dma_start3A_213 = tpu.memref_squeeze %dma_start3A_212 : memref<1x128xi32, #tpu.memory_space<vmem>> -> memref<128xi32, #tpu.memory_space<vmem>>
        %dma_start3A_214 = arith.constant 0 : i32
        %dma_start3A_215 = arith.constant 0 : i32
        %dma_start3A_216 = tpu.memref_slice %arg10[%dma_start3A_214, %dma_start3A_215] : memref<10240x128xf32, #tpu.memory_space<vmem_shared>> -> memref<10240x128xf32, #tpu.memory_space<vmem_shared>>
        tpu.enqueue_indirect_dma source(%arg9 : memref<128x128xf32, #tpu.memory_space<vmem>>) target(%dma_start3A_216 : memref<10240x128xf32, #tpu.memory_space<vmem_shared>>) offsets(%dma_start3A_213 : memref<128xi32, #tpu.memory_space<vmem>>) semaphore(%run_scoped3A_210 : memref<!tpu.dma_semaphore, #tpu.memory_space<semaphore_mem>>) {add = true}
        %dma_wait3A_217 = arith.constant 0 : i32
        %dma_wait3A_218 = tpu.memref_slice %arg7[%add3A_209, %dma_wait3A_217] : memref<16x128xi32, #tpu.memory_space<vmem>> -> memref<1x128xi32, #tpu.memory_space<vmem>>
        %dma_wait3A_219 = tpu.memref_squeeze %dma_wait3A_218 : memref<1x128xi32, #tpu.memory_space<vmem>> -> memref<128xi32, #tpu.memory_space<vmem>>
        %dma_wait3A_220 = arith.constant 0 : i32
        %dma_wait3A_221 = arith.constant 0 : i32
        %dma_wait3A_222 = tpu.memref_slice %arg10[%dma_wait3A_220, %dma_wait3A_221] : memref<10240x128xf32, #tpu.memory_space<vmem_shared>> -> memref<10240x128xf32, #tpu.memory_space<vmem_shared>>
        tpu.wait_indirect_dma semaphore(%run_scoped3A_210 : memref<!tpu.dma_semaphore, #tpu.memory_space<semaphore_mem>>) src(%arg9 : memref<128x128xf32, #tpu.memory_space<vmem>>) dst(%dma_wait3A_222 : memref<10240x128xf32, #tpu.memory_space<vmem_shared>>)
        tpu.yield
      }) : () -> ()
    }
    %scan3A_106 = arith.constant 8 : i32
    %run_scoped3A_107 = arith.constant 3 : i32
    "tpu.region"() ({
      %run_scoped3A_167 = tpu.sem_alloc : memref<!tpu.dma_semaphore, #tpu.memory_space<semaphore_mem>>
      %dma_start3A_168 = arith.constant 0 : i32
      %dma_start3A_169 = arith.constant 0 : i32
      %dma_start3A_170 = tpu.memref_slice %arg3[%arg1, %run_scoped3A_107, %dma_start3A_168, %dma_start3A_169] : memref<16x5x16x128xi32, #tpu.memory_space<hbm>> -> memref<1x1x16x128xi32, #tpu.memory_space<hbm>>
      %dma_start3A_171 = tpu.memref_squeeze %dma_start3A_170 : memref<1x1x16x128xi32, #tpu.memory_space<hbm>> -> memref<16x128xi32, #tpu.memory_space<hbm>>
      %dma_start3A_172 = arith.constant 0 : i32
      %dma_start3A_173 = arith.constant 0 : i32
      %dma_start3A_174 = tpu.memref_slice %arg3[%arg1, %run_scoped3A_107, %dma_start3A_172, %dma_start3A_173] : memref<16x5x16x128xi32, #tpu.memory_space<hbm>> -> memref<1x1x16x128xi32, #tpu.memory_space<hbm>>
      %dma_start3A_175 = tpu.memref_squeeze %dma_start3A_174 : memref<1x1x16x128xi32, #tpu.memory_space<hbm>> -> memref<16x128xi32, #tpu.memory_space<hbm>>
      tpu.enqueue_dma source(%dma_start3A_175 : memref<16x128xi32, #tpu.memory_space<hbm>>) target(%arg6 : memref<16x128xi32, #tpu.memory_space<vmem>>) target_semaphore(%run_scoped3A_167 : memref<!tpu.dma_semaphore, #tpu.memory_space<semaphore_mem>>)
      %dma_wait3A = arith.constant 0 : i32
      %dma_wait3A_176 = arith.constant 0 : i32
      %dma_wait3A_177 = tpu.memref_slice %arg3[%arg1, %run_scoped3A_107, %dma_wait3A, %dma_wait3A_176] : memref<16x5x16x128xi32, #tpu.memory_space<hbm>> -> memref<1x1x16x128xi32, #tpu.memory_space<hbm>>
      %dma_wait3A_178 = tpu.memref_squeeze %dma_wait3A_177 : memref<1x1x16x128xi32, #tpu.memory_space<hbm>> -> memref<16x128xi32, #tpu.memory_space<hbm>>
      %dma_wait3A_179 = arith.constant 0 : i32
      %dma_wait3A_180 = arith.constant 0 : i32
      %dma_wait3A_181 = tpu.memref_slice %arg3[%arg1, %run_scoped3A_107, %dma_wait3A_179, %dma_wait3A_180] : memref<16x5x16x128xi32, #tpu.memory_space<hbm>> -> memref<1x1x16x128xi32, #tpu.memory_space<hbm>>
      %dma_wait3A_182 = tpu.memref_squeeze %dma_wait3A_181 : memref<1x1x16x128xi32, #tpu.memory_space<hbm>> -> memref<16x128xi32, #tpu.memory_space<hbm>>
      tpu.wait_dma2 semaphore(%run_scoped3A_167 : memref<!tpu.dma_semaphore, #tpu.memory_space<semaphore_mem>>) src(%dma_wait3A_182 : memref<16x128xi32, #tpu.memory_space<hbm>>) dst(%arg6 : memref<16x128xi32, #tpu.memory_space<vmem>>)
      tpu.yield
    }) : () -> ()
    %run_scoped3A_108 = arith.constant 3 : i32
    "tpu.region"() ({
      %run_scoped3A_167 = tpu.sem_alloc : memref<!tpu.dma_semaphore, #tpu.memory_space<semaphore_mem>>
      %dma_start3A_168 = arith.constant 0 : i32
      %dma_start3A_169 = arith.constant 0 : i32
      %dma_start3A_170 = tpu.memref_slice %arg4[%arg1, %run_scoped3A_108, %dma_start3A_168, %dma_start3A_169] : memref<16x5x16x128xi32, #tpu.memory_space<hbm>> -> memref<1x1x16x128xi32, #tpu.memory_space<hbm>>
      %dma_start3A_171 = tpu.memref_squeeze %dma_start3A_170 : memref<1x1x16x128xi32, #tpu.memory_space<hbm>> -> memref<16x128xi32, #tpu.memory_space<hbm>>
      %dma_start3A_172 = arith.constant 0 : i32
      %dma_start3A_173 = arith.constant 0 : i32
      %dma_start3A_174 = tpu.memref_slice %arg4[%arg1, %run_scoped3A_108, %dma_start3A_172, %dma_start3A_173] : memref<16x5x16x128xi32, #tpu.memory_space<hbm>> -> memref<1x1x16x128xi32, #tpu.memory_space<hbm>>
      %dma_start3A_175 = tpu.memref_squeeze %dma_start3A_174 : memref<1x1x16x128xi32, #tpu.memory_space<hbm>> -> memref<16x128xi32, #tpu.memory_space<hbm>>
      tpu.enqueue_dma source(%dma_start3A_175 : memref<16x128xi32, #tpu.memory_space<hbm>>) target(%arg7 : memref<16x128xi32, #tpu.memory_space<vmem>>) target_semaphore(%run_scoped3A_167 : memref<!tpu.dma_semaphore, #tpu.memory_space<semaphore_mem>>)
      %dma_wait3A = arith.constant 0 : i32
      %dma_wait3A_176 = arith.constant 0 : i32
      %dma_wait3A_177 = tpu.memref_slice %arg4[%arg1, %run_scoped3A_108, %dma_wait3A, %dma_wait3A_176] : memref<16x5x16x128xi32, #tpu.memory_space<hbm>> -> memref<1x1x16x128xi32, #tpu.memory_space<hbm>>
      %dma_wait3A_178 = tpu.memref_squeeze %dma_wait3A_177 : memref<1x1x16x128xi32, #tpu.memory_space<hbm>> -> memref<16x128xi32, #tpu.memory_space<hbm>>
      %dma_wait3A_179 = arith.constant 0 : i32
      %dma_wait3A_180 = arith.constant 0 : i32
      %dma_wait3A_181 = tpu.memref_slice %arg4[%arg1, %run_scoped3A_108, %dma_wait3A_179, %dma_wait3A_180] : memref<16x5x16x128xi32, #tpu.memory_space<hbm>> -> memref<1x1x16x128xi32, #tpu.memory_space<hbm>>
      %dma_wait3A_182 = tpu.memref_squeeze %dma_wait3A_181 : memref<1x1x16x128xi32, #tpu.memory_space<hbm>> -> memref<16x128xi32, #tpu.memory_space<hbm>>
      tpu.wait_dma2 semaphore(%run_scoped3A_167 : memref<!tpu.dma_semaphore, #tpu.memory_space<semaphore_mem>>) src(%dma_wait3A_182 : memref<16x128xi32, #tpu.memory_space<hbm>>) dst(%arg7 : memref<16x128xi32, #tpu.memory_space<vmem>>)
      tpu.yield
    }) : () -> ()
    %scan3A_109 = arith.constant 0 : i32
    %scan3A_110 = arith.constant 0 : i32
    %scan3A_111 = arith.constant 16 : i32
    %scan3A_112 = arith.addi %scan3A_110, %scan3A_111 : i32
    %scan3A_113 = arith.constant 1 : i32
    %scan3A_114 = scf.for %scan3A_167 = %scan3A_110 to %scan3A_112 step %scan3A_113 iter_args(%scan3A_168 = %scan3A_109) -> (i32)  : i32 {
      %scan3A_169 = arith.constant 0 : i32
      %scan3A_170 = arith.constant 0 : i32
      %scan3A_171 = arith.constant 8 : i32
      %scan3A_172 = arith.addi %scan3A_170, %scan3A_171 : i32
      %scan3A_173 = arith.constant 1 : i32
      %scan3A_174 = scf.for %scan3A_177 = %scan3A_170 to %scan3A_172 step %scan3A_173 iter_args(%scan3A_178 = %scan3A_169) -> (i32)  : i32 {
        %mul3A_179 = arith.constant 16 : i32
        %mul3A_180 = arith.muli %scan3A_177, %mul3A_179 : i32
        %get3A = arith.index_cast %scan3A_167 : i32 to index
        %get3A_181 = arith.index_cast %mul3A_180 : i32 to index
        %get3A_182 = tpu.vector_load %arg6[%get3A, %get3A_181] {strides = array<i32>} : memref<16x128xi32, #tpu.memory_space<vmem>>, vector<16xi32>,
        %add3A_183 = arith.addi %get3A_182, %add3A_30 : vector<16xi32>
        %mul3A_184 = arith.constant 16 : i32
        %mul3A_185 = arith.muli %scan3A_177, %mul3A_184 : i32
        %swap3A = arith.index_cast %scan3A_167 : i32 to index
        %swap3A_186 = arith.index_cast %mul3A_185 : i32 to index
        %swap3A_187 = tpu.vector_load %arg6[%swap3A, %swap3A_186] {strides = array<i32>} : memref<16x128xi32, #tpu.memory_space<vmem>>, vector<16xi32>,
        tpu.vector_store %arg6[%swap3A, %swap3A_186], %add3A_183 {strides = array<i32>} : memref<16x128xi32, #tpu.memory_space<vmem>>, vector<16xi32>,
        %scan3A_188 = arith.constant 0 : i32
        scf.yield %scan3A_188 : i32
      }
      %scan3A_175 = arith.constant 8 : i32
      %scan3A_176 = arith.constant 0 : i32
      scf.yield %scan3A_176 : i32
    }
    %scan3A_115 = arith.constant 16 : i32
    %dma_start3A_116 = arith.constant 0 : i32
    %dma_start3A_117 = arith.constant 0 : i32
    %dma_start3A_118 = arith.constant 0 : i32
    %dma_start3A_119 = tpu.memref_slice %arg6[%dma_start3A_116, %dma_start3A_118] : memref<16x128xi32, #tpu.memory_space<vmem>> -> memref<1x128xi32, #tpu.memory_space<vmem>>
    %dma_start3A_120 = tpu.memref_squeeze %dma_start3A_119 : memref<1x128xi32, #tpu.memory_space<vmem>> -> memref<128xi32, #tpu.memory_space<vmem>>
    %dma_start3A_121 = arith.constant 0 : i32
    %dma_start3A_122 = arith.constant 0 : i32
    %dma_start3A_123 = tpu.memref_slice %arg2[%dma_start3A_121, %dma_start3A_122] : memref<20480x128xf32, #tpu.memory_space<hbm>> -> memref<20480x128xf32, #tpu.memory_space<hbm>>
    %dma_start3A_124 = tpu.memref_slice %arg11[%dma_start3A_117] : memref<2x!tpu.dma_semaphore, #tpu.memory_space<semaphore_mem>> -> memref<1x!tpu.dma_semaphore, #tpu.memory_space<semaphore_mem>>
    %dma_start3A_125 = tpu.memref_squeeze %dma_start3A_124 : memref<1x!tpu.dma_semaphore, #tpu.memory_space<semaphore_mem>> -> memref<!tpu.dma_semaphore, #tpu.memory_space<semaphore_mem>>
    tpu.enqueue_indirect_dma source(%dma_start3A_123 : memref<20480x128xf32, #tpu.memory_space<hbm>>) target(%arg8 : memref<128x128xf32, #tpu.memory_space<vmem>>) offsets(%dma_start3A_120 : memref<128xi32, #tpu.memory_space<vmem>>) semaphore(%dma_start3A_125 : memref<!tpu.dma_semaphore, #tpu.memory_space<semaphore_mem>>)
    %scan3A_126 = arith.constant 1 : i32
    %scan3A_127 = arith.constant 0 : i32
    %scan3A_128 = arith.constant 0 : i32
    %scan3A_129 = arith.constant 8 : i32
    %scan3A_130 = arith.addi %scan3A_128, %scan3A_129 : i32
    %scan3A_131 = arith.constant 1 : i32
    scf.for %scan3A_167 = %scan3A_128 to %scan3A_130 step %scan3A_131  : i32 {
      %mul3A_168 = arith.constant 2 : i32
      %mul3A_169 = arith.muli %scan3A_167, %mul3A_168 : i32
      %add3A_170 = arith.constant 0 : i32
      %add3A_171 = arith.addi %add3A_170, %mul3A_169 : i32
      %add3A_172 = arith.constant 0 : i32
      %add3A_173 = arith.addi %add3A_171, %add3A_172 : i32
      %add3A_174 = arith.constant 1 : i32
      %add3A_175 = arith.addi %add3A_173, %add3A_174 : i32
      %lt3A = arith.constant 16 : i32
      %lt3A_176 = arith.cmpi slt, %add3A_175, %lt3A : i32
      %convert_element_type3A = arith.extui %lt3A_176 : i1 to i32
      %cond3A = arith.constant 0 : i32
      %cond3A_177 = arith.cmpi ne, %convert_element_type3A, %cond3A : i32
      scf.if %cond3A_177 {
        %dma_start3A_210 = arith.constant 0 : i32
        %dma_start3A_211 = tpu.memref_slice %arg6[%add3A_175, %dma_start3A_210] : memref<16x128xi32, #tpu.memory_space<vmem>> -> memref<1x128xi32, #tpu.memory_space<vmem>>
        %dma_start3A_212 = tpu.memref_squeeze %dma_start3A_211 : memref<1x128xi32, #tpu.memory_space<vmem>> -> memref<128xi32, #tpu.memory_space<vmem>>
        %dma_start3A_213 = arith.constant 0 : i32
        %dma_start3A_214 = arith.constant 0 : i32
        %dma_start3A_215 = tpu.memref_slice %arg2[%dma_start3A_213, %dma_start3A_214] : memref<20480x128xf32, #tpu.memory_space<hbm>> -> memref<20480x128xf32, #tpu.memory_space<hbm>>
        %dma_start3A_216 = tpu.memref_slice %arg11[%scan3A_126] : memref<2x!tpu.dma_semaphore, #tpu.memory_space<semaphore_mem>> -> memref<1x!tpu.dma_semaphore, #tpu.memory_space<semaphore_mem>>
        %dma_start3A_217 = tpu.memref_squeeze %dma_start3A_216 : memref<1x!tpu.dma_semaphore, #tpu.memory_space<semaphore_mem>> -> memref<!tpu.dma_semaphore, #tpu.memory_space<semaphore_mem>>
        tpu.enqueue_indirect_dma source(%dma_start3A_215 : memref<20480x128xf32, #tpu.memory_space<hbm>>) target(%arg9 : memref<128x128xf32, #tpu.memory_space<vmem>>) offsets(%dma_start3A_212 : memref<128xi32, #tpu.memory_space<vmem>>) semaphore(%dma_start3A_217 : memref<!tpu.dma_semaphore, #tpu.memory_space<semaphore_mem>>)
      } else {
      }
      %add3A_178 = arith.constant 0 : i32
      %add3A_179 = arith.addi %add3A_171, %add3A_178 : i32
      %dma_wait3A = arith.constant 0 : i32
      %dma_wait3A_180 = tpu.memref_slice %arg6[%add3A_179, %dma_wait3A] : memref<16x128xi32, #tpu.memory_space<vmem>> -> memref<1x128xi32, #tpu.memory_space<vmem>>
      %dma_wait3A_181 = tpu.memref_squeeze %dma_wait3A_180 : memref<1x128xi32, #tpu.memory_space<vmem>> -> memref<128xi32, #tpu.memory_space<vmem>>
      %dma_wait3A_182 = arith.constant 0 : i32
      %dma_wait3A_183 = arith.constant 0 : i32
      %dma_wait3A_184 = tpu.memref_slice %arg2[%dma_wait3A_182, %dma_wait3A_183] : memref<20480x128xf32, #tpu.memory_space<hbm>> -> memref<20480x128xf32, #tpu.memory_space<hbm>>
      %dma_wait3A_185 = tpu.memref_slice %arg11[%scan3A_127] : memref<2x!tpu.dma_semaphore, #tpu.memory_space<semaphore_mem>> -> memref<1x!tpu.dma_semaphore, #tpu.memory_space<semaphore_mem>>
      %dma_wait3A_186 = tpu.memref_squeeze %dma_wait3A_185 : memref<1x!tpu.dma_semaphore, #tpu.memory_space<semaphore_mem>> -> memref<!tpu.dma_semaphore, #tpu.memory_space<semaphore_mem>>
      tpu.wait_indirect_dma semaphore(%dma_wait3A_186 : memref<!tpu.dma_semaphore, #tpu.memory_space<semaphore_mem>>) src(%dma_wait3A_184 : memref<20480x128xf32, #tpu.memory_space<hbm>>) dst(%arg8 : memref<128x128xf32, #tpu.memory_space<vmem>>)
      %add3A_187 = arith.constant 0 : i32
      %add3A_188 = arith.addi %add3A_171, %add3A_187 : i32
      "tpu.region"() ({
        %run_scoped3A_210 = tpu.sem_alloc : memref<!tpu.dma_semaphore, #tpu.memory_space<semaphore_mem>>
        %dma_start3A_211 = arith.constant 0 : i32
        %dma_start3A_212 = tpu.memref_slice %arg7[%add3A_188, %dma_start3A_211] : memref<16x128xi32, #tpu.memory_space<vmem>> -> memref<1x128xi32, #tpu.memory_space<vmem>>
        %dma_start3A_213 = tpu.memref_squeeze %dma_start3A_212 : memref<1x128xi32, #tpu.memory_space<vmem>> -> memref<128xi32, #tpu.memory_space<vmem>>
        %dma_start3A_214 = arith.constant 0 : i32
        %dma_start3A_215 = arith.constant 0 : i32
        %dma_start3A_216 = tpu.memref_slice %arg10[%dma_start3A_214, %dma_start3A_215] : memref<10240x128xf32, #tpu.memory_space<vmem_shared>> -> memref<10240x128xf32, #tpu.memory_space<vmem_shared>>
        tpu.enqueue_indirect_dma source(%arg8 : memref<128x128xf32, #tpu.memory_space<vmem>>) target(%dma_start3A_216 : memref<10240x128xf32, #tpu.memory_space<vmem_shared>>) offsets(%dma_start3A_213 : memref<128xi32, #tpu.memory_space<vmem>>) semaphore(%run_scoped3A_210 : memref<!tpu.dma_semaphore, #tpu.memory_space<semaphore_mem>>) {add = true}
        %dma_wait3A_217 = arith.constant 0 : i32
        %dma_wait3A_218 = tpu.memref_slice %arg7[%add3A_188, %dma_wait3A_217] : memref<16x128xi32, #tpu.memory_space<vmem>> -> memref<1x128xi32, #tpu.memory_space<vmem>>
        %dma_wait3A_219 = tpu.memref_squeeze %dma_wait3A_218 : memref<1x128xi32, #tpu.memory_space<vmem>> -> memref<128xi32, #tpu.memory_space<vmem>>
        %dma_wait3A_220 = arith.constant 0 : i32
        %dma_wait3A_221 = arith.constant 0 : i32
        %dma_wait3A_222 = tpu.memref_slice %arg10[%dma_wait3A_220, %dma_wait3A_221] : memref<10240x128xf32, #tpu.memory_space<vmem_shared>> -> memref<10240x128xf32, #tpu.memory_space<vmem_shared>>
        tpu.wait_indirect_dma semaphore(%run_scoped3A_210 : memref<!tpu.dma_semaphore, #tpu.memory_space<semaphore_mem>>) src(%arg8 : memref<128x128xf32, #tpu.memory_space<vmem>>) dst(%dma_wait3A_222 : memref<10240x128xf32, #tpu.memory_space<vmem_shared>>)
        tpu.yield
      }) : () -> ()
      %add3A_189 = arith.constant 1 : i32
      %add3A_190 = arith.addi %add3A_171, %add3A_189 : i32
      %add3A_191 = arith.constant 1 : i32
      %add3A_192 = arith.addi %add3A_190, %add3A_191 : i32
      %lt3A_193 = arith.constant 16 : i32
      %lt3A_194 = arith.cmpi slt, %add3A_192, %lt3A_193 : i32
      %convert_element_type3A_195 = arith.extui %lt3A_194 : i1 to i32
      %cond3A_196 = arith.constant 0 : i32
      %cond3A_197 = arith.cmpi ne, %convert_element_type3A_195, %cond3A_196 : i32
      scf.if %cond3A_197 {
        %dma_start3A_210 = arith.constant 0 : i32
        %dma_start3A_211 = tpu.memref_slice %arg6[%add3A_192, %dma_start3A_210] : memref<16x128xi32, #tpu.memory_space<vmem>> -> memref<1x128xi32, #tpu.memory_space<vmem>>
        %dma_start3A_212 = tpu.memref_squeeze %dma_start3A_211 : memref<1x128xi32, #tpu.memory_space<vmem>> -> memref<128xi32, #tpu.memory_space<vmem>>
        %dma_start3A_213 = arith.constant 0 : i32
        %dma_start3A_214 = arith.constant 0 : i32
        %dma_start3A_215 = tpu.memref_slice %arg2[%dma_start3A_213, %dma_start3A_214] : memref<20480x128xf32, #tpu.memory_space<hbm>> -> memref<20480x128xf32, #tpu.memory_space<hbm>>
        %dma_start3A_216 = tpu.memref_slice %arg11[%scan3A_127] : memref<2x!tpu.dma_semaphore, #tpu.memory_space<semaphore_mem>> -> memref<1x!tpu.dma_semaphore, #tpu.memory_space<semaphore_mem>>
        %dma_start3A_217 = tpu.memref_squeeze %dma_start3A_216 : memref<1x!tpu.dma_semaphore, #tpu.memory_space<semaphore_mem>> -> memref<!tpu.dma_semaphore, #tpu.memory_space<semaphore_mem>>
        tpu.enqueue_indirect_dma source(%dma_start3A_215 : memref<20480x128xf32, #tpu.memory_space<hbm>>) target(%arg8 : memref<128x128xf32, #tpu.memory_space<vmem>>) offsets(%dma_start3A_212 : memref<128xi32, #tpu.memory_space<vmem>>) semaphore(%dma_start3A_217 : memref<!tpu.dma_semaphore, #tpu.memory_space<semaphore_mem>>)
      } else {
      }
      %add3A_198 = arith.constant 1 : i32
      %add3A_199 = arith.addi %add3A_171, %add3A_198 : i32
      %dma_wait3A_200 = arith.constant 0 : i32
      %dma_wait3A_201 = tpu.memref_slice %arg6[%add3A_199, %dma_wait3A_200] : memref<16x128xi32, #tpu.memory_space<vmem>> -> memref<1x128xi32, #tpu.memory_space<vmem>>
      %dma_wait3A_202 = tpu.memref_squeeze %dma_wait3A_201 : memref<1x128xi32, #tpu.memory_space<vmem>> -> memref<128xi32, #tpu.memory_space<vmem>>
      %dma_wait3A_203 = arith.constant 0 : i32
      %dma_wait3A_204 = arith.constant 0 : i32
      %dma_wait3A_205 = tpu.memref_slice %arg2[%dma_wait3A_203, %dma_wait3A_204] : memref<20480x128xf32, #tpu.memory_space<hbm>> -> memref<20480x128xf32, #tpu.memory_space<hbm>>
      %dma_wait3A_206 = tpu.memref_slice %arg11[%scan3A_126] : memref<2x!tpu.dma_semaphore, #tpu.memory_space<semaphore_mem>> -> memref<1x!tpu.dma_semaphore, #tpu.memory_space<semaphore_mem>>
      %dma_wait3A_207 = tpu.memref_squeeze %dma_wait3A_206 : memref<1x!tpu.dma_semaphore, #tpu.memory_space<semaphore_mem>> -> memref<!tpu.dma_semaphore, #tpu.memory_space<semaphore_mem>>
      tpu.wait_indirect_dma semaphore(%dma_wait3A_207 : memref<!tpu.dma_semaphore, #tpu.memory_space<semaphore_mem>>) src(%dma_wait3A_205 : memref<20480x128xf32, #tpu.memory_space<hbm>>) dst(%arg9 : memref<128x128xf32, #tpu.memory_space<vmem>>)
      %add3A_208 = arith.constant 1 : i32
      %add3A_209 = arith.addi %add3A_171, %add3A_208 : i32
      "tpu.region"() ({
        %run_scoped3A_210 = tpu.sem_alloc : memref<!tpu.dma_semaphore, #tpu.memory_space<semaphore_mem>>
        %dma_start3A_211 = arith.constant 0 : i32
        %dma_start3A_212 = tpu.memref_slice %arg7[%add3A_209, %dma_start3A_211] : memref<16x128xi32, #tpu.memory_space<vmem>> -> memref<1x128xi32, #tpu.memory_space<vmem>>
        %dma_start3A_213 = tpu.memref_squeeze %dma_start3A_212 : memref<1x128xi32, #tpu.memory_space<vmem>> -> memref<128xi32, #tpu.memory_space<vmem>>
        %dma_start3A_214 = arith.constant 0 : i32
        %dma_start3A_215 = arith.constant 0 : i32
        %dma_start3A_216 = tpu.memref_slice %arg10[%dma_start3A_214, %dma_start3A_215] : memref<10240x128xf32, #tpu.memory_space<vmem_shared>> -> memref<10240x128xf32, #tpu.memory_space<vmem_shared>>
        tpu.enqueue_indirect_dma source(%arg9 : memref<128x128xf32, #tpu.memory_space<vmem>>) target(%dma_start3A_216 : memref<10240x128xf32, #tpu.memory_space<vmem_shared>>) offsets(%dma_start3A_213 : memref<128xi32, #tpu.memory_space<vmem>>) semaphore(%run_scoped3A_210 : memref<!tpu.dma_semaphore, #tpu.memory_space<semaphore_mem>>) {add = true}
        %dma_wait3A_217 = arith.constant 0 : i32
        %dma_wait3A_218 = tpu.memref_slice %arg7[%add3A_209, %dma_wait3A_217] : memref<16x128xi32, #tpu.memory_space<vmem>> -> memref<1x128xi32, #tpu.memory_space<vmem>>
        %dma_wait3A_219 = tpu.memref_squeeze %dma_wait3A_218 : memref<1x128xi32, #tpu.memory_space<vmem>> -> memref<128xi32, #tpu.memory_space<vmem>>
        %dma_wait3A_220 = arith.constant 0 : i32
        %dma_wait3A_221 = arith.constant 0 : i32
        %dma_wait3A_222 = tpu.memref_slice %arg10[%dma_wait3A_220, %dma_wait3A_221] : memref<10240x128xf32, #tpu.memory_space<vmem_shared>> -> memref<10240x128xf32, #tpu.memory_space<vmem_shared>>
        tpu.wait_indirect_dma semaphore(%run_scoped3A_210 : memref<!tpu.dma_semaphore, #tpu.memory_space<semaphore_mem>>) src(%arg9 : memref<128x128xf32, #tpu.memory_space<vmem>>) dst(%dma_wait3A_222 : memref<10240x128xf32, #tpu.memory_space<vmem_shared>>)
        tpu.yield
      }) : () -> ()
    }
    %scan3A_132 = arith.constant 8 : i32
    %run_scoped3A_133 = arith.constant 4 : i32
    "tpu.region"() ({
      %run_scoped3A_167 = tpu.sem_alloc : memref<!tpu.dma_semaphore, #tpu.memory_space<semaphore_mem>>
      %dma_start3A_168 = arith.constant 0 : i32
      %dma_start3A_169 = arith.constant 0 : i32
      %dma_start3A_170 = tpu.memref_slice %arg3[%arg1, %run_scoped3A_133, %dma_start3A_168, %dma_start3A_169] : memref<16x5x16x128xi32, #tpu.memory_space<hbm>> -> memref<1x1x16x128xi32, #tpu.memory_space<hbm>>
      %dma_start3A_171 = tpu.memref_squeeze %dma_start3A_170 : memref<1x1x16x128xi32, #tpu.memory_space<hbm>> -> memref<16x128xi32, #tpu.memory_space<hbm>>
      %dma_start3A_172 = arith.constant 0 : i32
      %dma_start3A_173 = arith.constant 0 : i32
      %dma_start3A_174 = tpu.memref_slice %arg3[%arg1, %run_scoped3A_133, %dma_start3A_172, %dma_start3A_173] : memref<16x5x16x128xi32, #tpu.memory_space<hbm>> -> memref<1x1x16x128xi32, #tpu.memory_space<hbm>>
      %dma_start3A_175 = tpu.memref_squeeze %dma_start3A_174 : memref<1x1x16x128xi32, #tpu.memory_space<hbm>> -> memref<16x128xi32, #tpu.memory_space<hbm>>
      tpu.enqueue_dma source(%dma_start3A_175 : memref<16x128xi32, #tpu.memory_space<hbm>>) target(%arg6 : memref<16x128xi32, #tpu.memory_space<vmem>>) target_semaphore(%run_scoped3A_167 : memref<!tpu.dma_semaphore, #tpu.memory_space<semaphore_mem>>)
      %dma_wait3A = arith.constant 0 : i32
      %dma_wait3A_176 = arith.constant 0 : i32
      %dma_wait3A_177 = tpu.memref_slice %arg3[%arg1, %run_scoped3A_133, %dma_wait3A, %dma_wait3A_176] : memref<16x5x16x128xi32, #tpu.memory_space<hbm>> -> memref<1x1x16x128xi32, #tpu.memory_space<hbm>>
      %dma_wait3A_178 = tpu.memref_squeeze %dma_wait3A_177 : memref<1x1x16x128xi32, #tpu.memory_space<hbm>> -> memref<16x128xi32, #tpu.memory_space<hbm>>
      %dma_wait3A_179 = arith.constant 0 : i32
      %dma_wait3A_180 = arith.constant 0 : i32
      %dma_wait3A_181 = tpu.memref_slice %arg3[%arg1, %run_scoped3A_133, %dma_wait3A_179, %dma_wait3A_180] : memref<16x5x16x128xi32, #tpu.memory_space<hbm>> -> memref<1x1x16x128xi32, #tpu.memory_space<hbm>>
      %dma_wait3A_182 = tpu.memref_squeeze %dma_wait3A_181 : memref<1x1x16x128xi32, #tpu.memory_space<hbm>> -> memref<16x128xi32, #tpu.memory_space<hbm>>
      tpu.wait_dma2 semaphore(%run_scoped3A_167 : memref<!tpu.dma_semaphore, #tpu.memory_space<semaphore_mem>>) src(%dma_wait3A_182 : memref<16x128xi32, #tpu.memory_space<hbm>>) dst(%arg6 : memref<16x128xi32, #tpu.memory_space<vmem>>)
      tpu.yield
    }) : () -> ()
    %run_scoped3A_134 = arith.constant 4 : i32
    "tpu.region"() ({
      %run_scoped3A_167 = tpu.sem_alloc : memref<!tpu.dma_semaphore, #tpu.memory_space<semaphore_mem>>
      %dma_start3A_168 = arith.constant 0 : i32
      %dma_start3A_169 = arith.constant 0 : i32
      %dma_start3A_170 = tpu.memref_slice %arg4[%arg1, %run_scoped3A_134, %dma_start3A_168, %dma_start3A_169] : memref<16x5x16x128xi32, #tpu.memory_space<hbm>> -> memref<1x1x16x128xi32, #tpu.memory_space<hbm>>
      %dma_start3A_171 = tpu.memref_squeeze %dma_start3A_170 : memref<1x1x16x128xi32, #tpu.memory_space<hbm>> -> memref<16x128xi32, #tpu.memory_space<hbm>>
      %dma_start3A_172 = arith.constant 0 : i32
      %dma_start3A_173 = arith.constant 0 : i32
      %dma_start3A_174 = tpu.memref_slice %arg4[%arg1, %run_scoped3A_134, %dma_start3A_172, %dma_start3A_173] : memref<16x5x16x128xi32, #tpu.memory_space<hbm>> -> memref<1x1x16x128xi32, #tpu.memory_space<hbm>>
      %dma_start3A_175 = tpu.memref_squeeze %dma_start3A_174 : memref<1x1x16x128xi32, #tpu.memory_space<hbm>> -> memref<16x128xi32, #tpu.memory_space<hbm>>
      tpu.enqueue_dma source(%dma_start3A_175 : memref<16x128xi32, #tpu.memory_space<hbm>>) target(%arg7 : memref<16x128xi32, #tpu.memory_space<vmem>>) target_semaphore(%run_scoped3A_167 : memref<!tpu.dma_semaphore, #tpu.memory_space<semaphore_mem>>)
      %dma_wait3A = arith.constant 0 : i32
      %dma_wait3A_176 = arith.constant 0 : i32
      %dma_wait3A_177 = tpu.memref_slice %arg4[%arg1, %run_scoped3A_134, %dma_wait3A, %dma_wait3A_176] : memref<16x5x16x128xi32, #tpu.memory_space<hbm>> -> memref<1x1x16x128xi32, #tpu.memory_space<hbm>>
      %dma_wait3A_178 = tpu.memref_squeeze %dma_wait3A_177 : memref<1x1x16x128xi32, #tpu.memory_space<hbm>> -> memref<16x128xi32, #tpu.memory_space<hbm>>
      %dma_wait3A_179 = arith.constant 0 : i32
      %dma_wait3A_180 = arith.constant 0 : i32
      %dma_wait3A_181 = tpu.memref_slice %arg4[%arg1, %run_scoped3A_134, %dma_wait3A_179, %dma_wait3A_180] : memref<16x5x16x128xi32, #tpu.memory_space<hbm>> -> memref<1x1x16x128xi32, #tpu.memory_space<hbm>>
      %dma_wait3A_182 = tpu.memref_squeeze %dma_wait3A_181 : memref<1x1x16x128xi32, #tpu.memory_space<hbm>> -> memref<16x128xi32, #tpu.memory_space<hbm>>
      tpu.wait_dma2 semaphore(%run_scoped3A_167 : memref<!tpu.dma_semaphore, #tpu.memory_space<semaphore_mem>>) src(%dma_wait3A_182 : memref<16x128xi32, #tpu.memory_space<hbm>>) dst(%arg7 : memref<16x128xi32, #tpu.memory_space<vmem>>)
      tpu.yield
    }) : () -> ()
    %scan3A_135 = arith.constant 0 : i32
    %scan3A_136 = arith.constant 0 : i32
    %scan3A_137 = arith.constant 16 : i32
    %scan3A_138 = arith.addi %scan3A_136, %scan3A_137 : i32
    %scan3A_139 = arith.constant 1 : i32
    %scan3A_140 = scf.for %scan3A_167 = %scan3A_136 to %scan3A_138 step %scan3A_139 iter_args(%scan3A_168 = %scan3A_135) -> (i32)  : i32 {
      %scan3A_169 = arith.constant 0 : i32
      %scan3A_170 = arith.constant 0 : i32
      %scan3A_171 = arith.constant 8 : i32
      %scan3A_172 = arith.addi %scan3A_170, %scan3A_171 : i32
      %scan3A_173 = arith.constant 1 : i32
      %scan3A_174 = scf.for %scan3A_177 = %scan3A_170 to %scan3A_172 step %scan3A_173 iter_args(%scan3A_178 = %scan3A_169) -> (i32)  : i32 {
        %mul3A_179 = arith.constant 16 : i32
        %mul3A_180 = arith.muli %scan3A_177, %mul3A_179 : i32
        %get3A = arith.index_cast %scan3A_167 : i32 to index
        %get3A_181 = arith.index_cast %mul3A_180 : i32 to index
        %get3A_182 = tpu.vector_load %arg6[%get3A, %get3A_181] {strides = array<i32>} : memref<16x128xi32, #tpu.memory_space<vmem>>, vector<16xi32>,
        %add3A_183 = arith.addi %get3A_182, %add3A_30 : vector<16xi32>
        %mul3A_184 = arith.constant 16 : i32
        %mul3A_185 = arith.muli %scan3A_177, %mul3A_184 : i32
        %swap3A = arith.index_cast %scan3A_167 : i32 to index
        %swap3A_186 = arith.index_cast %mul3A_185 : i32 to index
        %swap3A_187 = tpu.vector_load %arg6[%swap3A, %swap3A_186] {strides = array<i32>} : memref<16x128xi32, #tpu.memory_space<vmem>>, vector<16xi32>,
        tpu.vector_store %arg6[%swap3A, %swap3A_186], %add3A_183 {strides = array<i32>} : memref<16x128xi32, #tpu.memory_space<vmem>>, vector<16xi32>,
        %scan3A_188 = arith.constant 0 : i32
        scf.yield %scan3A_188 : i32
      }
      %scan3A_175 = arith.constant 8 : i32
      %scan3A_176 = arith.constant 0 : i32
      scf.yield %scan3A_176 : i32
    }
    %scan3A_141 = arith.constant 16 : i32
    %dma_start3A_142 = arith.constant 0 : i32
    %dma_start3A_143 = arith.constant 0 : i32
    %dma_start3A_144 = arith.constant 0 : i32
    %dma_start3A_145 = tpu.memref_slice %arg6[%dma_start3A_142, %dma_start3A_144] : memref<16x128xi32, #tpu.memory_space<vmem>> -> memref<1x128xi32, #tpu.memory_space<vmem>>
    %dma_start3A_146 = tpu.memref_squeeze %dma_start3A_145 : memref<1x128xi32, #tpu.memory_space<vmem>> -> memref<128xi32, #tpu.memory_space<vmem>>
    %dma_start3A_147 = arith.constant 0 : i32
    %dma_start3A_148 = arith.constant 0 : i32
    %dma_start3A_149 = tpu.memref_slice %arg2[%dma_start3A_147, %dma_start3A_148] : memref<20480x128xf32, #tpu.memory_space<hbm>> -> memref<20480x128xf32, #tpu.memory_space<hbm>>
    %dma_start3A_150 = tpu.memref_slice %arg11[%dma_start3A_143] : memref<2x!tpu.dma_semaphore, #tpu.memory_space<semaphore_mem>> -> memref<1x!tpu.dma_semaphore, #tpu.memory_space<semaphore_mem>>
    %dma_start3A_151 = tpu.memref_squeeze %dma_start3A_150 : memref<1x!tpu.dma_semaphore, #tpu.memory_space<semaphore_mem>> -> memref<!tpu.dma_semaphore, #tpu.memory_space<semaphore_mem>>
    tpu.enqueue_indirect_dma source(%dma_start3A_149 : memref<20480x128xf32, #tpu.memory_space<hbm>>) target(%arg8 : memref<128x128xf32, #tpu.memory_space<vmem>>) offsets(%dma_start3A_146 : memref<128xi32, #tpu.memory_space<vmem>>) semaphore(%dma_start3A_151 : memref<!tpu.dma_semaphore, #tpu.memory_space<semaphore_mem>>)
    %scan3A_152 = arith.constant 1 : i32
    %scan3A_153 = arith.constant 0 : i32
    %scan3A_154 = arith.constant 0 : i32
    %scan3A_155 = arith.constant 8 : i32
    %scan3A_156 = arith.addi %scan3A_154, %scan3A_155 : i32
    %scan3A_157 = arith.constant 1 : i32
    scf.for %scan3A_167 = %scan3A_154 to %scan3A_156 step %scan3A_157  : i32 {
      %mul3A_168 = arith.constant 2 : i32
      %mul3A_169 = arith.muli %scan3A_167, %mul3A_168 : i32
      %add3A_170 = arith.constant 0 : i32
      %add3A_171 = arith.addi %add3A_170, %mul3A_169 : i32
      %add3A_172 = arith.constant 0 : i32
      %add3A_173 = arith.addi %add3A_171, %add3A_172 : i32
      %add3A_174 = arith.constant 1 : i32
      %add3A_175 = arith.addi %add3A_173, %add3A_174 : i32
      %lt3A = arith.constant 16 : i32
      %lt3A_176 = arith.cmpi slt, %add3A_175, %lt3A : i32
      %convert_element_type3A = arith.extui %lt3A_176 : i1 to i32
      %cond3A = arith.constant 0 : i32
      %cond3A_177 = arith.cmpi ne, %convert_element_type3A, %cond3A : i32
      scf.if %cond3A_177 {
        %dma_start3A_210 = arith.constant 0 : i32
        %dma_start3A_211 = tpu.memref_slice %arg6[%add3A_175, %dma_start3A_210] : memref<16x128xi32, #tpu.memory_space<vmem>> -> memref<1x128xi32, #tpu.memory_space<vmem>>
        %dma_start3A_212 = tpu.memref_squeeze %dma_start3A_211 : memref<1x128xi32, #tpu.memory_space<vmem>> -> memref<128xi32, #tpu.memory_space<vmem>>
        %dma_start3A_213 = arith.constant 0 : i32
        %dma_start3A_214 = arith.constant 0 : i32
        %dma_start3A_215 = tpu.memref_slice %arg2[%dma_start3A_213, %dma_start3A_214] : memref<20480x128xf32, #tpu.memory_space<hbm>> -> memref<20480x128xf32, #tpu.memory_space<hbm>>
        %dma_start3A_216 = tpu.memref_slice %arg11[%scan3A_152] : memref<2x!tpu.dma_semaphore, #tpu.memory_space<semaphore_mem>> -> memref<1x!tpu.dma_semaphore, #tpu.memory_space<semaphore_mem>>
        %dma_start3A_217 = tpu.memref_squeeze %dma_start3A_216 : memref<1x!tpu.dma_semaphore, #tpu.memory_space<semaphore_mem>> -> memref<!tpu.dma_semaphore, #tpu.memory_space<semaphore_mem>>
        tpu.enqueue_indirect_dma source(%dma_start3A_215 : memref<20480x128xf32, #tpu.memory_space<hbm>>) target(%arg9 : memref<128x128xf32, #tpu.memory_space<vmem>>) offsets(%dma_start3A_212 : memref<128xi32, #tpu.memory_space<vmem>>) semaphore(%dma_start3A_217 : memref<!tpu.dma_semaphore, #tpu.memory_space<semaphore_mem>>)
      } else {
      }
      %add3A_178 = arith.constant 0 : i32
      %add3A_179 = arith.addi %add3A_171, %add3A_178 : i32
      %dma_wait3A = arith.constant 0 : i32
      %dma_wait3A_180 = tpu.memref_slice %arg6[%add3A_179, %dma_wait3A] : memref<16x128xi32, #tpu.memory_space<vmem>> -> memref<1x128xi32, #tpu.memory_space<vmem>>
      %dma_wait3A_181 = tpu.memref_squeeze %dma_wait3A_180 : memref<1x128xi32, #tpu.memory_space<vmem>> -> memref<128xi32, #tpu.memory_space<vmem>>
      %dma_wait3A_182 = arith.constant 0 : i32
      %dma_wait3A_183 = arith.constant 0 : i32
      %dma_wait3A_184 = tpu.memref_slice %arg2[%dma_wait3A_182, %dma_wait3A_183] : memref<20480x128xf32, #tpu.memory_space<hbm>> -> memref<20480x128xf32, #tpu.memory_space<hbm>>
      %dma_wait3A_185 = tpu.memref_slice %arg11[%scan3A_153] : memref<2x!tpu.dma_semaphore, #tpu.memory_space<semaphore_mem>> -> memref<1x!tpu.dma_semaphore, #tpu.memory_space<semaphore_mem>>
      %dma_wait3A_186 = tpu.memref_squeeze %dma_wait3A_185 : memref<1x!tpu.dma_semaphore, #tpu.memory_space<semaphore_mem>> -> memref<!tpu.dma_semaphore, #tpu.memory_space<semaphore_mem>>
      tpu.wait_indirect_dma semaphore(%dma_wait3A_186 : memref<!tpu.dma_semaphore, #tpu.memory_space<semaphore_mem>>) src(%dma_wait3A_184 : memref<20480x128xf32, #tpu.memory_space<hbm>>) dst(%arg8 : memref<128x128xf32, #tpu.memory_space<vmem>>)
      %add3A_187 = arith.constant 0 : i32
      %add3A_188 = arith.addi %add3A_171, %add3A_187 : i32
      "tpu.region"() ({
        %run_scoped3A_210 = tpu.sem_alloc : memref<!tpu.dma_semaphore, #tpu.memory_space<semaphore_mem>>
        %dma_start3A_211 = arith.constant 0 : i32
        %dma_start3A_212 = tpu.memref_slice %arg7[%add3A_188, %dma_start3A_211] : memref<16x128xi32, #tpu.memory_space<vmem>> -> memref<1x128xi32, #tpu.memory_space<vmem>>
        %dma_start3A_213 = tpu.memref_squeeze %dma_start3A_212 : memref<1x128xi32, #tpu.memory_space<vmem>> -> memref<128xi32, #tpu.memory_space<vmem>>
        %dma_start3A_214 = arith.constant 0 : i32
        %dma_start3A_215 = arith.constant 0 : i32
        %dma_start3A_216 = tpu.memref_slice %arg10[%dma_start3A_214, %dma_start3A_215] : memref<10240x128xf32, #tpu.memory_space<vmem_shared>> -> memref<10240x128xf32, #tpu.memory_space<vmem_shared>>
        tpu.enqueue_indirect_dma source(%arg8 : memref<128x128xf32, #tpu.memory_space<vmem>>) target(%dma_start3A_216 : memref<10240x128xf32, #tpu.memory_space<vmem_shared>>) offsets(%dma_start3A_213 : memref<128xi32, #tpu.memory_space<vmem>>) semaphore(%run_scoped3A_210 : memref<!tpu.dma_semaphore, #tpu.memory_space<semaphore_mem>>) {add = true}
        %dma_wait3A_217 = arith.constant 0 : i32
        %dma_wait3A_218 = tpu.memref_slice %arg7[%add3A_188, %dma_wait3A_217] : memref<16x128xi32, #tpu.memory_space<vmem>> -> memref<1x128xi32, #tpu.memory_space<vmem>>
        %dma_wait3A_219 = tpu.memref_squeeze %dma_wait3A_218 : memref<1x128xi32, #tpu.memory_space<vmem>> -> memref<128xi32, #tpu.memory_space<vmem>>
        %dma_wait3A_220 = arith.constant 0 : i32
        %dma_wait3A_221 = arith.constant 0 : i32
        %dma_wait3A_222 = tpu.memref_slice %arg10[%dma_wait3A_220, %dma_wait3A_221] : memref<10240x128xf32, #tpu.memory_space<vmem_shared>> -> memref<10240x128xf32, #tpu.memory_space<vmem_shared>>
        tpu.wait_indirect_dma semaphore(%run_scoped3A_210 : memref<!tpu.dma_semaphore, #tpu.memory_space<semaphore_mem>>) src(%arg8 : memref<128x128xf32, #tpu.memory_space<vmem>>) dst(%dma_wait3A_222 : memref<10240x128xf32, #tpu.memory_space<vmem_shared>>)
        tpu.yield
      }) : () -> ()
      %add3A_189 = arith.constant 1 : i32
      %add3A_190 = arith.addi %add3A_171, %add3A_189 : i32
      %add3A_191 = arith.constant 1 : i32
      %add3A_192 = arith.addi %add3A_190, %add3A_191 : i32
      %lt3A_193 = arith.constant 16 : i32
      %lt3A_194 = arith.cmpi slt, %add3A_192, %lt3A_193 : i32
      %convert_element_type3A_195 = arith.extui %lt3A_194 : i1 to i32
      %cond3A_196 = arith.constant 0 : i32
      %cond3A_197 = arith.cmpi ne, %convert_element_type3A_195, %cond3A_196 : i32
      scf.if %cond3A_197 {
        %dma_start3A_210 = arith.constant 0 : i32
        %dma_start3A_211 = tpu.memref_slice %arg6[%add3A_192, %dma_start3A_210] : memref<16x128xi32, #tpu.memory_space<vmem>> -> memref<1x128xi32, #tpu.memory_space<vmem>>
        %dma_start3A_212 = tpu.memref_squeeze %dma_start3A_211 : memref<1x128xi32, #tpu.memory_space<vmem>> -> memref<128xi32, #tpu.memory_space<vmem>>
        %dma_start3A_213 = arith.constant 0 : i32
        %dma_start3A_214 = arith.constant 0 : i32
        %dma_start3A_215 = tpu.memref_slice %arg2[%dma_start3A_213, %dma_start3A_214] : memref<20480x128xf32, #tpu.memory_space<hbm>> -> memref<20480x128xf32, #tpu.memory_space<hbm>>
        %dma_start3A_216 = tpu.memref_slice %arg11[%scan3A_153] : memref<2x!tpu.dma_semaphore, #tpu.memory_space<semaphore_mem>> -> memref<1x!tpu.dma_semaphore, #tpu.memory_space<semaphore_mem>>
        %dma_start3A_217 = tpu.memref_squeeze %dma_start3A_216 : memref<1x!tpu.dma_semaphore, #tpu.memory_space<semaphore_mem>> -> memref<!tpu.dma_semaphore, #tpu.memory_space<semaphore_mem>>
        tpu.enqueue_indirect_dma source(%dma_start3A_215 : memref<20480x128xf32, #tpu.memory_space<hbm>>) target(%arg8 : memref<128x128xf32, #tpu.memory_space<vmem>>) offsets(%dma_start3A_212 : memref<128xi32, #tpu.memory_space<vmem>>) semaphore(%dma_start3A_217 : memref<!tpu.dma_semaphore, #tpu.memory_space<semaphore_mem>>)
      } else {
      }
      %add3A_198 = arith.constant 1 : i32
      %add3A_199 = arith.addi %add3A_171, %add3A_198 : i32
      %dma_wait3A_200 = arith.constant 0 : i32
      %dma_wait3A_201 = tpu.memref_slice %arg6[%add3A_199, %dma_wait3A_200] : memref<16x128xi32, #tpu.memory_space<vmem>> -> memref<1x128xi32, #tpu.memory_space<vmem>>
      %dma_wait3A_202 = tpu.memref_squeeze %dma_wait3A_201 : memref<1x128xi32, #tpu.memory_space<vmem>> -> memref<128xi32, #tpu.memory_space<vmem>>
      %dma_wait3A_203 = arith.constant 0 : i32
      %dma_wait3A_204 = arith.constant 0 : i32
      %dma_wait3A_205 = tpu.memref_slice %arg2[%dma_wait3A_203, %dma_wait3A_204] : memref<20480x128xf32, #tpu.memory_space<hbm>> -> memref<20480x128xf32, #tpu.memory_space<hbm>>
      %dma_wait3A_206 = tpu.memref_slice %arg11[%scan3A_152] : memref<2x!tpu.dma_semaphore, #tpu.memory_space<semaphore_mem>> -> memref<1x!tpu.dma_semaphore, #tpu.memory_space<semaphore_mem>>
      %dma_wait3A_207 = tpu.memref_squeeze %dma_wait3A_206 : memref<1x!tpu.dma_semaphore, #tpu.memory_space<semaphore_mem>> -> memref<!tpu.dma_semaphore, #tpu.memory_space<semaphore_mem>>
      tpu.wait_indirect_dma semaphore(%dma_wait3A_207 : memref<!tpu.dma_semaphore, #tpu.memory_space<semaphore_mem>>) src(%dma_wait3A_205 : memref<20480x128xf32, #tpu.memory_space<hbm>>) dst(%arg9 : memref<128x128xf32, #tpu.memory_space<vmem>>)
      %add3A_208 = arith.constant 1 : i32
      %add3A_209 = arith.addi %add3A_171, %add3A_208 : i32
      "tpu.region"() ({
        %run_scoped3A_210 = tpu.sem_alloc : memref<!tpu.dma_semaphore, #tpu.memory_space<semaphore_mem>>
        %dma_start3A_211 = arith.constant 0 : i32
        %dma_start3A_212 = tpu.memref_slice %arg7[%add3A_209, %dma_start3A_211] : memref<16x128xi32, #tpu.memory_space<vmem>> -> memref<1x128xi32, #tpu.memory_space<vmem>>
        %dma_start3A_213 = tpu.memref_squeeze %dma_start3A_212 : memref<1x128xi32, #tpu.memory_space<vmem>> -> memref<128xi32, #tpu.memory_space<vmem>>
        %dma_start3A_214 = arith.constant 0 : i32
        %dma_start3A_215 = arith.constant 0 : i32
        %dma_start3A_216 = tpu.memref_slice %arg10[%dma_start3A_214, %dma_start3A_215] : memref<10240x128xf32, #tpu.memory_space<vmem_shared>> -> memref<10240x128xf32, #tpu.memory_space<vmem_shared>>
        tpu.enqueue_indirect_dma source(%arg9 : memref<128x128xf32, #tpu.memory_space<vmem>>) target(%dma_start3A_216 : memref<10240x128xf32, #tpu.memory_space<vmem_shared>>) offsets(%dma_start3A_213 : memref<128xi32, #tpu.memory_space<vmem>>) semaphore(%run_scoped3A_210 : memref<!tpu.dma_semaphore, #tpu.memory_space<semaphore_mem>>) {add = true}
        %dma_wait3A_217 = arith.constant 0 : i32
        %dma_wait3A_218 = tpu.memref_slice %arg7[%add3A_209, %dma_wait3A_217] : memref<16x128xi32, #tpu.memory_space<vmem>> -> memref<1x128xi32, #tpu.memory_space<vmem>>
        %dma_wait3A_219 = tpu.memref_squeeze %dma_wait3A_218 : memref<1x128xi32, #tpu.memory_space<vmem>> -> memref<128xi32, #tpu.memory_space<vmem>>
        %dma_wait3A_220 = arith.constant 0 : i32
        %dma_wait3A_221 = arith.constant 0 : i32
        %dma_wait3A_222 = tpu.memref_slice %arg10[%dma_wait3A_220, %dma_wait3A_221] : memref<10240x128xf32, #tpu.memory_space<vmem_shared>> -> memref<10240x128xf32, #tpu.memory_space<vmem_shared>>
        tpu.wait_indirect_dma semaphore(%run_scoped3A_210 : memref<!tpu.dma_semaphore, #tpu.memory_space<semaphore_mem>>) src(%arg9 : memref<128x128xf32, #tpu.memory_space<vmem>>) dst(%dma_wait3A_222 : memref<10240x128xf32, #tpu.memory_space<vmem_shared>>)
        tpu.yield
      }) : () -> ()
    }
    %scan3A_158 = arith.constant 8 : i32
    %barrier3A_159 = arith.constant 0 : index
    tpu.barrier barrier_id(%barrier3A_159)
    %mul3A_160 = arith.constant 640 : i32
    %mul3A_161 = arith.muli %arg1, %mul3A_160 : i32
    %mul3A_162 = arith.constant 10240 : i32
    %mul3A_163 = arith.muli %arg0, %mul3A_162 : i32
    %mul3A_164 = arith.constant 640 : i32
    %mul3A_165 = arith.muli %arg1, %mul3A_164 : i32
    %add3A_166 = arith.addi %mul3A_163, %mul3A_165 : i32
    "tpu.region"() ({
      %run_scoped3A_167 = tpu.sem_alloc : memref<!tpu.dma_semaphore, #tpu.memory_space<semaphore_mem>>
      %dma_start3A_168 = arith.constant 0 : i32
      %dma_start3A_169 = tpu.memref_slice %arg5[%add3A_166, %dma_start3A_168] : memref<20480x128xf32, #tpu.memory_space<hbm>> -> memref<640x128xf32, #tpu.memory_space<hbm>>
      %dma_start3A_170 = arith.constant 0 : i32
      %dma_start3A_171 = tpu.memref_slice %arg10[%mul3A_161, %dma_start3A_170] : memref<10240x128xf32, #tpu.memory_space<vmem_shared>> -> memref<640x128xf32, #tpu.memory_space<vmem_shared>>
      tpu.enqueue_dma source(%dma_start3A_171 : memref<640x128xf32, #tpu.memory_space<vmem_shared>>) target(%dma_start3A_169 : memref<640x128xf32, #tpu.memory_space<hbm>>) target_semaphore(%run_scoped3A_167 : memref<!tpu.dma_semaphore, #tpu.memory_space<semaphore_mem>>)
      %dma_wait3A = arith.constant 0 : i32
      %dma_wait3A_172 = tpu.memref_slice %arg5[%add3A_166, %dma_wait3A] : memref<20480x128xf32, #tpu.memory_space<hbm>> -> memref<640x128xf32, #tpu.memory_space<hbm>>
      %dma_wait3A_173 = arith.constant 0 : i32
      %dma_wait3A_174 = tpu.memref_slice %arg10[%mul3A_161, %dma_wait3A_173] : memref<10240x128xf32, #tpu.memory_space<vmem_shared>> -> memref<640x128xf32, #tpu.memory_space<vmem_shared>>
      tpu.wait_dma2 semaphore(%run_scoped3A_167 : memref<!tpu.dma_semaphore, #tpu.memory_space<semaphore_mem>>) src(%dma_wait3A_174 : memref<640x128xf32, #tpu.memory_space<vmem_shared>>) dst(%dma_wait3A_172 : memref<640x128xf32, #tpu.memory_space<hbm>>)
      tpu.yield
    }) : () -> ()
    return
  }
}

module attributes {stable_mosaic.version = 14 : i64} {
  func.func @_hw1_body(%arg0: i32, %arg1: i32, %arg2: memref<32x1280xf32, #tpu.memory_space<vmem>>, %arg3: memref<1280x256xf32, #tpu.memory_space<vmem>>, %arg4: memref<256x128xf32, #tpu.memory_space<vmem>>, %arg5: memref<1x1280x128xf32, #tpu.memory_space<vmem>>, %arg6: memref<1280x128xf32, #tpu.memory_space<vmem>>, %arg7: memref<1x10x128xf32, #tpu.memory_space<vmem>>) attributes {dimension_semantics = [#tpu.dimension_semantics<arbitrary>, #tpu.dimension_semantics<arbitrary>], iteration_bounds = array<i64: 2, 8>, scalar_prefetch = 0 : i64, scratch_operands = 0 : i64, tpu.core_type = #tpu.core_type<tc>, window_params = [{transform_indices = @transform_0, window_bounds = array<i64: 32, 1280>}, {transform_indices = @transform_1, window_bounds = array<i64: 1280, 256>}, {transform_indices = @transform_2, window_bounds = array<i64: 256, 128>}, {transform_indices = @transform_3, window_bounds = array<i64: 1, 1280, 128>}, {transform_indices = @transform_4, window_bounds = array<i64: 1280, 128>}, {transform_indices = @transform_5, window_bounds = array<i64: 1, 10, 128>}]} {
    %get3A = arith.constant 0 : index
    %get3A_0 = arith.constant 0 : index
    %get3A_1 = vector.load %arg2[%get3A, %get3A_0] : memref<32x1280xf32, #tpu.memory_space<vmem>>, vector<32x1280xf32>
    %reduce_sum3A = arith.constant dense<0.000000e+00> : vector<1280xf32>
    %reduce_sum3A_2 = vector.multi_reduction <add>, %get3A_1, %reduce_sum3A [0] : vector<32x1280xf32> to vector<1280xf32>
    %add3A = arith.constant 1.000000e+00 : f32
    %add3A_3 = vector.broadcast %add3A : f32 to vector<1280xf32>
    %add3A_4 = arith.addf %reduce_sum3A_2, %add3A_3 : vector<1280xf32>
    %rsqrt3A = math.rsqrt %add3A_4 : vector<1280xf32>
    %reshape3A = vector.shape_cast %rsqrt3A : vector<1280xf32> to vector<1280x1xf32>
    %get3A_5 = arith.constant 0 : index
    %get3A_6 = arith.constant 0 : index
    %get3A_7 = vector.load %arg3[%get3A_5, %get3A_6] : memref<1280x256xf32, #tpu.memory_space<vmem>>, vector<1280x256xf32>
    %get3A_8 = arith.constant 0 : index
    %get3A_9 = arith.constant 0 : index
    %get3A_10 = vector.load %arg4[%get3A_8, %get3A_9] : memref<256x128xf32, #tpu.memory_space<vmem>>, vector<256x128xf32>
    %dot_general3A = arith.constant dense<0.000000e+00> : vector<1280x128xf32>
    %dot_general3A_11 = tpu.matmul %get3A_7, %get3A_10, %dot_general3A {dimension_numbers = #tpu.dot_dimension_numbers<[1], [0], [0], [1], [0, 0, 1, 1], [], []>, transpose_lhs_hint = false} : vector<1280x256xf32>, vector<256x128xf32>, vector<1280x128xf32> -> vector<1280x128xf32>
    %mul3A = vector.broadcast %reshape3A : vector<1280x1xf32> to vector<1280x128xf32>
    %mul3A_12 = arith.mulf %dot_general3A_11, %mul3A : vector<1280x128xf32>
    %swap3A = arith.constant 0 : index
    %swap3A_13 = arith.constant 0 : index
    %swap3A_14 = arith.constant 0 : index
    %swap3A_15 = vector.load %arg5[%swap3A, %swap3A_13, %swap3A_14] : memref<1x1280x128xf32, #tpu.memory_space<vmem>>, vector<1x1280x128xf32>
    %swap3A_16 = vector.shape_cast %swap3A_15 : vector<1x1280x128xf32> to vector<1280x128xf32>
    %swap3A_17 = vector.shape_cast %mul3A_12 : vector<1280x128xf32> to vector<1x1280x128xf32>
    tpu.vector_store %arg5[%swap3A, %swap3A_13, %swap3A_14], %swap3A_17 {strides = array<i32>} : memref<1x1280x128xf32, #tpu.memory_space<vmem>>, vector<1x1280x128xf32>,
    %broadcast_in_dim3A = vector.shape_cast %reshape3A : vector<1280x1xf32> to vector<1280x1xf32>
    %broadcast_in_dim3A_18 = vector.broadcast %broadcast_in_dim3A : vector<1280x1xf32> to vector<1280x128xf32>
    %swap3A_19 = arith.constant 0 : index
    %swap3A_20 = arith.constant 0 : index
    %swap3A_21 = vector.load %arg6[%swap3A_19, %swap3A_20] : memref<1280x128xf32, #tpu.memory_space<vmem>>, vector<1280x128xf32>
    tpu.vector_store %arg6[%swap3A_19, %swap3A_20], %broadcast_in_dim3A_18 {strides = array<i32>} : memref<1280x128xf32, #tpu.memory_space<vmem>>, vector<1280x128xf32>,
    %reshape3A_22 = vector.shape_cast %reshape3A : vector<1280x1xf32> to vector<1x10x128xf32>
    %swap3A_23 = arith.constant 0 : index
    %swap3A_24 = arith.constant 0 : index
    %swap3A_25 = arith.constant 0 : index
    %swap3A_26 = vector.load %arg7[%swap3A_23, %swap3A_24, %swap3A_25] : memref<1x10x128xf32, #tpu.memory_space<vmem>>, vector<1x10x128xf32>
    tpu.vector_store %arg7[%swap3A_23, %swap3A_24, %swap3A_25], %reshape3A_22 {strides = array<i32>} : memref<1x10x128xf32, #tpu.memory_space<vmem>>, vector<1x10x128xf32>,
    return
  }
  func.func @transform_0(%arg0: i32, %arg1: i32) -> (i32, i32) {
    %c0_i32 = arith.constant 0 : i32
    %c0_i32_0 = arith.constant 0 : i32
    return %c0_i32, %arg1 : i32, i32
  }
  func.func @transform_1(%arg0: i32, %arg1: i32) -> (i32, i32) {
    %c0_i32 = arith.constant 0 : i32
    %c0_i32_0 = arith.constant 0 : i32
    return %arg1, %c0_i32 : i32, i32
  }
  func.func @transform_2(%arg0: i32, %arg1: i32) -> (i32, i32) {
    %c0_i32 = arith.constant 0 : i32
    %c0_i32_0 = arith.constant 0 : i32
    return %c0_i32, %arg0 : i32, i32
  }
  func.func @transform_3(%arg0: i32, %arg1: i32) -> (i32, i32, i32) {
    %c0_i32 = arith.constant 0 : i32
    %c0_i32_0 = arith.constant 0 : i32
    return %arg0, %arg1, %c0_i32 : i32, i32, i32
  }
  func.func @transform_4(%arg0: i32, %arg1: i32) -> (i32, i32) {
    %c0_i32 = arith.constant 0 : i32
    %c0_i32_0 = arith.constant 0 : i32
    return %arg1, %c0_i32 : i32, i32
  }
  func.func @transform_5(%arg0: i32, %arg1: i32) -> (i32, i32, i32) {
    %c0_i32 = arith.constant 0 : i32
    %c0_i32_0 = arith.constant 0 : i32
    %c0_i32_1 = arith.constant 0 : i32
    return %arg1, %c0_i32, %c0_i32_0 : i32, i32, i32
  }
}

module attributes {stable_mosaic.version = 14 : i64} {
  func.func @_mid_body(%arg0: i32, %arg1: i32, %arg2: memref<2x1280x128xf32, #tpu.memory_space<vmem>>, %arg3: memref<2x1280x128xf32, #tpu.memory_space<vmem>>, %arg4: memref<1280x128xf32, #tpu.memory_space<vmem>>, %arg5: memref<2x128xf32, #tpu.memory_space<vmem>>, %arg6: memref<2x128xf32, #tpu.memory_space<vmem>>, %arg7: memref<2x128x128xf32, #tpu.memory_space<vmem>>, %arg8: memref<1x1280x128xf32, #tpu.memory_space<vmem>>) attributes {dimension_semantics = [#tpu.dimension_semantics<arbitrary>, #tpu.dimension_semantics<arbitrary>], iteration_bounds = array<i64: 2, 8>, scalar_prefetch = 0 : i64, scratch_operands = 0 : i64, tpu.core_type = #tpu.core_type<tc>, window_params = [{transform_indices = @transform_0, window_bounds = array<i64: 2, 1280, 128>}, {transform_indices = @transform_1, window_bounds = array<i64: 2, 1280, 128>}, {transform_indices = @transform_2, window_bounds = array<i64: 1280, 128>}, {pipeline_mode = #tpu.pipeline_mode<synchronous>, transform_indices = @transform_3, window_bounds = array<i64: 2, 128>}, {pipeline_mode = #tpu.pipeline_mode<synchronous>, transform_indices = @transform_4, window_bounds = array<i64: 2, 128>}, {transform_indices = @transform_5, window_bounds = array<i64: 2, 128, 128>}, {transform_indices = @transform_6, window_bounds = array<i64: 1, 1280, 128>}]} {
    %get3A = arith.constant 0 : index
    %get3A_0 = arith.constant 0 : index
    %get3A_1 = vector.load %arg4[%get3A, %get3A_0] : memref<1280x128xf32, #tpu.memory_space<vmem>>, vector<1280x128xf32>
    %get3A_2 = arith.constant 0 : index
    %get3A_3 = arith.constant 0 : index
    %get3A_4 = arith.constant 0 : index
    %get3A_5 = vector.load %arg2[%get3A_2, %get3A_3, %get3A_4] : memref<2x1280x128xf32, #tpu.memory_space<vmem>>, vector<1x1280x128xf32>
    %get3A_6 = vector.shape_cast %get3A_5 : vector<1x1280x128xf32> to vector<1280x128xf32>
    %get3A_7 = arith.constant 0 : index
    %get3A_8 = arith.constant 0 : index
    %get3A_9 = arith.constant 0 : index
    %get3A_10 = vector.load %arg3[%get3A_7, %get3A_8, %get3A_9] : memref<2x1280x128xf32, #tpu.memory_space<vmem>>, vector<1x1280x128xf32>
    %get3A_11 = vector.shape_cast %get3A_10 : vector<1x1280x128xf32> to vector<1280x128xf32>
    %add3A = arith.addf %get3A_6, %get3A_11 : vector<1280x128xf32>
    %mul3A = arith.mulf %add3A, %get3A_1 : vector<1280x128xf32>
    %get3A_12 = arith.constant 0 : index
    %get3A_13 = arith.constant 0 : index
    %get3A_14 = vector.load %arg5[%get3A_12, %get3A_13] : memref<2x128xf32, #tpu.memory_space<vmem>>, vector<1x128xf32>
    %get3A_15 = vector.shape_cast %get3A_14 : vector<1x128xf32> to vector<128xf32>
    %broadcast_in_dim3A = vector.shape_cast %get3A_15 : vector<128xf32> to vector<1x128xf32>
    %mul3A_16 = vector.broadcast %broadcast_in_dim3A : vector<1x128xf32> to vector<1280x128xf32>
    %mul3A_17 = arith.mulf %mul3A, %mul3A_16 : vector<1280x128xf32>
    %get3A_18 = arith.constant 0 : index
    %get3A_19 = arith.constant 0 : index
    %get3A_20 = vector.load %arg6[%get3A_18, %get3A_19] : memref<2x128xf32, #tpu.memory_space<vmem>>, vector<1x128xf32>
    %get3A_21 = vector.shape_cast %get3A_20 : vector<1x128xf32> to vector<128xf32>
    %broadcast_in_dim3A_22 = vector.shape_cast %get3A_21 : vector<128xf32> to vector<1x128xf32>
    %add3A_23 = vector.broadcast %broadcast_in_dim3A_22 : vector<1x128xf32> to vector<1280x128xf32>
    %add3A_24 = arith.addf %mul3A_17, %add3A_23 : vector<1280x128xf32>
    %max3A = arith.constant 0.000000e+00 : f32
    %max3A_25 = vector.broadcast %max3A : f32 to vector<1280x128xf32>
    %max3A_26 = arith.maximumf %add3A_24, %max3A_25 : vector<1280x128xf32>
    %get3A_27 = arith.constant 0 : index
    %get3A_28 = arith.constant 0 : index
    %get3A_29 = arith.constant 0 : index
    %get3A_30 = vector.load %arg7[%get3A_27, %get3A_28, %get3A_29] : memref<2x128x128xf32, #tpu.memory_space<vmem>>, vector<1x128x128xf32>
    %get3A_31 = vector.shape_cast %get3A_30 : vector<1x128x128xf32> to vector<128x128xf32>
    %dot_general3A = arith.constant dense<0.000000e+00> : vector<1280x128xf32>
    %dot_general3A_32 = tpu.matmul %max3A_26, %get3A_31, %dot_general3A {dimension_numbers = #tpu.dot_dimension_numbers<[1], [0], [0], [1], [0, 0, 1, 1], [], []>, transpose_lhs_hint = false} : vector<1280x128xf32>, vector<128x128xf32>, vector<1280x128xf32> -> vector<1280x128xf32>
    %get3A_33 = arith.constant 1 : index
    %get3A_34 = arith.constant 0 : index
    %get3A_35 = arith.constant 0 : index
    %get3A_36 = vector.load %arg2[%get3A_33, %get3A_34, %get3A_35] : memref<2x1280x128xf32, #tpu.memory_space<vmem>>, vector<1x1280x128xf32>
    %get3A_37 = vector.shape_cast %get3A_36 : vector<1x1280x128xf32> to vector<1280x128xf32>
    %get3A_38 = arith.constant 1 : index
    %get3A_39 = arith.constant 0 : index
    %get3A_40 = arith.constant 0 : index
    %get3A_41 = vector.load %arg3[%get3A_38, %get3A_39, %get3A_40] : memref<2x1280x128xf32, #tpu.memory_space<vmem>>, vector<1x1280x128xf32>
    %get3A_42 = vector.shape_cast %get3A_41 : vector<1x1280x128xf32> to vector<1280x128xf32>
    %add3A_43 = arith.addf %get3A_37, %get3A_42 : vector<1280x128xf32>
    %mul3A_44 = arith.mulf %add3A_43, %get3A_1 : vector<1280x128xf32>
    %get3A_45 = arith.constant 1 : index
    %get3A_46 = arith.constant 0 : index
    %get3A_47 = vector.load %arg5[%get3A_45, %get3A_46] : memref<2x128xf32, #tpu.memory_space<vmem>>, vector<1x128xf32>
    %get3A_48 = vector.shape_cast %get3A_47 : vector<1x128xf32> to vector<128xf32>
    %broadcast_in_dim3A_49 = vector.shape_cast %get3A_48 : vector<128xf32> to vector<1x128xf32>
    %mul3A_50 = vector.broadcast %broadcast_in_dim3A_49 : vector<1x128xf32> to vector<1280x128xf32>
    %mul3A_51 = arith.mulf %mul3A_44, %mul3A_50 : vector<1280x128xf32>
    %get3A_52 = arith.constant 1 : index
    %get3A_53 = arith.constant 0 : index
    %get3A_54 = vector.load %arg6[%get3A_52, %get3A_53] : memref<2x128xf32, #tpu.memory_space<vmem>>, vector<1x128xf32>
    %get3A_55 = vector.shape_cast %get3A_54 : vector<1x128xf32> to vector<128xf32>
    %broadcast_in_dim3A_56 = vector.shape_cast %get3A_55 : vector<128xf32> to vector<1x128xf32>
    %add3A_57 = vector.broadcast %broadcast_in_dim3A_56 : vector<1x128xf32> to vector<1280x128xf32>
    %add3A_58 = arith.addf %mul3A_51, %add3A_57 : vector<1280x128xf32>
    %max3A_59 = arith.constant 0.000000e+00 : f32
    %max3A_60 = vector.broadcast %max3A_59 : f32 to vector<1280x128xf32>
    %max3A_61 = arith.maximumf %add3A_58, %max3A_60 : vector<1280x128xf32>
    %get3A_62 = arith.constant 1 : index
    %get3A_63 = arith.constant 0 : index
    %get3A_64 = arith.constant 0 : index
    %get3A_65 = vector.load %arg7[%get3A_62, %get3A_63, %get3A_64] : memref<2x128x128xf32, #tpu.memory_space<vmem>>, vector<1x128x128xf32>
    %get3A_66 = vector.shape_cast %get3A_65 : vector<1x128x128xf32> to vector<128x128xf32>
    %dot_general3A_67 = arith.constant dense<0.000000e+00> : vector<1280x128xf32>
    %dot_general3A_68 = tpu.matmul %max3A_61, %get3A_66, %dot_general3A_67 {dimension_numbers = #tpu.dot_dimension_numbers<[1], [0], [0], [1], [0, 0, 1, 1], [], []>, transpose_lhs_hint = false} : vector<1280x128xf32>, vector<128x128xf32>, vector<1280x128xf32> -> vector<1280x128xf32>
    %add3A_69 = arith.addf %dot_general3A_32, %dot_general3A_68 : vector<1280x128xf32>
    %mul3A_70 = arith.mulf %add3A_69, %get3A_1 : vector<1280x128xf32>
    %swap3A = arith.constant 0 : index
    %swap3A_71 = arith.constant 0 : index
    %swap3A_72 = arith.constant 0 : index
    %swap3A_73 = vector.load %arg8[%swap3A, %swap3A_71, %swap3A_72] : memref<1x1280x128xf32, #tpu.memory_space<vmem>>, vector<1x1280x128xf32>
    %swap3A_74 = vector.shape_cast %swap3A_73 : vector<1x1280x128xf32> to vector<1280x128xf32>
    %swap3A_75 = vector.shape_cast %mul3A_70 : vector<1280x128xf32> to vector<1x1280x128xf32>
    tpu.vector_store %arg8[%swap3A, %swap3A_71, %swap3A_72], %swap3A_75 {strides = array<i32>} : memref<1x1280x128xf32, #tpu.memory_space<vmem>>, vector<1x1280x128xf32>,
    return
  }
  func.func @transform_0(%arg0: i32, %arg1: i32) -> (i32, i32, i32) {
    %c0_i32 = arith.constant 0 : i32
    %c0_i32_0 = arith.constant 0 : i32
    %c0_i32_1 = arith.constant 0 : i32
    return %c0_i32, %arg1, %c0_i32_0 : i32, i32, i32
  }
  func.func @transform_1(%arg0: i32, %arg1: i32) -> (i32, i32, i32) {
    %c0_i32 = arith.constant 0 : i32
    %c0_i32_0 = arith.constant 0 : i32
    %c0_i32_1 = arith.constant 0 : i32
    return %c0_i32, %arg1, %c0_i32_0 : i32, i32, i32
  }
  func.func @transform_2(%arg0: i32, %arg1: i32) -> (i32, i32) {
    %c0_i32 = arith.constant 0 : i32
    %c0_i32_0 = arith.constant 0 : i32
    return %arg1, %c0_i32 : i32, i32
  }
  func.func @transform_3(%arg0: i32, %arg1: i32) -> (i32, i32) {
    %c0_i32 = arith.constant 0 : i32
    %c0_i32_0 = arith.constant 0 : i32
    %c0_i32_1 = arith.constant 0 : i32
    return %c0_i32, %c0_i32_0 : i32, i32
  }
  func.func @transform_4(%arg0: i32, %arg1: i32) -> (i32, i32) {
    %c0_i32 = arith.constant 0 : i32
    %c0_i32_0 = arith.constant 0 : i32
    %c0_i32_1 = arith.constant 0 : i32
    return %c0_i32, %c0_i32_0 : i32, i32
  }
  func.func @transform_5(%arg0: i32, %arg1: i32) -> (i32, i32, i32) {
    %c0_i32 = arith.constant 0 : i32
    %c0_i32_0 = arith.constant 0 : i32
    %c0_i32_1 = arith.constant 0 : i32
    return %c0_i32, %c0_i32_0, %arg0 : i32, i32, i32
  }
  func.func @transform_6(%arg0: i32, %arg1: i32) -> (i32, i32, i32) {
    %c0_i32 = arith.constant 0 : i32
    %c0_i32_0 = arith.constant 0 : i32
    return %arg0, %arg1, %c0_i32 : i32, i32, i32
  }
}

module attributes {stable_mosaic.version = 14 : i64} {
  func.func @_final_body(%arg0: i32, %arg1: memref<2x1280x128xf32, #tpu.memory_space<vmem>>, %arg2: memref<2x1280x128xf32, #tpu.memory_space<vmem>>, %arg3: memref<1280x128xf32, #tpu.memory_space<vmem>>, %arg4: memref<2x128xf32, #tpu.memory_space<vmem>>, %arg5: memref<2x128xf32, #tpu.memory_space<vmem>>, %arg6: memref<32x1280xf32, #tpu.memory_space<vmem>>, %arg7: memref<32x1280xf32, #tpu.memory_space<vmem>>, %arg8: memref<1x256xf32, #tpu.memory_space<vmem>>, %arg9: memref<1x256xf32, #tpu.memory_space<vmem>>, %arg10: memref<256x256xf32, #tpu.memory_space<vmem>>, %arg11: memref<256x128xf32, #tpu.memory_space<vmem>>, %arg12: memref<1x128xf32, #tpu.memory_space<vmem>>, %arg13: memref<128x64xf32, #tpu.memory_space<vmem>>, %arg14: memref<1x64xf32, #tpu.memory_space<vmem>>, %arg15: memref<64x128xf32, #tpu.memory_space<vmem>>, %arg16: memref<1x128xf32, #tpu.memory_space<vmem>>, %arg17: memref<1x128xf32, #tpu.memory_space<vmem>>, %arg18: memref<1x256xf32, #tpu.memory_space<vmem>>) attributes {dimension_semantics = [#tpu.dimension_semantics<arbitrary>], iteration_bounds = array<i64: 8>, scalar_prefetch = 0 : i64, scratch_operands = 1 : i64, tpu.core_type = #tpu.core_type<tc>, window_params = [{transform_indices = @transform_0, window_bounds = array<i64: 2, 1280, 128>}, {transform_indices = @transform_1, window_bounds = array<i64: 2, 1280, 128>}, {transform_indices = @transform_2, window_bounds = array<i64: 1280, 128>}, {pipeline_mode = #tpu.pipeline_mode<synchronous>, transform_indices = @transform_3, window_bounds = array<i64: 2, 128>}, {pipeline_mode = #tpu.pipeline_mode<synchronous>, transform_indices = @transform_4, window_bounds = array<i64: 2, 128>}, {transform_indices = @transform_5, window_bounds = array<i64: 32, 1280>}, {transform_indices = @transform_6, window_bounds = array<i64: 32, 1280>}, {pipeline_mode = #tpu.pipeline_mode<synchronous>, transform_indices = @transform_7, window_bounds = array<i64: 1, 256>}, {pipeline_mode = #tpu.pipeline_mode<synchronous>, transform_indices = @transform_8, window_bounds = array<i64: 1, 256>}, {pipeline_mode = #tpu.pipeline_mode<synchronous>, transform_indices = @transform_9, window_bounds = array<i64: 256, 256>}, {pipeline_mode = #tpu.pipeline_mode<synchronous>, transform_indices = @transform_10, window_bounds = array<i64: 256, 128>}, {pipeline_mode = #tpu.pipeline_mode<synchronous>, transform_indices = @transform_11, window_bounds = array<i64: 1, 128>}, {pipeline_mode = #tpu.pipeline_mode<synchronous>, transform_indices = @transform_12, window_bounds = array<i64: 128, 64>}, {pipeline_mode = #tpu.pipeline_mode<synchronous>, transform_indices = @transform_13, window_bounds = array<i64: 1, 64>}, {pipeline_mode = #tpu.pipeline_mode<synchronous>, transform_indices = @transform_14, window_bounds = array<i64: 64, 128>}, {pipeline_mode = #tpu.pipeline_mode<synchronous>, transform_indices = @transform_15, window_bounds = array<i64: 1, 128>}, {pipeline_mode = #tpu.pipeline_mode<synchronous>, transform_indices = @transform_16, window_bounds = array<i64: 1, 128>}]} {
    %get3A = arith.constant 0 : index
    %get3A_0 = arith.constant 0 : index
    %get3A_1 = vector.load %arg3[%get3A, %get3A_0] : memref<1280x128xf32, #tpu.memory_space<vmem>>, vector<1280x128xf32>
    %iota3A = tpu.iota {dimensions = array<i32: 0>} : vector<1280x1xi32>
    %mul3A = arith.constant 1280 : i32
    %mul3A_2 = arith.muli %arg0, %mul3A : i32
    %add3A = vector.broadcast %mul3A_2 : i32 to vector<1280x1xi32>
    %add3A_3 = arith.addi %iota3A, %add3A : vector<1280x1xi32>
    %lt3A = arith.constant 10000 : i32
    %lt3A_4 = vector.broadcast %lt3A : i32 to vector<1280x1xi32>
    %lt3A_5 = arith.cmpi slt, %add3A_3, %lt3A_4 : vector<1280x1xi32>
    %get3A_6 = arith.constant 0 : index
    %get3A_7 = arith.constant 0 : index
    %get3A_8 = arith.constant 0 : index
    %get3A_9 = vector.load %arg1[%get3A_6, %get3A_7, %get3A_8] : memref<2x1280x128xf32, #tpu.memory_space<vmem>>, vector<1x1280x128xf32>
    %get3A_10 = vector.shape_cast %get3A_9 : vector<1x1280x128xf32> to vector<1280x128xf32>
    %get3A_11 = arith.constant 0 : index
    %get3A_12 = arith.constant 0 : index
    %get3A_13 = arith.constant 0 : index
    %get3A_14 = vector.load %arg2[%get3A_11, %get3A_12, %get3A_13] : memref<2x1280x128xf32, #tpu.memory_space<vmem>>, vector<1x1280x128xf32>
    %get3A_15 = vector.shape_cast %get3A_14 : vector<1x1280x128xf32> to vector<1280x128xf32>
    %add3A_16 = arith.addf %get3A_10, %get3A_15 : vector<1280x128xf32>
    %mul3A_17 = arith.mulf %add3A_16, %get3A_1 : vector<1280x128xf32>
    %get3A_18 = arith.constant 0 : index
    %get3A_19 = arith.constant 0 : index
    %get3A_20 = vector.load %arg4[%get3A_18, %get3A_19] : memref<2x128xf32, #tpu.memory_space<vmem>>, vector<1x128xf32>
    %get3A_21 = vector.shape_cast %get3A_20 : vector<1x128xf32> to vector<128xf32>
    %broadcast_in_dim3A = vector.shape_cast %get3A_21 : vector<128xf32> to vector<1x128xf32>
    %mul3A_22 = vector.broadcast %broadcast_in_dim3A : vector<1x128xf32> to vector<1280x128xf32>
    %mul3A_23 = arith.mulf %mul3A_17, %mul3A_22 : vector<1280x128xf32>
    %get3A_24 = arith.constant 0 : index
    %get3A_25 = arith.constant 0 : index
    %get3A_26 = vector.load %arg5[%get3A_24, %get3A_25] : memref<2x128xf32, #tpu.memory_space<vmem>>, vector<1x128xf32>
    %get3A_27 = vector.shape_cast %get3A_26 : vector<1x128xf32> to vector<128xf32>
    %broadcast_in_dim3A_28 = vector.shape_cast %get3A_27 : vector<128xf32> to vector<1x128xf32>
    %add3A_29 = vector.broadcast %broadcast_in_dim3A_28 : vector<1x128xf32> to vector<1280x128xf32>
    %add3A_30 = arith.addf %mul3A_23, %add3A_29 : vector<1280x128xf32>
    %max3A = arith.constant 0.000000e+00 : f32
    %max3A_31 = vector.broadcast %max3A : f32 to vector<1280x128xf32>
    %max3A_32 = arith.maximumf %add3A_30, %max3A_31 : vector<1280x128xf32>
    %jit3A = arith.constant 0.000000e+00 : f32
    %broadcast_in_dim3A_33 = vector.shape_cast %lt3A_5 : vector<1280x1xi1> to vector<1280x1xi1>
    %broadcast_in_dim3A_34 = vector.broadcast %broadcast_in_dim3A_33 : vector<1280x1xi1> to vector<1280x128xi1>
    %broadcast_in_dim3A_35 = vector.broadcast %jit3A : f32 to vector<1280x128xf32>
    %select_n3A = arith.select %broadcast_in_dim3A_34, %max3A_32, %broadcast_in_dim3A_35 : vector<1280x128xi1>, vector<1280x128xf32>
    %get3A_36 = arith.constant 1 : index
    %get3A_37 = arith.constant 0 : index
    %get3A_38 = arith.constant 0 : index
    %get3A_39 = vector.load %arg1[%get3A_36, %get3A_37, %get3A_38] : memref<2x1280x128xf32, #tpu.memory_space<vmem>>, vector<1x1280x128xf32>
    %get3A_40 = vector.shape_cast %get3A_39 : vector<1x1280x128xf32> to vector<1280x128xf32>
    %get3A_41 = arith.constant 1 : index
    %get3A_42 = arith.constant 0 : index
    %get3A_43 = arith.constant 0 : index
    %get3A_44 = vector.load %arg2[%get3A_41, %get3A_42, %get3A_43] : memref<2x1280x128xf32, #tpu.memory_space<vmem>>, vector<1x1280x128xf32>
    %get3A_45 = vector.shape_cast %get3A_44 : vector<1x1280x128xf32> to vector<1280x128xf32>
    %add3A_46 = arith.addf %get3A_40, %get3A_45 : vector<1280x128xf32>
    %mul3A_47 = arith.mulf %add3A_46, %get3A_1 : vector<1280x128xf32>
    %get3A_48 = arith.constant 1 : index
    %get3A_49 = arith.constant 0 : index
    %get3A_50 = vector.load %arg4[%get3A_48, %get3A_49] : memref<2x128xf32, #tpu.memory_space<vmem>>, vector<1x128xf32>
    %get3A_51 = vector.shape_cast %get3A_50 : vector<1x128xf32> to vector<128xf32>
    %broadcast_in_dim3A_52 = vector.shape_cast %get3A_51 : vector<128xf32> to vector<1x128xf32>
    %mul3A_53 = vector.broadcast %broadcast_in_dim3A_52 : vector<1x128xf32> to vector<1280x128xf32>
    %mul3A_54 = arith.mulf %mul3A_47, %mul3A_53 : vector<1280x128xf32>
    %get3A_55 = arith.constant 1 : index
    %get3A_56 = arith.constant 0 : index
    %get3A_57 = vector.load %arg5[%get3A_55, %get3A_56] : memref<2x128xf32, #tpu.memory_space<vmem>>, vector<1x128xf32>
    %get3A_58 = vector.shape_cast %get3A_57 : vector<1x128xf32> to vector<128xf32>
    %broadcast_in_dim3A_59 = vector.shape_cast %get3A_58 : vector<128xf32> to vector<1x128xf32>
    %add3A_60 = vector.broadcast %broadcast_in_dim3A_59 : vector<1x128xf32> to vector<1280x128xf32>
    %add3A_61 = arith.addf %mul3A_54, %add3A_60 : vector<1280x128xf32>
    %max3A_62 = arith.constant 0.000000e+00 : f32
    %max3A_63 = vector.broadcast %max3A_62 : f32 to vector<1280x128xf32>
    %max3A_64 = arith.maximumf %add3A_61, %max3A_63 : vector<1280x128xf32>
    %jit3A_65 = arith.constant 0.000000e+00 : f32
    %broadcast_in_dim3A_66 = vector.shape_cast %lt3A_5 : vector<1280x1xi1> to vector<1280x1xi1>
    %broadcast_in_dim3A_67 = vector.broadcast %broadcast_in_dim3A_66 : vector<1280x1xi1> to vector<1280x128xi1>
    %broadcast_in_dim3A_68 = vector.broadcast %jit3A_65 : f32 to vector<1280x128xf32>
    %select_n3A_69 = arith.select %broadcast_in_dim3A_67, %max3A_64, %broadcast_in_dim3A_68 : vector<1280x128xi1>, vector<1280x128xf32>
    %get3A_70 = arith.constant 0 : index
    %get3A_71 = arith.constant 0 : index
    %get3A_72 = vector.load %arg6[%get3A_70, %get3A_71] : memref<32x1280xf32, #tpu.memory_space<vmem>>, vector<32x1280xf32>
    %reduce_sum3A = arith.constant dense<0.000000e+00> : vector<1280xf32>
    %reduce_sum3A_73 = vector.multi_reduction <add>, %get3A_72, %reduce_sum3A [0] : vector<32x1280xf32> to vector<1280xf32>
    %broadcast_in_dim3A_74 = vector.shape_cast %reduce_sum3A_73 : vector<1280xf32> to vector<1x1280xf32>
    %add3A_75 = arith.constant 1.000000e+00 : f32
    %add3A_76 = vector.broadcast %add3A_75 : f32 to vector<1x1280xf32>
    %add3A_77 = arith.addf %broadcast_in_dim3A_74, %add3A_76 : vector<1x1280xf32>
    %rsqrt3A = math.rsqrt %add3A_77 : vector<1x1280xf32>
    %get3A_78 = arith.constant 0 : index
    %get3A_79 = arith.constant 0 : index
    %get3A_80 = vector.load %arg7[%get3A_78, %get3A_79] : memref<32x1280xf32, #tpu.memory_space<vmem>>, vector<32x1280xf32>
    %reduce_sum3A_81 = arith.constant dense<0.000000e+00> : vector<1280xf32>
    %reduce_sum3A_82 = vector.multi_reduction <add>, %get3A_80, %reduce_sum3A_81 [0] : vector<32x1280xf32> to vector<1280xf32>
    %broadcast_in_dim3A_83 = vector.shape_cast %reduce_sum3A_82 : vector<1280xf32> to vector<1x1280xf32>
    %iota3A_84 = tpu.iota {dimensions = array<i32: 1>} : vector<1x1280xi32>
    %mul3A_85 = arith.constant 1280 : i32
    %mul3A_86 = arith.muli %arg0, %mul3A_85 : i32
    %add3A_87 = vector.broadcast %mul3A_86 : i32 to vector<1x1280xi32>
    %add3A_88 = arith.addi %iota3A_84, %add3A_87 : vector<1x1280xi32>
    %lt3A_89 = arith.constant 10000 : i32
    %lt3A_90 = vector.broadcast %lt3A_89 : i32 to vector<1x1280xi32>
    %lt3A_91 = arith.cmpi slt, %add3A_88, %lt3A_90 : vector<1x1280xi32>
    %add3A_92 = arith.addf %broadcast_in_dim3A_83, %rsqrt3A : vector<1x1280xf32>
    %mul3A_93 = arith.mulf %rsqrt3A, %add3A_92 : vector<1x1280xf32>
    %jit3A_94 = arith.constant 0.000000e+00 : f32
    %broadcast_in_dim3A_95 = vector.broadcast %jit3A_94 : f32 to vector<1x1280xf32>
    %select_n3A_96 = arith.select %lt3A_91, %mul3A_93, %broadcast_in_dim3A_95 : vector<1x1280xi1>, vector<1x1280xf32>
    %mul3A_97 = arith.constant 9.99999974E-5 : f32
    %mul3A_98 = vector.broadcast %mul3A_97 : f32 to vector<1x1280xf32>
    %mul3A_99 = arith.mulf %select_n3A_96, %mul3A_98 : vector<1x1280xf32>
    %dot_general3A = arith.constant dense<0.000000e+00> : vector<1x128xf32>
    %dot_general3A_100 = tpu.matmul %mul3A_99, %select_n3A, %dot_general3A {dimension_numbers = #tpu.dot_dimension_numbers<[1], [0], [0], [1], [0, 0, 1, 1], [], []>, precision = #tpu.contract_precision<fp32>, transpose_lhs_hint = false} : vector<1x1280xf32>, vector<1280x128xf32>, vector<1x128xf32> -> vector<1x128xf32>
    %dot_general3A_101 = arith.constant dense<0.000000e+00> : vector<1x128xf32>
    %dot_general3A_102 = tpu.matmul %mul3A_99, %select_n3A_69, %dot_general3A_101 {dimension_numbers = #tpu.dot_dimension_numbers<[1], [0], [0], [1], [0, 0, 1, 1], [], []>, precision = #tpu.contract_precision<fp32>, transpose_lhs_hint = false} : vector<1x1280xf32>, vector<1280x128xf32>, vector<1x128xf32> -> vector<1x128xf32>
    %concatenate3A = tpu.concatenate %dot_general3A_100, %dot_general3A_102 in 1 : vector<1x128xf32>, vector<1x128xf32> -> vector<1x256xf32>
    %eq3A = arith.constant 0 : i32
    %eq3A_103 = arith.cmpi eq, %arg0, %eq3A : i32
    %convert_element_type3A = arith.extui %eq3A_103 : i1 to i32
    %cond3A = arith.constant 0 : i32
    %cond3A_104 = arith.cmpi ne, %convert_element_type3A, %cond3A : i32
    scf.if %cond3A_104 {
      %swap3A = arith.constant 0 : index
      %swap3A_114 = arith.constant 0 : index
      %swap3A_115 = vector.load %arg18[%swap3A, %swap3A_114] : memref<1x256xf32, #tpu.memory_space<vmem>>, vector<1x256xf32>
      tpu.vector_store %arg18[%swap3A, %swap3A_114], %concatenate3A {strides = array<i32>} : memref<1x256xf32, #tpu.memory_space<vmem>>, vector<1x256xf32>,
    } else {
    }
    %gt3A = arith.constant 0 : i32
    %gt3A_105 = arith.cmpi sgt, %arg0, %gt3A : i32
    %convert_element_type3A_106 = arith.extui %gt3A_105 : i1 to i32
    %cond3A_107 = arith.constant 0 : i32
    %cond3A_108 = arith.cmpi ne, %convert_element_type3A_106, %cond3A_107 : i32
    scf.if %cond3A_108 {
      %get3A_114 = arith.constant 0 : index
      %get3A_115 = arith.constant 0 : index
      %get3A_116 = vector.load %arg18[%get3A_114, %get3A_115] : memref<1x256xf32, #tpu.memory_space<vmem>>, vector<1x256xf32>
      %add3A_117 = arith.addf %get3A_116, %concatenate3A : vector<1x256xf32>
      %swap3A = arith.constant 0 : index
      %swap3A_118 = arith.constant 0 : index
      %swap3A_119 = vector.load %arg18[%swap3A, %swap3A_118] : memref<1x256xf32, #tpu.memory_space<vmem>>, vector<1x256xf32>
      tpu.vector_store %arg18[%swap3A, %swap3A_118], %add3A_117 {strides = array<i32>} : memref<1x256xf32, #tpu.memory_space<vmem>>, vector<1x256xf32>,
    } else {
    }
    %eq3A_109 = arith.constant 7 : i32
    %eq3A_110 = arith.cmpi eq, %arg0, %eq3A_109 : i32
    %convert_element_type3A_111 = arith.extui %eq3A_110 : i1 to i32
    %cond3A_112 = arith.constant 0 : i32
    %cond3A_113 = arith.cmpi ne, %convert_element_type3A_111, %cond3A_112 : i32
    scf.if %cond3A_113 {
      %get3A_114 = arith.constant 0 : index
      %get3A_115 = arith.constant 0 : index
      %get3A_116 = vector.load %arg18[%get3A_114, %get3A_115] : memref<1x256xf32, #tpu.memory_space<vmem>>, vector<1x256xf32>
      %get3A_117 = arith.constant 0 : index
      %get3A_118 = arith.constant 0 : index
      %get3A_119 = vector.load %arg10[%get3A_117, %get3A_118] : memref<256x256xf32, #tpu.memory_space<vmem>>, vector<256x256xf32>
      %dot_general3A_120 = arith.constant dense<0.000000e+00> : vector<1x256xf32>
      %dot_general3A_121 = tpu.matmul %get3A_116, %get3A_119, %dot_general3A_120 {dimension_numbers = #tpu.dot_dimension_numbers<[1], [0], [0], [1], [0, 0, 1, 1], [], []>, precision = #tpu.contract_precision<fp32>, transpose_lhs_hint = false} : vector<1x256xf32>, vector<256x256xf32>, vector<1x256xf32> -> vector<1x256xf32>
      %get3A_122 = arith.constant 0 : index
      %get3A_123 = arith.constant 0 : index
      %get3A_124 = vector.load %arg8[%get3A_122, %get3A_123] : memref<1x256xf32, #tpu.memory_space<vmem>>, vector<1x256xf32>
      %mul3A_125 = arith.mulf %dot_general3A_121, %get3A_124 : vector<1x256xf32>
      %get3A_126 = arith.constant 0 : index
      %get3A_127 = arith.constant 0 : index
      %get3A_128 = vector.load %arg9[%get3A_126, %get3A_127] : memref<1x256xf32, #tpu.memory_space<vmem>>, vector<1x256xf32>
      %add3A_129 = arith.addf %mul3A_125, %get3A_128 : vector<1x256xf32>
      %get3A_130 = arith.constant 0 : index
      %get3A_131 = arith.constant 0 : index
      %get3A_132 = vector.load %arg11[%get3A_130, %get3A_131] : memref<256x128xf32, #tpu.memory_space<vmem>>, vector<256x128xf32>
      %dot_general3A_133 = arith.constant dense<0.000000e+00> : vector<1x128xf32>
      %dot_general3A_134 = tpu.matmul %add3A_129, %get3A_132, %dot_general3A_133 {dimension_numbers = #tpu.dot_dimension_numbers<[1], [0], [0], [1], [0, 0, 1, 1], [], []>, precision = #tpu.contract_precision<fp32>, transpose_lhs_hint = false} : vector<1x256xf32>, vector<256x128xf32>, vector<1x128xf32> -> vector<1x128xf32>
      %get3A_135 = arith.constant 0 : index
      %get3A_136 = arith.constant 0 : index
      %get3A_137 = vector.load %arg12[%get3A_135, %get3A_136] : memref<1x128xf32, #tpu.memory_space<vmem>>, vector<1x128xf32>
      %add3A_138 = arith.addf %dot_general3A_134, %get3A_137 : vector<1x128xf32>
      %max3A_139 = arith.constant 0.000000e+00 : f32
      %max3A_140 = vector.broadcast %max3A_139 : f32 to vector<1x128xf32>
      %max3A_141 = arith.maximumf %add3A_138, %max3A_140 : vector<1x128xf32>
      %get3A_142 = arith.constant 0 : index
      %get3A_143 = arith.constant 0 : index
      %get3A_144 = vector.load %arg13[%get3A_142, %get3A_143] : memref<128x64xf32, #tpu.memory_space<vmem>>, vector<128x64xf32>
      %dot_general3A_145 = arith.constant dense<0.000000e+00> : vector<1x64xf32>
      %dot_general3A_146 = tpu.matmul %max3A_141, %get3A_144, %dot_general3A_145 {dimension_numbers = #tpu.dot_dimension_numbers<[1], [0], [0], [1], [0, 0, 1, 1], [], []>, precision = #tpu.contract_precision<fp32>, transpose_lhs_hint = false} : vector<1x128xf32>, vector<128x64xf32>, vector<1x64xf32> -> vector<1x64xf32>
      %get3A_147 = arith.constant 0 : index
      %get3A_148 = arith.constant 0 : index
      %get3A_149 = vector.load %arg14[%get3A_147, %get3A_148] : memref<1x64xf32, #tpu.memory_space<vmem>>, vector<1x64xf32>
      %add3A_150 = arith.addf %dot_general3A_146, %get3A_149 : vector<1x64xf32>
      %max3A_151 = arith.constant 0.000000e+00 : f32
      %max3A_152 = vector.broadcast %max3A_151 : f32 to vector<1x64xf32>
      %max3A_153 = arith.maximumf %add3A_150, %max3A_152 : vector<1x64xf32>
      %get3A_154 = arith.constant 0 : index
      %get3A_155 = arith.constant 0 : index
      %get3A_156 = vector.load %arg15[%get3A_154, %get3A_155] : memref<64x128xf32, #tpu.memory_space<vmem>>, vector<64x128xf32>
      %dot_general3A_157 = arith.constant dense<0.000000e+00> : vector<1x128xf32>
      %dot_general3A_158 = tpu.matmul %max3A_153, %get3A_156, %dot_general3A_157 {dimension_numbers = #tpu.dot_dimension_numbers<[1], [0], [0], [1], [0, 0, 1, 1], [], []>, precision = #tpu.contract_precision<fp32>, transpose_lhs_hint = false} : vector<1x64xf32>, vector<64x128xf32>, vector<1x128xf32> -> vector<1x128xf32>
      %get3A_159 = arith.constant 0 : index
      %get3A_160 = arith.constant 0 : index
      %get3A_161 = vector.load %arg16[%get3A_159, %get3A_160] : memref<1x128xf32, #tpu.memory_space<vmem>>, vector<1x128xf32>
      %add3A_162 = arith.addf %dot_general3A_158, %get3A_161 : vector<1x128xf32>
      %swap3A = arith.constant 0 : index
      %swap3A_163 = arith.constant 0 : index
      %swap3A_164 = vector.load %arg17[%swap3A, %swap3A_163] : memref<1x128xf32, #tpu.memory_space<vmem>>, vector<1x128xf32>
      tpu.vector_store %arg17[%swap3A, %swap3A_163], %add3A_162 {strides = array<i32>} : memref<1x128xf32, #tpu.memory_space<vmem>>, vector<1x128xf32>,
    } else {
    }
    return
  }
  func.func @transform_0(%arg0: i32) -> (i32, i32, i32) {
    %c0_i32 = arith.constant 0 : i32
    %c0_i32_0 = arith.constant 0 : i32
    %c0_i32_1 = arith.constant 0 : i32
    return %c0_i32, %arg0, %c0_i32_0 : i32, i32, i32
  }
  func.func @transform_1(%arg0: i32) -> (i32, i32, i32) {
    %c0_i32 = arith.constant 0 : i32
    %c0_i32_0 = arith.constant 0 : i32
    %c0_i32_1 = arith.constant 0 : i32
    return %c0_i32, %arg0, %c0_i32_0 : i32, i32, i32
  }
  func.func @transform_2(%arg0: i32) -> (i32, i32) {
    %c0_i32 = arith.constant 0 : i32
    %c0_i32_0 = arith.constant 0 : i32
    return %arg0, %c0_i32 : i32, i32
  }
  func.func @transform_3(%arg0: i32) -> (i32, i32) {
    %c0_i32 = arith.constant 0 : i32
    %c0_i32_0 = arith.constant 0 : i32
    %c0_i32_1 = arith.constant 0 : i32
    return %c0_i32, %c0_i32_0 : i32, i32
  }
  func.func @transform_4(%arg0: i32) -> (i32, i32) {
    %c0_i32 = arith.constant 0 : i32
    %c0_i32_0 = arith.constant 0 : i32
    %c0_i32_1 = arith.constant 0 : i32
    return %c0_i32, %c0_i32_0 : i32, i32
  }
  func.func @transform_5(%arg0: i32) -> (i32, i32) {
    %c0_i32 = arith.constant 0 : i32
    %c0_i32_0 = arith.constant 0 : i32
    return %c0_i32, %arg0 : i32, i32
  }
  func.func @transform_6(%arg0: i32) -> (i32, i32) {
    %c0_i32 = arith.constant 0 : i32
    %c0_i32_0 = arith.constant 0 : i32
    return %c0_i32, %arg0 : i32, i32
  }
  func.func @transform_7(%arg0: i32) -> (i32, i32) {
    %c0_i32 = arith.constant 0 : i32
    %c0_i32_0 = arith.constant 0 : i32
    %c0_i32_1 = arith.constant 0 : i32
    return %c0_i32, %c0_i32_0 : i32, i32
  }
  func.func @transform_8(%arg0: i32) -> (i32, i32) {
    %c0_i32 = arith.constant 0 : i32
    %c0_i32_0 = arith.constant 0 : i32
    %c0_i32_1 = arith.constant 0 : i32
    return %c0_i32, %c0_i32_0 : i32, i32
  }
  func.func @transform_9(%arg0: i32) -> (i32, i32) {
    %c0_i32 = arith.constant 0 : i32
    %c0_i32_0 = arith.constant 0 : i32
    %c0_i32_1 = arith.constant 0 : i32
    return %c0_i32, %c0_i32_0 : i32, i32
  }
  func.func @transform_10(%arg0: i32) -> (i32, i32) {
    %c0_i32 = arith.constant 0 : i32
    %c0_i32_0 = arith.constant 0 : i32
    %c0_i32_1 = arith.constant 0 : i32
    return %c0_i32, %c0_i32_0 : i32, i32
  }
  func.func @transform_11(%arg0: i32) -> (i32, i32) {
    %c0_i32 = arith.constant 0 : i32
    %c0_i32_0 = arith.constant 0 : i32
    %c0_i32_1 = arith.constant 0 : i32
    return %c0_i32, %c0_i32_0 : i32, i32
  }
  func.func @transform_12(%arg0: i32) -> (i32, i32) {
    %c0_i32 = arith.constant 0 : i32
    %c0_i32_0 = arith.constant 0 : i32
    %c0_i32_1 = arith.constant 0 : i32
    return %c0_i32, %c0_i32_0 : i32, i32
  }
  func.func @transform_13(%arg0: i32) -> (i32, i32) {
    %c0_i32 = arith.constant 0 : i32
    %c0_i32_0 = arith.constant 0 : i32
    %c0_i32_1 = arith.constant 0 : i32
    return %c0_i32, %c0_i32_0 : i32, i32
  }
  func.func @transform_14(%arg0: i32) -> (i32, i32) {
    %c0_i32 = arith.constant 0 : i32
    %c0_i32_0 = arith.constant 0 : i32
    %c0_i32_1 = arith.constant 0 : i32
    return %c0_i32, %c0_i32_0 : i32, i32
  }
  func.func @transform_15(%arg0: i32) -> (i32, i32) {
    %c0_i32 = arith.constant 0 : i32
    %c0_i32_0 = arith.constant 0 : i32
    %c0_i32_1 = arith.constant 0 : i32
    return %c0_i32, %c0_i32_0 : i32, i32
  }
  func.func @transform_16(%arg0: i32) -> (i32, i32) {
    %c0_i32 = arith.constant 0 : i32
    %c0_i32_0 = arith.constant 0 : i32
    %c0_i32_1 = arith.constant 0 : i32
    return %c0_i32, %c0_i32_0 : i32, i32
  }
}

</mosaic_0001>

<sc_bundles>
// kernel: kernel.12.cloned.1.call-start
scs
__scs_entry_jumppad:
0x0: {  	(pc) =	sbr.rel $0x88, $3  }
0x1: {  	(tag) =	ssettag $0x0;
	lr =	simm.s32 $0x1  }
0x2: {  	[smem:$0x3F87] =	sst lr;
	_ =	strace $0xD0000000  }
0x3: {  	_ = 	snop  }
0x4: {  	_ = 	snop  }
0x5: {  	_ = 	snop  }
0x6: {  	_ = 	snop  }
0x7: {  	_ = 	snop  }
__scs_overlays_trampoline_lowered:
0x8: {  	[smem:$0x3F96] =	sst s0  }
0x9: {  	[smem:$0x3F97] =	sst s1  }
0xa: {  	[smem:$0x3F98] =	sst s2  }
0xb: {  	[smem:$0x3F99] =	sst s3  }
0xc: {  	[smem:$0x3F9A] =	sst s4  }
0xd: {  	[smem:$0x3F9B] =	sst s5  }
0xe: {  	[smem:$0x3F9C] =	sst s6  }
0xf: {  	[smem:$0x3F9D] =	sst s7  }
0x10: {  	[smem:$0x3F9E] =	sst s8  }
0x11: {  	[smem:$0x3F9F] =	sst s9;
	s0 =	simm.s32 @!p0 $0x0  }
0x12: {  	s1 =	sld [smem:$0x3F85];
	s0 =	simm.s32 @p0 $0x1  }
0x13: {  	[smem:$0x3FA0] =	sst s0;
	s0 =	simm.s32 @!p1 $0x0  }
0x14: {  	s2 =	sld [smem:$0x3F84];
	s0 =	simm.s32 @p1 $0x1  }
0x15: {  	[smem:$0x3FA1] =	sst s0;
	s0 =	simm.s32 @!p2 $0x0  }
0x16: {  	s3 =	sld [smem:$0x3FDB];
	s0 =	simm.s32 @p2 $0x1  }
0x17: {  	s4 =	simm.s32 $0x1BF5;
	[smem:$0x3FA3] =	sst s0  }
0x18: {  	s0 =	sld [smem:$0x3F86];
	_ =	swait.ge [sflag:s4], $0x0  }
0x19: {  	s7 =	sld [smem:$0x3F87]  }
0x1a: {  	s8 =	sadd.s32 $0xFFFFE003, lr  }
0x1b: {  	s9 =	sadd.s32 $0xFFFFFEF7, lr;
	s5 =	simm.s32 $0xFFFFFFFF;
	p2 =	slt.u32 s8, $0xFFFFF086  }
0x1c: {  	p1 =	slt.u32 s9, $0xF7A;
	s5 =	simm.s32 @!p2 $0x0  }
0x1d: {  	s5 =	simm.s32 @p1 $0x1;
	p0 =	seq.s32 s7, s2  }
0x1e: {  	s7 =	smul.u32 @!p0 $0xF7A, s2;
	p2 =	seq.s32 @!p0 s5, $0x0  }
0x1f: {  	s9 =	smul.u32 $0xF7A, s1;
	s8 =	simm.s32 @!p0 $0x1BF5;
	p2 =	por !p2, p0  }
0x20: {  	[sflag:s8] =	ssyncset.s32 @!p0 $0xFFFFF086;
	s6 =	sadd.s32 @!p0 s3, s7;
	s7 =	simm.s32 @!p0 $0x108  }
0x21: {  	s3 =	sadd.s32 s3, s9;
	s6 =	sadd.s32 @!p0 $0x88, s6;
	s7 =	simm.s32 @p2 $0x1082  }
0x22: {  	[simem:s7], [sflag:s8] =	dma.local @!p0 [hbm:s6], $0xF7A  }
0x23: {  	s9 =	sor.u32 $0xD0000000, s2;
	s6 =	simm.s32 $0x108;
	_ =	swait.ge @!p0 [sflag:s8], $0x0  }
0x24: {  	s3 =	sadd.s32 $0x88, s3;
	s6 =	simm.s32 @!p1 $0x1082;
	[sflag:s4] =	ssyncset.s32 $0xFFFFF086  }
0x25: {  	[simem:s6], [sflag:s4] =	dma.local [hbm:s3], $0xF7A  }
0x26: {  	[smem:$0x3F87] =	sst s1;
	(tag) =	ssettag s2;
	_ =	strace s9  }
0x27: {  	s1 =	sld [smem:$0x3F97]  }
0x28: {  	s2 =	sld [smem:$0x3F98]  }
0x29: {  	s4 =	sld [smem:$0x3F9A]  }
0x2a: {  	p0 =	seq.s32 s5, $0x0;
	s5 =	sld [smem:$0x3F9B]  }
0x2b: {  	s6 =	sld [smem:$0x3F9C]  }
0x2c: {  	s7 =	sld [smem:$0x3F9D]  }
0x2d: {  	s3 =	simm.s32 $0x108;
	s8 =	sld [smem:$0x3F9E]  }
0x2e: {  	s3 =	simm.s32 @!p0 $0x1082;
	s9 =	sld [smem:$0x3F9F]  }
0x2f: {  	lr =	sadd.s32 s0, s3;
	s0 =	sld [smem:$0x3F96]  }
0x30: {  	s3 =	sld [smem:$0x3F99]  }
0x31: {  	[smem:$0x3FA2] =	sst s10  }
0x32: {  	s10 =	sld [smem:$0x3FA0];
	_ =	sdelay $0x3  }
0x33: {  	p0 =	seq.s32 s10, $0x1;
	s10 =	sld [smem:$0x3FA2];
	_ =	sdelay $0x3  }
0x34: {  	[smem:$0x3FA2] =	sst s10  }
0x35: {  	s10 =	sld [smem:$0x3FA1];
	_ =	sdelay $0x3  }
0x36: {  	p1 =	seq.s32 s10, $0x1;
	s10 =	sld [smem:$0x3FA2];
	_ =	sdelay $0x3  }
0x37: {  	[smem:$0x3FA2] =	sst s10  }
0x38: {  	s10 =	sld [smem:$0x3FA3]  }
0x39: {  	_ = 	snop;
	(pc) =	sbr.ind lr, $3  }
0x3a: {  	_ = 	snop  }
0x3b: {  	_ = 	snop  }
0x3c: {  	p2 =	seq.s32 s10, $0x1;
	s10 =	sld [smem:$0x3FA2]  }
0x3d: {  	_ =	shalt  }
0x3e: {  	_ =	shalt  }
0x3f: {  	_ =	shalt  }
0x40: {  	_ =	shalt  }
0x41: {  	_ =	shalt  }
0x42: {  	_ =	shalt  }
0x43: {  	_ =	shalt  }
0x44: {  	_ =	shalt  }
0x45: {  	_ =	shalt  }
0x46: {  	_ =	shalt  }
0x47: {  	_ =	shalt  }
0x48: {  	_ =	shalt  }
0x49: {  	_ =	shalt  }
0x4a: {  	_ =	shalt  }
0x4b: {  	_ =	shalt  }
0x4c: {  	_ =	shalt  }
0x4d: {  	_ =	shalt  }
0x4e: {  	_ =	shalt  }
0x4f: {  	_ =	shalt  }
0x50: {  	_ =	shalt  }
0x51: {  	_ =	shalt  }
0x52: {  	_ =	shalt  }
0x53: {  	_ =	shalt  }
0x54: {  	_ =	shalt  }
0x55: {  	_ =	shalt  }
0x56: {  	_ =	shalt  }
0x57: {  	_ =	shalt  }
0x58: {  	_ =	shalt  }
0x59: {  	_ =	shalt  }
0x5a: {  	_ =	shalt  }
0x5b: {  	_ =	shalt  }
0x5c: {  	_ =	shalt  }
0x5d: {  	_ =	shalt  }
0x5e: {  	_ =	shalt  }
0x5f: {  	_ =	shalt  }
0x60: {  	_ =	shalt  }
0x61: {  	_ =	shalt  }
0x62: {  	_ =	shalt  }
0x63: {  	_ =	shalt  }
0x64: {  	_ =	shalt  }
0x65: {  	_ =	shalt  }
0x66: {  	_ =	shalt  }
0x67: {  	_ =	shalt  }
0x68: {  	_ =	shalt  }
0x69: {  	_ =	shalt  }
0x6a: {  	_ =	shalt  }
0x6b: {  	_ =	shalt  }
0x6c: {  	_ =	shalt  }
0x6d: {  	_ =	shalt  }
0x6e: {  	_ =	shalt  }
0x6f: {  	_ =	shalt  }
0x70: {  	_ =	shalt  }
0x71: {  	_ =	shalt  }
0x72: {  	_ =	shalt  }
0x73: {  	_ =	shalt  }
0x74: {  	_ =	shalt  }
0x75: {  	_ =	shalt  }
0x76: {  	_ =	shalt  }
0x77: {  	_ =	shalt  }
0x78: {  	_ =	shalt  }
0x79: {  	_ =	shalt  }
0x7a: {  	_ =	shalt  }
0x7b: {  	_ =	shalt  }
0x7c: {  	_ =	shalt  }
0x7d: {  	_ =	shalt  }
0x7e: {  	_ =	shalt  }
0x7f: {  	_ =	shalt  }
0x80: {  	_ =	shalt  }
0x81: {  	_ =	shalt  }
0x82: {  	_ =	shalt  }
0x83: {  	_ =	shalt  }
0x84: {  	_ =	shalt  }
0x85: {  	_ =	shalt  }
0x86: {  	_ =	shalt  }
0x87: {  	_ =	shalt  }
.Lfunc_end0:
.L_simem_size_0:
called_computation.1_lowered:
.L_overlay_start_0:
0x88: {  	s2 =	sld [smem:$0x3FD9]  }
0x89: {  	s3 =	sld [smem:$0x3FFE];
	_ =	sdelay $0x1  }
0x8a: {  	s1 =	srdreg.scid  }
0x8b: {  	s0 =	sand.u32 $0x1, s1  }
0x8c: {  	s17 =	sshll.u32 s0, $0xA;
	s2 =	sadd.s32 s3, s2  }
0x8d: {  	s2 =	sadd.s32 s2, s17  }
0x8e: {  	[smem:$0x3FAE] =	sst s2  }
0x8f: {  	_ = 	snop  }
0x90: {  	(tm) =	ssettm $0x1  }
0x91: {  	s18 =	sld [smem:$0x3FFB];
	_ =	sdelay $0x3  }
0x92: {  	_ =	strace s18  }
0x93: {  	s2 =	sld [smem:$0x3FFC];
	_ =	sdelay $0x3  }
0x94: {  	_ =	strace s2  }
0x95: {  	s2 =	sld [smem:$0x3FFD];
	_ =	sdelay $0x3  }
0x96: {  	_ =	strace s2  }
0x97: {  	_ =	strace $0x8FFFFFFF  }
0x98: {  	s19 =	sld [smem:$0x3FDB];
	_ =	sdelay $0x1  }
0x99: {  	s20 =	simm.s32 $_scs_section_size  }
0x9a: {  	s4 =	simm.s32 $_size__tile_overlayer_lowered;
	s5 =	simm.s32 $_tile_overlayer_lowered  }
0x9b: {  	s6 =	simm.s32 $0x1BFF;
	s21 =	sshll.u32 s5, $0x1;
	s3 =	sadd.s32 s20, s19  }
0x9c: {  	s22 =	simm.s32 $0x0;
	s4 =	sshll.u32 s4, $0x1;
	s5 =	sadd.s32 s21, s3  }
0x9d: {  	[timem:s22], [sflag:s6] =	dma.local [hbm:s5], s4  }
0x9e: {  	_ =	swait.ge [sflag:s6], s4  }
0x9f: {  	s4 =	ssub.s32 $0x0, s4;
	[sflag:s6] =	ssyncset.done $0x0  }
0xa0: {  	[sflag:s6] =	ssyncadd.s32 s4;
	_ =	sdelay $0x1  }
0xa1: {  	s23 =	simm.s32 $0x1B8B  }
0xa2: {  	_ =	swait.ge [sflag:s23], $0x1  }
0xa3: {  	[sflag:s23] =	ssyncset.done $0x0  }
0xa4: {  	[sflag:s23] =	ssyncadd.s32 $0xFFFFFFFF  }
0xa5: {  	s4 =	sld [smem:$0x0]  }
0xa6: {  	s5 =	sand.u32 $0xFFFFFFFE, s1  }
0xa7: {  	p0 =	sne.s32 s1, s5  }
0xa8: {  	s5 =	sshll.u32 @p0 s5, $0xE  }
0xa9: {  	s5 =	sadd.s32 @p0 $0x11B8D, s5;
	s6 =	sshll.u32 @p0 s4, $0x11  }
0xaa: {  	s5 =	sor.u32 @p0 s6, s5  }
0xab: {  	[sflag:s5] =	ssyncadd.remote.s32 @p0 $0x1;
	_ =	sdelay $0x1  }
0xac: {  	s5 =	simm.s32 @p0 $0x1B8D  }
0xad: {  	_ =	swait.eq @p0 [sflag:s5], $0x1  }
0xae: {  	[sflag:s5] =	ssyncadd.s32 @p0 $0xFFFFFFFF  }
0xaf: {  	s6 =	sshll.u32 @!p0 s1, $0xE  }
0xb0: {  	s6 =	sor.u32 @!p0 $0x4000, s6;
	s5 =	simm.s32 @!p0 $0x1B8D  }
0xb1: {  	s4 =	sshll.u32 @!p0 s4, $0x11;
	s6 =	sadd.s32 @!p0 $0x11B8D, s6;
	_ =	swait.eq @!p0 [sflag:s5], $0x1  }
0xb2: {  	s4 =	sor.u32 @!p0 s4, s6;
	[sflag:s5] =	ssyncadd.s32 @!p0 $0xFFFFFFFF  }
0xb3: {  	s25 =	simm.s32 $0x1B8E;
	s24 =	sld [smem:$0x3FFE];
	[sflag:s4] =	ssyncadd.remote.s32 @!p0 $0x1  }
0xb4: {  	s26 =	simm.s32 $execute0_lowered;
	[smem:$0x3FD2] =	sst s25  }
0xb5: {  	s5 =	sshll.u32 s26, $0x1;
	_ =	strace $0x8000004C;
	[dreg:$0x1] =	wrdreg $0xFFFFFFFF  }
0xb6: {  	s28 =	simm.s32 $_size_execute0_lowered;
	s3 =	sadd.s32 s3, s5;
	[dreg:$0x0] =	wrdreg $0x0  }
0xb7: {  	s5 =	sshll.u32 s28, $0x1;
	[dreg:$0x2] =	wrdreg s3  }
0xb8: {  	[dreg:$0x3] =	wrdreg s5  }
0xb9: {  	[dreg:$0x4] =	wrdreg $0xC0  }
0xba: {  	_ =	task [dreg:s22], $0x5FFFF  }
0xbb: {  	[dreg:$0x1] =	wrdreg $0xFFFFFFFF  }
0xbc: {  	[dreg:$0x0] =	wrdreg $0x60  }
0xbd: {  	[dreg:$0x2] =	wrdreg s24  }
0xbe: {  	[dreg:$0x3] =	wrdreg $0x9  }
0xbf: {  	_ =	task.clear_ibuf [dreg:s22], $0x4FFFF;
	_ =	strace $0x9000004C  }
0xc0: {  	s29 =	simm.s32 $0x9;
	_ =	strace $0x8000004E  }
0xc1: {  	_ =	swait.ge [sflag:s29], $0x1  }
0xc2: {  	[sflag:s29] =	ssyncadd.s32 $0xFFFFFFFF  }
0xc3: {  	_ =	strace $0x9000004E  }
0xc4: {  	_ =	sfence  }
0xc5: {  	s30 =	sld [smem:$0x0];
	_ =	sdelay $0x2  }
0xc6: {  	s31 =	sshll.u32 s1, $0xD;
	s1 =	sshrl.u32 s1, $0x2  }
0xc7: {  	s4 =	sand.u32 $0x4000, s31;
	s1 =	sadd.s32 s1, s30  }
0xc8: {  	s0 =	sor.u32 s4, s0;
	s1 =	sshll.u32 s1, $0x11  }
0xc9: {  	s0 =	sor.u32 s1, s0  }
0xca: {  	s0 =	sadd.s32 $0x8F2B, s0  }
0xcb: {  	[sflag:s0] =	ssyncadd.remote.s32 $0x1  }
0xcc: {  	_ =	sfence.sel $0xFFFF  }
0xcd: {  	[dreg:$0x0] =	wrdreg $0xFFFFFFFF;
	(pc) =	sbr.abs _section_cstart, $3  }
0xce: {  	[dreg:$0x1] =	wrdreg $0xFFFFFFFF  }
0xcf: {  	_ =	task.clear_ibuf [dreg:s22], $0x2FFFF;
	_ =	strace $0x9FFFFFFF  }
0xd0: {  	(tm) =	ssettm $0x7FFFFFFF  }
0xd1: {  	_ =	shalt  }
tec
execute0_lowered:
.L_overlay_start_1:
0x0: {  	(tag) =	ssettag $0x1  }
0x1: {  	s1 =	srdreg.scid  }
0x2: {  	s0 =	stileid.u32;
	s4 =	rddreg [dreg:$0x0]  }
0x3: {  	s10 =	simm.s32 $0x2800;
	s11 =	simm.s32 $0x5000;
	s12 =	simm.s32 $0x80  }
0x4: {  	s13 =	simm.s32 $0x400;
	s3 =	sand.u32 $0x1, s1;
	s2 =	sshll.u32 s0, $0x1  }
0x5: {  	s1 =	rddreg [dreg:$0x1];
	s7 =	sshrl.u32 s0, $0x2;
	s5 =	sor.u32 s3, s2  }
0x6: {  	s2 =	simm.s32 $0x0;
	s7 =	smul.u32 $0x14000, s7;
	s31 =	ssub.s32 $0x2, s3  }
0x7: {  	s3 =	sadd.s32 $0xC3000, s4;
	s6 =	smul.u32 $0x271, s5;
	s5 =	sshll.u32 s5, $0x7  }
0x8: {  	[smem:$0x7FF] =	sst s2;
	s8 =	sshrl.u32 s31, $0x1;
	s5 =	sand.u32 $0x380, s5  }
0x9: {  	_ =	strace $0x8000004D;
	s6 =	sadd.s32 s6, s4;
	s5 =	sor.u32 s7, s5  }
0xa: {  	s7 =	ssub.s32 s31, s8;
	s8 =	simm.s32 $0x1;
	s5 =	sshrl.u32 s5, $0x3  }
0xb: {  	s7 =	smax.u32 s7, $0x1;
	s9 =	sadd.s32 s5, s4;
	s4 =	sadd.s32 $0xA000, s6  }
0xc: {  	v0 =	vimm.f32 $0.0e+00;
	v1 =	vimm.s32 $0x0;
	s5 =	sadd.s32 $0x5000, s6;
	s6 =	sadd.s32 $0xC3600, s9;
	s9 =	simm.s32 $0x1400  }
.LBB2_1:
0xd: {  	s14 =	simm.s32 $0x40;
	s15 =	simm.s32 $0x0  }
.LBB2_2:
0xe: {  	p0 =	sne.s32 s14, $0x9FC0;
	[tilespmem:s15+$0x5000] =	vst v0;
	s15 =	smov.u32 s14;
	s14 =	sadd.s32 $0x40, s14  }
.Ltmp0:
0xf: {  	(pc) =	sbr.rel @p0 .LBB2_2-.Ltmp0, $2  }
0x10: {  	_ =	sdelay $0x2  }
0x11: {  	s15 =	sshra.s32 s15, $0x2  }
0x12: {  	[tilespmem:s15+$0x5000] =	vst v0  }
0x13: {  	[tilespmem:$0x1388] =	vst v1  }
0x14: {  	s14 =	simm.s32 $0x0;
	[tilespmem:$0x2788] =	vst v1  }
0x15: {  	[tilespmem:s14], [sflag:$0x1] =	stream.linear.gather [hbm4b:s4+s14], $0x1388, $0x38;
	[tilespmem:$0x7800] =	vst v63  }
0x16: {  	_ =	swait.ge [sflag:s8], $0x1388  }
0x17: {  	[sflag:s8] =	ssyncset.done $0x0  }
0x18: {  	[sflag:s8] =	ssyncadd.s32 $0xFFFFEC78  }
0x19: {  	[tilespmem:s9], [sflag:$0x1] =	stream.linear.gather [hbm4b:s5+s14], $0x1388, $0x38;
	[tilespmem:$0x7800] =	vst v63  }
0x1a: {  	_ =	swait.ge [sflag:s8], $0x1388  }
0x1b: {  	[sflag:s8] =	ssyncset.done $0x0  }
0x1c: {  	[sflag:s8] =	ssyncadd.s32 $0xFFFFEC78  }
0x1d: {  	[tilespmem:s10], [sflag:$0x1] =	stream.linear.gather [hbm4b:s3+s14], $0x2800, $0x38;
	[tilespmem:$0x7800] =	vst v63  }
0x1e: {  	_ =	swait.ge [sflag:s8], $0x2800  }
0x1f: {  	[sflag:s8] =	ssyncset.done $0x0  }
0x20: {  	s15 =	simm.s32 $0x0;
	s14 =	simm.s32 $0x40;
	[sflag:s8] =	ssyncadd.s32 $0xFFFFD800  }
.LBB2_4:
0x21: {  	p0 =	sne.s32 s14, $0x4DC0;
	v2 =	vld [tilespmem:s15+$0x1400];
	_ =	sdelay $0x5  }
0x22: {  	v3 =	vld [tilespmem:s15+$0x0];
	_ =	sdelay $0x1  }
0x23: {  	v2 =	vld.idx.msk [tilespmem:v2+s10+$0x0], $0xffff;
	_ =	sdelay $0x1  }
.Ltmp1:
0x24: {  	(pc) =	sbr.rel @p0 .LBB2_4-.Ltmp1, $2  }
0x25: {  	_ =	sdelay $0x2  }
0x26: {  	s15 =	sshra.s32 s14, $0x2;
	s14 =	sadd.s32 $0x40, s14;
	[tilespmem:v3+s11+$0x0] =	vst.idx.add.f32.msk $0xffff, v2  }
0x27: {  	v2 =	vld [tilespmem:s15+$0x1400];
	_ =	sdelay $0x4  }
0x28: {  	v3 =	vld [tilespmem:s15+$0x0];
	_ =	sdelay $0x2  }
0x29: {  	v2 =	vld.idx.msk [tilespmem:v2+s10+$0x0], $0xffff;
	_ =	sdelay $0x4  }
0x2a: {  	[tilespmem:v3+s11+$0x0] =	vst.idx.add.f32.msk $0xffff, v2  }
0x2b: {  	v2 =	vld [tilespmem:$0x2780];
	_ =	sdelay $0x4  }
0x2c: {  	v3 =	vld [tilespmem:$0x1380];
	_ =	sdelay $0x2  }
0x2d: {  	v2 =	vld.idx.msk [tilespmem:v2+s10+$0x0], $0xff;
	_ =	sdelay $0x2  }
0x2e: {  	s2 =	sadd.s32 $0x1, s2  }
0x2f: {  	p0 =	sne.s32 s2, s7  }
.Ltmp2:
0x30: {  	[tilespmem:v3+s11+$0x0] =	vst.idx.add.f32.msk $0xff, v2;
	(pc) =	sbr.rel @p0 .LBB2_1-.Ltmp2, $4  }
0x31: {  	[hbm4b:s6+s12] =	stream.strided.scatter [tilespmem:s11], [sflag:$0x1], $0x2800, s13, s12, $0x38;
	[tilespmem:$0x7800] =	vst v63  }
0x32: {  	_ =	swait.ge [sflag:s8], $0x2800  }
0x33: {  	[sflag:s8] =	ssyncset.done $0x0  }
0x34: {  	[sflag:s8] =	ssyncadd.s32 $0xFFFFD800  }
0x35: {  	_ =	sfence.sel $0x180000  }
0x36: {  	[bflag:$0x0] =	sbarrier.arrive $0xFFFF  }
0x37: {  	p0 =	sne.s32 s0, $0x0;
	_ =	strace $0x9000004D  }
0x38: {  	s0 =	sadd.s32 @!p0 $0x100000, s1;
	[bflag:$0x2] =	sbarrier.arrive $0xFFFF  }
0x39: {  	[sflag:s0] =	ssyncadd.tile.s32 @!p0 $0x1;
	_ =	shalt  }
.Lfunc_end2:
_tile_overlayer_lowered:
.L_overlay_start_2:
0x3a: {  	(tag) =	ssettag $0x2  }
0x3b: {  	s0 =	rddreg [dreg:$0x0];
	s2 =	stileid.u32  }
0x3c: {  	s1 =	rddreg [dreg:$0x1];
	p0 =	sne.s32 s2, $0x0  }
0x3d: {  	s3 =	rddreg [dreg:$0x2];
	[bflag:$0x3] =	sbarrier.arrive $0xFFFF;
	s2 =	simm.s32 @!p0 $0x1C01  }
0x3e: {  	[timem:s3], [sflag:s2] =	dma.local @!p0 [hbm:s0], s1  }
0x3f: {  	s0 =	simm.s32 @!p0 $0x1  }
0x40: {  	_ =	swait.ge @!p0 [sflag:s0], s1  }
0x41: {  	s1 =	ssub.s32 @!p0 $0x0, s1;
	[sflag:s0] =	ssyncset.done @!p0 $0x0  }
0x42: {  	[sflag:s0] =	ssyncadd.s32 @!p0 s1  }
0x43: {  	[bflag:$0x3] =	sbarrier.arrive $0xFFFF  }
0x44: {  	_ =	shalt  }

// kernel: kernel.15.cloned.1.call-start
scs
__scs_entry_jumppad:
0x0: {  	(pc) =	sbr.rel $0x88, $3  }
0x1: {  	(tag) =	ssettag $0x0;
	lr =	simm.s32 $0x1  }
0x2: {  	[smem:$0x3F87] =	sst lr;
	_ =	strace $0xD0000000  }
0x3: {  	_ = 	snop  }
0x4: {  	_ = 	snop  }
0x5: {  	_ = 	snop  }
0x6: {  	_ = 	snop  }
0x7: {  	_ = 	snop  }
__scs_overlays_trampoline_lowered:
0x8: {  	[smem:$0x3F96] =	sst s0  }
0x9: {  	[smem:$0x3F97] =	sst s1  }
0xa: {  	[smem:$0x3F98] =	sst s2  }
0xb: {  	[smem:$0x3F99] =	sst s3  }
0xc: {  	[smem:$0x3F9A] =	sst s4  }
0xd: {  	[smem:$0x3F9B] =	sst s5  }
0xe: {  	[smem:$0x3F9C] =	sst s6  }
0xf: {  	[smem:$0x3F9D] =	sst s7  }
0x10: {  	[smem:$0x3F9E] =	sst s8  }
0x11: {  	[smem:$0x3F9F] =	sst s9;
	s0 =	simm.s32 @!p0 $0x0  }
0x12: {  	s1 =	sld [smem:$0x3F85];
	s0 =	simm.s32 @p0 $0x1  }
0x13: {  	[smem:$0x3FA0] =	sst s0;
	s0 =	simm.s32 @!p1 $0x0  }
0x14: {  	s2 =	sld [smem:$0x3F84];
	s0 =	simm.s32 @p1 $0x1  }
0x15: {  	[smem:$0x3FA1] =	sst s0;
	s0 =	simm.s32 @!p2 $0x0  }
0x16: {  	s3 =	sld [smem:$0x3FDB];
	s0 =	simm.s32 @p2 $0x1  }
0x17: {  	s4 =	simm.s32 $0x1BF5;
	[smem:$0x3FA3] =	sst s0  }
0x18: {  	s0 =	sld [smem:$0x3F86];
	_ =	swait.ge [sflag:s4], $0x0  }
0x19: {  	s7 =	sld [smem:$0x3F87]  }
0x1a: {  	s8 =	sadd.s32 $0xFFFFE003, lr  }
0x1b: {  	s9 =	sadd.s32 $0xFFFFFEF7, lr;
	s5 =	simm.s32 $0xFFFFFFFF;
	p2 =	slt.u32 s8, $0xFFFFF086  }
0x1c: {  	p1 =	slt.u32 s9, $0xF7A;
	s5 =	simm.s32 @!p2 $0x0  }
0x1d: {  	s5 =	simm.s32 @p1 $0x1;
	p0 =	seq.s32 s7, s2  }
0x1e: {  	s7 =	smul.u32 @!p0 $0xF7A, s2;
	p2 =	seq.s32 @!p0 s5, $0x0  }
0x1f: {  	s9 =	smul.u32 $0xF7A, s1;
	s8 =	simm.s32 @!p0 $0x1BF5;
	p2 =	por !p2, p0  }
0x20: {  	[sflag:s8] =	ssyncset.s32 @!p0 $0xFFFFF086;
	s6 =	sadd.s32 @!p0 s3, s7;
	s7 =	simm.s32 @!p0 $0x108  }
0x21: {  	s3 =	sadd.s32 s3, s9;
	s6 =	sadd.s32 @!p0 $0x88, s6;
	s7 =	simm.s32 @p2 $0x1082  }
0x22: {  	[simem:s7], [sflag:s8] =	dma.local @!p0 [hbm:s6], $0xF7A  }
0x23: {  	s9 =	sor.u32 $0xD0000000, s2;
	s6 =	simm.s32 $0x108;
	_ =	swait.ge @!p0 [sflag:s8], $0x0  }
0x24: {  	s3 =	sadd.s32 $0x88, s3;
	s6 =	simm.s32 @!p1 $0x1082;
	[sflag:s4] =	ssyncset.s32 $0xFFFFF086  }
0x25: {  	[simem:s6], [sflag:s4] =	dma.local [hbm:s3], $0xF7A  }
0x26: {  	[smem:$0x3F87] =	sst s1;
	(tag) =	ssettag s2;
	_ =	strace s9  }
0x27: {  	s1 =	sld [smem:$0x3F97]  }
0x28: {  	s2 =	sld [smem:$0x3F98]  }
0x29: {  	s4 =	sld [smem:$0x3F9A]  }
0x2a: {  	p0 =	seq.s32 s5, $0x0;
	s5 =	sld [smem:$0x3F9B]  }
0x2b: {  	s6 =	sld [smem:$0x3F9C]  }
0x2c: {  	s7 =	sld [smem:$0x3F9D]  }
0x2d: {  	s3 =	simm.s32 $0x108;
	s8 =	sld [smem:$0x3F9E]  }
0x2e: {  	s3 =	simm.s32 @!p0 $0x1082;
	s9 =	sld [smem:$0x3F9F]  }
0x2f: {  	lr =	sadd.s32 s0, s3;
	s0 =	sld [smem:$0x3F96]  }
0x30: {  	s3 =	sld [smem:$0x3F99]  }
0x31: {  	[smem:$0x3FA2] =	sst s10  }
0x32: {  	s10 =	sld [smem:$0x3FA0];
	_ =	sdelay $0x3  }
0x33: {  	p0 =	seq.s32 s10, $0x1;
	s10 =	sld [smem:$0x3FA2];
	_ =	sdelay $0x3  }
0x34: {  	[smem:$0x3FA2] =	sst s10  }
0x35: {  	s10 =	sld [smem:$0x3FA1];
	_ =	sdelay $0x3  }
0x36: {  	p1 =	seq.s32 s10, $0x1;
	s10 =	sld [smem:$0x3FA2];
	_ =	sdelay $0x3  }
0x37: {  	[smem:$0x3FA2] =	sst s10  }
0x38: {  	s10 =	sld [smem:$0x3FA3]  }
0x39: {  	_ = 	snop;
	(pc) =	sbr.ind lr, $3  }
0x3a: {  	_ = 	snop  }
0x3b: {  	_ = 	snop  }
0x3c: {  	p2 =	seq.s32 s10, $0x1;
	s10 =	sld [smem:$0x3FA2]  }
0x3d: {  	_ =	shalt  }
0x3e: {  	_ =	shalt  }
0x3f: {  	_ =	shalt  }
0x40: {  	_ =	shalt  }
0x41: {  	_ =	shalt  }
0x42: {  	_ =	shalt  }
0x43: {  	_ =	shalt  }
0x44: {  	_ =	shalt  }
0x45: {  	_ =	shalt  }
0x46: {  	_ =	shalt  }
0x47: {  	_ =	shalt  }
0x48: {  	_ =	shalt  }
0x49: {  	_ =	shalt  }
0x4a: {  	_ =	shalt  }
0x4b: {  	_ =	shalt  }
0x4c: {  	_ =	shalt  }
0x4d: {  	_ =	shalt  }
0x4e: {  	_ =	shalt  }
0x4f: {  	_ =	shalt  }
0x50: {  	_ =	shalt  }
0x51: {  	_ =	shalt  }
0x52: {  	_ =	shalt  }
0x53: {  	_ =	shalt  }
0x54: {  	_ =	shalt  }
0x55: {  	_ =	shalt  }
0x56: {  	_ =	shalt  }
0x57: {  	_ =	shalt  }
0x58: {  	_ =	shalt  }
0x59: {  	_ =	shalt  }
0x5a: {  	_ =	shalt  }
0x5b: {  	_ =	shalt  }
0x5c: {  	_ =	shalt  }
0x5d: {  	_ =	shalt  }
0x5e: {  	_ =	shalt  }
0x5f: {  	_ =	shalt  }
0x60: {  	_ =	shalt  }
0x61: {  	_ =	shalt  }
0x62: {  	_ =	shalt  }
0x63: {  	_ =	shalt  }
0x64: {  	_ =	shalt  }
0x65: {  	_ =	shalt  }
0x66: {  	_ =	shalt  }
0x67: {  	_ =	shalt  }
0x68: {  	_ =	shalt  }
0x69: {  	_ =	shalt  }
0x6a: {  	_ =	shalt  }
0x6b: {  	_ =	shalt  }
0x6c: {  	_ =	shalt  }
0x6d: {  	_ =	shalt  }
0x6e: {  	_ =	shalt  }
0x6f: {  	_ =	shalt  }
0x70: {  	_ =	shalt  }
0x71: {  	_ =	shalt  }
0x72: {  	_ =	shalt  }
0x73: {  	_ =	shalt  }
0x74: {  	_ =	shalt  }
0x75: {  	_ =	shalt  }
0x76: {  	_ =	shalt  }
0x77: {  	_ =	shalt  }
0x78: {  	_ =	shalt  }
0x79: {  	_ =	shalt  }
0x7a: {  	_ =	shalt  }
0x7b: {  	_ =	shalt  }
0x7c: {  	_ =	shalt  }
0x7d: {  	_ =	shalt  }
0x7e: {  	_ =	shalt  }
0x7f: {  	_ =	shalt  }
0x80: {  	_ =	shalt  }
0x81: {  	_ =	shalt  }
0x82: {  	_ =	shalt  }
0x83: {  	_ =	shalt  }
0x84: {  	_ =	shalt  }
0x85: {  	_ =	shalt  }
0x86: {  	_ =	shalt  }
0x87: {  	_ =	shalt  }
.Lfunc_end0:
.L_simem_size_0:
called_computation.2_lowered:
.L_overlay_start_0:
0x88: {  	s2 =	sld [smem:$0x3FD9]  }
0x89: {  	s3 =	sld [smem:$0x3FFE];
	_ =	sdelay $0x1  }
0x8a: {  	s1 =	srdreg.scid  }
0x8b: {  	s0 =	sand.u32 $0x1, s1  }
0x8c: {  	s16 =	sshll.u32 s0, $0xA;
	s2 =	sadd.s32 s3, s2  }
0x8d: {  	s2 =	sadd.s32 s2, s16  }
0x8e: {  	[smem:$0x3FAE] =	sst s2  }
0x8f: {  	_ = 	snop  }
0x90: {  	(tm) =	ssettm $0x1  }
0x91: {  	s17 =	sld [smem:$0x3FFB];
	_ =	sdelay $0x3  }
0x92: {  	_ =	strace s17  }
0x93: {  	s2 =	sld [smem:$0x3FFC];
	_ =	sdelay $0x3  }
0x94: {  	_ =	strace s2  }
0x95: {  	s2 =	sld [smem:$0x3FFD];
	_ =	sdelay $0x3  }
0x96: {  	_ =	strace s2  }
0x97: {  	_ =	strace $0x8FFFFFFF  }
0x98: {  	s18 =	sld [smem:$0x3FDB];
	_ =	sdelay $0x1  }
0x99: {  	s19 =	simm.s32 $_scs_section_size  }
0x9a: {  	s4 =	simm.s32 $_size__tile_overlayer_lowered;
	s5 =	simm.s32 $_tile_overlayer_lowered  }
0x9b: {  	s22 =	simm.s32 $0x1BFF;
	s21 =	sshll.u32 s5, $0x1;
	s2 =	sadd.s32 s19, s18  }
0x9c: {  	s6 =	simm.s32 $0x0;
	s20 =	sshll.u32 s4, $0x1;
	s4 =	sadd.s32 s21, s2  }
0x9d: {  	[timem:s6], [sflag:s22] =	dma.local [hbm:s4], s20  }
0x9e: {  	_ =	swait.ge [sflag:s22], s20  }
0x9f: {  	s3 =	ssub.s32 $0x0, s20;
	[sflag:s22] =	ssyncset.done $0x0  }
0xa0: {  	[sflag:s22] =	ssyncadd.s32 s3;
	_ =	sdelay $0x1  }
0xa1: {  	s23 =	simm.s32 $0x1B8B  }
0xa2: {  	_ =	swait.ge [sflag:s23], $0x1  }
0xa3: {  	[sflag:s23] =	ssyncset.done $0x0  }
0xa4: {  	s25 =	simm.s32 $0x1B8E;
	s24 =	sld [smem:$0x3FFE];
	[sflag:s23] =	ssyncadd.s32 $0xFFFFFFFF  }
0xa5: {  	s26 =	simm.s32 $execute0_lowered;
	[smem:$0x3FD2] =	sst s25  }
0xa6: {  	s4 =	sshll.u32 s26, $0x1;
	_ =	strace $0x80000049;
	[dreg:$0x1] =	wrdreg $0xFFFFFFFF  }
0xa7: {  	s28 =	simm.s32 $_size_execute0_lowered;
	s2 =	sadd.s32 s2, s4;
	[dreg:$0x0] =	wrdreg $0x0  }
0xa8: {  	s4 =	sshll.u32 s28, $0x1;
	[dreg:$0x2] =	wrdreg s2  }
0xa9: {  	[dreg:$0x3] =	wrdreg s4  }
0xaa: {  	[dreg:$0x4] =	wrdreg $0xC0  }
0xab: {  	_ =	task [dreg:s6], $0x5FFFF  }
0xac: {  	[dreg:$0x1] =	wrdreg $0xFFFFFFFF  }
0xad: {  	[dreg:$0x0] =	wrdreg $0x60  }
0xae: {  	[dreg:$0x2] =	wrdreg s24  }
0xaf: {  	[dreg:$0x3] =	wrdreg $0x90000  }
0xb0: {  	[dreg:$0x4] =	wrdreg $0xA  }
0xb1: {  	_ =	task.clear_ibuf [dreg:s6], $0x5FFFF;
	_ =	strace $0x90000049  }
0xb2: {  	s29 =	simm.s32 $0xA;
	_ =	strace $0x8000004B  }
0xb3: {  	_ =	swait.ge [sflag:s29], $0x1  }
0xb4: {  	[sflag:s29] =	ssyncadd.s32 $0xFFFFFFFF  }
0xb5: {  	_ =	strace $0x9000004B  }
0xb6: {  	_ =	sfence  }
0xb7: {  	s30 =	sld [smem:$0x0];
	_ =	sdelay $0x2  }
0xb8: {  	s31 =	sshll.u32 s1, $0xD;
	s1 =	sshrl.u32 s1, $0x2  }
0xb9: {  	s3 =	sand.u32 $0x4000, s31;
	s1 =	sadd.s32 s1, s30  }
0xba: {  	s0 =	sor.u32 s3, s0;
	s1 =	sshll.u32 s1, $0x11  }
0xbb: {  	s0 =	sor.u32 s1, s0  }
0xbc: {  	s0 =	sadd.s32 $0x8F2B, s0  }
0xbd: {  	[sflag:s0] =	ssyncadd.remote.s32 $0x1  }
0xbe: {  	_ =	sfence.sel $0xFFFF  }
0xbf: {  	[dreg:$0x0] =	wrdreg $0xFFFFFFFF;
	(pc) =	sbr.abs _section_cstart, $3  }
0xc0: {  	[dreg:$0x1] =	wrdreg $0xFFFFFFFF  }
0xc1: {  	_ =	task.clear_ibuf [dreg:s6], $0x2FFFF;
	_ =	strace $0x9FFFFFFF  }
0xc2: {  	(tm) =	ssettm $0x7FFFFFFF  }
0xc3: {  	_ =	shalt  }
tec
execute0_lowered:
.L_overlay_start_1:
0x0: {  	(tag) =	ssettag $0x1  }
0x1: {  	s0 =	rddreg [dreg:$0x0]  }
0x2: {  	s2 =	rddreg [dreg:$0x1]  }
0x3: {  	s1 =	srdreg.scid;
	s10 =	stileid.u32;
	s4 =	simm.s32 $0x0  }
0x4: {  	s28 =	simm.s32 $0x1;
	s30 =	simm.s32 $0x2;
	s29 =	simm.s32 $0x680  }
0x5: {  	s31 =	simm.s32 $0xE00;
	s1 =	sand.u32 $0x1, s1;
	s3 =	smul.u32 $0x280, s10  }
0x6: {  	[smem:$0x7FF] =	sst s4;
	s4 =	sadd.s32 $0x23000, s0;
	s5 =	smul.u32 $0x50000, s10  }
0x7: {  	s7 =	sadd.s32 $0x19000, s0;
	s8 =	sadd.s32 $0x1E000, s0;
	s10 =	smul.u32 $0x2800, s10  }
0x8: {  	s6 =	smul.u32 $0x2800, s1;
	_ =	strace $0x8000004A;
	s1 =	ssub.s32 $0x2, s1  }
0x9: {  	s5 =	sshrl.u32 s5, $0x2;
	s9 =	sshrl.u32 s1, $0x1;
	s15 =	sshrl.u32 s10, $0x3  }
0xa: {  	s3 =	sadd.s32 s3, s6;
	s11 =	sadd.s32 s5, s2;
	s17 =	sadd.s32 s7, s15  }
0xb: {  	s1 =	ssub.s32 s1, s9;
	s19 =	sadd.s32 s8, s15;
	[dreg:$0x8] =	wrdreg s17  }
0xc: {  	s18 =	sadd.s32 $0x100, s15;
	s21 =	sadd.s32 $0x200, s15;
	[dreg:$0x9] =	wrdreg s19  }
0xd: {  	s23 =	sadd.s32 $0x300, s15;
	s12 =	sadd.s32 $0x4000, s11;
	[dreg:$0x3] =	wrdreg s11  }
0xe: {  	v0 =	vmov s6;
	s6 =	simm.s32 $0xF00;
	s13 =	sadd.s32 $0x8000, s11;
	[dreg:$0x4] =	wrdreg s12  }
0xf: {  	s3 =	sshll.u32 s3, $0x4;
	s14 =	sadd.s32 $0xC000, s11;
	[dreg:$0x5] =	wrdreg s13  }
0x10: {  	s16 =	sadd.s32 $0x10000, s11;
	s20 =	sadd.s32 s7, s18;
	[dreg:$0x6] =	wrdreg s14  }
0x11: {  	s5 =	sadd.s32 s8, s18;
	s22 =	sadd.s32 s7, s21;
	[dreg:$0x7] =	wrdreg s16  }
0x12: {  	s9 =	sadd.s32 s8, s21;
	s24 =	sadd.s32 s7, s23;
	[dreg:$0xa] =	wrdreg s20  }
0x13: {  	s26 =	smax.u32 s1, $0x1;
	s17 =	simm.s32 $0x500;
	[dreg:$0xb] =	wrdreg s5  }
0x14: {  	s18 =	simm.s32 $0xC80;
	s19 =	simm.s32 $0x580;
	[dreg:$0xc] =	wrdreg s22  }
0x15: {  	s21 =	simm.s32 $0x600;
	s1 =	simm.s32 $0x780;
	[dreg:$0xd] =	wrdreg s9  }
0x16: {  	s0 =	sadd.s32 s3, s0;
	[dreg:$0xe] =	wrdreg s24;
	s3 =	sadd.s32 $0x400, s15  }
0x17: {  	s5 =	sadd.s32 s8, s23;
	[dreg:$0x13] =	wrdreg s26;
	s22 =	simm.s32 $0x1000  }
0x18: {  	s23 =	simm.s32 $0x3;
	s24 =	simm.s32 $0x800;
	s26 =	simm.s32 $0x5000  }
0x19: {  	s13 =	simm.s32 $0x400;
	s14 =	simm.s32 $0xB80;
	s15 =	simm.s32 $0x480  }
0x1a: {  	s16 =	simm.s32 $0xC00;
	[dreg:$0xf] =	wrdreg s5;
	s25 =	sadd.s32 s7, s3  }
0x1b: {  	s20 =	simm.s32 $0xD00;
	s3 =	sadd.s32 s8, s3;
	[dreg:$0x10] =	wrdreg s25  }
0x1c: {  	s0 =	sadd.s32 $0x73000, s0;
	s5 =	simm.s32 $0xD80;
	[dreg:$0x11] =	wrdreg s3  }
0x1d: {  	s7 =	simm.s32 $0xF80;
	s8 =	simm.s32 $0x0;
	[dreg:$0x12] =	wrdreg s0  }
0x1e: {  	v1 =	vimm.f32 $0.0e+00;
	s25 =	simm.s32 $0x80;
	s0 =	simm.s32 $0x700;
	s3 =	simm.s32 $0xE80  }
.LBB2_1:
0x1f: {  	s9 =	simm.s32 $0x0;
	s10 =	simm.s32 $0x200  }
.LBB2_2:
0x20: {  	p0 =	sne.s32 s10, $0xFE00;
	[tilespmem:s9+$0x1070] =	vst v1  }
0x21: {  	[tilespmem:s9+$0x1000] =	vst v1  }
0x22: {  	[tilespmem:s9+$0x1010] =	vst v1  }
.Ltmp0:
0x23: {  	[tilespmem:s9+$0x1020] =	vst v1;
	(pc) =	sbr.rel @p0 .LBB2_2-.Ltmp0, $4  }
0x24: {  	[tilespmem:s9+$0x1030] =	vst v1  }
0x25: {  	[tilespmem:s9+$0x1040] =	vst v1  }
0x26: {  	[tilespmem:s9+$0x1050] =	vst v1  }
0x27: {  	[tilespmem:s9+$0x1060] =	vst v1;
	s9 =	sshra.s32 s10, $0x2;
	s10 =	sadd.s32 $0x200, s10  }
0x28: {  	[tilespmem:s9+$0x1070] =	vst v1  }
0x29: {  	[tilespmem:s9+$0x1000] =	vst v1  }
0x2a: {  	[tilespmem:s9+$0x1010] =	vst v1  }
0x2b: {  	[tilespmem:s9+$0x1020] =	vst v1  }
0x2c: {  	[tilespmem:s9+$0x1030] =	vst v1  }
0x2d: {  	[tilespmem:s9+$0x1040] =	vst v1  }
0x2e: {  	[tilespmem:s9+$0x1050] =	vst v1  }
0x2f: {  	[tilespmem:s9+$0x1060] =	vst v1  }
0x30: {  	[spmem:s11] =	stream.linear.scatter [tilespmem:s22], [sflag:$0x3], $0x4000, $0x38;
	[tilespmem:$0x1D000] =	vst v63  }
0x31: {  	_ =	swait.ge [sflag:s23], $0x4000  }
0x32: {  	[sflag:s23] =	ssyncset.done $0x0  }
0x33: {  	s10 =	rddreg [dreg:$0x4];
	[sflag:s23] =	ssyncadd.s32 $0xFFFFC000  }
0x34: {  	[spmem:s10] =	stream.linear.scatter [tilespmem:s22], [sflag:$0x3], $0x4000, $0x38;
	[tilespmem:$0x1D000] =	vst v63  }
0x35: {  	_ =	swait.ge [sflag:s23], $0x4000  }
0x36: {  	[sflag:s23] =	ssyncset.done $0x0  }
0x37: {  	s11 =	rddreg [dreg:$0x5];
	[sflag:s23] =	ssyncadd.s32 $0xFFFFC000  }
0x38: {  	[spmem:s11] =	stream.linear.scatter [tilespmem:s22], [sflag:$0x3], $0x4000, $0x38;
	[tilespmem:$0x1D000] =	vst v63  }
0x39: {  	_ =	swait.ge [sflag:s23], $0x4000  }
0x3a: {  	[sflag:s23] =	ssyncset.done $0x0  }
0x3b: {  	s12 =	rddreg [dreg:$0x6];
	[sflag:s23] =	ssyncadd.s32 $0xFFFFC000  }
0x3c: {  	[spmem:s12] =	stream.linear.scatter [tilespmem:s22], [sflag:$0x3], $0x4000, $0x38;
	[tilespmem:$0x1D000] =	vst v63  }
0x3d: {  	_ =	swait.ge [sflag:s23], $0x4000  }
0x3e: {  	[sflag:s23] =	ssyncset.done $0x0  }
0x3f: {  	s10 =	rddreg [dreg:$0x7];
	[sflag:s23] =	ssyncadd.s32 $0xFFFFC000  }
0x40: {  	[spmem:s10] =	stream.linear.scatter [tilespmem:s22], [sflag:$0x3], $0x4000, $0x38;
	[tilespmem:$0x1D000] =	vst v63  }
0x41: {  	_ =	swait.ge [sflag:s23], $0x4000  }
0x42: {  	[sflag:s23] =	ssyncset.done $0x0  }
0x43: {  	[sflag:s23] =	ssyncadd.s32 $0xFFFFC000  }
0x44: {  	[bflag:$0x0] =	sbarrier.arrive $0xFFFF  }
0x45: {  	s11 =	simm.s32 $0x0;
	s10 =	rddreg [dreg:$0x8]  }
0x46: {  	[tilespmem:s11], [sflag:$0x3] =	stream.linear.gather [hbm4b:s10+s11], $0x800, $0x38;
	[tilespmem:$0x1D000] =	vst v63  }
0x47: {  	_ =	swait.ge [sflag:s23], $0x800  }
0x48: {  	[sflag:s23] =	ssyncset.done $0x0  }
0x49: {  	s12 =	rddreg [dreg:$0x9];
	[sflag:s23] =	ssyncadd.s32 $0xFFFFF800  }
0x4a: {  	[tilespmem:s24], [sflag:$0x3] =	stream.linear.gather [hbm4b:s12+s11], $0x800, $0x38;
	[tilespmem:$0x1D000] =	vst v63  }
0x4b: {  	_ =	swait.ge [sflag:s23], $0x800  }
0x4c: {  	[sflag:s23] =	ssyncset.done $0x0  }
0x4d: {  	s9 =	simm.s32 $0x0;
	[sflag:s23] =	ssyncadd.s32 $0xFFFFF800  }
0x4e: {  	v4 =	vld [tilespmem:s9+$0x0]  }
0x4f: {  	v6 =	vld [tilespmem:s9+$0x10]  }
0x50: {  	v5 =	vld [tilespmem:s9+$0x20]  }
0x51: {  	v3 =	vld [tilespmem:s9+$0x30]  }
0x52: {  	v2 =	vld [tilespmem:s9+$0x40]  }
0x53: {  	v7 =	vadd.s32 v0, v4;
	v4 =	vld [tilespmem:s9+$0x50]  }
0x54: {  	s10 =	simm.s32 $0x200;
	s12 =	simm.s32 $0x100;
	[tilespmem:s9+$0x0] =	vst v7;
	v7 =	vadd.s32 v0, v6;
	v6 =	vld [tilespmem:s9+$0x60]  }
.LBB2_4:
0x55: {  	s11 =	sshra.s32 s10, $0x2;
	p0 =	sne.s32 s10, $0x1E00;
	[tilespmem:s9+$0x10] =	vst v7;
	v5 =	vadd.s32 v0, v5;
	v7 =	vld [tilespmem:s9+$0x70]  }
0x56: {  	v8 =	vld [tilespmem:s11+$0x0];
	[tilespmem:s9+$0x20] =	vst v5;
	v3 =	vadd.s32 v0, v3  }
0x57: {  	v9 =	vld [tilespmem:s11+$0x10];
	[tilespmem:s9+$0x30] =	vst v3;
	v2 =	vadd.s32 v0, v2  }
.Ltmp1:
0x58: {  	v5 =	vld [tilespmem:s11+$0x20];
	[tilespmem:s9+$0x40] =	vst v2;
	v2 =	vadd.s32 v0, v4;
	(pc) =	sbr.rel @p0 .LBB2_4-.Ltmp1, $4  }
0x59: {  	v3 =	vld [tilespmem:s11+$0x30];
	[tilespmem:s9+$0x50] =	vst v2;
	v4 =	vadd.s32 v0, v6  }
0x5a: {  	v2 =	vld [tilespmem:s11+$0x40];
	[tilespmem:s9+$0x60] =	vst v4;
	v6 =	vadd.s32 v0, v7  }
0x5b: {  	v7 =	vadd.s32 v0, v8;
	v4 =	vld [tilespmem:s11+$0x50];
	[tilespmem:s9+$0x70] =	vst v6;
	s9 =	smov.u32 s11  }
0x5c: {  	s10 =	sadd.s32 $0x200, s10;
	[tilespmem:s9+$0x0] =	vst v7;
	v7 =	vadd.s32 v0, v9;
	v6 =	vld [tilespmem:s9+$0x60]  }
0x5d: {  	[tilespmem:s9+$0x10] =	vst v7;
	v5 =	vadd.s32 v0, v5;
	v7 =	vld [tilespmem:s9+$0x70]  }
0x5e: {  	[tilespmem:s9+$0x20] =	vst v5;
	v3 =	vadd.s32 v0, v3  }
0x5f: {  	[tilespmem:s9+$0x30] =	vst v3;
	v2 =	vadd.s32 v0, v2  }
0x60: {  	[tilespmem:s9+$0x40] =	vst v2;
	v2 =	vadd.s32 v0, v4  }
0x61: {  	[tilespmem:s9+$0x50] =	vst v2;
	v2 =	vadd.s32 v0, v6  }
0x62: {  	[tilespmem:s9+$0x60] =	vst v2;
	v2 =	vadd.s32 v0, v7  }
0x63: {  	[tilespmem:s9+$0x70] =	vst v2;
	s9 =	simm.s32 $0x0  }
0x64: {  	[tilespmem:s22], [sflag:$0x1] =	stream.indirect.gather [hbm4b:s4+s25], $0x80, s9, s25, $0xb8;
	[tilespmem:$0x1D000] =	vst v63  }
0x65: {  	_ = 	snop  }
0x66: {  	[tilespmem:s26], [sflag:$0x2] =	stream.indirect.gather [hbm4b:s4+s25], $0x80, s25, s25, $0xb8;
	[tilespmem:$0x1D000] =	vst v63  }
0x67: {  	_ =	swait.ge [sflag:s28], $0x4000  }
0x68: {  	[sflag:s28] =	ssyncset.done $0x0  }
0x69: {  	[sflag:s28] =	ssyncadd.s32 $0xFFFFC000  }
0x6a: {  	[spmem:s2] =	stream.indirect.scatter.add.f32 [tilespmem:s22], [sflag:$0x3], $0x80, s24, s25, $0xb8;
	[tilespmem:$0x1D000] =	vst v63  }
0x6b: {  	_ =	swait.ge [sflag:s23], $0x4000  }
0x6c: {  	[sflag:s23] =	ssyncset.done $0x0  }
0x6d: {  	[sflag:s23] =	ssyncadd.s32 $0xFFFFC000  }
0x6e: {  	[tilespmem:s22], [sflag:$0x1] =	stream.indirect.gather [hbm4b:s4+s25], $0x80, s12, s25, $0xb8;
	[tilespmem:$0x1D000] =	vst v63  }
0x6f: {  	_ =	swait.ge [sflag:s30], $0x4000  }
0x70: {  	[sflag:s30] =	ssyncset.done $0x0  }
0x71: {  	s10 =	simm.s32 $0x880;
	[sflag:s30] =	ssyncadd.s32 $0xFFFFC000  }
0x72: {  	[spmem:s2] =	stream.indirect.scatter.add.f32 [tilespmem:s26], [sflag:$0x3], $0x80, s10, s25, $0xb8;
	[tilespmem:$0x1D000] =	vst v63  }
0x73: {  	_ =	swait.ge [sflag:s23], $0x4000  }
0x74: {  	[sflag:s23] =	ssyncset.done $0x0  }
0x75: {  	s11 =	simm.s32 $0x180;
	[sflag:s23] =	ssyncadd.s32 $0xFFFFC000  }
0x76: {  	[tilespmem:s26], [sflag:$0x2] =	stream.indirect.gather [hbm4b:s4+s25], $0x80, s11, s25, $0xb8;
	[tilespmem:$0x1D000] =	vst v63  }
0x77: {  	_ =	swait.ge [sflag:s28], $0x4000  }
0x78: {  	[sflag:s28] =	ssyncset.done $0x0  }
0x79: {  	s11 =	simm.s32 $0x900;
	[sflag:s28] =	ssyncadd.s32 $0xFFFFC000  }
0x7a: {  	[spmem:s2] =	stream.indirect.scatter.add.f32 [tilespmem:s22], [sflag:$0x3], $0x80, s11, s25, $0xb8;
	[tilespmem:$0x1D000] =	vst v63  }
0x7b: {  	_ =	swait.ge [sflag:s23], $0x4000  }
0x7c: {  	[sflag:s23] =	ssyncset.done $0x0  }
0x7d: {  	s11 =	simm.s32 $0x200;
	[sflag:s23] =	ssyncadd.s32 $0xFFFFC000  }
0x7e: {  	[tilespmem:s22], [sflag:$0x1] =	stream.indirect.gather [hbm4b:s4+s25], $0x80, s11, s25, $0xb8;
	[tilespmem:$0x1D000] =	vst v63  }
0x7f: {  	_ =	swait.ge [sflag:s30], $0x4000  }
0x80: {  	[sflag:s30] =	ssyncset.done $0x0  }
0x81: {  	s11 =	simm.s32 $0x980;
	[sflag:s30] =	ssyncadd.s32 $0xFFFFC000  }
0x82: {  	[spmem:s2] =	stream.indirect.scatter.add.f32 [tilespmem:s26], [sflag:$0x3], $0x80, s11, s25, $0xb8;
	[tilespmem:$0x1D000] =	vst v63  }
0x83: {  	_ =	swait.ge [sflag:s23], $0x4000  }
0x84: {  	[sflag:s23] =	ssyncset.done $0x0  }
0x85: {  	s11 =	simm.s32 $0x280;
	[sflag:s23] =	ssyncadd.s32 $0xFFFFC000  }
0x86: {  	[tilespmem:s26], [sflag:$0x2] =	stream.indirect.gather [hbm4b:s4+s25], $0x80, s11, s25, $0xb8;
	[tilespmem:$0x1D000] =	vst v63  }
0x87: {  	_ =	swait.ge [sflag:s28], $0x4000  }
0x88: {  	[sflag:s28] =	ssyncset.done $0x0  }
0x89: {  	s11 =	simm.s32 $0xA00;
	[sflag:s28] =	ssyncadd.s32 $0xFFFFC000  }
0x8a: {  	[spmem:s2] =	stream.indirect.scatter.add.f32 [tilespmem:s22], [sflag:$0x3], $0x80, s11, s25, $0xb8;
	[tilespmem:$0x1D000] =	vst v63  }
0x8b: {  	_ =	swait.ge [sflag:s23], $0x4000  }
0x8c: {  	[sflag:s23] =	ssyncset.done $0x0  }
0x8d: {  	s11 =	simm.s32 $0x300;
	[sflag:s23] =	ssyncadd.s32 $0xFFFFC000  }
0x8e: {  	[tilespmem:s22], [sflag:$0x1] =	stream.indirect.gather [hbm4b:s4+s25], $0x80, s11, s25, $0xb8;
	[tilespmem:$0x1D000] =	vst v63  }
0x8f: {  	_ =	swait.ge [sflag:s30], $0x4000  }
0x90: {  	[sflag:s30] =	ssyncset.done $0x0  }
0x91: {  	s11 =	simm.s32 $0xA80;
	[sflag:s30] =	ssyncadd.s32 $0xFFFFC000  }
0x92: {  	[spmem:s2] =	stream.indirect.scatter.add.f32 [tilespmem:s26], [sflag:$0x3], $0x80, s11, s25, $0xb8;
	[tilespmem:$0x1D000] =	vst v63  }
0x93: {  	_ =	swait.ge [sflag:s23], $0x4000  }
0x94: {  	[sflag:s23] =	ssyncset.done $0x0  }
0x95: {  	s11 =	simm.s32 $0x380;
	[sflag:s23] =	ssyncadd.s32 $0xFFFFC000  }
0x96: {  	[tilespmem:s26], [sflag:$0x2] =	stream.indirect.gather [hbm4b:s4+s25], $0x80, s11, s25, $0xb8;
	[tilespmem:$0x1D000] =	vst v63  }
0x97: {  	_ =	swait.ge [sflag:s28], $0x4000  }
0x98: {  	[sflag:s28] =	ssyncset.done $0x0  }
0x99: {  	s11 =	simm.s32 $0xB00;
	[sflag:s28] =	ssyncadd.s32 $0xFFFFC000  }
0x9a: {  	[spmem:s2] =	stream.indirect.scatter.add.f32 [tilespmem:s22], [sflag:$0x3], $0x80, s11, s25, $0xb8;
	[tilespmem:$0x1D000] =	vst v63  }
0x9b: {  	_ =	swait.ge [sflag:s23], $0x4000  }
0x9c: {  	[sflag:s23] =	ssyncset.done $0x0  }
0x9d: {  	[sflag:s23] =	ssyncadd.s32 $0xFFFFC000  }
0x9e: {  	[tilespmem:s22], [sflag:$0x1] =	stream.indirect.gather [hbm4b:s4+s25], $0x80, s13, s25, $0xb8;
	[tilespmem:$0x1D000] =	vst v63  }
0x9f: {  	_ =	swait.ge [sflag:s30], $0x4000  }
0xa0: {  	[sflag:s30] =	ssyncset.done $0x0  }
0xa1: {  	[sflag:s30] =	ssyncadd.s32 $0xFFFFC000  }
0xa2: {  	[spmem:s2] =	stream.indirect.scatter.add.f32 [tilespmem:s26], [sflag:$0x3], $0x80, s14, s25, $0xb8;
	[tilespmem:$0x1D000] =	vst v63  }
0xa3: {  	_ =	swait.ge [sflag:s23], $0x4000  }
0xa4: {  	[sflag:s23] =	ssyncset.done $0x0  }
0xa5: {  	[sflag:s23] =	ssyncadd.s32 $0xFFFFC000  }
0xa6: {  	[tilespmem:s26], [sflag:$0x2] =	stream.indirect.gather [hbm4b:s4+s25], $0x80, s15, s25, $0xb8;
	[tilespmem:$0x1D000] =	vst v63  }
0xa7: {  	_ =	swait.ge [sflag:s28], $0x4000  }
0xa8: {  	[sflag:s28] =	ssyncset.done $0x0  }
0xa9: {  	[sflag:s28] =	ssyncadd.s32 $0xFFFFC000  }
0xaa: {  	[spmem:s2] =	stream.indirect.scatter.add.f32 [tilespmem:s22], [sflag:$0x3], $0x80, s16, s25, $0xb8;
	[tilespmem:$0x1D000] =	vst v63  }
0xab: {  	_ =	swait.ge [sflag:s23], $0x4000  }
0xac: {  	[sflag:s23] =	ssyncset.done $0x0  }
0xad: {  	[sflag:s23] =	ssyncadd.s32 $0xFFFFC000  }
0xae: {  	[tilespmem:s22], [sflag:$0x1] =	stream.indirect.gather [hbm4b:s4+s25], $0x80, s17, s25, $0xb8;
	[tilespmem:$0x1D000] =	vst v63  }
0xaf: {  	_ =	swait.ge [sflag:s30], $0x4000  }
0xb0: {  	[sflag:s30] =	ssyncset.done $0x0  }
0xb1: {  	[sflag:s30] =	ssyncadd.s32 $0xFFFFC000  }
0xb2: {  	[spmem:s2] =	stream.indirect.scatter.add.f32 [tilespmem:s26], [sflag:$0x3], $0x80, s18, s25, $0xb8;
	[tilespmem:$0x1D000] =	vst v63  }
0xb3: {  	_ =	swait.ge [sflag:s23], $0x4000  }
0xb4: {  	[sflag:s23] =	ssyncset.done $0x0  }
0xb5: {  	[sflag:s23] =	ssyncadd.s32 $0xFFFFC000  }
0xb6: {  	[tilespmem:s26], [sflag:$0x2] =	stream.indirect.gather [hbm4b:s4+s25], $0x80, s19, s25, $0xb8;
	[tilespmem:$0x1D000] =	vst v63  }
0xb7: {  	_ =	swait.ge [sflag:s28], $0x4000  }
0xb8: {  	[sflag:s28] =	ssyncset.done $0x0  }
0xb9: {  	[sflag:s28] =	ssyncadd.s32 $0xFFFFC000  }
0xba: {  	[spmem:s2] =	stream.indirect.scatter.add.f32 [tilespmem:s22], [sflag:$0x3], $0x80, s20, s25, $0xb8;
	[tilespmem:$0x1D000] =	vst v63  }
0xbb: {  	_ =	swait.ge [sflag:s23], $0x4000  }
0xbc: {  	[sflag:s23] =	ssyncset.done $0x0  }
0xbd: {  	[sflag:s23] =	ssyncadd.s32 $0xFFFFC000  }
0xbe: {  	[tilespmem:s22], [sflag:$0x1] =	stream.indirect.gather [hbm4b:s4+s25], $0x80, s21, s25, $0xb8;
	[tilespmem:$0x1D000] =	vst v63  }
0xbf: {  	_ =	swait.ge [sflag:s30], $0x4000  }
0xc0: {  	[sflag:s30] =	ssyncset.done $0x0  }
0xc1: {  	[sflag:s30] =	ssyncadd.s32 $0xFFFFC000  }
0xc2: {  	[spmem:s2] =	stream.indirect.scatter.add.f32 [tilespmem:s26], [sflag:$0x3], $0x80, s5, s25, $0xb8;
	[tilespmem:$0x1D000] =	vst v63  }
0xc3: {  	_ =	swait.ge [sflag:s23], $0x4000  }
0xc4: {  	[sflag:s23] =	ssyncset.done $0x0  }
0xc5: {  	[sflag:s23] =	ssyncadd.s32 $0xFFFFC000  }
0xc6: {  	[tilespmem:s26], [sflag:$0x2] =	stream.indirect.gather [hbm4b:s4+s25], $0x80, s29, s25, $0xb8;
	[tilespmem:$0x1D000] =	vst v63  }
0xc7: {  	_ =	swait.ge [sflag:s28], $0x4000  }
0xc8: {  	[sflag:s28] =	ssyncset.done $0x0  }
0xc9: {  	[sflag:s28] =	ssyncadd.s32 $0xFFFFC000  }
0xca: {  	[spmem:s2] =	stream.indirect.scatter.add.f32 [tilespmem:s22], [sflag:$0x3], $0x80, s31, s25, $0xb8;
	[tilespmem:$0x1D000] =	vst v63  }
0xcb: {  	_ =	swait.ge [sflag:s23], $0x4000  }
0xcc: {  	[sflag:s23] =	ssyncset.done $0x0  }
0xcd: {  	[sflag:s23] =	ssyncadd.s32 $0xFFFFC000  }
0xce: {  	[tilespmem:s22], [sflag:$0x1] =	stream.indirect.gather [hbm4b:s4+s25], $0x80, s0, s25, $0xb8;
	[tilespmem:$0x1D000] =	vst v63  }
0xcf: {  	_ =	swait.ge [sflag:s30], $0x4000  }
0xd0: {  	[sflag:s30] =	ssyncset.done $0x0  }
0xd1: {  	[sflag:s30] =	ssyncadd.s32 $0xFFFFC000  }
0xd2: {  	[spmem:s2] =	stream.indirect.scatter.add.f32 [tilespmem:s26], [sflag:$0x3], $0x80, s3, s25, $0xb8;
	[tilespmem:$0x1D000] =	vst v63  }
0xd3: {  	_ =	swait.ge [sflag:s23], $0x4000  }
0xd4: {  	[sflag:s23] =	ssyncset.done $0x0  }
0xd5: {  	[sflag:s23] =	ssyncadd.s32 $0xFFFFC000  }
0xd6: {  	[tilespmem:s26], [sflag:$0x2] =	stream.indirect.gather [hbm4b:s4+s25], $0x80, s1, s25, $0xb8;
	[tilespmem:$0x1D000] =	vst v63  }
0xd7: {  	_ =	swait.ge [sflag:s28], $0x4000  }
0xd8: {  	[sflag:s28] =	ssyncset.done $0x0  }
0xd9: {  	[sflag:s28] =	ssyncadd.s32 $0xFFFFC000  }
0xda: {  	[spmem:s2] =	stream.indirect.scatter.add.f32 [tilespmem:s22], [sflag:$0x3], $0x80, s6, s25, $0xb8;
	[tilespmem:$0x1D000] =	vst v63  }
0xdb: {  	_ =	swait.ge [sflag:s23], $0x4000  }
0xdc: {  	[sflag:s23] =	ssyncset.done $0x0  }
0xdd: {  	[sflag:s23] =	ssyncadd.s32 $0xFFFFC000  }
0xde: {  	_ =	swait.ge [sflag:s30], $0x4000  }
0xdf: {  	[sflag:s30] =	ssyncset.done $0x0  }
0xe0: {  	[sflag:s30] =	ssyncadd.s32 $0xFFFFC000  }
0xe1: {  	[spmem:s2] =	stream.indirect.scatter.add.f32 [tilespmem:s26], [sflag:$0x3], $0x80, s7, s25, $0xb8;
	[tilespmem:$0x1D000] =	vst v63  }
0xe2: {  	_ =	swait.ge [sflag:s23], $0x4000  }
0xe3: {  	[sflag:s23] =	ssyncset.done $0x0  }
0xe4: {  	s11 =	rddreg [dreg:$0xa];
	[sflag:s23] =	ssyncadd.s32 $0xFFFFC000  }
0xe5: {  	[tilespmem:s9], [sflag:$0x3] =	stream.linear.gather [hbm4b:s11+s9], $0x800, $0x38;
	[tilespmem:$0x1D000] =	vst v63  }
0xe6: {  	_ =	swait.ge [sflag:s23], $0x800  }
0xe7: {  	[sflag:s23] =	ssyncset.done $0x0  }
0xe8: {  	s11 =	rddreg [dreg:$0xb];
	[sflag:s23] =	ssyncadd.s32 $0xFFFFF800  }
0xe9: {  	[tilespmem:s24], [sflag:$0x3] =	stream.linear.gather [hbm4b:s11+s9], $0x800, $0x38;
	[tilespmem:$0x1D000] =	vst v63  }
0xea: {  	_ =	swait.ge [sflag:s23], $0x800  }
0xeb: {  	[sflag:s23] =	ssyncset.done $0x0  }
0xec: {  	s9 =	simm.s32 $0x0;
	[sflag:s23] =	ssyncadd.s32 $0xFFFFF800  }
0xed: {  	v4 =	vld [tilespmem:s9+$0x0]  }
0xee: {  	v6 =	vld [tilespmem:s9+$0x10]  }
0xef: {  	v5 =	vld [tilespmem:s9+$0x20]  }
0xf0: {  	v3 =	vld [tilespmem:s9+$0x30]  }
0xf1: {  	v2 =	vld [tilespmem:s9+$0x40]  }
0xf2: {  	v7 =	vadd.s32 v0, v4;
	v4 =	vld [tilespmem:s9+$0x50]  }
0xf3: {  	s10 =	simm.s32 $0x200;
	[tilespmem:s9+$0x0] =	vst v7;
	v7 =	vadd.s32 v0, v6;
	v6 =	vld [tilespmem:s9+$0x60]  }
.LBB2_6:
0xf4: {  	s11 =	sshra.s32 s10, $0x2;
	p0 =	sne.s32 s10, $0x1E00;
	[tilespmem:s9+$0x10] =	vst v7;
	v5 =	vadd.s32 v0, v5;
	v7 =	vld [tilespmem:s9+$0x70]  }
0xf5: {  	v8 =	vld [tilespmem:s11+$0x0];
	[tilespmem:s9+$0x20] =	vst v5;
	v3 =	vadd.s32 v0, v3  }
0xf6: {  	v9 =	vld [tilespmem:s11+$0x10];
	[tilespmem:s9+$0x30] =	vst v3;
	v2 =	vadd.s32 v0, v2  }
.Ltmp2:
0xf7: {  	v5 =	vld [tilespmem:s11+$0x20];
	[tilespmem:s9+$0x40] =	vst v2;
	v2 =	vadd.s32 v0, v4;
	(pc) =	sbr.rel @p0 .LBB2_6-.Ltmp2, $4  }
0xf8: {  	v3 =	vld [tilespmem:s11+$0x30];
	[tilespmem:s9+$0x50] =	vst v2;
	v4 =	vadd.s32 v0, v6  }
0xf9: {  	v2 =	vld [tilespmem:s11+$0x40];
	[tilespmem:s9+$0x60] =	vst v4;
	v6 =	vadd.s32 v0, v7  }
0xfa: {  	v7 =	vadd.s32 v0, v8;
	v4 =	vld [tilespmem:s11+$0x50];
	[tilespmem:s9+$0x70] =	vst v6;
	s9 =	smov.u32 s11  }
0xfb: {  	s10 =	sadd.s32 $0x200, s10;
	[tilespmem:s9+$0x0] =	vst v7;
	v7 =	vadd.s32 v0, v9;
	v6 =	vld [tilespmem:s9+$0x60]  }
0xfc: {  	[tilespmem:s9+$0x10] =	vst v7;
	v5 =	vadd.s32 v0, v5;
	v7 =	vld [tilespmem:s9+$0x70]  }
0xfd: {  	[tilespmem:s9+$0x20] =	vst v5;
	v3 =	vadd.s32 v0, v3  }
0xfe: {  	[tilespmem:s9+$0x30] =	vst v3;
	v2 =	vadd.s32 v0, v2  }
0xff: {  	[tilespmem:s9+$0x40] =	vst v2;
	v2 =	vadd.s32 v0, v4  }
0x100: {  	[tilespmem:s9+$0x50] =	vst v2;
	v2 =	vadd.s32 v0, v6  }
0x101: {  	[tilespmem:s9+$0x60] =	vst v2;
	v2 =	vadd.s32 v0, v7  }
0x102: {  	[tilespmem:s9+$0x70] =	vst v2;
	s9 =	simm.s32 $0x0  }
0x103: {  	[tilespmem:s22], [sflag:$0x1] =	stream.indirect.gather [hbm4b:s4+s25], $0x80, s9, s25, $0xb8;
	[tilespmem:$0x1D000] =	vst v63  }
0x104: {  	_ = 	snop  }
0x105: {  	[tilespmem:s26], [sflag:$0x2] =	stream.indirect.gather [hbm4b:s4+s25], $0x80, s25, s25, $0xb8;
	[tilespmem:$0x1D000] =	vst v63  }
0x106: {  	_ =	swait.ge [sflag:s28], $0x4000  }
0x107: {  	[sflag:s28] =	ssyncset.done $0x0  }
0x108: {  	[sflag:s28] =	ssyncadd.s32 $0xFFFFC000  }
0x109: {  	[spmem:s2] =	stream.indirect.scatter.add.f32 [tilespmem:s22], [sflag:$0x3], $0x80, s24, s25, $0xb8;
	[tilespmem:$0x1D000] =	vst v63  }
0x10a: {  	_ =	swait.ge [sflag:s23], $0x4000  }
0x10b: {  	[sflag:s23] =	ssyncset.done $0x0  }
0x10c: {  	[sflag:s23] =	ssyncadd.s32 $0xFFFFC000  }
0x10d: {  	[tilespmem:s22], [sflag:$0x1] =	stream.indirect.gather [hbm4b:s4+s25], $0x80, s12, s25, $0xb8;
	[tilespmem:$0x1D000] =	vst v63  }
0x10e: {  	_ =	swait.ge [sflag:s30], $0x4000  }
0x10f: {  	[sflag:s30] =	ssyncset.done $0x0  }
0x110: {  	s10 =	simm.s32 $0x880;
	[sflag:s30] =	ssyncadd.s32 $0xFFFFC000  }
0x111: {  	[spmem:s2] =	stream.indirect.scatter.add.f32 [tilespmem:s26], [sflag:$0x3], $0x80, s10, s25, $0xb8;
	[tilespmem:$0x1D000] =	vst v63  }
0x112: {  	_ =	swait.ge [sflag:s23], $0x4000  }
0x113: {  	[sflag:s23] =	ssyncset.done $0x0  }
0x114: {  	s11 =	simm.s32 $0x180;
	[sflag:s23] =	ssyncadd.s32 $0xFFFFC000  }
0x115: {  	[tilespmem:s26], [sflag:$0x2] =	stream.indirect.gather [hbm4b:s4+s25], $0x80, s11, s25, $0xb8;
	[tilespmem:$0x1D000] =	vst v63  }
0x116: {  	_ =	swait.ge [sflag:s28], $0x4000  }
0x117: {  	[sflag:s28] =	ssyncset.done $0x0  }
0x118: {  	s11 =	simm.s32 $0x900;
	[sflag:s28] =	ssyncadd.s32 $0xFFFFC000  }
0x119: {  	[spmem:s2] =	stream.indirect.scatter.add.f32 [tilespmem:s22], [sflag:$0x3], $0x80, s11, s25, $0xb8;
	[tilespmem:$0x1D000] =	vst v63  }
0x11a: {  	_ =	swait.ge [sflag:s23], $0x4000  }
0x11b: {  	[sflag:s23] =	ssyncset.done $0x0  }
0x11c: {  	s11 =	simm.s32 $0x200;
	[sflag:s23] =	ssyncadd.s32 $0xFFFFC000  }
0x11d: {  	[tilespmem:s22], [sflag:$0x1] =	stream.indirect.gather [hbm4b:s4+s25], $0x80, s11, s25, $0xb8;
	[tilespmem:$0x1D000] =	vst v63  }
0x11e: {  	_ =	swait.ge [sflag:s30], $0x4000  }
0x11f: {  	[sflag:s30] =	ssyncset.done $0x0  }
0x120: {  	s11 =	simm.s32 $0x980;
	[sflag:s30] =	ssyncadd.s32 $0xFFFFC000  }
0x121: {  	[spmem:s2] =	stream.indirect.scatter.add.f32 [tilespmem:s26], [sflag:$0x3], $0x80, s11, s25, $0xb8;
	[tilespmem:$0x1D000] =	vst v63  }
0x122: {  	_ =	swait.ge [sflag:s23], $0x4000  }
0x123: {  	[sflag:s23] =	ssyncset.done $0x0  }
0x124: {  	s11 =	simm.s32 $0x280;
	[sflag:s23] =	ssyncadd.s32 $0xFFFFC000  }
0x125: {  	[tilespmem:s26], [sflag:$0x2] =	stream.indirect.gather [hbm4b:s4+s25], $0x80, s11, s25, $0xb8;
	[tilespmem:$0x1D000] =	vst v63  }
0x126: {  	_ =	swait.ge [sflag:s28], $0x4000  }
0x127: {  	[sflag:s28] =	ssyncset.done $0x0  }
0x128: {  	s11 =	simm.s32 $0xA00;
	[sflag:s28] =	ssyncadd.s32 $0xFFFFC000  }
0x129: {  	[spmem:s2] =	stream.indirect.scatter.add.f32 [tilespmem:s22], [sflag:$0x3], $0x80, s11, s25, $0xb8;
	[tilespmem:$0x1D000] =	vst v63  }
0x12a: {  	_ =	swait.ge [sflag:s23], $0x4000  }
0x12b: {  	[sflag:s23] =	ssyncset.done $0x0  }
0x12c: {  	s11 =	simm.s32 $0x300;
	[sflag:s23] =	ssyncadd.s32 $0xFFFFC000  }
0x12d: {  	[tilespmem:s22], [sflag:$0x1] =	stream.indirect.gather [hbm4b:s4+s25], $0x80, s11, s25, $0xb8;
	[tilespmem:$0x1D000] =	vst v63  }
0x12e: {  	_ =	swait.ge [sflag:s30], $0x4000  }
0x12f: {  	[sflag:s30] =	ssyncset.done $0x0  }
0x130: {  	s11 =	simm.s32 $0xA80;
	[sflag:s30] =	ssyncadd.s32 $0xFFFFC000  }
0x131: {  	[spmem:s2] =	stream.indirect.scatter.add.f32 [tilespmem:s26], [sflag:$0x3], $0x80, s11, s25, $0xb8;
	[tilespmem:$0x1D000] =	vst v63  }
0x132: {  	_ =	swait.ge [sflag:s23], $0x4000  }
0x133: {  	[sflag:s23] =	ssyncset.done $0x0  }
0x134: {  	s11 =	simm.s32 $0x380;
	[sflag:s23] =	ssyncadd.s32 $0xFFFFC000  }
0x135: {  	[tilespmem:s26], [sflag:$0x2] =	stream.indirect.gather [hbm4b:s4+s25], $0x80, s11, s25, $0xb8;
	[tilespmem:$0x1D000] =	vst v63  }
0x136: {  	_ =	swait.ge [sflag:s28], $0x4000  }
0x137: {  	[sflag:s28] =	ssyncset.done $0x0  }
0x138: {  	s11 =	simm.s32 $0xB00;
	[sflag:s28] =	ssyncadd.s32 $0xFFFFC000  }
0x139: {  	[spmem:s2] =	stream.indirect.scatter.add.f32 [tilespmem:s22], [sflag:$0x3], $0x80, s11, s25, $0xb8;
	[tilespmem:$0x1D000] =	vst v63  }
0x13a: {  	_ =	swait.ge [sflag:s23], $0x4000  }
0x13b: {  	[sflag:s23] =	ssyncset.done $0x0  }
0x13c: {  	[sflag:s23] =	ssyncadd.s32 $0xFFFFC000  }
0x13d: {  	[tilespmem:s22], [sflag:$0x1] =	stream.indirect.gather [hbm4b:s4+s25], $0x80, s13, s25, $0xb8;
	[tilespmem:$0x1D000] =	vst v63  }
0x13e: {  	_ =	swait.ge [sflag:s30], $0x4000  }
0x13f: {  	[sflag:s30] =	ssyncset.done $0x0  }
0x140: {  	[sflag:s30] =	ssyncadd.s32 $0xFFFFC000  }
0x141: {  	[spmem:s2] =	stream.indirect.scatter.add.f32 [tilespmem:s26], [sflag:$0x3], $0x80, s14, s25, $0xb8;
	[tilespmem:$0x1D000] =	vst v63  }
0x142: {  	_ =	swait.ge [sflag:s23], $0x4000  }
0x143: {  	[sflag:s23] =	ssyncset.done $0x0  }
0x144: {  	[sflag:s23] =	ssyncadd.s32 $0xFFFFC000  }
0x145: {  	[tilespmem:s26], [sflag:$0x2] =	stream.indirect.gather [hbm4b:s4+s25], $0x80, s15, s25, $0xb8;
	[tilespmem:$0x1D000] =	vst v63  }
0x146: {  	_ =	swait.ge [sflag:s28], $0x4000  }
0x147: {  	[sflag:s28] =	ssyncset.done $0x0  }
0x148: {  	[sflag:s28] =	ssyncadd.s32 $0xFFFFC000  }
0x149: {  	[spmem:s2] =	stream.indirect.scatter.add.f32 [tilespmem:s22], [sflag:$0x3], $0x80, s16, s25, $0xb8;
	[tilespmem:$0x1D000] =	vst v63  }
0x14a: {  	_ =	swait.ge [sflag:s23], $0x4000  }
0x14b: {  	[sflag:s23] =	ssyncset.done $0x0  }
0x14c: {  	[sflag:s23] =	ssyncadd.s32 $0xFFFFC000  }
0x14d: {  	[tilespmem:s22], [sflag:$0x1] =	stream.indirect.gather [hbm4b:s4+s25], $0x80, s17, s25, $0xb8;
	[tilespmem:$0x1D000] =	vst v63  }
0x14e: {  	_ =	swait.ge [sflag:s30], $0x4000  }
0x14f: {  	[sflag:s30] =	ssyncset.done $0x0  }
0x150: {  	[sflag:s30] =	ssyncadd.s32 $0xFFFFC000  }
0x151: {  	[spmem:s2] =	stream.indirect.scatter.add.f32 [tilespmem:s26], [sflag:$0x3], $0x80, s18, s25, $0xb8;
	[tilespmem:$0x1D000] =	vst v63  }
0x152: {  	_ =	swait.ge [sflag:s23], $0x4000  }
0x153: {  	[sflag:s23] =	ssyncset.done $0x0  }
0x154: {  	[sflag:s23] =	ssyncadd.s32 $0xFFFFC000  }
0x155: {  	[tilespmem:s26], [sflag:$0x2] =	stream.indirect.gather [hbm4b:s4+s25], $0x80, s19, s25, $0xb8;
	[tilespmem:$0x1D000] =	vst v63  }
0x156: {  	_ =	swait.ge [sflag:s28], $0x4000  }
0x157: {  	[sflag:s28] =	ssyncset.done $0x0  }
0x158: {  	[sflag:s28] =	ssyncadd.s32 $0xFFFFC000  }
0x159: {  	[spmem:s2] =	stream.indirect.scatter.add.f32 [tilespmem:s22], [sflag:$0x3], $0x80, s20, s25, $0xb8;
	[tilespmem:$0x1D000] =	vst v63  }
0x15a: {  	_ =	swait.ge [sflag:s23], $0x4000  }
0x15b: {  	[sflag:s23] =	ssyncset.done $0x0  }
0x15c: {  	[sflag:s23] =	ssyncadd.s32 $0xFFFFC000  }
0x15d: {  	[tilespmem:s22], [sflag:$0x1] =	stream.indirect.gather [hbm4b:s4+s25], $0x80, s21, s25, $0xb8;
	[tilespmem:$0x1D000] =	vst v63  }
0x15e: {  	_ =	swait.ge [sflag:s30], $0x4000  }
0x15f: {  	[sflag:s30] =	ssyncset.done $0x0  }
0x160: {  	[sflag:s30] =	ssyncadd.s32 $0xFFFFC000  }
0x161: {  	[spmem:s2] =	stream.indirect.scatter.add.f32 [tilespmem:s26], [sflag:$0x3], $0x80, s5, s25, $0xb8;
	[tilespmem:$0x1D000] =	vst v63  }
0x162: {  	_ =	swait.ge [sflag:s23], $0x4000  }
0x163: {  	[sflag:s23] =	ssyncset.done $0x0  }
0x164: {  	[sflag:s23] =	ssyncadd.s32 $0xFFFFC000  }
0x165: {  	[tilespmem:s26], [sflag:$0x2] =	stream.indirect.gather [hbm4b:s4+s25], $0x80, s29, s25, $0xb8;
	[tilespmem:$0x1D000] =	vst v63  }
0x166: {  	_ =	swait.ge [sflag:s28], $0x4000  }
0x167: {  	[sflag:s28] =	ssyncset.done $0x0  }
0x168: {  	[sflag:s28] =	ssyncadd.s32 $0xFFFFC000  }
0x169: {  	[spmem:s2] =	stream.indirect.scatter.add.f32 [tilespmem:s22], [sflag:$0x3], $0x80, s31, s25, $0xb8;
	[tilespmem:$0x1D000] =	vst v63  }
0x16a: {  	_ =	swait.ge [sflag:s23], $0x4000  }
0x16b: {  	[sflag:s23] =	ssyncset.done $0x0  }
0x16c: {  	[sflag:s23] =	ssyncadd.s32 $0xFFFFC000  }
0x16d: {  	[tilespmem:s22], [sflag:$0x1] =	stream.indirect.gather [hbm4b:s4+s25], $0x80, s0, s25, $0xb8;
	[tilespmem:$0x1D000] =	vst v63  }
0x16e: {  	_ =	swait.ge [sflag:s30], $0x4000  }
0x16f: {  	[sflag:s30] =	ssyncset.done $0x0  }
0x170: {  	[sflag:s30] =	ssyncadd.s32 $0xFFFFC000  }
0x171: {  	[spmem:s2] =	stream.indirect.scatter.add.f32 [tilespmem:s26], [sflag:$0x3], $0x80, s3, s25, $0xb8;
	[tilespmem:$0x1D000] =	vst v63  }
0x172: {  	_ =	swait.ge [sflag:s23], $0x4000  }
0x173: {  	[sflag:s23] =	ssyncset.done $0x0  }
0x174: {  	[sflag:s23] =	ssyncadd.s32 $0xFFFFC000  }
0x175: {  	[tilespmem:s26], [sflag:$0x2] =	stream.indirect.gather [hbm4b:s4+s25], $0x80, s1, s25, $0xb8;
	[tilespmem:$0x1D000] =	vst v63  }
0x176: {  	_ =	swait.ge [sflag:s28], $0x4000  }
0x177: {  	[sflag:s28] =	ssyncset.done $0x0  }
0x178: {  	[sflag:s28] =	ssyncadd.s32 $0xFFFFC000  }
0x179: {  	[spmem:s2] =	stream.indirect.scatter.add.f32 [tilespmem:s22], [sflag:$0x3], $0x80, s6, s25, $0xb8;
	[tilespmem:$0x1D000] =	vst v63  }
0x17a: {  	_ =	swait.ge [sflag:s23], $0x4000  }
0x17b: {  	[sflag:s23] =	ssyncset.done $0x0  }
0x17c: {  	[sflag:s23] =	ssyncadd.s32 $0xFFFFC000  }
0x17d: {  	_ =	swait.ge [sflag:s30], $0x4000  }
0x17e: {  	[sflag:s30] =	ssyncset.done $0x0  }
0x17f: {  	[sflag:s30] =	ssyncadd.s32 $0xFFFFC000  }
0x180: {  	[spmem:s2] =	stream.indirect.scatter.add.f32 [tilespmem:s26], [sflag:$0x3], $0x80, s7, s25, $0xb8;
	[tilespmem:$0x1D000] =	vst v63  }
0x181: {  	_ =	swait.ge [sflag:s23], $0x4000  }
0x182: {  	[sflag:s23] =	ssyncset.done $0x0  }
0x183: {  	s11 =	rddreg [dreg:$0xc];
	[sflag:s23] =	ssyncadd.s32 $0xFFFFC000  }
0x184: {  	[tilespmem:s9], [sflag:$0x3] =	stream.linear.gather [hbm4b:s11+s9], $0x800, $0x38;
	[tilespmem:$0x1D000] =	vst v63  }
0x185: {  	_ =	swait.ge [sflag:s23], $0x800  }
0x186: {  	[sflag:s23] =	ssyncset.done $0x0  }
0x187: {  	s11 =	rddreg [dreg:$0xd];
	[sflag:s23] =	ssyncadd.s32 $0xFFFFF800  }
0x188: {  	[tilespmem:s24], [sflag:$0x3] =	stream.linear.gather [hbm4b:s11+s9], $0x800, $0x38;
	[tilespmem:$0x1D000] =	vst v63  }
0x189: {  	_ =	swait.ge [sflag:s23], $0x800  }
0x18a: {  	[sflag:s23] =	ssyncset.done $0x0  }
0x18b: {  	s9 =	simm.s32 $0x0;
	[sflag:s23] =	ssyncadd.s32 $0xFFFFF800  }
0x18c: {  	v4 =	vld [tilespmem:s9+$0x0]  }
0x18d: {  	v6 =	vld [tilespmem:s9+$0x10]  }
0x18e: {  	v5 =	vld [tilespmem:s9+$0x20]  }
0x18f: {  	v3 =	vld [tilespmem:s9+$0x30]  }
0x190: {  	v2 =	vld [tilespmem:s9+$0x40]  }
0x191: {  	v7 =	vadd.s32 v0, v4;
	v4 =	vld [tilespmem:s9+$0x50]  }
0x192: {  	s10 =	simm.s32 $0x200;
	[tilespmem:s9+$0x0] =	vst v7;
	v7 =	vadd.s32 v0, v6;
	v6 =	vld [tilespmem:s9+$0x60]  }
.LBB2_8:
0x193: {  	s11 =	sshra.s32 s10, $0x2;
	p0 =	sne.s32 s10, $0x1E00;
	[tilespmem:s9+$0x10] =	vst v7;
	v5 =	vadd.s32 v0, v5;
	v7 =	vld [tilespmem:s9+$0x70]  }
0x194: {  	v8 =	vld [tilespmem:s11+$0x0];
	[tilespmem:s9+$0x20] =	vst v5;
	v3 =	vadd.s32 v0, v3  }
0x195: {  	v9 =	vld [tilespmem:s11+$0x10];
	[tilespmem:s9+$0x30] =	vst v3;
	v2 =	vadd.s32 v0, v2  }
.Ltmp3:
0x196: {  	v5 =	vld [tilespmem:s11+$0x20];
	[tilespmem:s9+$0x40] =	vst v2;
	v2 =	vadd.s32 v0, v4;
	(pc) =	sbr.rel @p0 .LBB2_8-.Ltmp3, $4  }
0x197: {  	v3 =	vld [tilespmem:s11+$0x30];
	[tilespmem:s9+$0x50] =	vst v2;
	v4 =	vadd.s32 v0, v6  }
0x198: {  	v2 =	vld [tilespmem:s11+$0x40];
	[tilespmem:s9+$0x60] =	vst v4;
	v6 =	vadd.s32 v0, v7  }
0x199: {  	v7 =	vadd.s32 v0, v8;
	v4 =	vld [tilespmem:s11+$0x50];
	[tilespmem:s9+$0x70] =	vst v6;
	s9 =	smov.u32 s11  }
0x19a: {  	s10 =	sadd.s32 $0x200, s10;
	[tilespmem:s9+$0x0] =	vst v7;
	v7 =	vadd.s32 v0, v9;
	v6 =	vld [tilespmem:s9+$0x60]  }
0x19b: {  	[tilespmem:s9+$0x10] =	vst v7;
	v5 =	vadd.s32 v0, v5;
	v7 =	vld [tilespmem:s9+$0x70]  }
0x19c: {  	[tilespmem:s9+$0x20] =	vst v5;
	v3 =	vadd.s32 v0, v3  }
0x19d: {  	[tilespmem:s9+$0x30] =	vst v3;
	v2 =	vadd.s32 v0, v2  }
0x19e: {  	[tilespmem:s9+$0x40] =	vst v2;
	v2 =	vadd.s32 v0, v4  }
0x19f: {  	[tilespmem:s9+$0x50] =	vst v2;
	v2 =	vadd.s32 v0, v6  }
0x1a0: {  	[tilespmem:s9+$0x60] =	vst v2;
	v2 =	vadd.s32 v0, v7  }
0x1a1: {  	[tilespmem:s9+$0x70] =	vst v2;
	s9 =	simm.s32 $0x0  }
0x1a2: {  	[tilespmem:s22], [sflag:$0x1] =	stream.indirect.gather [hbm4b:s4+s25], $0x80, s9, s25, $0xb8;
	[tilespmem:$0x1D000] =	vst v63  }
0x1a3: {  	_ = 	snop  }
0x1a4: {  	[tilespmem:s26], [sflag:$0x2] =	stream.indirect.gather [hbm4b:s4+s25], $0x80, s25, s25, $0xb8;
	[tilespmem:$0x1D000] =	vst v63  }
0x1a5: {  	_ =	swait.ge [sflag:s28], $0x4000  }
0x1a6: {  	[sflag:s28] =	ssyncset.done $0x0  }
0x1a7: {  	[sflag:s28] =	ssyncadd.s32 $0xFFFFC000  }
0x1a8: {  	[spmem:s2] =	stream.indirect.scatter.add.f32 [tilespmem:s22], [sflag:$0x3], $0x80, s24, s25, $0xb8;
	[tilespmem:$0x1D000] =	vst v63  }
0x1a9: {  	_ =	swait.ge [sflag:s23], $0x4000  }
0x1aa: {  	[sflag:s23] =	ssyncset.done $0x0  }
0x1ab: {  	[sflag:s23] =	ssyncadd.s32 $0xFFFFC000  }
0x1ac: {  	[tilespmem:s22], [sflag:$0x1] =	stream.indirect.gather [hbm4b:s4+s25], $0x80, s12, s25, $0xb8;
	[tilespmem:$0x1D000] =	vst v63  }
0x1ad: {  	_ =	swait.ge [sflag:s30], $0x4000  }
0x1ae: {  	[sflag:s30] =	ssyncset.done $0x0  }
0x1af: {  	s10 =	simm.s32 $0x880;
	[sflag:s30] =	ssyncadd.s32 $0xFFFFC000  }
0x1b0: {  	[spmem:s2] =	stream.indirect.scatter.add.f32 [tilespmem:s26], [sflag:$0x3], $0x80, s10, s25, $0xb8;
	[tilespmem:$0x1D000] =	vst v63  }
0x1b1: {  	_ =	swait.ge [sflag:s23], $0x4000  }
0x1b2: {  	[sflag:s23] =	ssyncset.done $0x0  }
0x1b3: {  	s11 =	simm.s32 $0x180;
	[sflag:s23] =	ssyncadd.s32 $0xFFFFC000  }
0x1b4: {  	[tilespmem:s26], [sflag:$0x2] =	stream.indirect.gather [hbm4b:s4+s25], $0x80, s11, s25, $0xb8;
	[tilespmem:$0x1D000] =	vst v63  }
0x1b5: {  	_ =	swait.ge [sflag:s28], $0x4000  }
0x1b6: {  	[sflag:s28] =	ssyncset.done $0x0  }
0x1b7: {  	s11 =	simm.s32 $0x900;
	[sflag:s28] =	ssyncadd.s32 $0xFFFFC000  }
0x1b8: {  	[spmem:s2] =	stream.indirect.scatter.add.f32 [tilespmem:s22], [sflag:$0x3], $0x80, s11, s25, $0xb8;
	[tilespmem:$0x1D000] =	vst v63  }
0x1b9: {  	_ =	swait.ge [sflag:s23], $0x4000  }
0x1ba: {  	[sflag:s23] =	ssyncset.done $0x0  }
0x1bb: {  	s11 =	simm.s32 $0x200;
	[sflag:s23] =	ssyncadd.s32 $0xFFFFC000  }
0x1bc: {  	[tilespmem:s22], [sflag:$0x1] =	stream.indirect.gather [hbm4b:s4+s25], $0x80, s11, s25, $0xb8;
	[tilespmem:$0x1D000] =	vst v63  }
0x1bd: {  	_ =	swait.ge [sflag:s30], $0x4000  }
0x1be: {  	[sflag:s30] =	ssyncset.done $0x0  }
0x1bf: {  	s11 =	simm.s32 $0x980;
	[sflag:s30] =	ssyncadd.s32 $0xFFFFC000  }
0x1c0: {  	[spmem:s2] =	stream.indirect.scatter.add.f32 [tilespmem:s26], [sflag:$0x3], $0x80, s11, s25, $0xb8;
	[tilespmem:$0x1D000] =	vst v63  }
0x1c1: {  	_ =	swait.ge [sflag:s23], $0x4000  }
0x1c2: {  	[sflag:s23] =	ssyncset.done $0x0  }
0x1c3: {  	s11 =	simm.s32 $0x280;
	[sflag:s23] =	ssyncadd.s32 $0xFFFFC000  }
0x1c4: {  	[tilespmem:s26], [sflag:$0x2] =	stream.indirect.gather [hbm4b:s4+s25], $0x80, s11, s25, $0xb8;
	[tilespmem:$0x1D000] =	vst v63  }
0x1c5: {  	_ =	swait.ge [sflag:s28], $0x4000  }
0x1c6: {  	[sflag:s28] =	ssyncset.done $0x0  }
0x1c7: {  	s11 =	simm.s32 $0xA00;
	[sflag:s28] =	ssyncadd.s32 $0xFFFFC000  }
0x1c8: {  	[spmem:s2] =	stream.indirect.scatter.add.f32 [tilespmem:s22], [sflag:$0x3], $0x80, s11, s25, $0xb8;
	[tilespmem:$0x1D000] =	vst v63  }
0x1c9: {  	_ =	swait.ge [sflag:s23], $0x4000  }
0x1ca: {  	[sflag:s23] =	ssyncset.done $0x0  }
0x1cb: {  	s11 =	simm.s32 $0x300;
	[sflag:s23] =	ssyncadd.s32 $0xFFFFC000  }
0x1cc: {  	[tilespmem:s22], [sflag:$0x1] =	stream.indirect.gather [hbm4b:s4+s25], $0x80, s11, s25, $0xb8;
	[tilespmem:$0x1D000] =	vst v63  }
0x1cd: {  	_ =	swait.ge [sflag:s30], $0x4000  }
0x1ce: {  	[sflag:s30] =	ssyncset.done $0x0  }
0x1cf: {  	s11 =	simm.s32 $0xA80;
	[sflag:s30] =	ssyncadd.s32 $0xFFFFC000  }
0x1d0: {  	[spmem:s2] =	stream.indirect.scatter.add.f32 [tilespmem:s26], [sflag:$0x3], $0x80, s11, s25, $0xb8;
	[tilespmem:$0x1D000] =	vst v63  }
0x1d1: {  	_ =	swait.ge [sflag:s23], $0x4000  }
0x1d2: {  	[sflag:s23] =	ssyncset.done $0x0  }
0x1d3: {  	s11 =	simm.s32 $0x380;
	[sflag:s23] =	ssyncadd.s32 $0xFFFFC000  }
0x1d4: {  	[tilespmem:s26], [sflag:$0x2] =	stream.indirect.gather [hbm4b:s4+s25], $0x80, s11, s25, $0xb8;
	[tilespmem:$0x1D000] =	vst v63  }
0x1d5: {  	_ =	swait.ge [sflag:s28], $0x4000  }
0x1d6: {  	[sflag:s28] =	ssyncset.done $0x0  }
0x1d7: {  	s11 =	simm.s32 $0xB00;
	[sflag:s28] =	ssyncadd.s32 $0xFFFFC000  }
0x1d8: {  	[spmem:s2] =	stream.indirect.scatter.add.f32 [tilespmem:s22], [sflag:$0x3], $0x80, s11, s25, $0xb8;
	[tilespmem:$0x1D000] =	vst v63  }
0x1d9: {  	_ =	swait.ge [sflag:s23], $0x4000  }
0x1da: {  	[sflag:s23] =	ssyncset.done $0x0  }
0x1db: {  	[sflag:s23] =	ssyncadd.s32 $0xFFFFC000  }
0x1dc: {  	[tilespmem:s22], [sflag:$0x1] =	stream.indirect.gather [hbm4b:s4+s25], $0x80, s13, s25, $0xb8;
	[tilespmem:$0x1D000] =	vst v63  }
0x1dd: {  	_ =	swait.ge [sflag:s30], $0x4000  }
0x1de: {  	[sflag:s30] =	ssyncset.done $0x0  }
0x1df: {  	[sflag:s30] =	ssyncadd.s32 $0xFFFFC000  }
0x1e0: {  	[spmem:s2] =	stream.indirect.scatter.add.f32 [tilespmem:s26], [sflag:$0x3], $0x80, s14, s25, $0xb8;
	[tilespmem:$0x1D000] =	vst v63  }
0x1e1: {  	_ =	swait.ge [sflag:s23], $0x4000  }
0x1e2: {  	[sflag:s23] =	ssyncset.done $0x0  }
0x1e3: {  	[sflag:s23] =	ssyncadd.s32 $0xFFFFC000  }
0x1e4: {  	[tilespmem:s26], [sflag:$0x2] =	stream.indirect.gather [hbm4b:s4+s25], $0x80, s15, s25, $0xb8;
	[tilespmem:$0x1D000] =	vst v63  }
0x1e5: {  	_ =	swait.ge [sflag:s28], $0x4000  }
0x1e6: {  	[sflag:s28] =	ssyncset.done $0x0  }
0x1e7: {  	[sflag:s28] =	ssyncadd.s32 $0xFFFFC000  }
0x1e8: {  	[spmem:s2] =	stream.indirect.scatter.add.f32 [tilespmem:s22], [sflag:$0x3], $0x80, s16, s25, $0xb8;
	[tilespmem:$0x1D000] =	vst v63  }
0x1e9: {  	_ =	swait.ge [sflag:s23], $0x4000  }
0x1ea: {  	[sflag:s23] =	ssyncset.done $0x0  }
0x1eb: {  	[sflag:s23] =	ssyncadd.s32 $0xFFFFC000  }
0x1ec: {  	[tilespmem:s22], [sflag:$0x1] =	stream.indirect.gather [hbm4b:s4+s25], $0x80, s17, s25, $0xb8;
	[tilespmem:$0x1D000] =	vst v63  }
0x1ed: {  	_ =	swait.ge [sflag:s30], $0x4000  }
0x1ee: {  	[sflag:s30] =	ssyncset.done $0x0  }
0x1ef: {  	[sflag:s30] =	ssyncadd.s32 $0xFFFFC000  }
0x1f0: {  	[spmem:s2] =	stream.indirect.scatter.add.f32 [tilespmem:s26], [sflag:$0x3], $0x80, s18, s25, $0xb8;
	[tilespmem:$0x1D000] =	vst v63  }
0x1f1: {  	_ =	swait.ge [sflag:s23], $0x4000  }
0x1f2: {  	[sflag:s23] =	ssyncset.done $0x0  }
0x1f3: {  	[sflag:s23] =	ssyncadd.s32 $0xFFFFC000  }
0x1f4: {  	[tilespmem:s26], [sflag:$0x2] =	stream.indirect.gather [hbm4b:s4+s25], $0x80, s19, s25, $0xb8;
	[tilespmem:$0x1D000] =	vst v63  }
0x1f5: {  	_ =	swait.ge [sflag:s28], $0x4000  }
0x1f6: {  	[sflag:s28] =	ssyncset.done $0x0  }
0x1f7: {  	[sflag:s28] =	ssyncadd.s32 $0xFFFFC000  }
0x1f8: {  	[spmem:s2] =	stream.indirect.scatter.add.f32 [tilespmem:s22], [sflag:$0x3], $0x80, s20, s25, $0xb8;
	[tilespmem:$0x1D000] =	vst v63  }
0x1f9: {  	_ =	swait.ge [sflag:s23], $0x4000  }
0x1fa: {  	[sflag:s23] =	ssyncset.done $0x0  }
0x1fb: {  	[sflag:s23] =	ssyncadd.s32 $0xFFFFC000  }
0x1fc: {  	[tilespmem:s22], [sflag:$0x1] =	stream.indirect.gather [hbm4b:s4+s25], $0x80, s21, s25, $0xb8;
	[tilespmem:$0x1D000] =	vst v63  }
0x1fd: {  	_ =	swait.ge [sflag:s30], $0x4000  }
0x1fe: {  	[sflag:s30] =	ssyncset.done $0x0  }
0x1ff: {  	[sflag:s30] =	ssyncadd.s32 $0xFFFFC000  }
0x200: {  	[spmem:s2] =	stream.indirect.scatter.add.f32 [tilespmem:s26], [sflag:$0x3], $0x80, s5, s25, $0xb8;
	[tilespmem:$0x1D000] =	vst v63  }
0x201: {  	_ =	swait.ge [sflag:s23], $0x4000  }
0x202: {  	[sflag:s23] =	ssyncset.done $0x0  }
0x203: {  	[sflag:s23] =	ssyncadd.s32 $0xFFFFC000  }
0x204: {  	[tilespmem:s26], [sflag:$0x2] =	stream.indirect.gather [hbm4b:s4+s25], $0x80, s29, s25, $0xb8;
	[tilespmem:$0x1D000] =	vst v63  }
0x205: {  	_ =	swait.ge [sflag:s28], $0x4000  }
0x206: {  	[sflag:s28] =	ssyncset.done $0x0  }
0x207: {  	[sflag:s28] =	ssyncadd.s32 $0xFFFFC000  }
0x208: {  	[spmem:s2] =	stream.indirect.scatter.add.f32 [tilespmem:s22], [sflag:$0x3], $0x80, s31, s25, $0xb8;
	[tilespmem:$0x1D000] =	vst v63  }
0x209: {  	_ =	swait.ge [sflag:s23], $0x4000  }
0x20a: {  	[sflag:s23] =	ssyncset.done $0x0  }
0x20b: {  	[sflag:s23] =	ssyncadd.s32 $0xFFFFC000  }
0x20c: {  	[tilespmem:s22], [sflag:$0x1] =	stream.indirect.gather [hbm4b:s4+s25], $0x80, s0, s25, $0xb8;
	[tilespmem:$0x1D000] =	vst v63  }
0x20d: {  	_ =	swait.ge [sflag:s30], $0x4000  }
0x20e: {  	[sflag:s30] =	ssyncset.done $0x0  }
0x20f: {  	[sflag:s30] =	ssyncadd.s32 $0xFFFFC000  }
0x210: {  	[spmem:s2] =	stream.indirect.scatter.add.f32 [tilespmem:s26], [sflag:$0x3], $0x80, s3, s25, $0xb8;
	[tilespmem:$0x1D000] =	vst v63  }
0x211: {  	_ =	swait.ge [sflag:s23], $0x4000  }
0x212: {  	[sflag:s23] =	ssyncset.done $0x0  }
0x213: {  	[sflag:s23] =	ssyncadd.s32 $0xFFFFC000  }
0x214: {  	[tilespmem:s26], [sflag:$0x2] =	stream.indirect.gather [hbm4b:s4+s25], $0x80, s1, s25, $0xb8;
	[tilespmem:$0x1D000] =	vst v63  }
0x215: {  	_ =	swait.ge [sflag:s28], $0x4000  }
0x216: {  	[sflag:s28] =	ssyncset.done $0x0  }
0x217: {  	[sflag:s28] =	ssyncadd.s32 $0xFFFFC000  }
0x218: {  	[spmem:s2] =	stream.indirect.scatter.add.f32 [tilespmem:s22], [sflag:$0x3], $0x80, s6, s25, $0xb8;
	[tilespmem:$0x1D000] =	vst v63  }
0x219: {  	_ =	swait.ge [sflag:s23], $0x4000  }
0x21a: {  	[sflag:s23] =	ssyncset.done $0x0  }
0x21b: {  	[sflag:s23] =	ssyncadd.s32 $0xFFFFC000  }
0x21c: {  	_ =	swait.ge [sflag:s30], $0x4000  }
0x21d: {  	[sflag:s30] =	ssyncset.done $0x0  }
0x21e: {  	[sflag:s30] =	ssyncadd.s32 $0xFFFFC000  }
0x21f: {  	[spmem:s2] =	stream.indirect.scatter.add.f32 [tilespmem:s26], [sflag:$0x3], $0x80, s7, s25, $0xb8;
	[tilespmem:$0x1D000] =	vst v63  }
0x220: {  	_ =	swait.ge [sflag:s23], $0x4000  }
0x221: {  	[sflag:s23] =	ssyncset.done $0x0  }
0x222: {  	s11 =	rddreg [dreg:$0xe];
	[sflag:s23] =	ssyncadd.s32 $0xFFFFC000  }
0x223: {  	[tilespmem:s9], [sflag:$0x3] =	stream.linear.gather [hbm4b:s11+s9], $0x800, $0x38;
	[tilespmem:$0x1D000] =	vst v63  }
0x224: {  	_ =	swait.ge [sflag:s23], $0x800  }
0x225: {  	[sflag:s23] =	ssyncset.done $0x0  }
0x226: {  	s11 =	rddreg [dreg:$0xf];
	[sflag:s23] =	ssyncadd.s32 $0xFFFFF800  }
0x227: {  	[tilespmem:s24], [sflag:$0x3] =	stream.linear.gather [hbm4b:s11+s9], $0x800, $0x38;
	[tilespmem:$0x1D000] =	vst v63  }
0x228: {  	_ =	swait.ge [sflag:s23], $0x800  }
0x229: {  	[sflag:s23] =	ssyncset.done $0x0  }
0x22a: {  	s9 =	simm.s32 $0x0;
	[sflag:s23] =	ssyncadd.s32 $0xFFFFF800  }
0x22b: {  	v4 =	vld [tilespmem:s9+$0x0]  }
0x22c: {  	v6 =	vld [tilespmem:s9+$0x10]  }
0x22d: {  	v5 =	vld [tilespmem:s9+$0x20]  }
0x22e: {  	v3 =	vld [tilespmem:s9+$0x30]  }
0x22f: {  	v2 =	vld [tilespmem:s9+$0x40]  }
0x230: {  	v7 =	vadd.s32 v0, v4;
	v4 =	vld [tilespmem:s9+$0x50]  }
0x231: {  	s10 =	simm.s32 $0x200;
	[tilespmem:s9+$0x0] =	vst v7;
	v7 =	vadd.s32 v0, v6;
	v6 =	vld [tilespmem:s9+$0x60]  }
.LBB2_10:
0x232: {  	s11 =	sshra.s32 s10, $0x2;
	p0 =	sne.s32 s10, $0x1E00;
	[tilespmem:s9+$0x10] =	vst v7;
	v5 =	vadd.s32 v0, v5;
	v7 =	vld [tilespmem:s9+$0x70]  }
0x233: {  	v8 =	vld [tilespmem:s11+$0x0];
	[tilespmem:s9+$0x20] =	vst v5;
	v3 =	vadd.s32 v0, v3  }
0x234: {  	v9 =	vld [tilespmem:s11+$0x10];
	[tilespmem:s9+$0x30] =	vst v3;
	v2 =	vadd.s32 v0, v2  }
.Ltmp4:
0x235: {  	v5 =	vld [tilespmem:s11+$0x20];
	[tilespmem:s9+$0x40] =	vst v2;
	v2 =	vadd.s32 v0, v4;
	(pc) =	sbr.rel @p0 .LBB2_10-.Ltmp4, $4  }
0x236: {  	v3 =	vld [tilespmem:s11+$0x30];
	[tilespmem:s9+$0x50] =	vst v2;
	v4 =	vadd.s32 v0, v6  }
0x237: {  	v2 =	vld [tilespmem:s11+$0x40];
	[tilespmem:s9+$0x60] =	vst v4;
	v6 =	vadd.s32 v0, v7  }
0x238: {  	v7 =	vadd.s32 v0, v8;
	v4 =	vld [tilespmem:s11+$0x50];
	[tilespmem:s9+$0x70] =	vst v6;
	s9 =	smov.u32 s11  }
0x239: {  	s10 =	sadd.s32 $0x200, s10;
	[tilespmem:s9+$0x0] =	vst v7;
	v7 =	vadd.s32 v0, v9;
	v6 =	vld [tilespmem:s9+$0x60]  }
0x23a: {  	[tilespmem:s9+$0x10] =	vst v7;
	v5 =	vadd.s32 v0, v5;
	v7 =	vld [tilespmem:s9+$0x70]  }
0x23b: {  	[tilespmem:s9+$0x20] =	vst v5;
	v3 =	vadd.s32 v0, v3  }
0x23c: {  	[tilespmem:s9+$0x30] =	vst v3;
	v2 =	vadd.s32 v0, v2  }
0x23d: {  	[tilespmem:s9+$0x40] =	vst v2;
	v2 =	vadd.s32 v0, v4  }
0x23e: {  	[tilespmem:s9+$0x50] =	vst v2;
	v2 =	vadd.s32 v0, v6  }
0x23f: {  	[tilespmem:s9+$0x60] =	vst v2;
	v2 =	vadd.s32 v0, v7  }
0x240: {  	[tilespmem:s9+$0x70] =	vst v2;
	s9 =	simm.s32 $0x0  }
0x241: {  	[tilespmem:s22], [sflag:$0x1] =	stream.indirect.gather [hbm4b:s4+s25], $0x80, s9, s25, $0xb8;
	[tilespmem:$0x1D000] =	vst v63  }
0x242: {  	_ = 	snop  }
0x243: {  	[tilespmem:s26], [sflag:$0x2] =	stream.indirect.gather [hbm4b:s4+s25], $0x80, s25, s25, $0xb8;
	[tilespmem:$0x1D000] =	vst v63  }
0x244: {  	_ =	swait.ge [sflag:s28], $0x4000  }
0x245: {  	[sflag:s28] =	ssyncset.done $0x0  }
0x246: {  	[sflag:s28] =	ssyncadd.s32 $0xFFFFC000  }
0x247: {  	[spmem:s2] =	stream.indirect.scatter.add.f32 [tilespmem:s22], [sflag:$0x3], $0x80, s24, s25, $0xb8;
	[tilespmem:$0x1D000] =	vst v63  }
0x248: {  	_ =	swait.ge [sflag:s23], $0x4000  }
0x249: {  	[sflag:s23] =	ssyncset.done $0x0  }
0x24a: {  	[sflag:s23] =	ssyncadd.s32 $0xFFFFC000  }
0x24b: {  	[tilespmem:s22], [sflag:$0x1] =	stream.indirect.gather [hbm4b:s4+s25], $0x80, s12, s25, $0xb8;
	[tilespmem:$0x1D000] =	vst v63  }
0x24c: {  	_ =	swait.ge [sflag:s30], $0x4000  }
0x24d: {  	[sflag:s30] =	ssyncset.done $0x0  }
0x24e: {  	s10 =	simm.s32 $0x880;
	[sflag:s30] =	ssyncadd.s32 $0xFFFFC000  }
0x24f: {  	[spmem:s2] =	stream.indirect.scatter.add.f32 [tilespmem:s26], [sflag:$0x3], $0x80, s10, s25, $0xb8;
	[tilespmem:$0x1D000] =	vst v63  }
0x250: {  	_ =	swait.ge [sflag:s23], $0x4000  }
0x251: {  	[sflag:s23] =	ssyncset.done $0x0  }
0x252: {  	s11 =	simm.s32 $0x180;
	[sflag:s23] =	ssyncadd.s32 $0xFFFFC000  }
0x253: {  	[tilespmem:s26], [sflag:$0x2] =	stream.indirect.gather [hbm4b:s4+s25], $0x80, s11, s25, $0xb8;
	[tilespmem:$0x1D000] =	vst v63  }
0x254: {  	_ =	swait.ge [sflag:s28], $0x4000  }
0x255: {  	[sflag:s28] =	ssyncset.done $0x0  }
0x256: {  	s11 =	simm.s32 $0x900;
	[sflag:s28] =	ssyncadd.s32 $0xFFFFC000  }
0x257: {  	[spmem:s2] =	stream.indirect.scatter.add.f32 [tilespmem:s22], [sflag:$0x3], $0x80, s11, s25, $0xb8;
	[tilespmem:$0x1D000] =	vst v63  }
0x258: {  	_ =	swait.ge [sflag:s23], $0x4000  }
0x259: {  	[sflag:s23] =	ssyncset.done $0x0  }
0x25a: {  	s11 =	simm.s32 $0x200;
	[sflag:s23] =	ssyncadd.s32 $0xFFFFC000  }
0x25b: {  	[tilespmem:s22], [sflag:$0x1] =	stream.indirect.gather [hbm4b:s4+s25], $0x80, s11, s25, $0xb8;
	[tilespmem:$0x1D000] =	vst v63  }
0x25c: {  	_ =	swait.ge [sflag:s30], $0x4000  }
0x25d: {  	[sflag:s30] =	ssyncset.done $0x0  }
0x25e: {  	s11 =	simm.s32 $0x980;
	[sflag:s30] =	ssyncadd.s32 $0xFFFFC000  }
0x25f: {  	[spmem:s2] =	stream.indirect.scatter.add.f32 [tilespmem:s26], [sflag:$0x3], $0x80, s11, s25, $0xb8;
	[tilespmem:$0x1D000] =	vst v63  }
0x260: {  	_ =	swait.ge [sflag:s23], $0x4000  }
0x261: {  	[sflag:s23] =	ssyncset.done $0x0  }
0x262: {  	s11 =	simm.s32 $0x280;
	[sflag:s23] =	ssyncadd.s32 $0xFFFFC000  }
0x263: {  	[tilespmem:s26], [sflag:$0x2] =	stream.indirect.gather [hbm4b:s4+s25], $0x80, s11, s25, $0xb8;
	[tilespmem:$0x1D000] =	vst v63  }
0x264: {  	_ =	swait.ge [sflag:s28], $0x4000  }
0x265: {  	[sflag:s28] =	ssyncset.done $0x0  }
0x266: {  	s11 =	simm.s32 $0xA00;
	[sflag:s28] =	ssyncadd.s32 $0xFFFFC000  }
0x267: {  	[spmem:s2] =	stream.indirect.scatter.add.f32 [tilespmem:s22], [sflag:$0x3], $0x80, s11, s25, $0xb8;
	[tilespmem:$0x1D000] =	vst v63  }
0x268: {  	_ =	swait.ge [sflag:s23], $0x4000  }
0x269: {  	[sflag:s23] =	ssyncset.done $0x0  }
0x26a: {  	s11 =	simm.s32 $0x300;
	[sflag:s23] =	ssyncadd.s32 $0xFFFFC000  }
0x26b: {  	[tilespmem:s22], [sflag:$0x1] =	stream.indirect.gather [hbm4b:s4+s25], $0x80, s11, s25, $0xb8;
	[tilespmem:$0x1D000] =	vst v63  }
0x26c: {  	_ =	swait.ge [sflag:s30], $0x4000  }
0x26d: {  	[sflag:s30] =	ssyncset.done $0x0  }
0x26e: {  	s11 =	simm.s32 $0xA80;
	[sflag:s30] =	ssyncadd.s32 $0xFFFFC000  }
0x26f: {  	[spmem:s2] =	stream.indirect.scatter.add.f32 [tilespmem:s26], [sflag:$0x3], $0x80, s11, s25, $0xb8;
	[tilespmem:$0x1D000] =	vst v63  }
0x270: {  	_ =	swait.ge [sflag:s23], $0x4000  }
0x271: {  	[sflag:s23] =	ssyncset.done $0x0  }
0x272: {  	s11 =	simm.s32 $0x380;
	[sflag:s23] =	ssyncadd.s32 $0xFFFFC000  }
0x273: {  	[tilespmem:s26], [sflag:$0x2] =	stream.indirect.gather [hbm4b:s4+s25], $0x80, s11, s25, $0xb8;
	[tilespmem:$0x1D000] =	vst v63  }
0x274: {  	_ =	swait.ge [sflag:s28], $0x4000  }
0x275: {  	[sflag:s28] =	ssyncset.done $0x0  }
0x276: {  	s11 =	simm.s32 $0xB00;
	[sflag:s28] =	ssyncadd.s32 $0xFFFFC000  }
0x277: {  	[spmem:s2] =	stream.indirect.scatter.add.f32 [tilespmem:s22], [sflag:$0x3], $0x80, s11, s25, $0xb8;
	[tilespmem:$0x1D000] =	vst v63  }
0x278: {  	_ =	swait.ge [sflag:s23], $0x4000  }
0x279: {  	[sflag:s23] =	ssyncset.done $0x0  }
0x27a: {  	[sflag:s23] =	ssyncadd.s32 $0xFFFFC000  }
0x27b: {  	[tilespmem:s22], [sflag:$0x1] =	stream.indirect.gather [hbm4b:s4+s25], $0x80, s13, s25, $0xb8;
	[tilespmem:$0x1D000] =	vst v63  }
0x27c: {  	_ =	swait.ge [sflag:s30], $0x4000  }
0x27d: {  	[sflag:s30] =	ssyncset.done $0x0  }
0x27e: {  	[sflag:s30] =	ssyncadd.s32 $0xFFFFC000  }
0x27f: {  	[spmem:s2] =	stream.indirect.scatter.add.f32 [tilespmem:s26], [sflag:$0x3], $0x80, s14, s25, $0xb8;
	[tilespmem:$0x1D000] =	vst v63  }
0x280: {  	_ =	swait.ge [sflag:s23], $0x4000  }
0x281: {  	[sflag:s23] =	ssyncset.done $0x0  }
0x282: {  	[sflag:s23] =	ssyncadd.s32 $0xFFFFC000  }
0x283: {  	[tilespmem:s26], [sflag:$0x2] =	stream.indirect.gather [hbm4b:s4+s25], $0x80, s15, s25, $0xb8;
	[tilespmem:$0x1D000] =	vst v63  }
0x284: {  	_ =	swait.ge [sflag:s28], $0x4000  }
0x285: {  	[sflag:s28] =	ssyncset.done $0x0  }
0x286: {  	[sflag:s28] =	ssyncadd.s32 $0xFFFFC000  }
0x287: {  	[spmem:s2] =	stream.indirect.scatter.add.f32 [tilespmem:s22], [sflag:$0x3], $0x80, s16, s25, $0xb8;
	[tilespmem:$0x1D000] =	vst v63  }
0x288: {  	_ =	swait.ge [sflag:s23], $0x4000  }
0x289: {  	[sflag:s23] =	ssyncset.done $0x0  }
0x28a: {  	[sflag:s23] =	ssyncadd.s32 $0xFFFFC000  }
0x28b: {  	[tilespmem:s22], [sflag:$0x1] =	stream.indirect.gather [hbm4b:s4+s25], $0x80, s17, s25, $0xb8;
	[tilespmem:$0x1D000] =	vst v63  }
0x28c: {  	_ =	swait.ge [sflag:s30], $0x4000  }
0x28d: {  	[sflag:s30] =	ssyncset.done $0x0  }
0x28e: {  	[sflag:s30] =	ssyncadd.s32 $0xFFFFC000  }
0x28f: {  	[spmem:s2] =	stream.indirect.scatter.add.f32 [tilespmem:s26], [sflag:$0x3], $0x80, s18, s25, $0xb8;
	[tilespmem:$0x1D000] =	vst v63  }
0x290: {  	_ =	swait.ge [sflag:s23], $0x4000  }
0x291: {  	[sflag:s23] =	ssyncset.done $0x0  }
0x292: {  	[sflag:s23] =	ssyncadd.s32 $0xFFFFC000  }
0x293: {  	[tilespmem:s26], [sflag:$0x2] =	stream.indirect.gather [hbm4b:s4+s25], $0x80, s19, s25, $0xb8;
	[tilespmem:$0x1D000] =	vst v63  }
0x294: {  	_ =	swait.ge [sflag:s28], $0x4000  }
0x295: {  	[sflag:s28] =	ssyncset.done $0x0  }
0x296: {  	[sflag:s28] =	ssyncadd.s32 $0xFFFFC000  }
0x297: {  	[spmem:s2] =	stream.indirect.scatter.add.f32 [tilespmem:s22], [sflag:$0x3], $0x80, s20, s25, $0xb8;
	[tilespmem:$0x1D000] =	vst v63  }
0x298: {  	_ =	swait.ge [sflag:s23], $0x4000  }
0x299: {  	[sflag:s23] =	ssyncset.done $0x0  }
0x29a: {  	[sflag:s23] =	ssyncadd.s32 $0xFFFFC000  }
0x29b: {  	[tilespmem:s22], [sflag:$0x1] =	stream.indirect.gather [hbm4b:s4+s25], $0x80, s21, s25, $0xb8;
	[tilespmem:$0x1D000] =	vst v63  }
0x29c: {  	_ =	swait.ge [sflag:s30], $0x4000  }
0x29d: {  	[sflag:s30] =	ssyncset.done $0x0  }
0x29e: {  	[sflag:s30] =	ssyncadd.s32 $0xFFFFC000  }
0x29f: {  	[spmem:s2] =	stream.indirect.scatter.add.f32 [tilespmem:s26], [sflag:$0x3], $0x80, s5, s25, $0xb8;
	[tilespmem:$0x1D000] =	vst v63  }
0x2a0: {  	_ =	swait.ge [sflag:s23], $0x4000  }
0x2a1: {  	[sflag:s23] =	ssyncset.done $0x0  }
0x2a2: {  	[sflag:s23] =	ssyncadd.s32 $0xFFFFC000  }
0x2a3: {  	[tilespmem:s26], [sflag:$0x2] =	stream.indirect.gather [hbm4b:s4+s25], $0x80, s29, s25, $0xb8;
	[tilespmem:$0x1D000] =	vst v63  }
0x2a4: {  	_ =	swait.ge [sflag:s28], $0x4000  }
0x2a5: {  	[sflag:s28] =	ssyncset.done $0x0  }
0x2a6: {  	[sflag:s28] =	ssyncadd.s32 $0xFFFFC000  }
0x2a7: {  	[spmem:s2] =	stream.indirect.scatter.add.f32 [tilespmem:s22], [sflag:$0x3], $0x80, s31, s25, $0xb8;
	[tilespmem:$0x1D000] =	vst v63  }
0x2a8: {  	_ =	swait.ge [sflag:s23], $0x4000  }
0x2a9: {  	[sflag:s23] =	ssyncset.done $0x0  }
0x2aa: {  	[sflag:s23] =	ssyncadd.s32 $0xFFFFC000  }
0x2ab: {  	[tilespmem:s22], [sflag:$0x1] =	stream.indirect.gather [hbm4b:s4+s25], $0x80, s0, s25, $0xb8;
	[tilespmem:$0x1D000] =	vst v63  }
0x2ac: {  	_ =	swait.ge [sflag:s30], $0x4000  }
0x2ad: {  	[sflag:s30] =	ssyncset.done $0x0  }
0x2ae: {  	[sflag:s30] =	ssyncadd.s32 $0xFFFFC000  }
0x2af: {  	[spmem:s2] =	stream.indirect.scatter.add.f32 [tilespmem:s26], [sflag:$0x3], $0x80, s3, s25, $0xb8;
	[tilespmem:$0x1D000] =	vst v63  }
0x2b0: {  	_ =	swait.ge [sflag:s23], $0x4000  }
0x2b1: {  	[sflag:s23] =	ssyncset.done $0x0  }
0x2b2: {  	[sflag:s23] =	ssyncadd.s32 $0xFFFFC000  }
0x2b3: {  	[tilespmem:s26], [sflag:$0x2] =	stream.indirect.gather [hbm4b:s4+s25], $0x80, s1, s25, $0xb8;
	[tilespmem:$0x1D000] =	vst v63  }
0x2b4: {  	_ =	swait.ge [sflag:s28], $0x4000  }
0x2b5: {  	[sflag:s28] =	ssyncset.done $0x0  }
0x2b6: {  	[sflag:s28] =	ssyncadd.s32 $0xFFFFC000  }
0x2b7: {  	[spmem:s2] =	stream.indirect.scatter.add.f32 [tilespmem:s22], [sflag:$0x3], $0x80, s6, s25, $0xb8;
	[tilespmem:$0x1D000] =	vst v63  }
0x2b8: {  	_ =	swait.ge [sflag:s23], $0x4000  }
0x2b9: {  	[sflag:s23] =	ssyncset.done $0x0  }
0x2ba: {  	[sflag:s23] =	ssyncadd.s32 $0xFFFFC000  }
0x2bb: {  	_ =	swait.ge [sflag:s30], $0x4000  }
0x2bc: {  	[sflag:s30] =	ssyncset.done $0x0  }
0x2bd: {  	[sflag:s30] =	ssyncadd.s32 $0xFFFFC000  }
0x2be: {  	[spmem:s2] =	stream.indirect.scatter.add.f32 [tilespmem:s26], [sflag:$0x3], $0x80, s7, s25, $0xb8;
	[tilespmem:$0x1D000] =	vst v63  }
0x2bf: {  	_ =	swait.ge [sflag:s23], $0x4000  }
0x2c0: {  	[sflag:s23] =	ssyncset.done $0x0  }
0x2c1: {  	s11 =	rddreg [dreg:$0x10];
	[sflag:s23] =	ssyncadd.s32 $0xFFFFC000  }
0x2c2: {  	[tilespmem:s9], [sflag:$0x3] =	stream.linear.gather [hbm4b:s11+s9], $0x800, $0x38;
	[tilespmem:$0x1D000] =	vst v63  }
0x2c3: {  	_ =	swait.ge [sflag:s23], $0x800  }
0x2c4: {  	[sflag:s23] =	ssyncset.done $0x0  }
0x2c5: {  	s11 =	rddreg [dreg:$0x11];
	[sflag:s23] =	ssyncadd.s32 $0xFFFFF800  }
0x2c6: {  	[tilespmem:s24], [sflag:$0x3] =	stream.linear.gather [hbm4b:s11+s9], $0x800, $0x38;
	[tilespmem:$0x1D000] =	vst v63  }
0x2c7: {  	_ =	swait.ge [sflag:s23], $0x800  }
0x2c8: {  	[sflag:s23] =	ssyncset.done $0x0  }
0x2c9: {  	s9 =	simm.s32 $0x0;
	[sflag:s23] =	ssyncadd.s32 $0xFFFFF800  }
0x2ca: {  	v4 =	vld [tilespmem:s9+$0x0]  }
0x2cb: {  	v6 =	vld [tilespmem:s9+$0x10]  }
0x2cc: {  	v5 =	vld [tilespmem:s9+$0x20]  }
0x2cd: {  	v3 =	vld [tilespmem:s9+$0x30]  }
0x2ce: {  	v2 =	vld [tilespmem:s9+$0x40]  }
0x2cf: {  	v7 =	vadd.s32 v0, v4;
	v4 =	vld [tilespmem:s9+$0x50]  }
0x2d0: {  	s10 =	simm.s32 $0x200;
	[tilespmem:s9+$0x0] =	vst v7;
	v7 =	vadd.s32 v0, v6;
	v6 =	vld [tilespmem:s9+$0x60]  }
.LBB2_12:
0x2d1: {  	s11 =	sshra.s32 s10, $0x2;
	p0 =	sne.s32 s10, $0x1E00;
	[tilespmem:s9+$0x10] =	vst v7;
	v5 =	vadd.s32 v0, v5;
	v7 =	vld [tilespmem:s9+$0x70]  }
0x2d2: {  	v8 =	vld [tilespmem:s11+$0x0];
	[tilespmem:s9+$0x20] =	vst v5;
	v3 =	vadd.s32 v0, v3  }
0x2d3: {  	v9 =	vld [tilespmem:s11+$0x10];
	[tilespmem:s9+$0x30] =	vst v3;
	v2 =	vadd.s32 v0, v2  }
.Ltmp5:
0x2d4: {  	v5 =	vld [tilespmem:s11+$0x20];
	[tilespmem:s9+$0x40] =	vst v2;
	v2 =	vadd.s32 v0, v4;
	(pc) =	sbr.rel @p0 .LBB2_12-.Ltmp5, $4  }
0x2d5: {  	v3 =	vld [tilespmem:s11+$0x30];
	[tilespmem:s9+$0x50] =	vst v2;
	v4 =	vadd.s32 v0, v6  }
0x2d6: {  	v2 =	vld [tilespmem:s11+$0x40];
	[tilespmem:s9+$0x60] =	vst v4;
	v6 =	vadd.s32 v0, v7  }
0x2d7: {  	v7 =	vadd.s32 v0, v8;
	v4 =	vld [tilespmem:s11+$0x50];
	[tilespmem:s9+$0x70] =	vst v6;
	s9 =	smov.u32 s11  }
0x2d8: {  	s10 =	sadd.s32 $0x200, s10;
	[tilespmem:s9+$0x0] =	vst v7;
	v7 =	vadd.s32 v0, v9;
	v6 =	vld [tilespmem:s9+$0x60]  }
0x2d9: {  	[tilespmem:s9+$0x10] =	vst v7;
	v5 =	vadd.s32 v0, v5;
	v63 =	vld [tilespmem:s9+$0x70]  }
0x2da: {  	[tilespmem:s9+$0x20] =	vst v5;
	v3 =	vadd.s32 v0, v3  }
0x2db: {  	[tilespmem:s9+$0x30] =	vst v3;
	v2 =	vadd.s32 v0, v2  }
0x2dc: {  	[tilespmem:s9+$0x40] =	vst v2;
	v2 =	vadd.s32 v0, v4  }
0x2dd: {  	[tilespmem:s9+$0x50] =	vst v2;
	v2 =	vadd.s32 v0, v6  }
0x2de: {  	[tilespmem:s9+$0x60] =	vst v2;
	v2 =	vadd.s32 v0, v63  }
0x2df: {  	s11 =	simm.s32 $0x0;
	[tilespmem:s9+$0x70] =	vst v2  }
0x2e0: {  	[tilespmem:s22], [sflag:$0x1] =	stream.indirect.gather [hbm4b:s4+s25], $0x80, s11, s25, $0xb8;
	[tilespmem:$0x1D000] =	vst v63  }
0x2e1: {  	_ = 	snop  }
0x2e2: {  	[tilespmem:s26], [sflag:$0x2] =	stream.indirect.gather [hbm4b:s4+s25], $0x80, s25, s25, $0xb8;
	[tilespmem:$0x1D000] =	vst v63  }
0x2e3: {  	_ =	swait.ge [sflag:s28], $0x4000  }
0x2e4: {  	[sflag:s28] =	ssyncset.done $0x0  }
0x2e5: {  	[sflag:s28] =	ssyncadd.s32 $0xFFFFC000  }
0x2e6: {  	[spmem:s2] =	stream.indirect.scatter.add.f32 [tilespmem:s22], [sflag:$0x3], $0x80, s24, s25, $0xb8;
	[tilespmem:$0x1D000] =	vst v63  }
0x2e7: {  	_ =	swait.ge [sflag:s23], $0x4000  }
0x2e8: {  	[sflag:s23] =	ssyncset.done $0x0  }
0x2e9: {  	[sflag:s23] =	ssyncadd.s32 $0xFFFFC000  }
0x2ea: {  	[tilespmem:s22], [sflag:$0x1] =	stream.indirect.gather [hbm4b:s4+s25], $0x80, s12, s25, $0xb8;
	[tilespmem:$0x1D000] =	vst v63  }
0x2eb: {  	_ =	swait.ge [sflag:s30], $0x4000  }
0x2ec: {  	[sflag:s30] =	ssyncset.done $0x0  }
0x2ed: {  	s12 =	simm.s32 $0x880;
	[sflag:s30] =	ssyncadd.s32 $0xFFFFC000  }
0x2ee: {  	[spmem:s2] =	stream.indirect.scatter.add.f32 [tilespmem:s26], [sflag:$0x3], $0x80, s12, s25, $0xb8;
	[tilespmem:$0x1D000] =	vst v63  }
0x2ef: {  	_ =	swait.ge [sflag:s23], $0x4000  }
0x2f0: {  	[sflag:s23] =	ssyncset.done $0x0  }
0x2f1: {  	s10 =	simm.s32 $0x180;
	[sflag:s23] =	ssyncadd.s32 $0xFFFFC000  }
0x2f2: {  	[tilespmem:s26], [sflag:$0x2] =	stream.indirect.gather [hbm4b:s4+s25], $0x80, s10, s25, $0xb8;
	[tilespmem:$0x1D000] =	vst v63  }
0x2f3: {  	_ =	swait.ge [sflag:s28], $0x4000  }
0x2f4: {  	[sflag:s28] =	ssyncset.done $0x0  }
0x2f5: {  	s11 =	simm.s32 $0x900;
	[sflag:s28] =	ssyncadd.s32 $0xFFFFC000  }
0x2f6: {  	[spmem:s2] =	stream.indirect.scatter.add.f32 [tilespmem:s22], [sflag:$0x3], $0x80, s11, s25, $0xb8;
	[tilespmem:$0x1D000] =	vst v63  }
0x2f7: {  	_ =	swait.ge [sflag:s23], $0x4000  }
0x2f8: {  	[sflag:s23] =	ssyncset.done $0x0  }
0x2f9: {  	s12 =	simm.s32 $0x200;
	[sflag:s23] =	ssyncadd.s32 $0xFFFFC000  }
0x2fa: {  	[tilespmem:s22], [sflag:$0x1] =	stream.indirect.gather [hbm4b:s4+s25], $0x80, s12, s25, $0xb8;
	[tilespmem:$0x1D000] =	vst v63  }
0x2fb: {  	_ =	swait.ge [sflag:s30], $0x4000  }
0x2fc: {  	[sflag:s30] =	ssyncset.done $0x0  }
0x2fd: {  	s10 =	simm.s32 $0x980;
	[sflag:s30] =	ssyncadd.s32 $0xFFFFC000  }
0x2fe: {  	[spmem:s2] =	stream.indirect.scatter.add.f32 [tilespmem:s26], [sflag:$0x3], $0x80, s10, s25, $0xb8;
	[tilespmem:$0x1D000] =	vst v63  }
0x2ff: {  	_ =	swait.ge [sflag:s23], $0x4000  }
0x300: {  	[sflag:s23] =	ssyncset.done $0x0  }
0x301: {  	s11 =	simm.s32 $0x280;
	[sflag:s23] =	ssyncadd.s32 $0xFFFFC000  }
0x302: {  	[tilespmem:s26], [sflag:$0x2] =	stream.indirect.gather [hbm4b:s4+s25], $0x80, s11, s25, $0xb8;
	[tilespmem:$0x1D000] =	vst v63  }
0x303: {  	_ =	swait.ge [sflag:s28], $0x4000  }
0x304: {  	[sflag:s28] =	ssyncset.done $0x0  }
0x305: {  	s12 =	simm.s32 $0xA00;
	[sflag:s28] =	ssyncadd.s32 $0xFFFFC000  }
0x306: {  	[spmem:s2] =	stream.indirect.scatter.add.f32 [tilespmem:s22], [sflag:$0x3], $0x80, s12, s25, $0xb8;
	[tilespmem:$0x1D000] =	vst v63  }
0x307: {  	_ =	swait.ge [sflag:s23], $0x4000  }
0x308: {  	[sflag:s23] =	ssyncset.done $0x0  }
0x309: {  	s10 =	simm.s32 $0x300;
	[sflag:s23] =	ssyncadd.s32 $0xFFFFC000  }
0x30a: {  	[tilespmem:s22], [sflag:$0x1] =	stream.indirect.gather [hbm4b:s4+s25], $0x80, s10, s25, $0xb8;
	[tilespmem:$0x1D000] =	vst v63  }
0x30b: {  	_ =	swait.ge [sflag:s30], $0x4000  }
0x30c: {  	[sflag:s30] =	ssyncset.done $0x0  }
0x30d: {  	s11 =	simm.s32 $0xA80;
	[sflag:s30] =	ssyncadd.s32 $0xFFFFC000  }
0x30e: {  	[spmem:s2] =	stream.indirect.scatter.add.f32 [tilespmem:s26], [sflag:$0x3], $0x80, s11, s25, $0xb8;
	[tilespmem:$0x1D000] =	vst v63  }
0x30f: {  	_ =	swait.ge [sflag:s23], $0x4000  }
0x310: {  	[sflag:s23] =	ssyncset.done $0x0  }
0x311: {  	s12 =	simm.s32 $0x380;
	[sflag:s23] =	ssyncadd.s32 $0xFFFFC000  }
0x312: {  	[tilespmem:s26], [sflag:$0x2] =	stream.indirect.gather [hbm4b:s4+s25], $0x80, s12, s25, $0xb8;
	[tilespmem:$0x1D000] =	vst v63  }
0x313: {  	_ =	swait.ge [sflag:s28], $0x4000  }
0x314: {  	[sflag:s28] =	ssyncset.done $0x0  }
0x315: {  	s10 =	simm.s32 $0xB00;
	[sflag:s28] =	ssyncadd.s32 $0xFFFFC000  }
0x316: {  	[spmem:s2] =	stream.indirect.scatter.add.f32 [tilespmem:s22], [sflag:$0x3], $0x80, s10, s25, $0xb8;
	[tilespmem:$0x1D000] =	vst v63  }
0x317: {  	_ =	swait.ge [sflag:s23], $0x4000  }
0x318: {  	[sflag:s23] =	ssyncset.done $0x0  }
0x319: {  	[sflag:s23] =	ssyncadd.s32 $0xFFFFC000  }
0x31a: {  	[tilespmem:s22], [sflag:$0x1] =	stream.indirect.gather [hbm4b:s4+s25], $0x80, s13, s25, $0xb8;
	[tilespmem:$0x1D000] =	vst v63  }
0x31b: {  	_ =	swait.ge [sflag:s30], $0x4000  }
0x31c: {  	[sflag:s30] =	ssyncset.done $0x0  }
0x31d: {  	[sflag:s30] =	ssyncadd.s32 $0xFFFFC000  }
0x31e: {  	[spmem:s2] =	stream.indirect.scatter.add.f32 [tilespmem:s26], [sflag:$0x3], $0x80, s14, s25, $0xb8;
	[tilespmem:$0x1D000] =	vst v63  }
0x31f: {  	_ =	swait.ge [sflag:s23], $0x4000  }
0x320: {  	[sflag:s23] =	ssyncset.done $0x0  }
0x321: {  	[sflag:s23] =	ssyncadd.s32 $0xFFFFC000  }
0x322: {  	[tilespmem:s26], [sflag:$0x2] =	stream.indirect.gather [hbm4b:s4+s25], $0x80, s15, s25, $0xb8;
	[tilespmem:$0x1D000] =	vst v63  }
0x323: {  	_ =	swait.ge [sflag:s28], $0x4000  }
0x324: {  	[sflag:s28] =	ssyncset.done $0x0  }
0x325: {  	[sflag:s28] =	ssyncadd.s32 $0xFFFFC000  }
0x326: {  	[spmem:s2] =	stream.indirect.scatter.add.f32 [tilespmem:s22], [sflag:$0x3], $0x80, s16, s25, $0xb8;
	[tilespmem:$0x1D000] =	vst v63  }
0x327: {  	_ =	swait.ge [sflag:s23], $0x4000  }
0x328: {  	[sflag:s23] =	ssyncset.done $0x0  }
0x329: {  	[sflag:s23] =	ssyncadd.s32 $0xFFFFC000  }
0x32a: {  	[tilespmem:s22], [sflag:$0x1] =	stream.indirect.gather [hbm4b:s4+s25], $0x80, s17, s25, $0xb8;
	[tilespmem:$0x1D000] =	vst v63  }
0x32b: {  	_ =	swait.ge [sflag:s30], $0x4000  }
0x32c: {  	[sflag:s30] =	ssyncset.done $0x0  }
0x32d: {  	[sflag:s30] =	ssyncadd.s32 $0xFFFFC000  }
0x32e: {  	[spmem:s2] =	stream.indirect.scatter.add.f32 [tilespmem:s26], [sflag:$0x3], $0x80, s18, s25, $0xb8;
	[tilespmem:$0x1D000] =	vst v63  }
0x32f: {  	_ =	swait.ge [sflag:s23], $0x4000  }
0x330: {  	[sflag:s23] =	ssyncset.done $0x0  }
0x331: {  	[sflag:s23] =	ssyncadd.s32 $0xFFFFC000  }
0x332: {  	[tilespmem:s26], [sflag:$0x2] =	stream.indirect.gather [hbm4b:s4+s25], $0x80, s19, s25, $0xb8;
	[tilespmem:$0x1D000] =	vst v63  }
0x333: {  	_ =	swait.ge [sflag:s28], $0x4000  }
0x334: {  	[sflag:s28] =	ssyncset.done $0x0  }
0x335: {  	[sflag:s28] =	ssyncadd.s32 $0xFFFFC000  }
0x336: {  	[spmem:s2] =	stream.indirect.scatter.add.f32 [tilespmem:s22], [sflag:$0x3], $0x80, s20, s25, $0xb8;
	[tilespmem:$0x1D000] =	vst v63  }
0x337: {  	_ =	swait.ge [sflag:s23], $0x4000  }
0x338: {  	[sflag:s23] =	ssyncset.done $0x0  }
0x339: {  	[sflag:s23] =	ssyncadd.s32 $0xFFFFC000  }
0x33a: {  	[tilespmem:s22], [sflag:$0x1] =	stream.indirect.gather [hbm4b:s4+s25], $0x80, s21, s25, $0xb8;
	[tilespmem:$0x1D000] =	vst v63  }
0x33b: {  	_ =	swait.ge [sflag:s30], $0x4000  }
0x33c: {  	[sflag:s30] =	ssyncset.done $0x0  }
0x33d: {  	[sflag:s30] =	ssyncadd.s32 $0xFFFFC000  }
0x33e: {  	[spmem:s2] =	stream.indirect.scatter.add.f32 [tilespmem:s26], [sflag:$0x3], $0x80, s5, s25, $0xb8;
	[tilespmem:$0x1D000] =	vst v63  }
0x33f: {  	_ =	swait.ge [sflag:s23], $0x4000  }
0x340: {  	[sflag:s23] =	ssyncset.done $0x0  }
0x341: {  	[sflag:s23] =	ssyncadd.s32 $0xFFFFC000  }
0x342: {  	[tilespmem:s26], [sflag:$0x2] =	stream.indirect.gather [hbm4b:s4+s25], $0x80, s29, s25, $0xb8;
	[tilespmem:$0x1D000] =	vst v63  }
0x343: {  	_ =	swait.ge [sflag:s28], $0x4000  }
0x344: {  	[sflag:s28] =	ssyncset.done $0x0  }
0x345: {  	[sflag:s28] =	ssyncadd.s32 $0xFFFFC000  }
0x346: {  	[spmem:s2] =	stream.indirect.scatter.add.f32 [tilespmem:s22], [sflag:$0x3], $0x80, s31, s25, $0xb8;
	[tilespmem:$0x1D000] =	vst v63  }
0x347: {  	_ =	swait.ge [sflag:s23], $0x4000  }
0x348: {  	[sflag:s23] =	ssyncset.done $0x0  }
0x349: {  	[sflag:s23] =	ssyncadd.s32 $0xFFFFC000  }
0x34a: {  	[tilespmem:s22], [sflag:$0x1] =	stream.indirect.gather [hbm4b:s4+s25], $0x80, s0, s25, $0xb8;
	[tilespmem:$0x1D000] =	vst v63  }
0x34b: {  	_ =	swait.ge [sflag:s30], $0x4000  }
0x34c: {  	[sflag:s30] =	ssyncset.done $0x0  }
0x34d: {  	[sflag:s30] =	ssyncadd.s32 $0xFFFFC000  }
0x34e: {  	[spmem:s2] =	stream.indirect.scatter.add.f32 [tilespmem:s26], [sflag:$0x3], $0x80, s3, s25, $0xb8;
	[tilespmem:$0x1D000] =	vst v63  }
0x34f: {  	_ =	swait.ge [sflag:s23], $0x4000  }
0x350: {  	[sflag:s23] =	ssyncset.done $0x0  }
0x351: {  	[sflag:s23] =	ssyncadd.s32 $0xFFFFC000  }
0x352: {  	[tilespmem:s26], [sflag:$0x2] =	stream.indirect.gather [hbm4b:s4+s25], $0x80, s1, s25, $0xb8;
	[tilespmem:$0x1D000] =	vst v63  }
0x353: {  	_ =	swait.ge [sflag:s28], $0x4000  }
0x354: {  	[sflag:s28] =	ssyncset.done $0x0  }
0x355: {  	[sflag:s28] =	ssyncadd.s32 $0xFFFFC000  }
0x356: {  	[spmem:s2] =	stream.indirect.scatter.add.f32 [tilespmem:s22], [sflag:$0x3], $0x80, s6, s25, $0xb8;
	[tilespmem:$0x1D000] =	vst v63  }
0x357: {  	_ =	swait.ge [sflag:s23], $0x4000  }
0x358: {  	[sflag:s23] =	ssyncset.done $0x0  }
0x359: {  	[sflag:s23] =	ssyncadd.s32 $0xFFFFC000  }
0x35a: {  	_ =	swait.ge [sflag:s30], $0x4000  }
0x35b: {  	[sflag:s30] =	ssyncset.done $0x0  }
0x35c: {  	[sflag:s30] =	ssyncadd.s32 $0xFFFFC000  }
0x35d: {  	[spmem:s2] =	stream.indirect.scatter.add.f32 [tilespmem:s26], [sflag:$0x3], $0x80, s7, s25, $0xb8;
	[tilespmem:$0x1D000] =	vst v63  }
0x35e: {  	_ =	swait.ge [sflag:s23], $0x4000  }
0x35f: {  	[sflag:s23] =	ssyncset.done $0x0  }
0x360: {  	[sflag:s23] =	ssyncadd.s32 $0xFFFFC000  }
0x361: {  	s11 =	stileid.u32;
	[bflag:$0x0] =	sbarrier.arrive $0xFFFF  }
0x362: {  	s9 =	sshll.u32 s11, $0x6;
	s11 =	rddreg [dreg:$0x3]  }
0x363: {  	s9 =	sor.u32 $0x1C03, s9;
	s12 =	rddreg [dreg:$0x12];
	s10 =	sshrl.u32 s11, $0x3  }
0x364: {  	[hbm:s12], [sflag:s9] =	dma.local [spmem:s10], $0x2800  }
0x365: {  	_ =	swait.ge [sflag:s23], $0x2800  }
0x366: {  	s8 =	sadd.s32 $0x1, s8;
	s12 =	rddreg [dreg:$0x13]  }
0x367: {  	p0 =	sne.s32 s8, s12  }
.Ltmp6:
0x368: {  	_ = 	snop;
	(pc) =	sbr.rel @p0 .LBB2_1-.Ltmp6, $3  }
0x369: {  	_ =	sdelay $0x1  }
0x36a: {  	[sflag:s23] =	ssyncset.done $0x0  }
0x36b: {  	[sflag:s23] =	ssyncadd.s32 $0xFFFFD800  }
0x36c: {  	_ =	sfence.sel $0x180000  }
0x36d: {  	[bflag:$0x0] =	sbarrier.arrive $0xFFFF  }
0x36e: {  	_ =	strace $0x9000004A  }
0x36f: {  	s0 =	stileid.u32;
	[bflag:$0x2] =	sbarrier.arrive $0xFFFF  }
0x370: {  	p0 =	sne.s32 s0, $0x0;
	s0 =	rddreg [dreg:$0x2]  }
0x371: {  	s0 =	sadd.s32 @!p0 $0x100000, s0  }
0x372: {  	[sflag:s0] =	ssyncadd.tile.s32 @!p0 $0x1;
	_ =	shalt  }
.Lfunc_end2:
_tile_overlayer_lowered:
.L_overlay_start_2:
0x373: {  	(tag) =	ssettag $0x2  }
0x374: {  	s0 =	rddreg [dreg:$0x0];
	s2 =	stileid.u32  }
0x375: {  	s1 =	rddreg [dreg:$0x1];
	p0 =	sne.s32 s2, $0x0  }
0x376: {  	s3 =	rddreg [dreg:$0x2];
	[bflag:$0x3] =	sbarrier.arrive $0xFFFF;
	s2 =	simm.s32 @!p0 $0x1C03  }
0x377: {  	[timem:s3], [sflag:s2] =	dma.local @!p0 [hbm:s0], s1  }
0x378: {  	s0 =	simm.s32 @!p0 $0x3  }
0x379: {  	_ =	swait.ge @!p0 [sflag:s0], s1  }
0x37a: {  	s1 =	ssub.s32 @!p0 $0x0, s1;
	[sflag:s0] =	ssyncset.done @!p0 $0x0  }
0x37b: {  	[sflag:s0] =	ssyncadd.s32 @!p0 s1  }
0x37c: {  	[bflag:$0x3] =	sbarrier.arrive $0xFFFF  }
0x37d: {  	_ =	shalt  }

// kernel: kernel.18.cloned.1.call-start
scs
__scs_entry_jumppad:
0x0: {  	(pc) =	sbr.rel $0x88, $3  }
0x1: {  	(tag) =	ssettag $0x0;
	lr =	simm.s32 $0x1  }
0x2: {  	[smem:$0x3F87] =	sst lr;
	_ =	strace $0xD0000000  }
0x3: {  	_ = 	snop  }
0x4: {  	_ = 	snop  }
0x5: {  	_ = 	snop  }
0x6: {  	_ = 	snop  }
0x7: {  	_ = 	snop  }
__scs_overlays_trampoline_lowered:
0x8: {  	[smem:$0x3F96] =	sst s0  }
0x9: {  	[smem:$0x3F97] =	sst s1  }
0xa: {  	[smem:$0x3F98] =	sst s2  }
0xb: {  	[smem:$0x3F99] =	sst s3  }
0xc: {  	[smem:$0x3F9A] =	sst s4  }
0xd: {  	[smem:$0x3F9B] =	sst s5  }
0xe: {  	[smem:$0x3F9C] =	sst s6  }
0xf: {  	[smem:$0x3F9D] =	sst s7  }
0x10: {  	[smem:$0x3F9E] =	sst s8  }
0x11: {  	[smem:$0x3F9F] =	sst s9;
	s0 =	simm.s32 @!p0 $0x0  }
0x12: {  	s1 =	sld [smem:$0x3F85];
	s0 =	simm.s32 @p0 $0x1  }
0x13: {  	[smem:$0x3FA0] =	sst s0;
	s0 =	simm.s32 @!p1 $0x0  }
0x14: {  	s2 =	sld [smem:$0x3F84];
	s0 =	simm.s32 @p1 $0x1  }
0x15: {  	[smem:$0x3FA1] =	sst s0;
	s0 =	simm.s32 @!p2 $0x0  }
0x16: {  	s3 =	sld [smem:$0x3FDB];
	s0 =	simm.s32 @p2 $0x1  }
0x17: {  	s4 =	simm.s32 $0x1BF5;
	[smem:$0x3FA3] =	sst s0  }
0x18: {  	s0 =	sld [smem:$0x3F86];
	_ =	swait.ge [sflag:s4], $0x0  }
0x19: {  	s7 =	sld [smem:$0x3F87]  }
0x1a: {  	s8 =	sadd.s32 $0xFFFFE003, lr  }
0x1b: {  	s9 =	sadd.s32 $0xFFFFFEF7, lr;
	s5 =	simm.s32 $0xFFFFFFFF;
	p2 =	slt.u32 s8, $0xFFFFF086  }
0x1c: {  	p1 =	slt.u32 s9, $0xF7A;
	s5 =	simm.s32 @!p2 $0x0  }
0x1d: {  	s5 =	simm.s32 @p1 $0x1;
	p0 =	seq.s32 s7, s2  }
0x1e: {  	s7 =	smul.u32 @!p0 $0xF7A, s2;
	p2 =	seq.s32 @!p0 s5, $0x0  }
0x1f: {  	s9 =	smul.u32 $0xF7A, s1;
	s8 =	simm.s32 @!p0 $0x1BF5;
	p2 =	por !p2, p0  }
0x20: {  	[sflag:s8] =	ssyncset.s32 @!p0 $0xFFFFF086;
	s6 =	sadd.s32 @!p0 s3, s7;
	s7 =	simm.s32 @!p0 $0x108  }
0x21: {  	s3 =	sadd.s32 s3, s9;
	s6 =	sadd.s32 @!p0 $0x88, s6;
	s7 =	simm.s32 @p2 $0x1082  }
0x22: {  	[simem:s7], [sflag:s8] =	dma.local @!p0 [hbm:s6], $0xF7A  }
0x23: {  	s9 =	sor.u32 $0xD0000000, s2;
	s6 =	simm.s32 $0x108;
	_ =	swait.ge @!p0 [sflag:s8], $0x0  }
0x24: {  	s3 =	sadd.s32 $0x88, s3;
	s6 =	simm.s32 @!p1 $0x1082;
	[sflag:s4] =	ssyncset.s32 $0xFFFFF086  }
0x25: {  	[simem:s6], [sflag:s4] =	dma.local [hbm:s3], $0xF7A  }
0x26: {  	[smem:$0x3F87] =	sst s1;
	(tag) =	ssettag s2;
	_ =	strace s9  }
0x27: {  	s1 =	sld [smem:$0x3F97]  }
0x28: {  	s2 =	sld [smem:$0x3F98]  }
0x29: {  	s4 =	sld [smem:$0x3F9A]  }
0x2a: {  	p0 =	seq.s32 s5, $0x0;
	s5 =	sld [smem:$0x3F9B]  }
0x2b: {  	s6 =	sld [smem:$0x3F9C]  }
0x2c: {  	s7 =	sld [smem:$0x3F9D]  }
0x2d: {  	s3 =	simm.s32 $0x108;
	s8 =	sld [smem:$0x3F9E]  }
0x2e: {  	s3 =	simm.s32 @!p0 $0x1082;
	s9 =	sld [smem:$0x3F9F]  }
0x2f: {  	lr =	sadd.s32 s0, s3;
	s0 =	sld [smem:$0x3F96]  }
0x30: {  	s3 =	sld [smem:$0x3F99]  }
0x31: {  	[smem:$0x3FA2] =	sst s10  }
0x32: {  	s10 =	sld [smem:$0x3FA0];
	_ =	sdelay $0x3  }
0x33: {  	p0 =	seq.s32 s10, $0x1;
	s10 =	sld [smem:$0x3FA2];
	_ =	sdelay $0x3  }
0x34: {  	[smem:$0x3FA2] =	sst s10  }
0x35: {  	s10 =	sld [smem:$0x3FA1];
	_ =	sdelay $0x3  }
0x36: {  	p1 =	seq.s32 s10, $0x1;
	s10 =	sld [smem:$0x3FA2];
	_ =	sdelay $0x3  }
0x37: {  	[smem:$0x3FA2] =	sst s10  }
0x38: {  	s10 =	sld [smem:$0x3FA3]  }
0x39: {  	_ = 	snop;
	(pc) =	sbr.ind lr, $3  }
0x3a: {  	_ = 	snop  }
0x3b: {  	_ = 	snop  }
0x3c: {  	p2 =	seq.s32 s10, $0x1;
	s10 =	sld [smem:$0x3FA2]  }
0x3d: {  	_ =	shalt  }
0x3e: {  	_ =	shalt  }
0x3f: {  	_ =	shalt  }
0x40: {  	_ =	shalt  }
0x41: {  	_ =	shalt  }
0x42: {  	_ =	shalt  }
0x43: {  	_ =	shalt  }
0x44: {  	_ =	shalt  }
0x45: {  	_ =	shalt  }
0x46: {  	_ =	shalt  }
0x47: {  	_ =	shalt  }
0x48: {  	_ =	shalt  }
0x49: {  	_ =	shalt  }
0x4a: {  	_ =	shalt  }
0x4b: {  	_ =	shalt  }
0x4c: {  	_ =	shalt  }
0x4d: {  	_ =	shalt  }
0x4e: {  	_ =	shalt  }
0x4f: {  	_ =	shalt  }
0x50: {  	_ =	shalt  }
0x51: {  	_ =	shalt  }
0x52: {  	_ =	shalt  }
0x53: {  	_ =	shalt  }
0x54: {  	_ =	shalt  }
0x55: {  	_ =	shalt  }
0x56: {  	_ =	shalt  }
0x57: {  	_ =	shalt  }
0x58: {  	_ =	shalt  }
0x59: {  	_ =	shalt  }
0x5a: {  	_ =	shalt  }
0x5b: {  	_ =	shalt  }
0x5c: {  	_ =	shalt  }
0x5d: {  	_ =	shalt  }
0x5e: {  	_ =	shalt  }
0x5f: {  	_ =	shalt  }
0x60: {  	_ =	shalt  }
0x61: {  	_ =	shalt  }
0x62: {  	_ =	shalt  }
0x63: {  	_ =	shalt  }
0x64: {  	_ =	shalt  }
0x65: {  	_ =	shalt  }
0x66: {  	_ =	shalt  }
0x67: {  	_ =	shalt  }
0x68: {  	_ =	shalt  }
0x69: {  	_ =	shalt  }
0x6a: {  	_ =	shalt  }
0x6b: {  	_ =	shalt  }
0x6c: {  	_ =	shalt  }
0x6d: {  	_ =	shalt  }
0x6e: {  	_ =	shalt  }
0x6f: {  	_ =	shalt  }
0x70: {  	_ =	shalt  }
0x71: {  	_ =	shalt  }
0x72: {  	_ =	shalt  }
0x73: {  	_ =	shalt  }
0x74: {  	_ =	shalt  }
0x75: {  	_ =	shalt  }
0x76: {  	_ =	shalt  }
0x77: {  	_ =	shalt  }
0x78: {  	_ =	shalt  }
0x79: {  	_ =	shalt  }
0x7a: {  	_ =	shalt  }
0x7b: {  	_ =	shalt  }
0x7c: {  	_ =	shalt  }
0x7d: {  	_ =	shalt  }
0x7e: {  	_ =	shalt  }
0x7f: {  	_ =	shalt  }
0x80: {  	_ =	shalt  }
0x81: {  	_ =	shalt  }
0x82: {  	_ =	shalt  }
0x83: {  	_ =	shalt  }
0x84: {  	_ =	shalt  }
0x85: {  	_ =	shalt  }
0x86: {  	_ =	shalt  }
0x87: {  	_ =	shalt  }
.Lfunc_end0:
.L_simem_size_0:
called_computation.3_lowered:
.L_overlay_start_0:
0x88: {  	s2 =	sld [smem:$0x3FD9]  }
0x89: {  	s3 =	sld [smem:$0x3FFE];
	_ =	sdelay $0x1  }
0x8a: {  	s1 =	srdreg.scid  }
0x8b: {  	s0 =	sand.u32 $0x1, s1  }
0x8c: {  	s17 =	sshll.u32 s0, $0xA;
	s2 =	sadd.s32 s3, s2  }
0x8d: {  	s2 =	sadd.s32 s2, s17  }
0x8e: {  	[smem:$0x3FAE] =	sst s2  }
0x8f: {  	_ = 	snop  }
0x90: {  	(tm) =	ssettm $0x1  }
0x91: {  	s18 =	sld [smem:$0x3FFB];
	_ =	sdelay $0x3  }
0x92: {  	_ =	strace s18  }
0x93: {  	s2 =	sld [smem:$0x3FFC];
	_ =	sdelay $0x3  }
0x94: {  	_ =	strace s2  }
0x95: {  	s2 =	sld [smem:$0x3FFD];
	_ =	sdelay $0x3  }
0x96: {  	_ =	strace s2  }
0x97: {  	_ =	strace $0x8FFFFFFF  }
0x98: {  	s19 =	sld [smem:$0x3FDB];
	_ =	sdelay $0x1  }
0x99: {  	s20 =	simm.s32 $_scs_section_size  }
0x9a: {  	s4 =	simm.s32 $_size__tile_overlayer_lowered;
	s5 =	simm.s32 $_tile_overlayer_lowered  }
0x9b: {  	s6 =	simm.s32 $0x1BFF;
	s21 =	sshll.u32 s5, $0x1;
	s3 =	sadd.s32 s20, s19  }
0x9c: {  	s22 =	simm.s32 $0x0;
	s4 =	sshll.u32 s4, $0x1;
	s5 =	sadd.s32 s21, s3  }
0x9d: {  	[timem:s22], [sflag:s6] =	dma.local [hbm:s5], s4  }
0x9e: {  	_ =	swait.ge [sflag:s6], s4  }
0x9f: {  	s4 =	ssub.s32 $0x0, s4;
	[sflag:s6] =	ssyncset.done $0x0  }
0xa0: {  	[sflag:s6] =	ssyncadd.s32 s4;
	_ =	sdelay $0x1  }
0xa1: {  	s23 =	simm.s32 $0x1B8B  }
0xa2: {  	_ =	swait.ge [sflag:s23], $0x1  }
0xa3: {  	[sflag:s23] =	ssyncset.done $0x0  }
0xa4: {  	[sflag:s23] =	ssyncadd.s32 $0xFFFFFFFF  }
0xa5: {  	s4 =	sld [smem:$0x0]  }
0xa6: {  	s5 =	sand.u32 $0xFFFFFFFE, s1  }
0xa7: {  	p0 =	sne.s32 s1, s5  }
0xa8: {  	s5 =	sshll.u32 @p0 s5, $0xE  }
0xa9: {  	s5 =	sadd.s32 @p0 $0x11B8D, s5;
	s6 =	sshll.u32 @p0 s4, $0x11  }
0xaa: {  	s5 =	sor.u32 @p0 s6, s5  }
0xab: {  	[sflag:s5] =	ssyncadd.remote.s32 @p0 $0x1;
	_ =	sdelay $0x1  }
0xac: {  	s5 =	simm.s32 @p0 $0x1B8D  }
0xad: {  	_ =	swait.eq @p0 [sflag:s5], $0x1  }
0xae: {  	[sflag:s5] =	ssyncadd.s32 @p0 $0xFFFFFFFF  }
0xaf: {  	s6 =	sshll.u32 @!p0 s1, $0xE  }
0xb0: {  	s6 =	sor.u32 @!p0 $0x4000, s6;
	s5 =	simm.s32 @!p0 $0x1B8D  }
0xb1: {  	s4 =	sshll.u32 @!p0 s4, $0x11;
	s6 =	sadd.s32 @!p0 $0x11B8D, s6;
	_ =	swait.eq @!p0 [sflag:s5], $0x1  }
0xb2: {  	s4 =	sor.u32 @!p0 s4, s6;
	[sflag:s5] =	ssyncadd.s32 @!p0 $0xFFFFFFFF  }
0xb3: {  	s25 =	simm.s32 $0x1B8E;
	s24 =	sld [smem:$0x3FFE];
	[sflag:s4] =	ssyncadd.remote.s32 @!p0 $0x1  }
0xb4: {  	s26 =	simm.s32 $execute0_lowered;
	[smem:$0x3FD2] =	sst s25  }
0xb5: {  	s5 =	sshll.u32 s26, $0x1;
	_ =	strace $0x8000004F;
	[dreg:$0x1] =	wrdreg $0xFFFFFFFF  }
0xb6: {  	s28 =	simm.s32 $_size_execute0_lowered;
	s3 =	sadd.s32 s3, s5;
	[dreg:$0x0] =	wrdreg $0x0  }
0xb7: {  	s5 =	sshll.u32 s28, $0x1;
	[dreg:$0x2] =	wrdreg s3  }
0xb8: {  	[dreg:$0x3] =	wrdreg s5  }
0xb9: {  	[dreg:$0x4] =	wrdreg $0xC0  }
0xba: {  	_ =	task [dreg:s22], $0x5FFFF  }
0xbb: {  	[dreg:$0x1] =	wrdreg $0xFFFFFFFF  }
0xbc: {  	[dreg:$0x0] =	wrdreg $0x60  }
0xbd: {  	[dreg:$0x2] =	wrdreg s24  }
0xbe: {  	[dreg:$0x3] =	wrdreg $0x90000  }
0xbf: {  	[dreg:$0x4] =	wrdreg $0xA  }
0xc0: {  	_ =	task.clear_ibuf [dreg:s22], $0x5FFFF;
	_ =	strace $0x9000004F  }
0xc1: {  	s29 =	simm.s32 $0xA;
	_ =	strace $0x80000051  }
0xc2: {  	_ =	swait.ge [sflag:s29], $0x1  }
0xc3: {  	[sflag:s29] =	ssyncadd.s32 $0xFFFFFFFF  }
0xc4: {  	_ =	strace $0x90000051  }
0xc5: {  	_ =	sfence  }
0xc6: {  	s30 =	sld [smem:$0x0];
	_ =	sdelay $0x2  }
0xc7: {  	s31 =	sshll.u32 s1, $0xD;
	s1 =	sshrl.u32 s1, $0x2  }
0xc8: {  	s4 =	sand.u32 $0x4000, s31;
	s1 =	sadd.s32 s1, s30  }
0xc9: {  	s0 =	sor.u32 s4, s0;
	s1 =	sshll.u32 s1, $0x11  }
0xca: {  	s0 =	sor.u32 s1, s0  }
0xcb: {  	s0 =	sadd.s32 $0x8F2B, s0  }
0xcc: {  	[sflag:s0] =	ssyncadd.remote.s32 $0x1  }
0xcd: {  	_ =	sfence.sel $0xFFFF  }
0xce: {  	[dreg:$0x0] =	wrdreg $0xFFFFFFFF;
	(pc) =	sbr.abs _section_cstart, $3  }
0xcf: {  	[dreg:$0x1] =	wrdreg $0xFFFFFFFF  }
0xd0: {  	_ =	task.clear_ibuf [dreg:s22], $0x2FFFF;
	_ =	strace $0x9FFFFFFF  }
0xd1: {  	(tm) =	ssettm $0x7FFFFFFF  }
tec
execute0_lowered:
.L_overlay_start_1:
0x0: {  	(tag) =	ssettag $0x1  }
0x1: {  	s0 =	rddreg [dreg:$0x0]  }
0x2: {  	s2 =	rddreg [dreg:$0x1]  }
0x3: {  	s1 =	srdreg.scid;
	s10 =	stileid.u32;
	s4 =	simm.s32 $0x0  }
0x4: {  	s28 =	simm.s32 $0x1;
	s30 =	simm.s32 $0x2;
	s29 =	simm.s32 $0x680  }
0x5: {  	s31 =	simm.s32 $0xE00;
	s1 =	sand.u32 $0x1, s1;
	s3 =	smul.u32 $0x280, s10  }
0x6: {  	[smem:$0x7FF] =	sst s4;
	s4 =	sadd.s32 $0x23000, s0;
	s5 =	smul.u32 $0x50000, s10  }
0x7: {  	s7 =	sadd.s32 $0x19000, s0;
	s8 =	sadd.s32 $0x1E000, s0;
	s10 =	smul.u32 $0x2800, s10  }
0x8: {  	s6 =	smul.u32 $0x2800, s1;
	_ =	strace $0x80000050;
	s1 =	ssub.s32 $0x2, s1  }
0x9: {  	s5 =	sshrl.u32 s5, $0x2;
	s9 =	sshrl.u32 s1, $0x1;
	s15 =	sshrl.u32 s10, $0x3  }
0xa: {  	s3 =	sadd.s32 s3, s6;
	s11 =	sadd.s32 s5, s2;
	s17 =	sadd.s32 s7, s15  }
0xb: {  	s1 =	ssub.s32 s1, s9;
	s19 =	sadd.s32 s8, s15;
	[dreg:$0x8] =	wrdreg s17  }
0xc: {  	s18 =	sadd.s32 $0x100, s15;
	s21 =	sadd.s32 $0x200, s15;
	[dreg:$0x9] =	wrdreg s19  }
0xd: {  	s23 =	sadd.s32 $0x300, s15;
	s12 =	sadd.s32 $0x4000, s11;
	[dreg:$0x3] =	wrdreg s11  }
0xe: {  	v0 =	vmov s6;
	s6 =	simm.s32 $0xF00;
	s13 =	sadd.s32 $0x8000, s11;
	[dreg:$0x4] =	wrdreg s12  }
0xf: {  	s3 =	sshll.u32 s3, $0x4;
	s14 =	sadd.s32 $0xC000, s11;
	[dreg:$0x5] =	wrdreg s13  }
0x10: {  	s16 =	sadd.s32 $0x10000, s11;
	s20 =	sadd.s32 s7, s18;
	[dreg:$0x6] =	wrdreg s14  }
0x11: {  	s5 =	sadd.s32 s8, s18;
	s22 =	sadd.s32 s7, s21;
	[dreg:$0x7] =	wrdreg s16  }
0x12: {  	s9 =	sadd.s32 s8, s21;
	s24 =	sadd.s32 s7, s23;
	[dreg:$0xa] =	wrdreg s20  }
0x13: {  	s26 =	smax.u32 s1, $0x1;
	s17 =	simm.s32 $0x500;
	[dreg:$0xb] =	wrdreg s5  }
0x14: {  	s18 =	simm.s32 $0xC80;
	s19 =	simm.s32 $0x580;
	[dreg:$0xc] =	wrdreg s22  }
0x15: {  	s21 =	simm.s32 $0x600;
	s1 =	simm.s32 $0x780;
	[dreg:$0xd] =	wrdreg s9  }
0x16: {  	s0 =	sadd.s32 s3, s0;
	[dreg:$0xe] =	wrdreg s24;
	s3 =	sadd.s32 $0x400, s15  }
0x17: {  	s5 =	sadd.s32 s8, s23;
	[dreg:$0x13] =	wrdreg s26;
	s22 =	simm.s32 $0x1000  }
0x18: {  	s23 =	simm.s32 $0x3;
	s24 =	simm.s32 $0x800;
	s26 =	simm.s32 $0x5000  }
0x19: {  	s13 =	simm.s32 $0x400;
	s14 =	simm.s32 $0xB80;
	s15 =	simm.s32 $0x480  }
0x1a: {  	s16 =	simm.s32 $0xC00;
	[dreg:$0xf] =	wrdreg s5;
	s25 =	sadd.s32 s7, s3  }
0x1b: {  	s20 =	simm.s32 $0xD00;
	s3 =	sadd.s32 s8, s3;
	[dreg:$0x10] =	wrdreg s25  }
0x1c: {  	s0 =	sadd.s32 $0x73000, s0;
	s5 =	simm.s32 $0xD80;
	[dreg:$0x11] =	wrdreg s3  }
0x1d: {  	s7 =	simm.s32 $0xF80;
	s8 =	simm.s32 $0x0;
	[dreg:$0x12] =	wrdreg s0  }
0x1e: {  	v1 =	vimm.f32 $0.0e+00;
	s25 =	simm.s32 $0x80;
	s0 =	simm.s32 $0x700;
	s3 =	simm.s32 $0xE80  }
.LBB2_1:
0x1f: {  	s9 =	simm.s32 $0x0;
	s10 =	simm.s32 $0x200  }
.LBB2_2:
0x20: {  	p0 =	sne.s32 s10, $0xFE00;
	[tilespmem:s9+$0x1070] =	vst v1  }
0x21: {  	[tilespmem:s9+$0x1000] =	vst v1  }
0x22: {  	[tilespmem:s9+$0x1010] =	vst v1  }
.Ltmp0:
0x23: {  	[tilespmem:s9+$0x1020] =	vst v1;
	(pc) =	sbr.rel @p0 .LBB2_2-.Ltmp0, $4  }
0x24: {  	[tilespmem:s9+$0x1030] =	vst v1  }
0x25: {  	[tilespmem:s9+$0x1040] =	vst v1  }
0x26: {  	[tilespmem:s9+$0x1050] =	vst v1  }
0x27: {  	[tilespmem:s9+$0x1060] =	vst v1;
	s9 =	sshra.s32 s10, $0x2;
	s10 =	sadd.s32 $0x200, s10  }
0x28: {  	[tilespmem:s9+$0x1070] =	vst v1  }
0x29: {  	[tilespmem:s9+$0x1000] =	vst v1  }
0x2a: {  	[tilespmem:s9+$0x1010] =	vst v1  }
0x2b: {  	[tilespmem:s9+$0x1020] =	vst v1  }
0x2c: {  	[tilespmem:s9+$0x1030] =	vst v1  }
0x2d: {  	[tilespmem:s9+$0x1040] =	vst v1  }
0x2e: {  	[tilespmem:s9+$0x1050] =	vst v1  }
0x2f: {  	[tilespmem:s9+$0x1060] =	vst v1  }
0x30: {  	[spmem:s11] =	stream.linear.scatter [tilespmem:s22], [sflag:$0x3], $0x4000, $0x38;
	[tilespmem:$0x1D000] =	vst v63  }
0x31: {  	_ =	swait.ge [sflag:s23], $0x4000  }
0x32: {  	[sflag:s23] =	ssyncset.done $0x0  }
0x33: {  	s10 =	rddreg [dreg:$0x4];
	[sflag:s23] =	ssyncadd.s32 $0xFFFFC000  }
0x34: {  	[spmem:s10] =	stream.linear.scatter [tilespmem:s22], [sflag:$0x3], $0x4000, $0x38;
	[tilespmem:$0x1D000] =	vst v63  }
0x35: {  	_ =	swait.ge [sflag:s23], $0x4000  }
0x36: {  	[sflag:s23] =	ssyncset.done $0x0  }
0x37: {  	s11 =	rddreg [dreg:$0x5];
	[sflag:s23] =	ssyncadd.s32 $0xFFFFC000  }
0x38: {  	[spmem:s11] =	stream.linear.scatter [tilespmem:s22], [sflag:$0x3], $0x4000, $0x38;
	[tilespmem:$0x1D000] =	vst v63  }
0x39: {  	_ =	swait.ge [sflag:s23], $0x4000  }
0x3a: {  	[sflag:s23] =	ssyncset.done $0x0  }
0x3b: {  	s12 =	rddreg [dreg:$0x6];
	[sflag:s23] =	ssyncadd.s32 $0xFFFFC000  }
0x3c: {  	[spmem:s12] =	stream.linear.scatter [tilespmem:s22], [sflag:$0x3], $0x4000, $0x38;
	[tilespmem:$0x1D000] =	vst v63  }
0x3d: {  	_ =	swait.ge [sflag:s23], $0x4000  }
0x3e: {  	[sflag:s23] =	ssyncset.done $0x0  }
0x3f: {  	s10 =	rddreg [dreg:$0x7];
	[sflag:s23] =	ssyncadd.s32 $0xFFFFC000  }
0x40: {  	[spmem:s10] =	stream.linear.scatter [tilespmem:s22], [sflag:$0x3], $0x4000, $0x38;
	[tilespmem:$0x1D000] =	vst v63  }
0x41: {  	_ =	swait.ge [sflag:s23], $0x4000  }
0x42: {  	[sflag:s23] =	ssyncset.done $0x0  }
0x43: {  	[sflag:s23] =	ssyncadd.s32 $0xFFFFC000  }
0x44: {  	[bflag:$0x0] =	sbarrier.arrive $0xFFFF  }
0x45: {  	s11 =	simm.s32 $0x0;
	s10 =	rddreg [dreg:$0x8]  }
0x46: {  	[tilespmem:s11], [sflag:$0x3] =	stream.linear.gather [hbm4b:s10+s11], $0x800, $0x38;
	[tilespmem:$0x1D000] =	vst v63  }
0x47: {  	_ =	swait.ge [sflag:s23], $0x800  }
0x48: {  	[sflag:s23] =	ssyncset.done $0x0  }
0x49: {  	s12 =	rddreg [dreg:$0x9];
	[sflag:s23] =	ssyncadd.s32 $0xFFFFF800  }
0x4a: {  	[tilespmem:s24], [sflag:$0x3] =	stream.linear.gather [hbm4b:s12+s11], $0x800, $0x38;
	[tilespmem:$0x1D000] =	vst v63  }
0x4b: {  	_ =	swait.ge [sflag:s23], $0x800  }
0x4c: {  	[sflag:s23] =	ssyncset.done $0x0  }
0x4d: {  	s9 =	simm.s32 $0x0;
	[sflag:s23] =	ssyncadd.s32 $0xFFFFF800  }
0x4e: {  	v4 =	vld [tilespmem:s9+$0x0]  }
0x4f: {  	v6 =	vld [tilespmem:s9+$0x10]  }
0x50: {  	v5 =	vld [tilespmem:s9+$0x20]  }
0x51: {  	v3 =	vld [tilespmem:s9+$0x30]  }
0x52: {  	v2 =	vld [tilespmem:s9+$0x40]  }
0x53: {  	v7 =	vadd.s32 v0, v4;
	v4 =	vld [tilespmem:s9+$0x50]  }
0x54: {  	s10 =	simm.s32 $0x200;
	s12 =	simm.s32 $0x100;
	[tilespmem:s9+$0x0] =	vst v7;
	v7 =	vadd.s32 v0, v6;
	v6 =	vld [tilespmem:s9+$0x60]  }
.LBB2_4:
0x55: {  	s11 =	sshra.s32 s10, $0x2;
	p0 =	sne.s32 s10, $0x1E00;
	[tilespmem:s9+$0x10] =	vst v7;
	v5 =	vadd.s32 v0, v5;
	v7 =	vld [tilespmem:s9+$0x70]  }
0x56: {  	v8 =	vld [tilespmem:s11+$0x0];
	[tilespmem:s9+$0x20] =	vst v5;
	v3 =	vadd.s32 v0, v3  }
0x57: {  	v9 =	vld [tilespmem:s11+$0x10];
	[tilespmem:s9+$0x30] =	vst v3;
	v2 =	vadd.s32 v0, v2  }
.Ltmp1:
0x58: {  	v5 =	vld [tilespmem:s11+$0x20];
	[tilespmem:s9+$0x40] =	vst v2;
	v2 =	vadd.s32 v0, v4;
	(pc) =	sbr.rel @p0 .LBB2_4-.Ltmp1, $4  }
0x59: {  	v3 =	vld [tilespmem:s11+$0x30];
	[tilespmem:s9+$0x50] =	vst v2;
	v4 =	vadd.s32 v0, v6  }
0x5a: {  	v2 =	vld [tilespmem:s11+$0x40];
	[tilespmem:s9+$0x60] =	vst v4;
	v6 =	vadd.s32 v0, v7  }
0x5b: {  	v7 =	vadd.s32 v0, v8;
	v4 =	vld [tilespmem:s11+$0x50];
	[tilespmem:s9+$0x70] =	vst v6;
	s9 =	smov.u32 s11  }
0x5c: {  	s10 =	sadd.s32 $0x200, s10;
	[tilespmem:s9+$0x0] =	vst v7;
	v7 =	vadd.s32 v0, v9;
	v6 =	vld [tilespmem:s9+$0x60]  }
0x5d: {  	[tilespmem:s9+$0x10] =	vst v7;
	v5 =	vadd.s32 v0, v5;
	v7 =	vld [tilespmem:s9+$0x70]  }
0x5e: {  	[tilespmem:s9+$0x20] =	vst v5;
	v3 =	vadd.s32 v0, v3  }
0x5f: {  	[tilespmem:s9+$0x30] =	vst v3;
	v2 =	vadd.s32 v0, v2  }
0x60: {  	[tilespmem:s9+$0x40] =	vst v2;
	v2 =	vadd.s32 v0, v4  }
0x61: {  	[tilespmem:s9+$0x50] =	vst v2;
	v2 =	vadd.s32 v0, v6  }
0x62: {  	[tilespmem:s9+$0x60] =	vst v2;
	v2 =	vadd.s32 v0, v7  }
0x63: {  	[tilespmem:s9+$0x70] =	vst v2;
	s9 =	simm.s32 $0x0  }
0x64: {  	[tilespmem:s22], [sflag:$0x1] =	stream.indirect.gather [hbm4b:s4+s25], $0x80, s9, s25, $0xb8;
	[tilespmem:$0x1D000] =	vst v63  }
0x65: {  	_ = 	snop  }
0x66: {  	[tilespmem:s26], [sflag:$0x2] =	stream.indirect.gather [hbm4b:s4+s25], $0x80, s25, s25, $0xb8;
	[tilespmem:$0x1D000] =	vst v63  }
0x67: {  	_ =	swait.ge [sflag:s28], $0x4000  }
0x68: {  	[sflag:s28] =	ssyncset.done $0x0  }
0x69: {  	[sflag:s28] =	ssyncadd.s32 $0xFFFFC000  }
0x6a: {  	[spmem:s2] =	stream.indirect.scatter.add.f32 [tilespmem:s22], [sflag:$0x3], $0x80, s24, s25, $0xb8;
	[tilespmem:$0x1D000] =	vst v63  }
0x6b: {  	_ =	swait.ge [sflag:s23], $0x4000  }
0x6c: {  	[sflag:s23] =	ssyncset.done $0x0  }
0x6d: {  	[sflag:s23] =	ssyncadd.s32 $0xFFFFC000  }
0x6e: {  	[tilespmem:s22], [sflag:$0x1] =	stream.indirect.gather [hbm4b:s4+s25], $0x80, s12, s25, $0xb8;
	[tilespmem:$0x1D000] =	vst v63  }
0x6f: {  	_ =	swait.ge [sflag:s30], $0x4000  }
0x70: {  	[sflag:s30] =	ssyncset.done $0x0  }
0x71: {  	s10 =	simm.s32 $0x880;
	[sflag:s30] =	ssyncadd.s32 $0xFFFFC000  }
0x72: {  	[spmem:s2] =	stream.indirect.scatter.add.f32 [tilespmem:s26], [sflag:$0x3], $0x80, s10, s25, $0xb8;
	[tilespmem:$0x1D000] =	vst v63  }
0x73: {  	_ =	swait.ge [sflag:s23], $0x4000  }
0x74: {  	[sflag:s23] =	ssyncset.done $0x0  }
0x75: {  	s11 =	simm.s32 $0x180;
	[sflag:s23] =	ssyncadd.s32 $0xFFFFC000  }
0x76: {  	[tilespmem:s26], [sflag:$0x2] =	stream.indirect.gather [hbm4b:s4+s25], $0x80, s11, s25, $0xb8;
	[tilespmem:$0x1D000] =	vst v63  }
0x77: {  	_ =	swait.ge [sflag:s28], $0x4000  }
0x78: {  	[sflag:s28] =	ssyncset.done $0x0  }
0x79: {  	s11 =	simm.s32 $0x900;
	[sflag:s28] =	ssyncadd.s32 $0xFFFFC000  }
0x7a: {  	[spmem:s2] =	stream.indirect.scatter.add.f32 [tilespmem:s22], [sflag:$0x3], $0x80, s11, s25, $0xb8;
	[tilespmem:$0x1D000] =	vst v63  }
0x7b: {  	_ =	swait.ge [sflag:s23], $0x4000  }
0x7c: {  	[sflag:s23] =	ssyncset.done $0x0  }
0x7d: {  	s11 =	simm.s32 $0x200;
	[sflag:s23] =	ssyncadd.s32 $0xFFFFC000  }
0x7e: {  	[tilespmem:s22], [sflag:$0x1] =	stream.indirect.gather [hbm4b:s4+s25], $0x80, s11, s25, $0xb8;
	[tilespmem:$0x1D000] =	vst v63  }
0x7f: {  	_ =	swait.ge [sflag:s30], $0x4000  }
0x80: {  	[sflag:s30] =	ssyncset.done $0x0  }
0x81: {  	s11 =	simm.s32 $0x980;
	[sflag:s30] =	ssyncadd.s32 $0xFFFFC000  }
0x82: {  	[spmem:s2] =	stream.indirect.scatter.add.f32 [tilespmem:s26], [sflag:$0x3], $0x80, s11, s25, $0xb8;
	[tilespmem:$0x1D000] =	vst v63  }
0x83: {  	_ =	swait.ge [sflag:s23], $0x4000  }
0x84: {  	[sflag:s23] =	ssyncset.done $0x0  }
0x85: {  	s11 =	simm.s32 $0x280;
	[sflag:s23] =	ssyncadd.s32 $0xFFFFC000  }
0x86: {  	[tilespmem:s26], [sflag:$0x2] =	stream.indirect.gather [hbm4b:s4+s25], $0x80, s11, s25, $0xb8;
	[tilespmem:$0x1D000] =	vst v63  }
0x87: {  	_ =	swait.ge [sflag:s28], $0x4000  }
0x88: {  	[sflag:s28] =	ssyncset.done $0x0  }
0x89: {  	s11 =	simm.s32 $0xA00;
	[sflag:s28] =	ssyncadd.s32 $0xFFFFC000  }
0x8a: {  	[spmem:s2] =	stream.indirect.scatter.add.f32 [tilespmem:s22], [sflag:$0x3], $0x80, s11, s25, $0xb8;
	[tilespmem:$0x1D000] =	vst v63  }
0x8b: {  	_ =	swait.ge [sflag:s23], $0x4000  }
0x8c: {  	[sflag:s23] =	ssyncset.done $0x0  }
0x8d: {  	s11 =	simm.s32 $0x300;
	[sflag:s23] =	ssyncadd.s32 $0xFFFFC000  }
0x8e: {  	[tilespmem:s22], [sflag:$0x1] =	stream.indirect.gather [hbm4b:s4+s25], $0x80, s11, s25, $0xb8;
	[tilespmem:$0x1D000] =	vst v63  }
0x8f: {  	_ =	swait.ge [sflag:s30], $0x4000  }
0x90: {  	[sflag:s30] =	ssyncset.done $0x0  }
0x91: {  	s11 =	simm.s32 $0xA80;
	[sflag:s30] =	ssyncadd.s32 $0xFFFFC000  }
0x92: {  	[spmem:s2] =	stream.indirect.scatter.add.f32 [tilespmem:s26], [sflag:$0x3], $0x80, s11, s25, $0xb8;
	[tilespmem:$0x1D000] =	vst v63  }
0x93: {  	_ =	swait.ge [sflag:s23], $0x4000  }
0x94: {  	[sflag:s23] =	ssyncset.done $0x0  }
0x95: {  	s11 =	simm.s32 $0x380;
	[sflag:s23] =	ssyncadd.s32 $0xFFFFC000  }
0x96: {  	[tilespmem:s26], [sflag:$0x2] =	stream.indirect.gather [hbm4b:s4+s25], $0x80, s11, s25, $0xb8;
	[tilespmem:$0x1D000] =	vst v63  }
0x97: {  	_ =	swait.ge [sflag:s28], $0x4000  }
0x98: {  	[sflag:s28] =	ssyncset.done $0x0  }
0x99: {  	s11 =	simm.s32 $0xB00;
	[sflag:s28] =	ssyncadd.s32 $0xFFFFC000  }
0x9a: {  	[spmem:s2] =	stream.indirect.scatter.add.f32 [tilespmem:s22], [sflag:$0x3], $0x80, s11, s25, $0xb8;
	[tilespmem:$0x1D000] =	vst v63  }
0x9b: {  	_ =	swait.ge [sflag:s23], $0x4000  }
0x9c: {  	[sflag:s23] =	ssyncset.done $0x0  }
0x9d: {  	[sflag:s23] =	ssyncadd.s32 $0xFFFFC000  }
0x9e: {  	[tilespmem:s22], [sflag:$0x1] =	stream.indirect.gather [hbm4b:s4+s25], $0x80, s13, s25, $0xb8;
	[tilespmem:$0x1D000] =	vst v63  }
0x9f: {  	_ =	swait.ge [sflag:s30], $0x4000  }
0xa0: {  	[sflag:s30] =	ssyncset.done $0x0  }
0xa1: {  	[sflag:s30] =	ssyncadd.s32 $0xFFFFC000  }
0xa2: {  	[spmem:s2] =	stream.indirect.scatter.add.f32 [tilespmem:s26], [sflag:$0x3], $0x80, s14, s25, $0xb8;
	[tilespmem:$0x1D000] =	vst v63  }
0xa3: {  	_ =	swait.ge [sflag:s23], $0x4000  }
0xa4: {  	[sflag:s23] =	ssyncset.done $0x0  }
0xa5: {  	[sflag:s23] =	ssyncadd.s32 $0xFFFFC000  }
0xa6: {  	[tilespmem:s26], [sflag:$0x2] =	stream.indirect.gather [hbm4b:s4+s25], $0x80, s15, s25, $0xb8;
	[tilespmem:$0x1D000] =	vst v63  }
0xa7: {  	_ =	swait.ge [sflag:s28], $0x4000  }
0xa8: {  	[sflag:s28] =	ssyncset.done $0x0  }
0xa9: {  	[sflag:s28] =	ssyncadd.s32 $0xFFFFC000  }
0xaa: {  	[spmem:s2] =	stream.indirect.scatter.add.f32 [tilespmem:s22], [sflag:$0x3], $0x80, s16, s25, $0xb8;
	[tilespmem:$0x1D000] =	vst v63  }
0xab: {  	_ =	swait.ge [sflag:s23], $0x4000  }
0xac: {  	[sflag:s23] =	ssyncset.done $0x0  }
0xad: {  	[sflag:s23] =	ssyncadd.s32 $0xFFFFC000  }
0xae: {  	[tilespmem:s22], [sflag:$0x1] =	stream.indirect.gather [hbm4b:s4+s25], $0x80, s17, s25, $0xb8;
	[tilespmem:$0x1D000] =	vst v63  }
0xaf: {  	_ =	swait.ge [sflag:s30], $0x4000  }
0xb0: {  	[sflag:s30] =	ssyncset.done $0x0  }
0xb1: {  	[sflag:s30] =	ssyncadd.s32 $0xFFFFC000  }
0xb2: {  	[spmem:s2] =	stream.indirect.scatter.add.f32 [tilespmem:s26], [sflag:$0x3], $0x80, s18, s25, $0xb8;
	[tilespmem:$0x1D000] =	vst v63  }
0xb3: {  	_ =	swait.ge [sflag:s23], $0x4000  }
0xb4: {  	[sflag:s23] =	ssyncset.done $0x0  }
0xb5: {  	[sflag:s23] =	ssyncadd.s32 $0xFFFFC000  }
0xb6: {  	[tilespmem:s26], [sflag:$0x2] =	stream.indirect.gather [hbm4b:s4+s25], $0x80, s19, s25, $0xb8;
	[tilespmem:$0x1D000] =	vst v63  }
0xb7: {  	_ =	swait.ge [sflag:s28], $0x4000  }
0xb8: {  	[sflag:s28] =	ssyncset.done $0x0  }
0xb9: {  	[sflag:s28] =	ssyncadd.s32 $0xFFFFC000  }
0xba: {  	[spmem:s2] =	stream.indirect.scatter.add.f32 [tilespmem:s22], [sflag:$0x3], $0x80, s20, s25, $0xb8;
	[tilespmem:$0x1D000] =	vst v63  }
0xbb: {  	_ =	swait.ge [sflag:s23], $0x4000  }
0xbc: {  	[sflag:s23] =	ssyncset.done $0x0  }
0xbd: {  	[sflag:s23] =	ssyncadd.s32 $0xFFFFC000  }
0xbe: {  	[tilespmem:s22], [sflag:$0x1] =	stream.indirect.gather [hbm4b:s4+s25], $0x80, s21, s25, $0xb8;
	[tilespmem:$0x1D000] =	vst v63  }
0xbf: {  	_ =	swait.ge [sflag:s30], $0x4000  }
0xc0: {  	[sflag:s30] =	ssyncset.done $0x0  }
0xc1: {  	[sflag:s30] =	ssyncadd.s32 $0xFFFFC000  }
0xc2: {  	[spmem:s2] =	stream.indirect.scatter.add.f32 [tilespmem:s26], [sflag:$0x3], $0x80, s5, s25, $0xb8;
	[tilespmem:$0x1D000] =	vst v63  }
0xc3: {  	_ =	swait.ge [sflag:s23], $0x4000  }
0xc4: {  	[sflag:s23] =	ssyncset.done $0x0  }
0xc5: {  	[sflag:s23] =	ssyncadd.s32 $0xFFFFC000  }
0xc6: {  	[tilespmem:s26], [sflag:$0x2] =	stream.indirect.gather [hbm4b:s4+s25], $0x80, s29, s25, $0xb8;
	[tilespmem:$0x1D000] =	vst v63  }
0xc7: {  	_ =	swait.ge [sflag:s28], $0x4000  }
0xc8: {  	[sflag:s28] =	ssyncset.done $0x0  }
0xc9: {  	[sflag:s28] =	ssyncadd.s32 $0xFFFFC000  }
0xca: {  	[spmem:s2] =	stream.indirect.scatter.add.f32 [tilespmem:s22], [sflag:$0x3], $0x80, s31, s25, $0xb8;
	[tilespmem:$0x1D000] =	vst v63  }
0xcb: {  	_ =	swait.ge [sflag:s23], $0x4000  }
0xcc: {  	[sflag:s23] =	ssyncset.done $0x0  }
0xcd: {  	[sflag:s23] =	ssyncadd.s32 $0xFFFFC000  }
0xce: {  	[tilespmem:s22], [sflag:$0x1] =	stream.indirect.gather [hbm4b:s4+s25], $0x80, s0, s25, $0xb8;
	[tilespmem:$0x1D000] =	vst v63  }
0xcf: {  	_ =	swait.ge [sflag:s30], $0x4000  }
0xd0: {  	[sflag:s30] =	ssyncset.done $0x0  }
0xd1: {  	[sflag:s30] =	ssyncadd.s32 $0xFFFFC000  }
0xd2: {  	[spmem:s2] =	stream.indirect.scatter.add.f32 [tilespmem:s26], [sflag:$0x3], $0x80, s3, s25, $0xb8;
	[tilespmem:$0x1D000] =	vst v63  }
0xd3: {  	_ =	swait.ge [sflag:s23], $0x4000  }
0xd4: {  	[sflag:s23] =	ssyncset.done $0x0  }
0xd5: {  	[sflag:s23] =	ssyncadd.s32 $0xFFFFC000  }
0xd6: {  	[tilespmem:s26], [sflag:$0x2] =	stream.indirect.gather [hbm4b:s4+s25], $0x80, s1, s25, $0xb8;
	[tilespmem:$0x1D000] =	vst v63  }
0xd7: {  	_ =	swait.ge [sflag:s28], $0x4000  }
0xd8: {  	[sflag:s28] =	ssyncset.done $0x0  }
0xd9: {  	[sflag:s28] =	ssyncadd.s32 $0xFFFFC000  }
0xda: {  	[spmem:s2] =	stream.indirect.scatter.add.f32 [tilespmem:s22], [sflag:$0x3], $0x80, s6, s25, $0xb8;
	[tilespmem:$0x1D000] =	vst v63  }
0xdb: {  	_ =	swait.ge [sflag:s23], $0x4000  }
0xdc: {  	[sflag:s23] =	ssyncset.done $0x0  }
0xdd: {  	[sflag:s23] =	ssyncadd.s32 $0xFFFFC000  }
0xde: {  	_ =	swait.ge [sflag:s30], $0x4000  }
0xdf: {  	[sflag:s30] =	ssyncset.done $0x0  }
0xe0: {  	[sflag:s30] =	ssyncadd.s32 $0xFFFFC000  }
0xe1: {  	[spmem:s2] =	stream.indirect.scatter.add.f32 [tilespmem:s26], [sflag:$0x3], $0x80, s7, s25, $0xb8;
	[tilespmem:$0x1D000] =	vst v63  }
0xe2: {  	_ =	swait.ge [sflag:s23], $0x4000  }
0xe3: {  	[sflag:s23] =	ssyncset.done $0x0  }
0xe4: {  	s11 =	rddreg [dreg:$0xa];
	[sflag:s23] =	ssyncadd.s32 $0xFFFFC000  }
0xe5: {  	[tilespmem:s9], [sflag:$0x3] =	stream.linear.gather [hbm4b:s11+s9], $0x800, $0x38;
	[tilespmem:$0x1D000] =	vst v63  }
0xe6: {  	_ =	swait.ge [sflag:s23], $0x800  }
0xe7: {  	[sflag:s23] =	ssyncset.done $0x0  }
0xe8: {  	s11 =	rddreg [dreg:$0xb];
	[sflag:s23] =	ssyncadd.s32 $0xFFFFF800  }
0xe9: {  	[tilespmem:s24], [sflag:$0x3] =	stream.linear.gather [hbm4b:s11+s9], $0x800, $0x38;
	[tilespmem:$0x1D000] =	vst v63  }
0xea: {  	_ =	swait.ge [sflag:s23], $0x800  }
0xeb: {  	[sflag:s23] =	ssyncset.done $0x0  }
0xec: {  	s9 =	simm.s32 $0x0;
	[sflag:s23] =	ssyncadd.s32 $0xFFFFF800  }
0xed: {  	v4 =	vld [tilespmem:s9+$0x0]  }
0xee: {  	v6 =	vld [tilespmem:s9+$0x10]  }
0xef: {  	v5 =	vld [tilespmem:s9+$0x20]  }
0xf0: {  	v3 =	vld [tilespmem:s9+$0x30]  }
0xf1: {  	v2 =	vld [tilespmem:s9+$0x40]  }
0xf2: {  	v7 =	vadd.s32 v0, v4;
	v4 =	vld [tilespmem:s9+$0x50]  }
0xf3: {  	s10 =	simm.s32 $0x200;
	[tilespmem:s9+$0x0] =	vst v7;
	v7 =	vadd.s32 v0, v6;
	v6 =	vld [tilespmem:s9+$0x60]  }
.LBB2_6:
0xf4: {  	s11 =	sshra.s32 s10, $0x2;
	p0 =	sne.s32 s10, $0x1E00;
	[tilespmem:s9+$0x10] =	vst v7;
	v5 =	vadd.s32 v0, v5;
	v7 =	vld [tilespmem:s9+$0x70]  }
0xf5: {  	v8 =	vld [tilespmem:s11+$0x0];
	[tilespmem:s9+$0x20] =	vst v5;
	v3 =	vadd.s32 v0, v3  }
0xf6: {  	v9 =	vld [tilespmem:s11+$0x10];
	[tilespmem:s9+$0x30] =	vst v3;
	v2 =	vadd.s32 v0, v2  }
.Ltmp2:
0xf7: {  	v5 =	vld [tilespmem:s11+$0x20];
	[tilespmem:s9+$0x40] =	vst v2;
	v2 =	vadd.s32 v0, v4;
	(pc) =	sbr.rel @p0 .LBB2_6-.Ltmp2, $4  }
0xf8: {  	v3 =	vld [tilespmem:s11+$0x30];
	[tilespmem:s9+$0x50] =	vst v2;
	v4 =	vadd.s32 v0, v6  }
0xf9: {  	v2 =	vld [tilespmem:s11+$0x40];
	[tilespmem:s9+$0x60] =	vst v4;
	v6 =	vadd.s32 v0, v7  }
0xfa: {  	v7 =	vadd.s32 v0, v8;
	v4 =	vld [tilespmem:s11+$0x50];
	[tilespmem:s9+$0x70] =	vst v6;
	s9 =	smov.u32 s11  }
0xfb: {  	s10 =	sadd.s32 $0x200, s10;
	[tilespmem:s9+$0x0] =	vst v7;
	v7 =	vadd.s32 v0, v9;
	v6 =	vld [tilespmem:s9+$0x60]  }
0xfc: {  	[tilespmem:s9+$0x10] =	vst v7;
	v5 =	vadd.s32 v0, v5;
	v7 =	vld [tilespmem:s9+$0x70]  }
0xfd: {  	[tilespmem:s9+$0x20] =	vst v5;
	v3 =	vadd.s32 v0, v3  }
0xfe: {  	[tilespmem:s9+$0x30] =	vst v3;
	v2 =	vadd.s32 v0, v2  }
0xff: {  	[tilespmem:s9+$0x40] =	vst v2;
	v2 =	vadd.s32 v0, v4  }
0x100: {  	[tilespmem:s9+$0x50] =	vst v2;
	v2 =	vadd.s32 v0, v6  }
0x101: {  	[tilespmem:s9+$0x60] =	vst v2;
	v2 =	vadd.s32 v0, v7  }
0x102: {  	[tilespmem:s9+$0x70] =	vst v2;
	s9 =	simm.s32 $0x0  }
0x103: {  	[tilespmem:s22], [sflag:$0x1] =	stream.indirect.gather [hbm4b:s4+s25], $0x80, s9, s25, $0xb8;
	[tilespmem:$0x1D000] =	vst v63  }
0x104: {  	_ = 	snop  }
0x105: {  	[tilespmem:s26], [sflag:$0x2] =	stream.indirect.gather [hbm4b:s4+s25], $0x80, s25, s25, $0xb8;
	[tilespmem:$0x1D000] =	vst v63  }
0x106: {  	_ =	swait.ge [sflag:s28], $0x4000  }
0x107: {  	[sflag:s28] =	ssyncset.done $0x0  }
0x108: {  	[sflag:s28] =	ssyncadd.s32 $0xFFFFC000  }
0x109: {  	[spmem:s2] =	stream.indirect.scatter.add.f32 [tilespmem:s22], [sflag:$0x3], $0x80, s24, s25, $0xb8;
	[tilespmem:$0x1D000] =	vst v63  }
0x10a: {  	_ =	swait.ge [sflag:s23], $0x4000  }
0x10b: {  	[sflag:s23] =	ssyncset.done $0x0  }
0x10c: {  	[sflag:s23] =	ssyncadd.s32 $0xFFFFC000  }
0x10d: {  	[tilespmem:s22], [sflag:$0x1] =	stream.indirect.gather [hbm4b:s4+s25], $0x80, s12, s25, $0xb8;
	[tilespmem:$0x1D000] =	vst v63  }
0x10e: {  	_ =	swait.ge [sflag:s30], $0x4000  }
0x10f: {  	[sflag:s30] =	ssyncset.done $0x0  }
0x110: {  	s10 =	simm.s32 $0x880;
	[sflag:s30] =	ssyncadd.s32 $0xFFFFC000  }
0x111: {  	[spmem:s2] =	stream.indirect.scatter.add.f32 [tilespmem:s26], [sflag:$0x3], $0x80, s10, s25, $0xb8;
	[tilespmem:$0x1D000] =	vst v63  }
0x112: {  	_ =	swait.ge [sflag:s23], $0x4000  }
0x113: {  	[sflag:s23] =	ssyncset.done $0x0  }
0x114: {  	s11 =	simm.s32 $0x180;
	[sflag:s23] =	ssyncadd.s32 $0xFFFFC000  }
0x115: {  	[tilespmem:s26], [sflag:$0x2] =	stream.indirect.gather [hbm4b:s4+s25], $0x80, s11, s25, $0xb8;
	[tilespmem:$0x1D000] =	vst v63  }
0x116: {  	_ =	swait.ge [sflag:s28], $0x4000  }
0x117: {  	[sflag:s28] =	ssyncset.done $0x0  }
0x118: {  	s11 =	simm.s32 $0x900;
	[sflag:s28] =	ssyncadd.s32 $0xFFFFC000  }
0x119: {  	[spmem:s2] =	stream.indirect.scatter.add.f32 [tilespmem:s22], [sflag:$0x3], $0x80, s11, s25, $0xb8;
	[tilespmem:$0x1D000] =	vst v63  }
0x11a: {  	_ =	swait.ge [sflag:s23], $0x4000  }
0x11b: {  	[sflag:s23] =	ssyncset.done $0x0  }
0x11c: {  	s11 =	simm.s32 $0x200;
	[sflag:s23] =	ssyncadd.s32 $0xFFFFC000  }
0x11d: {  	[tilespmem:s22], [sflag:$0x1] =	stream.indirect.gather [hbm4b:s4+s25], $0x80, s11, s25, $0xb8;
	[tilespmem:$0x1D000] =	vst v63  }
0x11e: {  	_ =	swait.ge [sflag:s30], $0x4000  }
0x11f: {  	[sflag:s30] =	ssyncset.done $0x0  }
0x120: {  	s11 =	simm.s32 $0x980;
	[sflag:s30] =	ssyncadd.s32 $0xFFFFC000  }
0x121: {  	[spmem:s2] =	stream.indirect.scatter.add.f32 [tilespmem:s26], [sflag:$0x3], $0x80, s11, s25, $0xb8;
	[tilespmem:$0x1D000] =	vst v63  }
0x122: {  	_ =	swait.ge [sflag:s23], $0x4000  }
0x123: {  	[sflag:s23] =	ssyncset.done $0x0  }
0x124: {  	s11 =	simm.s32 $0x280;
	[sflag:s23] =	ssyncadd.s32 $0xFFFFC000  }
0x125: {  	[tilespmem:s26], [sflag:$0x2] =	stream.indirect.gather [hbm4b:s4+s25], $0x80, s11, s25, $0xb8;
	[tilespmem:$0x1D000] =	vst v63  }
0x126: {  	_ =	swait.ge [sflag:s28], $0x4000  }
0x127: {  	[sflag:s28] =	ssyncset.done $0x0  }
0x128: {  	s11 =	simm.s32 $0xA00;
	[sflag:s28] =	ssyncadd.s32 $0xFFFFC000  }
0x129: {  	[spmem:s2] =	stream.indirect.scatter.add.f32 [tilespmem:s22], [sflag:$0x3], $0x80, s11, s25, $0xb8;
	[tilespmem:$0x1D000] =	vst v63  }
0x12a: {  	_ =	swait.ge [sflag:s23], $0x4000  }
0x12b: {  	[sflag:s23] =	ssyncset.done $0x0  }
0x12c: {  	s11 =	simm.s32 $0x300;
	[sflag:s23] =	ssyncadd.s32 $0xFFFFC000  }
0x12d: {  	[tilespmem:s22], [sflag:$0x1] =	stream.indirect.gather [hbm4b:s4+s25], $0x80, s11, s25, $0xb8;
	[tilespmem:$0x1D000] =	vst v63  }
0x12e: {  	_ =	swait.ge [sflag:s30], $0x4000  }
0x12f: {  	[sflag:s30] =	ssyncset.done $0x0  }
0x130: {  	s11 =	simm.s32 $0xA80;
	[sflag:s30] =	ssyncadd.s32 $0xFFFFC000  }
0x131: {  	[spmem:s2] =	stream.indirect.scatter.add.f32 [tilespmem:s26], [sflag:$0x3], $0x80, s11, s25, $0xb8;
	[tilespmem:$0x1D000] =	vst v63  }
0x132: {  	_ =	swait.ge [sflag:s23], $0x4000  }
0x133: {  	[sflag:s23] =	ssyncset.done $0x0  }
0x134: {  	s11 =	simm.s32 $0x380;
	[sflag:s23] =	ssyncadd.s32 $0xFFFFC000  }
0x135: {  	[tilespmem:s26], [sflag:$0x2] =	stream.indirect.gather [hbm4b:s4+s25], $0x80, s11, s25, $0xb8;
	[tilespmem:$0x1D000] =	vst v63  }
0x136: {  	_ =	swait.ge [sflag:s28], $0x4000  }
0x137: {  	[sflag:s28] =	ssyncset.done $0x0  }
0x138: {  	s11 =	simm.s32 $0xB00;
	[sflag:s28] =	ssyncadd.s32 $0xFFFFC000  }
0x139: {  	[spmem:s2] =	stream.indirect.scatter.add.f32 [tilespmem:s22], [sflag:$0x3], $0x80, s11, s25, $0xb8;
	[tilespmem:$0x1D000] =	vst v63  }
0x13a: {  	_ =	swait.ge [sflag:s23], $0x4000  }
0x13b: {  	[sflag:s23] =	ssyncset.done $0x0  }
0x13c: {  	[sflag:s23] =	ssyncadd.s32 $0xFFFFC000  }
0x13d: {  	[tilespmem:s22], [sflag:$0x1] =	stream.indirect.gather [hbm4b:s4+s25], $0x80, s13, s25, $0xb8;
	[tilespmem:$0x1D000] =	vst v63  }
0x13e: {  	_ =	swait.ge [sflag:s30], $0x4000  }
0x13f: {  	[sflag:s30] =	ssyncset.done $0x0  }
0x140: {  	[sflag:s30] =	ssyncadd.s32 $0xFFFFC000  }
0x141: {  	[spmem:s2] =	stream.indirect.scatter.add.f32 [tilespmem:s26], [sflag:$0x3], $0x80, s14, s25, $0xb8;
	[tilespmem:$0x1D000] =	vst v63  }
0x142: {  	_ =	swait.ge [sflag:s23], $0x4000  }
0x143: {  	[sflag:s23] =	ssyncset.done $0x0  }
0x144: {  	[sflag:s23] =	ssyncadd.s32 $0xFFFFC000  }
0x145: {  	[tilespmem:s26], [sflag:$0x2] =	stream.indirect.gather [hbm4b:s4+s25], $0x80, s15, s25, $0xb8;
	[tilespmem:$0x1D000] =	vst v63  }
0x146: {  	_ =	swait.ge [sflag:s28], $0x4000  }
0x147: {  	[sflag:s28] =	ssyncset.done $0x0  }
0x148: {  	[sflag:s28] =	ssyncadd.s32 $0xFFFFC000  }
0x149: {  	[spmem:s2] =	stream.indirect.scatter.add.f32 [tilespmem:s22], [sflag:$0x3], $0x80, s16, s25, $0xb8;
	[tilespmem:$0x1D000] =	vst v63  }
0x14a: {  	_ =	swait.ge [sflag:s23], $0x4000  }
0x14b: {  	[sflag:s23] =	ssyncset.done $0x0  }
0x14c: {  	[sflag:s23] =	ssyncadd.s32 $0xFFFFC000  }
0x14d: {  	[tilespmem:s22], [sflag:$0x1] =	stream.indirect.gather [hbm4b:s4+s25], $0x80, s17, s25, $0xb8;
	[tilespmem:$0x1D000] =	vst v63  }
0x14e: {  	_ =	swait.ge [sflag:s30], $0x4000  }
0x14f: {  	[sflag:s30] =	ssyncset.done $0x0  }
0x150: {  	[sflag:s30] =	ssyncadd.s32 $0xFFFFC000  }
0x151: {  	[spmem:s2] =	stream.indirect.scatter.add.f32 [tilespmem:s26], [sflag:$0x3], $0x80, s18, s25, $0xb8;
	[tilespmem:$0x1D000] =	vst v63  }
0x152: {  	_ =	swait.ge [sflag:s23], $0x4000  }
0x153: {  	[sflag:s23] =	ssyncset.done $0x0  }
0x154: {  	[sflag:s23] =	ssyncadd.s32 $0xFFFFC000  }
0x155: {  	[tilespmem:s26], [sflag:$0x2] =	stream.indirect.gather [hbm4b:s4+s25], $0x80, s19, s25, $0xb8;
	[tilespmem:$0x1D000] =	vst v63  }
0x156: {  	_ =	swait.ge [sflag:s28], $0x4000  }
0x157: {  	[sflag:s28] =	ssyncset.done $0x0  }
0x158: {  	[sflag:s28] =	ssyncadd.s32 $0xFFFFC000  }
0x159: {  	[spmem:s2] =	stream.indirect.scatter.add.f32 [tilespmem:s22], [sflag:$0x3], $0x80, s20, s25, $0xb8;
	[tilespmem:$0x1D000] =	vst v63  }
0x15a: {  	_ =	swait.ge [sflag:s23], $0x4000  }
0x15b: {  	[sflag:s23] =	ssyncset.done $0x0  }
0x15c: {  	[sflag:s23] =	ssyncadd.s32 $0xFFFFC000  }
0x15d: {  	[tilespmem:s22], [sflag:$0x1] =	stream.indirect.gather [hbm4b:s4+s25], $0x80, s21, s25, $0xb8;
	[tilespmem:$0x1D000] =	vst v63  }
0x15e: {  	_ =	swait.ge [sflag:s30], $0x4000  }
0x15f: {  	[sflag:s30] =	ssyncset.done $0x0  }
0x160: {  	[sflag:s30] =	ssyncadd.s32 $0xFFFFC000  }
0x161: {  	[spmem:s2] =	stream.indirect.scatter.add.f32 [tilespmem:s26], [sflag:$0x3], $0x80, s5, s25, $0xb8;
	[tilespmem:$0x1D000] =	vst v63  }
0x162: {  	_ =	swait.ge [sflag:s23], $0x4000  }
0x163: {  	[sflag:s23] =	ssyncset.done $0x0  }
0x164: {  	[sflag:s23] =	ssyncadd.s32 $0xFFFFC000  }
0x165: {  	[tilespmem:s26], [sflag:$0x2] =	stream.indirect.gather [hbm4b:s4+s25], $0x80, s29, s25, $0xb8;
	[tilespmem:$0x1D000] =	vst v63  }
0x166: {  	_ =	swait.ge [sflag:s28], $0x4000  }
0x167: {  	[sflag:s28] =	ssyncset.done $0x0  }
0x168: {  	[sflag:s28] =	ssyncadd.s32 $0xFFFFC000  }
0x169: {  	[spmem:s2] =	stream.indirect.scatter.add.f32 [tilespmem:s22], [sflag:$0x3], $0x80, s31, s25, $0xb8;
	[tilespmem:$0x1D000] =	vst v63  }
0x16a: {  	_ =	swait.ge [sflag:s23], $0x4000  }
0x16b: {  	[sflag:s23] =	ssyncset.done $0x0  }
0x16c: {  	[sflag:s23] =	ssyncadd.s32 $0xFFFFC000  }
0x16d: {  	[tilespmem:s22], [sflag:$0x1] =	stream.indirect.gather [hbm4b:s4+s25], $0x80, s0, s25, $0xb8;
	[tilespmem:$0x1D000] =	vst v63  }
0x16e: {  	_ =	swait.ge [sflag:s30], $0x4000  }
0x16f: {  	[sflag:s30] =	ssyncset.done $0x0  }
0x170: {  	[sflag:s30] =	ssyncadd.s32 $0xFFFFC000  }
0x171: {  	[spmem:s2] =	stream.indirect.scatter.add.f32 [tilespmem:s26], [sflag:$0x3], $0x80, s3, s25, $0xb8;
	[tilespmem:$0x1D000] =	vst v63  }
0x172: {  	_ =	swait.ge [sflag:s23], $0x4000  }
0x173: {  	[sflag:s23] =	ssyncset.done $0x0  }
0x174: {  	[sflag:s23] =	ssyncadd.s32 $0xFFFFC000  }
0x175: {  	[tilespmem:s26], [sflag:$0x2] =	stream.indirect.gather [hbm4b:s4+s25], $0x80, s1, s25, $0xb8;
	[tilespmem:$0x1D000] =	vst v63  }
0x176: {  	_ =	swait.ge [sflag:s28], $0x4000  }
0x177: {  	[sflag:s28] =	ssyncset.done $0x0  }
0x178: {  	[sflag:s28] =	ssyncadd.s32 $0xFFFFC000  }
0x179: {  	[spmem:s2] =	stream.indirect.scatter.add.f32 [tilespmem:s22], [sflag:$0x3], $0x80, s6, s25, $0xb8;
	[tilespmem:$0x1D000] =	vst v63  }
0x17a: {  	_ =	swait.ge [sflag:s23], $0x4000  }
0x17b: {  	[sflag:s23] =	ssyncset.done $0x0  }
0x17c: {  	[sflag:s23] =	ssyncadd.s32 $0xFFFFC000  }
0x17d: {  	_ =	swait.ge [sflag:s30], $0x4000  }
0x17e: {  	[sflag:s30] =	ssyncset.done $0x0  }
0x17f: {  	[sflag:s30] =	ssyncadd.s32 $0xFFFFC000  }
0x180: {  	[spmem:s2] =	stream.indirect.scatter.add.f32 [tilespmem:s26], [sflag:$0x3], $0x80, s7, s25, $0xb8;
	[tilespmem:$0x1D000] =	vst v63  }
0x181: {  	_ =	swait.ge [sflag:s23], $0x4000  }
0x182: {  	[sflag:s23] =	ssyncset.done $0x0  }
0x183: {  	s11 =	rddreg [dreg:$0xc];
	[sflag:s23] =	ssyncadd.s32 $0xFFFFC000  }
0x184: {  	[tilespmem:s9], [sflag:$0x3] =	stream.linear.gather [hbm4b:s11+s9], $0x800, $0x38;
	[tilespmem:$0x1D000] =	vst v63  }
0x185: {  	_ =	swait.ge [sflag:s23], $0x800  }
0x186: {  	[sflag:s23] =	ssyncset.done $0x0  }
0x187: {  	s11 =	rddreg [dreg:$0xd];
	[sflag:s23] =	ssyncadd.s32 $0xFFFFF800  }
0x188: {  	[tilespmem:s24], [sflag:$0x3] =	stream.linear.gather [hbm4b:s11+s9], $0x800, $0x38;
	[tilespmem:$0x1D000] =	vst v63  }
0x189: {  	_ =	swait.ge [sflag:s23], $0x800  }
0x18a: {  	[sflag:s23] =	ssyncset.done $0x0  }
0x18b: {  	s9 =	simm.s32 $0x0;
	[sflag:s23] =	ssyncadd.s32 $0xFFFFF800  }
0x18c: {  	v4 =	vld [tilespmem:s9+$0x0]  }
0x18d: {  	v6 =	vld [tilespmem:s9+$0x10]  }
0x18e: {  	v5 =	vld [tilespmem:s9+$0x20]  }
0x18f: {  	v3 =	vld [tilespmem:s9+$0x30]  }
0x190: {  	v2 =	vld [tilespmem:s9+$0x40]  }
0x191: {  	v7 =	vadd.s32 v0, v4;
	v4 =	vld [tilespmem:s9+$0x50]  }
0x192: {  	s10 =	simm.s32 $0x200;
	[tilespmem:s9+$0x0] =	vst v7;
	v7 =	vadd.s32 v0, v6;
	v6 =	vld [tilespmem:s9+$0x60]  }
.LBB2_8:
0x193: {  	s11 =	sshra.s32 s10, $0x2;
	p0 =	sne.s32 s10, $0x1E00;
	[tilespmem:s9+$0x10] =	vst v7;
	v5 =	vadd.s32 v0, v5;
	v7 =	vld [tilespmem:s9+$0x70]  }
0x194: {  	v8 =	vld [tilespmem:s11+$0x0];
	[tilespmem:s9+$0x20] =	vst v5;
	v3 =	vadd.s32 v0, v3  }
0x195: {  	v9 =	vld [tilespmem:s11+$0x10];
	[tilespmem:s9+$0x30] =	vst v3;
	v2 =	vadd.s32 v0, v2  }
.Ltmp3:
0x196: {  	v5 =	vld [tilespmem:s11+$0x20];
	[tilespmem:s9+$0x40] =	vst v2;
	v2 =	vadd.s32 v0, v4;
	(pc) =	sbr.rel @p0 .LBB2_8-.Ltmp3, $4  }
0x197: {  	v3 =	vld [tilespmem:s11+$0x30];
	[tilespmem:s9+$0x50] =	vst v2;
	v4 =	vadd.s32 v0, v6  }
0x198: {  	v2 =	vld [tilespmem:s11+$0x40];
	[tilespmem:s9+$0x60] =	vst v4;
	v6 =	vadd.s32 v0, v7  }
0x199: {  	v7 =	vadd.s32 v0, v8;
	v4 =	vld [tilespmem:s11+$0x50];
	[tilespmem:s9+$0x70] =	vst v6;
	s9 =	smov.u32 s11  }
0x19a: {  	s10 =	sadd.s32 $0x200, s10;
	[tilespmem:s9+$0x0] =	vst v7;
	v7 =	vadd.s32 v0, v9;
	v6 =	vld [tilespmem:s9+$0x60]  }
0x19b: {  	[tilespmem:s9+$0x10] =	vst v7;
	v5 =	vadd.s32 v0, v5;
	v7 =	vld [tilespmem:s9+$0x70]  }
0x19c: {  	[tilespmem:s9+$0x20] =	vst v5;
	v3 =	vadd.s32 v0, v3  }
0x19d: {  	[tilespmem:s9+$0x30] =	vst v3;
	v2 =	vadd.s32 v0, v2  }
0x19e: {  	[tilespmem:s9+$0x40] =	vst v2;
	v2 =	vadd.s32 v0, v4  }
0x19f: {  	[tilespmem:s9+$0x50] =	vst v2;
	v2 =	vadd.s32 v0, v6  }
0x1a0: {  	[tilespmem:s9+$0x60] =	vst v2;
	v2 =	vadd.s32 v0, v7  }
0x1a1: {  	[tilespmem:s9+$0x70] =	vst v2;
	s9 =	simm.s32 $0x0  }
0x1a2: {  	[tilespmem:s22], [sflag:$0x1] =	stream.indirect.gather [hbm4b:s4+s25], $0x80, s9, s25, $0xb8;
	[tilespmem:$0x1D000] =	vst v63  }
0x1a3: {  	_ = 	snop  }
0x1a4: {  	[tilespmem:s26], [sflag:$0x2] =	stream.indirect.gather [hbm4b:s4+s25], $0x80, s25, s25, $0xb8;
	[tilespmem:$0x1D000] =	vst v63  }
0x1a5: {  	_ =	swait.ge [sflag:s28], $0x4000  }
0x1a6: {  	[sflag:s28] =	ssyncset.done $0x0  }
0x1a7: {  	[sflag:s28] =	ssyncadd.s32 $0xFFFFC000  }
0x1a8: {  	[spmem:s2] =	stream.indirect.scatter.add.f32 [tilespmem:s22], [sflag:$0x3], $0x80, s24, s25, $0xb8;
	[tilespmem:$0x1D000] =	vst v63  }
0x1a9: {  	_ =	swait.ge [sflag:s23], $0x4000  }
0x1aa: {  	[sflag:s23] =	ssyncset.done $0x0  }
0x1ab: {  	[sflag:s23] =	ssyncadd.s32 $0xFFFFC000  }
0x1ac: {  	[tilespmem:s22], [sflag:$0x1] =	stream.indirect.gather [hbm4b:s4+s25], $0x80, s12, s25, $0xb8;
	[tilespmem:$0x1D000] =	vst v63  }
0x1ad: {  	_ =	swait.ge [sflag:s30], $0x4000  }
0x1ae: {  	[sflag:s30] =	ssyncset.done $0x0  }
0x1af: {  	s10 =	simm.s32 $0x880;
	[sflag:s30] =	ssyncadd.s32 $0xFFFFC000  }
0x1b0: {  	[spmem:s2] =	stream.indirect.scatter.add.f32 [tilespmem:s26], [sflag:$0x3], $0x80, s10, s25, $0xb8;
	[tilespmem:$0x1D000] =	vst v63  }
0x1b1: {  	_ =	swait.ge [sflag:s23], $0x4000  }
0x1b2: {  	[sflag:s23] =	ssyncset.done $0x0  }
0x1b3: {  	s11 =	simm.s32 $0x180;
	[sflag:s23] =	ssyncadd.s32 $0xFFFFC000  }
0x1b4: {  	[tilespmem:s26], [sflag:$0x2] =	stream.indirect.gather [hbm4b:s4+s25], $0x80, s11, s25, $0xb8;
	[tilespmem:$0x1D000] =	vst v63  }
0x1b5: {  	_ =	swait.ge [sflag:s28], $0x4000  }
0x1b6: {  	[sflag:s28] =	ssyncset.done $0x0  }
0x1b7: {  	s11 =	simm.s32 $0x900;
	[sflag:s28] =	ssyncadd.s32 $0xFFFFC000  }
0x1b8: {  	[spmem:s2] =	stream.indirect.scatter.add.f32 [tilespmem:s22], [sflag:$0x3], $0x80, s11, s25, $0xb8;
	[tilespmem:$0x1D000] =	vst v63  }
0x1b9: {  	_ =	swait.ge [sflag:s23], $0x4000  }
0x1ba: {  	[sflag:s23] =	ssyncset.done $0x0  }
0x1bb: {  	s11 =	simm.s32 $0x200;
	[sflag:s23] =	ssyncadd.s32 $0xFFFFC000  }
0x1bc: {  	[tilespmem:s22], [sflag:$0x1] =	stream.indirect.gather [hbm4b:s4+s25], $0x80, s11, s25, $0xb8;
	[tilespmem:$0x1D000] =	vst v63  }
0x1bd: {  	_ =	swait.ge [sflag:s30], $0x4000  }
0x1be: {  	[sflag:s30] =	ssyncset.done $0x0  }
0x1bf: {  	s11 =	simm.s32 $0x980;
	[sflag:s30] =	ssyncadd.s32 $0xFFFFC000  }
0x1c0: {  	[spmem:s2] =	stream.indirect.scatter.add.f32 [tilespmem:s26], [sflag:$0x3], $0x80, s11, s25, $0xb8;
	[tilespmem:$0x1D000] =	vst v63  }
0x1c1: {  	_ =	swait.ge [sflag:s23], $0x4000  }
0x1c2: {  	[sflag:s23] =	ssyncset.done $0x0  }
0x1c3: {  	s11 =	simm.s32 $0x280;
	[sflag:s23] =	ssyncadd.s32 $0xFFFFC000  }
0x1c4: {  	[tilespmem:s26], [sflag:$0x2] =	stream.indirect.gather [hbm4b:s4+s25], $0x80, s11, s25, $0xb8;
	[tilespmem:$0x1D000] =	vst v63  }
0x1c5: {  	_ =	swait.ge [sflag:s28], $0x4000  }
0x1c6: {  	[sflag:s28] =	ssyncset.done $0x0  }
0x1c7: {  	s11 =	simm.s32 $0xA00;
	[sflag:s28] =	ssyncadd.s32 $0xFFFFC000  }
0x1c8: {  	[spmem:s2] =	stream.indirect.scatter.add.f32 [tilespmem:s22], [sflag:$0x3], $0x80, s11, s25, $0xb8;
	[tilespmem:$0x1D000] =	vst v63  }
0x1c9: {  	_ =	swait.ge [sflag:s23], $0x4000  }
0x1ca: {  	[sflag:s23] =	ssyncset.done $0x0  }
0x1cb: {  	s11 =	simm.s32 $0x300;
	[sflag:s23] =	ssyncadd.s32 $0xFFFFC000  }
0x1cc: {  	[tilespmem:s22], [sflag:$0x1] =	stream.indirect.gather [hbm4b:s4+s25], $0x80, s11, s25, $0xb8;
	[tilespmem:$0x1D000] =	vst v63  }
0x1cd: {  	_ =	swait.ge [sflag:s30], $0x4000  }
0x1ce: {  	[sflag:s30] =	ssyncset.done $0x0  }
0x1cf: {  	s11 =	simm.s32 $0xA80;
	[sflag:s30] =	ssyncadd.s32 $0xFFFFC000  }
0x1d0: {  	[spmem:s2] =	stream.indirect.scatter.add.f32 [tilespmem:s26], [sflag:$0x3], $0x80, s11, s25, $0xb8;
	[tilespmem:$0x1D000] =	vst v63  }
0x1d1: {  	_ =	swait.ge [sflag:s23], $0x4000  }
0x1d2: {  	[sflag:s23] =	ssyncset.done $0x0  }
0x1d3: {  	s11 =	simm.s32 $0x380;
	[sflag:s23] =	ssyncadd.s32 $0xFFFFC000  }
0x1d4: {  	[tilespmem:s26], [sflag:$0x2] =	stream.indirect.gather [hbm4b:s4+s25], $0x80, s11, s25, $0xb8;
	[tilespmem:$0x1D000] =	vst v63  }
0x1d5: {  	_ =	swait.ge [sflag:s28], $0x4000  }
0x1d6: {  	[sflag:s28] =	ssyncset.done $0x0  }
0x1d7: {  	s11 =	simm.s32 $0xB00;
	[sflag:s28] =	ssyncadd.s32 $0xFFFFC000  }
0x1d8: {  	[spmem:s2] =	stream.indirect.scatter.add.f32 [tilespmem:s22], [sflag:$0x3], $0x80, s11, s25, $0xb8;
	[tilespmem:$0x1D000] =	vst v63  }
0x1d9: {  	_ =	swait.ge [sflag:s23], $0x4000  }
0x1da: {  	[sflag:s23] =	ssyncset.done $0x0  }
0x1db: {  	[sflag:s23] =	ssyncadd.s32 $0xFFFFC000  }
0x1dc: {  	[tilespmem:s22], [sflag:$0x1] =	stream.indirect.gather [hbm4b:s4+s25], $0x80, s13, s25, $0xb8;
	[tilespmem:$0x1D000] =	vst v63  }
0x1dd: {  	_ =	swait.ge [sflag:s30], $0x4000  }
0x1de: {  	[sflag:s30] =	ssyncset.done $0x0  }
0x1df: {  	[sflag:s30] =	ssyncadd.s32 $0xFFFFC000  }
0x1e0: {  	[spmem:s2] =	stream.indirect.scatter.add.f32 [tilespmem:s26], [sflag:$0x3], $0x80, s14, s25, $0xb8;
	[tilespmem:$0x1D000] =	vst v63  }
0x1e1: {  	_ =	swait.ge [sflag:s23], $0x4000  }
0x1e2: {  	[sflag:s23] =	ssyncset.done $0x0  }
0x1e3: {  	[sflag:s23] =	ssyncadd.s32 $0xFFFFC000  }
0x1e4: {  	[tilespmem:s26], [sflag:$0x2] =	stream.indirect.gather [hbm4b:s4+s25], $0x80, s15, s25, $0xb8;
	[tilespmem:$0x1D000] =	vst v63  }
0x1e5: {  	_ =	swait.ge [sflag:s28], $0x4000  }
0x1e6: {  	[sflag:s28] =	ssyncset.done $0x0  }
0x1e7: {  	[sflag:s28] =	ssyncadd.s32 $0xFFFFC000  }
0x1e8: {  	[spmem:s2] =	stream.indirect.scatter.add.f32 [tilespmem:s22], [sflag:$0x3], $0x80, s16, s25, $0xb8;
	[tilespmem:$0x1D000] =	vst v63  }
0x1e9: {  	_ =	swait.ge [sflag:s23], $0x4000  }
0x1ea: {  	[sflag:s23] =	ssyncset.done $0x0  }
0x1eb: {  	[sflag:s23] =	ssyncadd.s32 $0xFFFFC000  }
0x1ec: {  	[tilespmem:s22], [sflag:$0x1] =	stream.indirect.gather [hbm4b:s4+s25], $0x80, s17, s25, $0xb8;
	[tilespmem:$0x1D000] =	vst v63  }
0x1ed: {  	_ =	swait.ge [sflag:s30], $0x4000  }
0x1ee: {  	[sflag:s30] =	ssyncset.done $0x0  }
0x1ef: {  	[sflag:s30] =	ssyncadd.s32 $0xFFFFC000  }
0x1f0: {  	[spmem:s2] =	stream.indirect.scatter.add.f32 [tilespmem:s26], [sflag:$0x3], $0x80, s18, s25, $0xb8;
	[tilespmem:$0x1D000] =	vst v63  }
0x1f1: {  	_ =	swait.ge [sflag:s23], $0x4000  }
0x1f2: {  	[sflag:s23] =	ssyncset.done $0x0  }
0x1f3: {  	[sflag:s23] =	ssyncadd.s32 $0xFFFFC000  }
0x1f4: {  	[tilespmem:s26], [sflag:$0x2] =	stream.indirect.gather [hbm4b:s4+s25], $0x80, s19, s25, $0xb8;
	[tilespmem:$0x1D000] =	vst v63  }
0x1f5: {  	_ =	swait.ge [sflag:s28], $0x4000  }
0x1f6: {  	[sflag:s28] =	ssyncset.done $0x0  }
0x1f7: {  	[sflag:s28] =	ssyncadd.s32 $0xFFFFC000  }
0x1f8: {  	[spmem:s2] =	stream.indirect.scatter.add.f32 [tilespmem:s22], [sflag:$0x3], $0x80, s20, s25, $0xb8;
	[tilespmem:$0x1D000] =	vst v63  }
0x1f9: {  	_ =	swait.ge [sflag:s23], $0x4000  }
0x1fa: {  	[sflag:s23] =	ssyncset.done $0x0  }
0x1fb: {  	[sflag:s23] =	ssyncadd.s32 $0xFFFFC000  }
0x1fc: {  	[tilespmem:s22], [sflag:$0x1] =	stream.indirect.gather [hbm4b:s4+s25], $0x80, s21, s25, $0xb8;
	[tilespmem:$0x1D000] =	vst v63  }
0x1fd: {  	_ =	swait.ge [sflag:s30], $0x4000  }
0x1fe: {  	[sflag:s30] =	ssyncset.done $0x0  }
0x1ff: {  	[sflag:s30] =	ssyncadd.s32 $0xFFFFC000  }
0x200: {  	[spmem:s2] =	stream.indirect.scatter.add.f32 [tilespmem:s26], [sflag:$0x3], $0x80, s5, s25, $0xb8;
	[tilespmem:$0x1D000] =	vst v63  }
0x201: {  	_ =	swait.ge [sflag:s23], $0x4000  }
0x202: {  	[sflag:s23] =	ssyncset.done $0x0  }
0x203: {  	[sflag:s23] =	ssyncadd.s32 $0xFFFFC000  }
0x204: {  	[tilespmem:s26], [sflag:$0x2] =	stream.indirect.gather [hbm4b:s4+s25], $0x80, s29, s25, $0xb8;
	[tilespmem:$0x1D000] =	vst v63  }
0x205: {  	_ =	swait.ge [sflag:s28], $0x4000  }
0x206: {  	[sflag:s28] =	ssyncset.done $0x0  }
0x207: {  	[sflag:s28] =	ssyncadd.s32 $0xFFFFC000  }
0x208: {  	[spmem:s2] =	stream.indirect.scatter.add.f32 [tilespmem:s22], [sflag:$0x3], $0x80, s31, s25, $0xb8;
	[tilespmem:$0x1D000] =	vst v63  }
0x209: {  	_ =	swait.ge [sflag:s23], $0x4000  }
0x20a: {  	[sflag:s23] =	ssyncset.done $0x0  }
0x20b: {  	[sflag:s23] =	ssyncadd.s32 $0xFFFFC000  }
0x20c: {  	[tilespmem:s22], [sflag:$0x1] =	stream.indirect.gather [hbm4b:s4+s25], $0x80, s0, s25, $0xb8;
	[tilespmem:$0x1D000] =	vst v63  }
0x20d: {  	_ =	swait.ge [sflag:s30], $0x4000  }
0x20e: {  	[sflag:s30] =	ssyncset.done $0x0  }
0x20f: {  	[sflag:s30] =	ssyncadd.s32 $0xFFFFC000  }
0x210: {  	[spmem:s2] =	stream.indirect.scatter.add.f32 [tilespmem:s26], [sflag:$0x3], $0x80, s3, s25, $0xb8;
	[tilespmem:$0x1D000] =	vst v63  }
0x211: {  	_ =	swait.ge [sflag:s23], $0x4000  }
0x212: {  	[sflag:s23] =	ssyncset.done $0x0  }
0x213: {  	[sflag:s23] =	ssyncadd.s32 $0xFFFFC000  }
0x214: {  	[tilespmem:s26], [sflag:$0x2] =	stream.indirect.gather [hbm4b:s4+s25], $0x80, s1, s25, $0xb8;
	[tilespmem:$0x1D000] =	vst v63  }
0x215: {  	_ =	swait.ge [sflag:s28], $0x4000  }
0x216: {  	[sflag:s28] =	ssyncset.done $0x0  }
0x217: {  	[sflag:s28] =	ssyncadd.s32 $0xFFFFC000  }
0x218: {  	[spmem:s2] =	stream.indirect.scatter.add.f32 [tilespmem:s22], [sflag:$0x3], $0x80, s6, s25, $0xb8;
	[tilespmem:$0x1D000] =	vst v63  }
0x219: {  	_ =	swait.ge [sflag:s23], $0x4000  }
0x21a: {  	[sflag:s23] =	ssyncset.done $0x0  }
0x21b: {  	[sflag:s23] =	ssyncadd.s32 $0xFFFFC000  }
0x21c: {  	_ =	swait.ge [sflag:s30], $0x4000  }
0x21d: {  	[sflag:s30] =	ssyncset.done $0x0  }
0x21e: {  	[sflag:s30] =	ssyncadd.s32 $0xFFFFC000  }
0x21f: {  	[spmem:s2] =	stream.indirect.scatter.add.f32 [tilespmem:s26], [sflag:$0x3], $0x80, s7, s25, $0xb8;
	[tilespmem:$0x1D000] =	vst v63  }
0x220: {  	_ =	swait.ge [sflag:s23], $0x4000  }
0x221: {  	[sflag:s23] =	ssyncset.done $0x0  }
0x222: {  	s11 =	rddreg [dreg:$0xe];
	[sflag:s23] =	ssyncadd.s32 $0xFFFFC000  }
0x223: {  	[tilespmem:s9], [sflag:$0x3] =	stream.linear.gather [hbm4b:s11+s9], $0x800, $0x38;
	[tilespmem:$0x1D000] =	vst v63  }
0x224: {  	_ =	swait.ge [sflag:s23], $0x800  }
0x225: {  	[sflag:s23] =	ssyncset.done $0x0  }
0x226: {  	s11 =	rddreg [dreg:$0xf];
	[sflag:s23] =	ssyncadd.s32 $0xFFFFF800  }
0x227: {  	[tilespmem:s24], [sflag:$0x3] =	stream.linear.gather [hbm4b:s11+s9], $0x800, $0x38;
	[tilespmem:$0x1D000] =	vst v63  }
0x228: {  	_ =	swait.ge [sflag:s23], $0x800  }
0x229: {  	[sflag:s23] =	ssyncset.done $0x0  }
0x22a: {  	s9 =	simm.s32 $0x0;
	[sflag:s23] =	ssyncadd.s32 $0xFFFFF800  }
0x22b: {  	v4 =	vld [tilespmem:s9+$0x0]  }
0x22c: {  	v6 =	vld [tilespmem:s9+$0x10]  }
0x22d: {  	v5 =	vld [tilespmem:s9+$0x20]  }
0x22e: {  	v3 =	vld [tilespmem:s9+$0x30]  }
0x22f: {  	v2 =	vld [tilespmem:s9+$0x40]  }
0x230: {  	v7 =	vadd.s32 v0, v4;
	v4 =	vld [tilespmem:s9+$0x50]  }
0x231: {  	s10 =	simm.s32 $0x200;
	[tilespmem:s9+$0x0] =	vst v7;
	v7 =	vadd.s32 v0, v6;
	v6 =	vld [tilespmem:s9+$0x60]  }
.LBB2_10:
0x232: {  	s11 =	sshra.s32 s10, $0x2;
	p0 =	sne.s32 s10, $0x1E00;
	[tilespmem:s9+$0x10] =	vst v7;
	v5 =	vadd.s32 v0, v5;
	v7 =	vld [tilespmem:s9+$0x70]  }
0x233: {  	v8 =	vld [tilespmem:s11+$0x0];
	[tilespmem:s9+$0x20] =	vst v5;
	v3 =	vadd.s32 v0, v3  }
0x234: {  	v9 =	vld [tilespmem:s11+$0x10];
	[tilespmem:s9+$0x30] =	vst v3;
	v2 =	vadd.s32 v0, v2  }
.Ltmp4:
0x235: {  	v5 =	vld [tilespmem:s11+$0x20];
	[tilespmem:s9+$0x40] =	vst v2;
	v2 =	vadd.s32 v0, v4;
	(pc) =	sbr.rel @p0 .LBB2_10-.Ltmp4, $4  }
0x236: {  	v3 =	vld [tilespmem:s11+$0x30];
	[tilespmem:s9+$0x50] =	vst v2;
	v4 =	vadd.s32 v0, v6  }
0x237: {  	v2 =	vld [tilespmem:s11+$0x40];
	[tilespmem:s9+$0x60] =	vst v4;
	v6 =	vadd.s32 v0, v7  }
0x238: {  	v7 =	vadd.s32 v0, v8;
	v4 =	vld [tilespmem:s11+$0x50];
	[tilespmem:s9+$0x70] =	vst v6;
	s9 =	smov.u32 s11  }
0x239: {  	s10 =	sadd.s32 $0x200, s10;
	[tilespmem:s9+$0x0] =	vst v7;
	v7 =	vadd.s32 v0, v9;
	v6 =	vld [tilespmem:s9+$0x60]  }
0x23a: {  	[tilespmem:s9+$0x10] =	vst v7;
	v5 =	vadd.s32 v0, v5;
	v7 =	vld [tilespmem:s9+$0x70]  }
0x23b: {  	[tilespmem:s9+$0x20] =	vst v5;
	v3 =	vadd.s32 v0, v3  }
0x23c: {  	[tilespmem:s9+$0x30] =	vst v3;
	v2 =	vadd.s32 v0, v2  }
0x23d: {  	[tilespmem:s9+$0x40] =	vst v2;
	v2 =	vadd.s32 v0, v4  }
0x23e: {  	[tilespmem:s9+$0x50] =	vst v2;
	v2 =	vadd.s32 v0, v6  }
0x23f: {  	[tilespmem:s9+$0x60] =	vst v2;
	v2 =	vadd.s32 v0, v7  }
0x240: {  	[tilespmem:s9+$0x70] =	vst v2;
	s9 =	simm.s32 $0x0  }
0x241: {  	[tilespmem:s22], [sflag:$0x1] =	stream.indirect.gather [hbm4b:s4+s25], $0x80, s9, s25, $0xb8;
	[tilespmem:$0x1D000] =	vst v63  }
0x242: {  	_ = 	snop  }
0x243: {  	[tilespmem:s26], [sflag:$0x2] =	stream.indirect.gather [hbm4b:s4+s25], $0x80, s25, s25, $0xb8;
	[tilespmem:$0x1D000] =	vst v63  }
0x244: {  	_ =	swait.ge [sflag:s28], $0x4000  }
0x245: {  	[sflag:s28] =	ssyncset.done $0x0  }
0x246: {  	[sflag:s28] =	ssyncadd.s32 $0xFFFFC000  }
0x247: {  	[spmem:s2] =	stream.indirect.scatter.add.f32 [tilespmem:s22], [sflag:$0x3], $0x80, s24, s25, $0xb8;
	[tilespmem:$0x1D000] =	vst v63  }
0x248: {  	_ =	swait.ge [sflag:s23], $0x4000  }
0x249: {  	[sflag:s23] =	ssyncset.done $0x0  }
0x24a: {  	[sflag:s23] =	ssyncadd.s32 $0xFFFFC000  }
0x24b: {  	[tilespmem:s22], [sflag:$0x1] =	stream.indirect.gather [hbm4b:s4+s25], $0x80, s12, s25, $0xb8;
	[tilespmem:$0x1D000] =	vst v63  }
0x24c: {  	_ =	swait.ge [sflag:s30], $0x4000  }
0x24d: {  	[sflag:s30] =	ssyncset.done $0x0  }
0x24e: {  	s10 =	simm.s32 $0x880;
	[sflag:s30] =	ssyncadd.s32 $0xFFFFC000  }
0x24f: {  	[spmem:s2] =	stream.indirect.scatter.add.f32 [tilespmem:s26], [sflag:$0x3], $0x80, s10, s25, $0xb8;
	[tilespmem:$0x1D000] =	vst v63  }
0x250: {  	_ =	swait.ge [sflag:s23], $0x4000  }
0x251: {  	[sflag:s23] =	ssyncset.done $0x0  }
0x252: {  	s11 =	simm.s32 $0x180;
	[sflag:s23] =	ssyncadd.s32 $0xFFFFC000  }
0x253: {  	[tilespmem:s26], [sflag:$0x2] =	stream.indirect.gather [hbm4b:s4+s25], $0x80, s11, s25, $0xb8;
	[tilespmem:$0x1D000] =	vst v63  }
0x254: {  	_ =	swait.ge [sflag:s28], $0x4000  }
0x255: {  	[sflag:s28] =	ssyncset.done $0x0  }
0x256: {  	s11 =	simm.s32 $0x900;
	[sflag:s28] =	ssyncadd.s32 $0xFFFFC000  }
0x257: {  	[spmem:s2] =	stream.indirect.scatter.add.f32 [tilespmem:s22], [sflag:$0x3], $0x80, s11, s25, $0xb8;
	[tilespmem:$0x1D000] =	vst v63  }
0x258: {  	_ =	swait.ge [sflag:s23], $0x4000  }
0x259: {  	[sflag:s23] =	ssyncset.done $0x0  }
0x25a: {  	s11 =	simm.s32 $0x200;
	[sflag:s23] =	ssyncadd.s32 $0xFFFFC000  }
0x25b: {  	[tilespmem:s22], [sflag:$0x1] =	stream.indirect.gather [hbm4b:s4+s25], $0x80, s11, s25, $0xb8;
	[tilespmem:$0x1D000] =	vst v63  }
0x25c: {  	_ =	swait.ge [sflag:s30], $0x4000  }
0x25d: {  	[sflag:s30] =	ssyncset.done $0x0  }
0x25e: {  	s11 =	simm.s32 $0x980;
	[sflag:s30] =	ssyncadd.s32 $0xFFFFC000  }
0x25f: {  	[spmem:s2] =	stream.indirect.scatter.add.f32 [tilespmem:s26], [sflag:$0x3], $0x80, s11, s25, $0xb8;
	[tilespmem:$0x1D000] =	vst v63  }
0x260: {  	_ =	swait.ge [sflag:s23], $0x4000  }
0x261: {  	[sflag:s23] =	ssyncset.done $0x0  }
0x262: {  	s11 =	simm.s32 $0x280;
	[sflag:s23] =	ssyncadd.s32 $0xFFFFC000  }
0x263: {  	[tilespmem:s26], [sflag:$0x2] =	stream.indirect.gather [hbm4b:s4+s25], $0x80, s11, s25, $0xb8;
	[tilespmem:$0x1D000] =	vst v63  }
0x264: {  	_ =	swait.ge [sflag:s28], $0x4000  }
0x265: {  	[sflag:s28] =	ssyncset.done $0x0  }
0x266: {  	s11 =	simm.s32 $0xA00;
	[sflag:s28] =	ssyncadd.s32 $0xFFFFC000  }
0x267: {  	[spmem:s2] =	stream.indirect.scatter.add.f32 [tilespmem:s22], [sflag:$0x3], $0x80, s11, s25, $0xb8;
	[tilespmem:$0x1D000] =	vst v63  }
0x268: {  	_ =	swait.ge [sflag:s23], $0x4000  }
0x269: {  	[sflag:s23] =	ssyncset.done $0x0  }
0x26a: {  	s11 =	simm.s32 $0x300;
	[sflag:s23] =	ssyncadd.s32 $0xFFFFC000  }
0x26b: {  	[tilespmem:s22], [sflag:$0x1] =	stream.indirect.gather [hbm4b:s4+s25], $0x80, s11, s25, $0xb8;
	[tilespmem:$0x1D000] =	vst v63  }
0x26c: {  	_ =	swait.ge [sflag:s30], $0x4000  }
0x26d: {  	[sflag:s30] =	ssyncset.done $0x0  }
0x26e: {  	s11 =	simm.s32 $0xA80;
	[sflag:s30] =	ssyncadd.s32 $0xFFFFC000  }
0x26f: {  	[spmem:s2] =	stream.indirect.scatter.add.f32 [tilespmem:s26], [sflag:$0x3], $0x80, s11, s25, $0xb8;
	[tilespmem:$0x1D000] =	vst v63  }
0x270: {  	_ =	swait.ge [sflag:s23], $0x4000  }
0x271: {  	[sflag:s23] =	ssyncset.done $0x0  }
0x272: {  	s11 =	simm.s32 $0x380;
	[sflag:s23] =	ssyncadd.s32 $0xFFFFC000  }
0x273: {  	[tilespmem:s26], [sflag:$0x2] =	stream.indirect.gather [hbm4b:s4+s25], $0x80, s11, s25, $0xb8;
	[tilespmem:$0x1D000] =	vst v63  }
0x274: {  	_ =	swait.ge [sflag:s28], $0x4000  }
0x275: {  	[sflag:s28] =	ssyncset.done $0x0  }
0x276: {  	s11 =	simm.s32 $0xB00;
	[sflag:s28] =	ssyncadd.s32 $0xFFFFC000  }
0x277: {  	[spmem:s2] =	stream.indirect.scatter.add.f32 [tilespmem:s22], [sflag:$0x3], $0x80, s11, s25, $0xb8;
	[tilespmem:$0x1D000] =	vst v63  }
0x278: {  	_ =	swait.ge [sflag:s23], $0x4000  }
0x279: {  	[sflag:s23] =	ssyncset.done $0x0  }
0x27a: {  	[sflag:s23] =	ssyncadd.s32 $0xFFFFC000  }
0x27b: {  	[tilespmem:s22], [sflag:$0x1] =	stream.indirect.gather [hbm4b:s4+s25], $0x80, s13, s25, $0xb8;
	[tilespmem:$0x1D000] =	vst v63  }
0x27c: {  	_ =	swait.ge [sflag:s30], $0x4000  }
0x27d: {  	[sflag:s30] =	ssyncset.done $0x0  }
0x27e: {  	[sflag:s30] =	ssyncadd.s32 $0xFFFFC000  }
0x27f: {  	[spmem:s2] =	stream.indirect.scatter.add.f32 [tilespmem:s26], [sflag:$0x3], $0x80, s14, s25, $0xb8;
	[tilespmem:$0x1D000] =	vst v63  }
0x280: {  	_ =	swait.ge [sflag:s23], $0x4000  }
0x281: {  	[sflag:s23] =	ssyncset.done $0x0  }
0x282: {  	[sflag:s23] =	ssyncadd.s32 $0xFFFFC000  }
0x283: {  	[tilespmem:s26], [sflag:$0x2] =	stream.indirect.gather [hbm4b:s4+s25], $0x80, s15, s25, $0xb8;
	[tilespmem:$0x1D000] =	vst v63  }
0x284: {  	_ =	swait.ge [sflag:s28], $0x4000  }
0x285: {  	[sflag:s28] =	ssyncset.done $0x0  }
0x286: {  	[sflag:s28] =	ssyncadd.s32 $0xFFFFC000  }
0x287: {  	[spmem:s2] =	stream.indirect.scatter.add.f32 [tilespmem:s22], [sflag:$0x3], $0x80, s16, s25, $0xb8;
	[tilespmem:$0x1D000] =	vst v63  }
0x288: {  	_ =	swait.ge [sflag:s23], $0x4000  }
0x289: {  	[sflag:s23] =	ssyncset.done $0x0  }
0x28a: {  	[sflag:s23] =	ssyncadd.s32 $0xFFFFC000  }
0x28b: {  	[tilespmem:s22], [sflag:$0x1] =	stream.indirect.gather [hbm4b:s4+s25], $0x80, s17, s25, $0xb8;
	[tilespmem:$0x1D000] =	vst v63  }
0x28c: {  	_ =	swait.ge [sflag:s30], $0x4000  }
0x28d: {  	[sflag:s30] =	ssyncset.done $0x0  }
0x28e: {  	[sflag:s30] =	ssyncadd.s32 $0xFFFFC000  }
0x28f: {  	[spmem:s2] =	stream.indirect.scatter.add.f32 [tilespmem:s26], [sflag:$0x3], $0x80, s18, s25, $0xb8;
	[tilespmem:$0x1D000] =	vst v63  }
0x290: {  	_ =	swait.ge [sflag:s23], $0x4000  }
0x291: {  	[sflag:s23] =	ssyncset.done $0x0  }
0x292: {  	[sflag:s23] =	ssyncadd.s32 $0xFFFFC000  }
0x293: {  	[tilespmem:s26], [sflag:$0x2] =	stream.indirect.gather [hbm4b:s4+s25], $0x80, s19, s25, $0xb8;
	[tilespmem:$0x1D000] =	vst v63  }
0x294: {  	_ =	swait.ge [sflag:s28], $0x4000  }
0x295: {  	[sflag:s28] =	ssyncset.done $0x0  }
0x296: {  	[sflag:s28] =	ssyncadd.s32 $0xFFFFC000  }
0x297: {  	[spmem:s2] =	stream.indirect.scatter.add.f32 [tilespmem:s22], [sflag:$0x3], $0x80, s20, s25, $0xb8;
	[tilespmem:$0x1D000] =	vst v63  }
0x298: {  	_ =	swait.ge [sflag:s23], $0x4000  }
0x299: {  	[sflag:s23] =	ssyncset.done $0x0  }
0x29a: {  	[sflag:s23] =	ssyncadd.s32 $0xFFFFC000  }
0x29b: {  	[tilespmem:s22], [sflag:$0x1] =	stream.indirect.gather [hbm4b:s4+s25], $0x80, s21, s25, $0xb8;
	[tilespmem:$0x1D000] =	vst v63  }
0x29c: {  	_ =	swait.ge [sflag:s30], $0x4000  }
0x29d: {  	[sflag:s30] =	ssyncset.done $0x0  }
0x29e: {  	[sflag:s30] =	ssyncadd.s32 $0xFFFFC000  }
0x29f: {  	[spmem:s2] =	stream.indirect.scatter.add.f32 [tilespmem:s26], [sflag:$0x3], $0x80, s5, s25, $0xb8;
	[tilespmem:$0x1D000] =	vst v63  }
0x2a0: {  	_ =	swait.ge [sflag:s23], $0x4000  }
0x2a1: {  	[sflag:s23] =	ssyncset.done $0x0  }
0x2a2: {  	[sflag:s23] =	ssyncadd.s32 $0xFFFFC000  }
0x2a3: {  	[tilespmem:s26], [sflag:$0x2] =	stream.indirect.gather [hbm4b:s4+s25], $0x80, s29, s25, $0xb8;
	[tilespmem:$0x1D000] =	vst v63  }
0x2a4: {  	_ =	swait.ge [sflag:s28], $0x4000  }
0x2a5: {  	[sflag:s28] =	ssyncset.done $0x0  }
0x2a6: {  	[sflag:s28] =	ssyncadd.s32 $0xFFFFC000  }
0x2a7: {  	[spmem:s2] =	stream.indirect.scatter.add.f32 [tilespmem:s22], [sflag:$0x3], $0x80, s31, s25, $0xb8;
	[tilespmem:$0x1D000] =	vst v63  }
0x2a8: {  	_ =	swait.ge [sflag:s23], $0x4000  }
0x2a9: {  	[sflag:s23] =	ssyncset.done $0x0  }
0x2aa: {  	[sflag:s23] =	ssyncadd.s32 $0xFFFFC000  }
0x2ab: {  	[tilespmem:s22], [sflag:$0x1] =	stream.indirect.gather [hbm4b:s4+s25], $0x80, s0, s25, $0xb8;
	[tilespmem:$0x1D000] =	vst v63  }
0x2ac: {  	_ =	swait.ge [sflag:s30], $0x4000  }
0x2ad: {  	[sflag:s30] =	ssyncset.done $0x0  }
0x2ae: {  	[sflag:s30] =	ssyncadd.s32 $0xFFFFC000  }
0x2af: {  	[spmem:s2] =	stream.indirect.scatter.add.f32 [tilespmem:s26], [sflag:$0x3], $0x80, s3, s25, $0xb8;
	[tilespmem:$0x1D000] =	vst v63  }
0x2b0: {  	_ =	swait.ge [sflag:s23], $0x4000  }
0x2b1: {  	[sflag:s23] =	ssyncset.done $0x0  }
0x2b2: {  	[sflag:s23] =	ssyncadd.s32 $0xFFFFC000  }
0x2b3: {  	[tilespmem:s26], [sflag:$0x2] =	stream.indirect.gather [hbm4b:s4+s25], $0x80, s1, s25, $0xb8;
	[tilespmem:$0x1D000] =	vst v63  }
0x2b4: {  	_ =	swait.ge [sflag:s28], $0x4000  }
0x2b5: {  	[sflag:s28] =	ssyncset.done $0x0  }
0x2b6: {  	[sflag:s28] =	ssyncadd.s32 $0xFFFFC000  }
0x2b7: {  	[spmem:s2] =	stream.indirect.scatter.add.f32 [tilespmem:s22], [sflag:$0x3], $0x80, s6, s25, $0xb8;
	[tilespmem:$0x1D000] =	vst v63  }
0x2b8: {  	_ =	swait.ge [sflag:s23], $0x4000  }
0x2b9: {  	[sflag:s23] =	ssyncset.done $0x0  }
0x2ba: {  	[sflag:s23] =	ssyncadd.s32 $0xFFFFC000  }
0x2bb: {  	_ =	swait.ge [sflag:s30], $0x4000  }
0x2bc: {  	[sflag:s30] =	ssyncset.done $0x0  }
0x2bd: {  	[sflag:s30] =	ssyncadd.s32 $0xFFFFC000  }
0x2be: {  	[spmem:s2] =	stream.indirect.scatter.add.f32 [tilespmem:s26], [sflag:$0x3], $0x80, s7, s25, $0xb8;
	[tilespmem:$0x1D000] =	vst v63  }
0x2bf: {  	_ =	swait.ge [sflag:s23], $0x4000  }
0x2c0: {  	[sflag:s23] =	ssyncset.done $0x0  }
0x2c1: {  	s11 =	rddreg [dreg:$0x10];
	[sflag:s23] =	ssyncadd.s32 $0xFFFFC000  }
0x2c2: {  	[tilespmem:s9], [sflag:$0x3] =	stream.linear.gather [hbm4b:s11+s9], $0x800, $0x38;
	[tilespmem:$0x1D000] =	vst v63  }
0x2c3: {  	_ =	swait.ge [sflag:s23], $0x800  }
0x2c4: {  	[sflag:s23] =	ssyncset.done $0x0  }
0x2c5: {  	s11 =	rddreg [dreg:$0x11];
	[sflag:s23] =	ssyncadd.s32 $0xFFFFF800  }
0x2c6: {  	[tilespmem:s24], [sflag:$0x3] =	stream.linear.gather [hbm4b:s11+s9], $0x800, $0x38;
	[tilespmem:$0x1D000] =	vst v63  }
0x2c7: {  	_ =	swait.ge [sflag:s23], $0x800  }
0x2c8: {  	[sflag:s23] =	ssyncset.done $0x0  }
0x2c9: {  	s9 =	simm.s32 $0x0;
	[sflag:s23] =	ssyncadd.s32 $0xFFFFF800  }
0x2ca: {  	v4 =	vld [tilespmem:s9+$0x0]  }
0x2cb: {  	v6 =	vld [tilespmem:s9+$0x10]  }
0x2cc: {  	v5 =	vld [tilespmem:s9+$0x20]  }
0x2cd: {  	v3 =	vld [tilespmem:s9+$0x30]  }
0x2ce: {  	v2 =	vld [tilespmem:s9+$0x40]  }
0x2cf: {  	v7 =	vadd.s32 v0, v4;
	v4 =	vld [tilespmem:s9+$0x50]  }
0x2d0: {  	s10 =	simm.s32 $0x200;
	[tilespmem:s9+$0x0] =	vst v7;
	v7 =	vadd.s32 v0, v6;
	v6 =	vld [tilespmem:s9+$0x60]  }
.LBB2_12:
0x2d1: {  	s11 =	sshra.s32 s10, $0x2;
	p0 =	sne.s32 s10, $0x1E00;
	[tilespmem:s9+$0x10] =	vst v7;
	v5 =	vadd.s32 v0, v5;
	v7 =	vld [tilespmem:s9+$0x70]  }
0x2d2: {  	v8 =	vld [tilespmem:s11+$0x0];
	[tilespmem:s9+$0x20] =	vst v5;
	v3 =	vadd.s32 v0, v3  }
0x2d3: {  	v9 =	vld [tilespmem:s11+$0x10];
	[tilespmem:s9+$0x30] =	vst v3;
	v2 =	vadd.s32 v0, v2  }
.Ltmp5:
0x2d4: {  	v5 =	vld [tilespmem:s11+$0x20];
	[tilespmem:s9+$0x40] =	vst v2;
	v2 =	vadd.s32 v0, v4;
	(pc) =	sbr.rel @p0 .LBB2_12-.Ltmp5, $4  }
0x2d5: {  	v3 =	vld [tilespmem:s11+$0x30];
	[tilespmem:s9+$0x50] =	vst v2;
	v4 =	vadd.s32 v0, v6  }
0x2d6: {  	v2 =	vld [tilespmem:s11+$0x40];
	[tilespmem:s9+$0x60] =	vst v4;
	v6 =	vadd.s32 v0, v7  }
0x2d7: {  	v7 =	vadd.s32 v0, v8;
	v4 =	vld [tilespmem:s11+$0x50];
	[tilespmem:s9+$0x70] =	vst v6;
	s9 =	smov.u32 s11  }
0x2d8: {  	s10 =	sadd.s32 $0x200, s10;
	[tilespmem:s9+$0x0] =	vst v7;
	v7 =	vadd.s32 v0, v9;
	v6 =	vld [tilespmem:s9+$0x60]  }
0x2d9: {  	[tilespmem:s9+$0x10] =	vst v7;
	v5 =	vadd.s32 v0, v5;
	v63 =	vld [tilespmem:s9+$0x70]  }
0x2da: {  	[tilespmem:s9+$0x20] =	vst v5;
	v3 =	vadd.s32 v0, v3  }
0x2db: {  	[tilespmem:s9+$0x30] =	vst v3;
	v2 =	vadd.s32 v0, v2  }
0x2dc: {  	[tilespmem:s9+$0x40] =	vst v2;
	v2 =	vadd.s32 v0, v4  }
0x2dd: {  	[tilespmem:s9+$0x50] =	vst v2;
	v2 =	vadd.s32 v0, v6  }
0x2de: {  	[tilespmem:s9+$0x60] =	vst v2;
	v2 =	vadd.s32 v0, v63  }
0x2df: {  	s11 =	simm.s32 $0x0;
	[tilespmem:s9+$0x70] =	vst v2  }
0x2e0: {  	[tilespmem:s22], [sflag:$0x1] =	stream.indirect.gather [hbm4b:s4+s25], $0x80, s11, s25, $0xb8;
	[tilespmem:$0x1D000] =	vst v63  }
0x2e1: {  	_ = 	snop  }
0x2e2: {  	[tilespmem:s26], [sflag:$0x2] =	stream.indirect.gather [hbm4b:s4+s25], $0x80, s25, s25, $0xb8;
	[tilespmem:$0x1D000] =	vst v63  }
0x2e3: {  	_ =	swait.ge [sflag:s28], $0x4000  }
0x2e4: {  	[sflag:s28] =	ssyncset.done $0x0  }
0x2e5: {  	[sflag:s28] =	ssyncadd.s32 $0xFFFFC000  }
0x2e6: {  	[spmem:s2] =	stream.indirect.scatter.add.f32 [tilespmem:s22], [sflag:$0x3], $0x80, s24, s25, $0xb8;
	[tilespmem:$0x1D000] =	vst v63  }
0x2e7: {  	_ =	swait.ge [sflag:s23], $0x4000  }
0x2e8: {  	[sflag:s23] =	ssyncset.done $0x0  }
0x2e9: {  	[sflag:s23] =	ssyncadd.s32 $0xFFFFC000  }
0x2ea: {  	[tilespmem:s22], [sflag:$0x1] =	stream.indirect.gather [hbm4b:s4+s25], $0x80, s12, s25, $0xb8;
	[tilespmem:$0x1D000] =	vst v63  }
0x2eb: {  	_ =	swait.ge [sflag:s30], $0x4000  }
0x2ec: {  	[sflag:s30] =	ssyncset.done $0x0  }
0x2ed: {  	s12 =	simm.s32 $0x880;
	[sflag:s30] =	ssyncadd.s32 $0xFFFFC000  }
0x2ee: {  	[spmem:s2] =	stream.indirect.scatter.add.f32 [tilespmem:s26], [sflag:$0x3], $0x80, s12, s25, $0xb8;
	[tilespmem:$0x1D000] =	vst v63  }
0x2ef: {  	_ =	swait.ge [sflag:s23], $0x4000  }
0x2f0: {  	[sflag:s23] =	ssyncset.done $0x0  }
0x2f1: {  	s10 =	simm.s32 $0x180;
	[sflag:s23] =	ssyncadd.s32 $0xFFFFC000  }
0x2f2: {  	[tilespmem:s26], [sflag:$0x2] =	stream.indirect.gather [hbm4b:s4+s25], $0x80, s10, s25, $0xb8;
	[tilespmem:$0x1D000] =	vst v63  }
0x2f3: {  	_ =	swait.ge [sflag:s28], $0x4000  }
0x2f4: {  	[sflag:s28] =	ssyncset.done $0x0  }
0x2f5: {  	s11 =	simm.s32 $0x900;
	[sflag:s28] =	ssyncadd.s32 $0xFFFFC000  }
0x2f6: {  	[spmem:s2] =	stream.indirect.scatter.add.f32 [tilespmem:s22], [sflag:$0x3], $0x80, s11, s25, $0xb8;
	[tilespmem:$0x1D000] =	vst v63  }
0x2f7: {  	_ =	swait.ge [sflag:s23], $0x4000  }
0x2f8: {  	[sflag:s23] =	ssyncset.done $0x0  }
0x2f9: {  	s12 =	simm.s32 $0x200;
	[sflag:s23] =	ssyncadd.s32 $0xFFFFC000  }
0x2fa: {  	[tilespmem:s22], [sflag:$0x1] =	stream.indirect.gather [hbm4b:s4+s25], $0x80, s12, s25, $0xb8;
	[tilespmem:$0x1D000] =	vst v63  }
0x2fb: {  	_ =	swait.ge [sflag:s30], $0x4000  }
0x2fc: {  	[sflag:s30] =	ssyncset.done $0x0  }
0x2fd: {  	s10 =	simm.s32 $0x980;
	[sflag:s30] =	ssyncadd.s32 $0xFFFFC000  }
0x2fe: {  	[spmem:s2] =	stream.indirect.scatter.add.f32 [tilespmem:s26], [sflag:$0x3], $0x80, s10, s25, $0xb8;
	[tilespmem:$0x1D000] =	vst v63  }
0x2ff: {  	_ =	swait.ge [sflag:s23], $0x4000  }
0x300: {  	[sflag:s23] =	ssyncset.done $0x0  }
0x301: {  	s11 =	simm.s32 $0x280;
	[sflag:s23] =	ssyncadd.s32 $0xFFFFC000  }
0x302: {  	[tilespmem:s26], [sflag:$0x2] =	stream.indirect.gather [hbm4b:s4+s25], $0x80, s11, s25, $0xb8;
	[tilespmem:$0x1D000] =	vst v63  }
0x303: {  	_ =	swait.ge [sflag:s28], $0x4000  }
0x304: {  	[sflag:s28] =	ssyncset.done $0x0  }
0x305: {  	s12 =	simm.s32 $0xA00;
	[sflag:s28] =	ssyncadd.s32 $0xFFFFC000  }
0x306: {  	[spmem:s2] =	stream.indirect.scatter.add.f32 [tilespmem:s22], [sflag:$0x3], $0x80, s12, s25, $0xb8;
	[tilespmem:$0x1D000] =	vst v63  }
0x307: {  	_ =	swait.ge [sflag:s23], $0x4000  }
0x308: {  	[sflag:s23] =	ssyncset.done $0x0  }
0x309: {  	s10 =	simm.s32 $0x300;
	[sflag:s23] =	ssyncadd.s32 $0xFFFFC000  }
0x30a: {  	[tilespmem:s22], [sflag:$0x1] =	stream.indirect.gather [hbm4b:s4+s25], $0x80, s10, s25, $0xb8;
	[tilespmem:$0x1D000] =	vst v63  }
0x30b: {  	_ =	swait.ge [sflag:s30], $0x4000  }
0x30c: {  	[sflag:s30] =	ssyncset.done $0x0  }
0x30d: {  	s11 =	simm.s32 $0xA80;
	[sflag:s30] =	ssyncadd.s32 $0xFFFFC000  }
0x30e: {  	[spmem:s2] =	stream.indirect.scatter.add.f32 [tilespmem:s26], [sflag:$0x3], $0x80, s11, s25, $0xb8;
	[tilespmem:$0x1D000] =	vst v63  }
0x30f: {  	_ =	swait.ge [sflag:s23], $0x4000  }
0x310: {  	[sflag:s23] =	ssyncset.done $0x0  }
0x311: {  	s12 =	simm.s32 $0x380;
	[sflag:s23] =	ssyncadd.s32 $0xFFFFC000  }
0x312: {  	[tilespmem:s26], [sflag:$0x2] =	stream.indirect.gather [hbm4b:s4+s25], $0x80, s12, s25, $0xb8;
	[tilespmem:$0x1D000] =	vst v63  }
0x313: {  	_ =	swait.ge [sflag:s28], $0x4000  }
0x314: {  	[sflag:s28] =	ssyncset.done $0x0  }
0x315: {  	s10 =	simm.s32 $0xB00;
	[sflag:s28] =	ssyncadd.s32 $0xFFFFC000  }
0x316: {  	[spmem:s2] =	stream.indirect.scatter.add.f32 [tilespmem:s22], [sflag:$0x3], $0x80, s10, s25, $0xb8;
	[tilespmem:$0x1D000] =	vst v63  }
0x317: {  	_ =	swait.ge [sflag:s23], $0x4000  }
0x318: {  	[sflag:s23] =	ssyncset.done $0x0  }
0x319: {  	[sflag:s23] =	ssyncadd.s32 $0xFFFFC000  }
0x31a: {  	[tilespmem:s22], [sflag:$0x1] =	stream.indirect.gather [hbm4b:s4+s25], $0x80, s13, s25, $0xb8;
	[tilespmem:$0x1D000] =	vst v63  }
0x31b: {  	_ =	swait.ge [sflag:s30], $0x4000  }
0x31c: {  	[sflag:s30] =	ssyncset.done $0x0  }
0x31d: {  	[sflag:s30] =	ssyncadd.s32 $0xFFFFC000  }
0x31e: {  	[spmem:s2] =	stream.indirect.scatter.add.f32 [tilespmem:s26], [sflag:$0x3], $0x80, s14, s25, $0xb8;
	[tilespmem:$0x1D000] =	vst v63  }
0x31f: {  	_ =	swait.ge [sflag:s23], $0x4000  }
0x320: {  	[sflag:s23] =	ssyncset.done $0x0  }
0x321: {  	[sflag:s23] =	ssyncadd.s32 $0xFFFFC000  }
0x322: {  	[tilespmem:s26], [sflag:$0x2] =	stream.indirect.gather [hbm4b:s4+s25], $0x80, s15, s25, $0xb8;
	[tilespmem:$0x1D000] =	vst v63  }
0x323: {  	_ =	swait.ge [sflag:s28], $0x4000  }
0x324: {  	[sflag:s28] =	ssyncset.done $0x0  }
0x325: {  	[sflag:s28] =	ssyncadd.s32 $0xFFFFC000  }
0x326: {  	[spmem:s2] =	stream.indirect.scatter.add.f32 [tilespmem:s22], [sflag:$0x3], $0x80, s16, s25, $0xb8;
	[tilespmem:$0x1D000] =	vst v63  }
0x327: {  	_ =	swait.ge [sflag:s23], $0x4000  }
0x328: {  	[sflag:s23] =	ssyncset.done $0x0  }
0x329: {  	[sflag:s23] =	ssyncadd.s32 $0xFFFFC000  }
0x32a: {  	[tilespmem:s22], [sflag:$0x1] =	stream.indirect.gather [hbm4b:s4+s25], $0x80, s17, s25, $0xb8;
	[tilespmem:$0x1D000] =	vst v63  }
0x32b: {  	_ =	swait.ge [sflag:s30], $0x4000  }
0x32c: {  	[sflag:s30] =	ssyncset.done $0x0  }
0x32d: {  	[sflag:s30] =	ssyncadd.s32 $0xFFFFC000  }
0x32e: {  	[spmem:s2] =	stream.indirect.scatter.add.f32 [tilespmem:s26], [sflag:$0x3], $0x80, s18, s25, $0xb8;
	[tilespmem:$0x1D000] =	vst v63  }
0x32f: {  	_ =	swait.ge [sflag:s23], $0x4000  }
0x330: {  	[sflag:s23] =	ssyncset.done $0x0  }
0x331: {  	[sflag:s23] =	ssyncadd.s32 $0xFFFFC000  }
0x332: {  	[tilespmem:s26], [sflag:$0x2] =	stream.indirect.gather [hbm4b:s4+s25], $0x80, s19, s25, $0xb8;
	[tilespmem:$0x1D000] =	vst v63  }
0x333: {  	_ =	swait.ge [sflag:s28], $0x4000  }
0x334: {  	[sflag:s28] =	ssyncset.done $0x0  }
0x335: {  	[sflag:s28] =	ssyncadd.s32 $0xFFFFC000  }
0x336: {  	[spmem:s2] =	stream.indirect.scatter.add.f32 [tilespmem:s22], [sflag:$0x3], $0x80, s20, s25, $0xb8;
	[tilespmem:$0x1D000] =	vst v63  }
0x337: {  	_ =	swait.ge [sflag:s23], $0x4000  }
0x338: {  	[sflag:s23] =	ssyncset.done $0x0  }
0x339: {  	[sflag:s23] =	ssyncadd.s32 $0xFFFFC000  }
0x33a: {  	[tilespmem:s22], [sflag:$0x1] =	stream.indirect.gather [hbm4b:s4+s25], $0x80, s21, s25, $0xb8;
	[tilespmem:$0x1D000] =	vst v63  }
0x33b: {  	_ =	swait.ge [sflag:s30], $0x4000  }
0x33c: {  	[sflag:s30] =	ssyncset.done $0x0  }
0x33d: {  	[sflag:s30] =	ssyncadd.s32 $0xFFFFC000  }
0x33e: {  	[spmem:s2] =	stream.indirect.scatter.add.f32 [tilespmem:s26], [sflag:$0x3], $0x80, s5, s25, $0xb8;
	[tilespmem:$0x1D000] =	vst v63  }
0x33f: {  	_ =	swait.ge [sflag:s23], $0x4000  }
0x340: {  	[sflag:s23] =	ssyncset.done $0x0  }
0x341: {  	[sflag:s23] =	ssyncadd.s32 $0xFFFFC000  }
0x342: {  	[tilespmem:s26], [sflag:$0x2] =	stream.indirect.gather [hbm4b:s4+s25], $0x80, s29, s25, $0xb8;
	[tilespmem:$0x1D000] =	vst v63  }
0x343: {  	_ =	swait.ge [sflag:s28], $0x4000  }
0x344: {  	[sflag:s28] =	ssyncset.done $0x0  }
0x345: {  	[sflag:s28] =	ssyncadd.s32 $0xFFFFC000  }
0x346: {  	[spmem:s2] =	stream.indirect.scatter.add.f32 [tilespmem:s22], [sflag:$0x3], $0x80, s31, s25, $0xb8;
	[tilespmem:$0x1D000] =	vst v63  }
0x347: {  	_ =	swait.ge [sflag:s23], $0x4000  }
0x348: {  	[sflag:s23] =	ssyncset.done $0x0  }
0x349: {  	[sflag:s23] =	ssyncadd.s32 $0xFFFFC000  }
0x34a: {  	[tilespmem:s22], [sflag:$0x1] =	stream.indirect.gather [hbm4b:s4+s25], $0x80, s0, s25, $0xb8;
	[tilespmem:$0x1D000] =	vst v63  }
0x34b: {  	_ =	swait.ge [sflag:s30], $0x4000  }
0x34c: {  	[sflag:s30] =	ssyncset.done $0x0  }
0x34d: {  	[sflag:s30] =	ssyncadd.s32 $0xFFFFC000  }
0x34e: {  	[spmem:s2] =	stream.indirect.scatter.add.f32 [tilespmem:s26], [sflag:$0x3], $0x80, s3, s25, $0xb8;
	[tilespmem:$0x1D000] =	vst v63  }
0x34f: {  	_ =	swait.ge [sflag:s23], $0x4000  }
0x350: {  	[sflag:s23] =	ssyncset.done $0x0  }
0x351: {  	[sflag:s23] =	ssyncadd.s32 $0xFFFFC000  }
0x352: {  	[tilespmem:s26], [sflag:$0x2] =	stream.indirect.gather [hbm4b:s4+s25], $0x80, s1, s25, $0xb8;
	[tilespmem:$0x1D000] =	vst v63  }
0x353: {  	_ =	swait.ge [sflag:s28], $0x4000  }
0x354: {  	[sflag:s28] =	ssyncset.done $0x0  }
0x355: {  	[sflag:s28] =	ssyncadd.s32 $0xFFFFC000  }
0x356: {  	[spmem:s2] =	stream.indirect.scatter.add.f32 [tilespmem:s22], [sflag:$0x3], $0x80, s6, s25, $0xb8;
	[tilespmem:$0x1D000] =	vst v63  }
0x357: {  	_ =	swait.ge [sflag:s23], $0x4000  }
0x358: {  	[sflag:s23] =	ssyncset.done $0x0  }
0x359: {  	[sflag:s23] =	ssyncadd.s32 $0xFFFFC000  }
0x35a: {  	_ =	swait.ge [sflag:s30], $0x4000  }
0x35b: {  	[sflag:s30] =	ssyncset.done $0x0  }
0x35c: {  	[sflag:s30] =	ssyncadd.s32 $0xFFFFC000  }
0x35d: {  	[spmem:s2] =	stream.indirect.scatter.add.f32 [tilespmem:s26], [sflag:$0x3], $0x80, s7, s25, $0xb8;
	[tilespmem:$0x1D000] =	vst v63  }
0x35e: {  	_ =	swait.ge [sflag:s23], $0x4000  }
0x35f: {  	[sflag:s23] =	ssyncset.done $0x0  }
0x360: {  	[sflag:s23] =	ssyncadd.s32 $0xFFFFC000  }
0x361: {  	s11 =	stileid.u32;
	[bflag:$0x0] =	sbarrier.arrive $0xFFFF  }
0x362: {  	s9 =	sshll.u32 s11, $0x6;
	s11 =	rddreg [dreg:$0x3]  }
0x363: {  	s9 =	sor.u32 $0x1C03, s9;
	s12 =	rddreg [dreg:$0x12];
	s10 =	sshrl.u32 s11, $0x3  }
0x364: {  	[hbm:s12], [sflag:s9] =	dma.local [spmem:s10], $0x2800  }
0x365: {  	_ =	swait.ge [sflag:s23], $0x2800  }
0x366: {  	s8 =	sadd.s32 $0x1, s8;
	s12 =	rddreg [dreg:$0x13]  }
0x367: {  	p0 =	sne.s32 s8, s12  }
.Ltmp6:
0x368: {  	_ = 	snop;
	(pc) =	sbr.rel @p0 .LBB2_1-.Ltmp6, $3  }
0x369: {  	_ =	sdelay $0x1  }
0x36a: {  	[sflag:s23] =	ssyncset.done $0x0  }
0x36b: {  	[sflag:s23] =	ssyncadd.s32 $0xFFFFD800  }
0x36c: {  	_ =	sfence.sel $0x180000  }
0x36d: {  	[bflag:$0x0] =	sbarrier.arrive $0xFFFF  }
0x36e: {  	_ =	strace $0x90000050  }
0x36f: {  	s0 =	stileid.u32;
	[bflag:$0x2] =	sbarrier.arrive $0xFFFF  }
0x370: {  	p0 =	sne.s32 s0, $0x0;
	s0 =	rddreg [dreg:$0x2]  }
0x371: {  	s0 =	sadd.s32 @!p0 $0x100000, s0  }
0x372: {  	[sflag:s0] =	ssyncadd.tile.s32 @!p0 $0x1;
	_ =	shalt  }
.Lfunc_end2:
_tile_overlayer_lowered:
.L_overlay_start_2:
0x373: {  	(tag) =	ssettag $0x2  }
0x374: {  	s0 =	rddreg [dreg:$0x0];
	s2 =	stileid.u32  }
0x375: {  	s1 =	rddreg [dreg:$0x1];
	p0 =	sne.s32 s2, $0x0  }
0x376: {  	s3 =	rddreg [dreg:$0x2];
	[bflag:$0x3] =	sbarrier.arrive $0xFFFF;
	s2 =	simm.s32 @!p0 $0x1C03  }
0x377: {  	[timem:s3], [sflag:s2] =	dma.local @!p0 [hbm:s0], s1  }
0x378: {  	s0 =	simm.s32 @!p0 $0x3  }
0x379: {  	_ =	swait.ge @!p0 [sflag:s0], s1  }
0x37a: {  	s1 =	ssub.s32 @!p0 $0x0, s1;
	[sflag:s0] =	ssyncset.done @!p0 $0x0  }
0x37b: {  	[sflag:s0] =	ssyncadd.s32 @!p0 s1  }
0x37c: {  	[bflag:$0x3] =	sbarrier.arrive $0xFFFF  }
0x37d: {  	_ =	shalt  }

// kernel: kernel.9.cloned.1.call-start
scs
__scs_entry_jumppad:
0x0: {  	(pc) =	sbr.rel $0x88, $3  }
0x1: {  	(tag) =	ssettag $0x0;
	lr =	simm.s32 $0x1  }
0x2: {  	[smem:$0x3F87] =	sst lr;
	_ =	strace $0xD0000000  }
0x3: {  	_ = 	snop  }
0x4: {  	_ = 	snop  }
0x5: {  	_ = 	snop  }
0x6: {  	_ = 	snop  }
0x7: {  	_ = 	snop  }
__scs_overlays_trampoline_lowered:
0x8: {  	[smem:$0x3F96] =	sst s0  }
0x9: {  	[smem:$0x3F97] =	sst s1  }
0xa: {  	[smem:$0x3F98] =	sst s2  }
0xb: {  	[smem:$0x3F99] =	sst s3  }
0xc: {  	[smem:$0x3F9A] =	sst s4  }
0xd: {  	[smem:$0x3F9B] =	sst s5  }
0xe: {  	[smem:$0x3F9C] =	sst s6  }
0xf: {  	[smem:$0x3F9D] =	sst s7  }
0x10: {  	[smem:$0x3F9E] =	sst s8  }
0x11: {  	[smem:$0x3F9F] =	sst s9;
	s0 =	simm.s32 @!p0 $0x0  }
0x12: {  	s1 =	sld [smem:$0x3F85];
	s0 =	simm.s32 @p0 $0x1  }
0x13: {  	[smem:$0x3FA0] =	sst s0;
	s0 =	simm.s32 @!p1 $0x0  }
0x14: {  	s2 =	sld [smem:$0x3F84];
	s0 =	simm.s32 @p1 $0x1  }
0x15: {  	[smem:$0x3FA1] =	sst s0;
	s0 =	simm.s32 @!p2 $0x0  }
0x16: {  	s3 =	sld [smem:$0x3FDB];
	s0 =	simm.s32 @p2 $0x1  }
0x17: {  	s4 =	simm.s32 $0x1BF5;
	[smem:$0x3FA3] =	sst s0  }
0x18: {  	s0 =	sld [smem:$0x3F86];
	_ =	swait.ge [sflag:s4], $0x0  }
0x19: {  	s7 =	sld [smem:$0x3F87]  }
0x1a: {  	s8 =	sadd.s32 $0xFFFFE003, lr  }
0x1b: {  	s9 =	sadd.s32 $0xFFFFFEF7, lr;
	s5 =	simm.s32 $0xFFFFFFFF;
	p2 =	slt.u32 s8, $0xFFFFF086  }
0x1c: {  	p1 =	slt.u32 s9, $0xF7A;
	s5 =	simm.s32 @!p2 $0x0  }
0x1d: {  	s5 =	simm.s32 @p1 $0x1;
	p0 =	seq.s32 s7, s2  }
0x1e: {  	s7 =	smul.u32 @!p0 $0xF7A, s2;
	p2 =	seq.s32 @!p0 s5, $0x0  }
0x1f: {  	s9 =	smul.u32 $0xF7A, s1;
	s8 =	simm.s32 @!p0 $0x1BF5;
	p2 =	por !p2, p0  }
0x20: {  	[sflag:s8] =	ssyncset.s32 @!p0 $0xFFFFF086;
	s6 =	sadd.s32 @!p0 s3, s7;
	s7 =	simm.s32 @!p0 $0x108  }
0x21: {  	s3 =	sadd.s32 s3, s9;
	s6 =	sadd.s32 @!p0 $0x88, s6;
	s7 =	simm.s32 @p2 $0x1082  }
0x22: {  	[simem:s7], [sflag:s8] =	dma.local @!p0 [hbm:s6], $0xF7A  }
0x23: {  	s9 =	sor.u32 $0xD0000000, s2;
	s6 =	simm.s32 $0x108;
	_ =	swait.ge @!p0 [sflag:s8], $0x0  }
0x24: {  	s3 =	sadd.s32 $0x88, s3;
	s6 =	simm.s32 @!p1 $0x1082;
	[sflag:s4] =	ssyncset.s32 $0xFFFFF086  }
0x25: {  	[simem:s6], [sflag:s4] =	dma.local [hbm:s3], $0xF7A  }
0x26: {  	[smem:$0x3F87] =	sst s1;
	(tag) =	ssettag s2;
	_ =	strace s9  }
0x27: {  	s1 =	sld [smem:$0x3F97]  }
0x28: {  	s2 =	sld [smem:$0x3F98]  }
0x29: {  	s4 =	sld [smem:$0x3F9A]  }
0x2a: {  	p0 =	seq.s32 s5, $0x0;
	s5 =	sld [smem:$0x3F9B]  }
0x2b: {  	s6 =	sld [smem:$0x3F9C]  }
0x2c: {  	s7 =	sld [smem:$0x3F9D]  }
0x2d: {  	s3 =	simm.s32 $0x108;
	s8 =	sld [smem:$0x3F9E]  }
0x2e: {  	s3 =	simm.s32 @!p0 $0x1082;
	s9 =	sld [smem:$0x3F9F]  }
0x2f: {  	lr =	sadd.s32 s0, s3;
	s0 =	sld [smem:$0x3F96]  }
0x30: {  	s3 =	sld [smem:$0x3F99]  }
0x31: {  	[smem:$0x3FA2] =	sst s10  }
0x32: {  	s10 =	sld [smem:$0x3FA0];
	_ =	sdelay $0x3  }
0x33: {  	p0 =	seq.s32 s10, $0x1;
	s10 =	sld [smem:$0x3FA2];
	_ =	sdelay $0x3  }
0x34: {  	[smem:$0x3FA2] =	sst s10  }
0x35: {  	s10 =	sld [smem:$0x3FA1];
	_ =	sdelay $0x3  }
0x36: {  	p1 =	seq.s32 s10, $0x1;
	s10 =	sld [smem:$0x3FA2];
	_ =	sdelay $0x3  }
0x37: {  	[smem:$0x3FA2] =	sst s10  }
0x38: {  	s10 =	sld [smem:$0x3FA3]  }
0x39: {  	_ = 	snop;
	(pc) =	sbr.ind lr, $3  }
0x3a: {  	_ = 	snop  }
0x3b: {  	_ = 	snop  }
0x3c: {  	p2 =	seq.s32 s10, $0x1;
	s10 =	sld [smem:$0x3FA2]  }
0x3d: {  	_ =	shalt  }
0x3e: {  	_ =	shalt  }
0x3f: {  	_ =	shalt  }
0x40: {  	_ =	shalt  }
0x41: {  	_ =	shalt  }
0x42: {  	_ =	shalt  }
0x43: {  	_ =	shalt  }
0x44: {  	_ =	shalt  }
0x45: {  	_ =	shalt  }
0x46: {  	_ =	shalt  }
0x47: {  	_ =	shalt  }
0x48: {  	_ =	shalt  }
0x49: {  	_ =	shalt  }
0x4a: {  	_ =	shalt  }
0x4b: {  	_ =	shalt  }
0x4c: {  	_ =	shalt  }
0x4d: {  	_ =	shalt  }
0x4e: {  	_ =	shalt  }
0x4f: {  	_ =	shalt  }
0x50: {  	_ =	shalt  }
0x51: {  	_ =	shalt  }
0x52: {  	_ =	shalt  }
0x53: {  	_ =	shalt  }
0x54: {  	_ =	shalt  }
0x55: {  	_ =	shalt  }
0x56: {  	_ =	shalt  }
0x57: {  	_ =	shalt  }
0x58: {  	_ =	shalt  }
0x59: {  	_ =	shalt  }
0x5a: {  	_ =	shalt  }
0x5b: {  	_ =	shalt  }
0x5c: {  	_ =	shalt  }
0x5d: {  	_ =	shalt  }
0x5e: {  	_ =	shalt  }
0x5f: {  	_ =	shalt  }
0x60: {  	_ =	shalt  }
0x61: {  	_ =	shalt  }
0x62: {  	_ =	shalt  }
0x63: {  	_ =	shalt  }
0x64: {  	_ =	shalt  }
0x65: {  	_ =	shalt  }
0x66: {  	_ =	shalt  }
0x67: {  	_ =	shalt  }
0x68: {  	_ =	shalt  }
0x69: {  	_ =	shalt  }
0x6a: {  	_ =	shalt  }
0x6b: {  	_ =	shalt  }
0x6c: {  	_ =	shalt  }
0x6d: {  	_ =	shalt  }
0x6e: {  	_ =	shalt  }
0x6f: {  	_ =	shalt  }
0x70: {  	_ =	shalt  }
0x71: {  	_ =	shalt  }
0x72: {  	_ =	shalt  }
0x73: {  	_ =	shalt  }
0x74: {  	_ =	shalt  }
0x75: {  	_ =	shalt  }
0x76: {  	_ =	shalt  }
0x77: {  	_ =	shalt  }
0x78: {  	_ =	shalt  }
0x79: {  	_ =	shalt  }
0x7a: {  	_ =	shalt  }
0x7b: {  	_ =	shalt  }
0x7c: {  	_ =	shalt  }
0x7d: {  	_ =	shalt  }
0x7e: {  	_ =	shalt  }
0x7f: {  	_ =	shalt  }
0x80: {  	_ =	shalt  }
0x81: {  	_ =	shalt  }
0x82: {  	_ =	shalt  }
0x83: {  	_ =	shalt  }
0x84: {  	_ =	shalt  }
0x85: {  	_ =	shalt  }
0x86: {  	_ =	shalt  }
0x87: {  	_ =	shalt  }
.Lfunc_end0:
.L_simem_size_0:
called_computation_lowered:
.L_overlay_start_0:
0x88: {  	s2 =	sld [smem:$0x3FD9]  }
0x89: {  	s3 =	sld [smem:$0x3FFE];
	_ =	sdelay $0x1  }
0x8a: {  	s1 =	srdreg.scid  }
0x8b: {  	s0 =	sand.u32 $0x1, s1  }
0x8c: {  	s16 =	sshll.u32 s0, $0xA;
	s2 =	sadd.s32 s3, s2  }
0x8d: {  	s2 =	sadd.s32 s2, s16  }
0x8e: {  	[smem:$0x3FAE] =	sst s2  }
0x8f: {  	_ = 	snop  }
0x90: {  	(tm) =	ssettm $0x1  }
0x91: {  	s17 =	sld [smem:$0x3FFB];
	_ =	sdelay $0x3  }
0x92: {  	_ =	strace s17  }
0x93: {  	s2 =	sld [smem:$0x3FFC];
	_ =	sdelay $0x3  }
0x94: {  	_ =	strace s2  }
0x95: {  	s2 =	sld [smem:$0x3FFD];
	_ =	sdelay $0x3  }
0x96: {  	_ =	strace s2  }
0x97: {  	_ =	strace $0x8FFFFFFF  }
0x98: {  	s18 =	sld [smem:$0x3FDB];
	_ =	sdelay $0x1  }
0x99: {  	s19 =	simm.s32 $_scs_section_size  }
0x9a: {  	s4 =	simm.s32 $_size__tile_overlayer_lowered;
	s5 =	simm.s32 $_tile_overlayer_lowered  }
0x9b: {  	s22 =	simm.s32 $0x1BFF;
	s21 =	sshll.u32 s5, $0x1;
	s2 =	sadd.s32 s19, s18  }
0x9c: {  	s6 =	simm.s32 $0x0;
	s20 =	sshll.u32 s4, $0x1;
	s4 =	sadd.s32 s21, s2  }
0x9d: {  	[timem:s6], [sflag:s22] =	dma.local [hbm:s4], s20  }
0x9e: {  	_ =	swait.ge [sflag:s22], s20  }
0x9f: {  	s3 =	ssub.s32 $0x0, s20;
	[sflag:s22] =	ssyncset.done $0x0  }
0xa0: {  	[sflag:s22] =	ssyncadd.s32 s3;
	_ =	sdelay $0x1  }
0xa1: {  	s23 =	simm.s32 $0x1B8B  }
0xa2: {  	_ =	swait.ge [sflag:s23], $0x1  }
0xa3: {  	[sflag:s23] =	ssyncset.done $0x0  }
0xa4: {  	s25 =	simm.s32 $0x1B8E;
	s24 =	sld [smem:$0x3FFE];
	[sflag:s23] =	ssyncadd.s32 $0xFFFFFFFF  }
0xa5: {  	s26 =	simm.s32 $execute0_lowered;
	[smem:$0x3FD2] =	sst s25  }
0xa6: {  	s4 =	sshll.u32 s26, $0x1;
	_ =	strace $0x80000046;
	[dreg:$0x1] =	wrdreg $0xFFFFFFFF  }
0xa7: {  	s28 =	simm.s32 $_size_execute0_lowered;
	s2 =	sadd.s32 s2, s4;
	[dreg:$0x0] =	wrdreg $0x0  }
0xa8: {  	s4 =	sshll.u32 s28, $0x1;
	[dreg:$0x2] =	wrdreg s2  }
0xa9: {  	[dreg:$0x3] =	wrdreg s4  }
0xaa: {  	[dreg:$0x4] =	wrdreg $0xC0  }
0xab: {  	_ =	task [dreg:s6], $0x5FFFF  }
0xac: {  	[dreg:$0x1] =	wrdreg $0xFFFFFFFF  }
0xad: {  	[dreg:$0x0] =	wrdreg $0x60  }
0xae: {  	[dreg:$0x2] =	wrdreg s24  }
0xaf: {  	[dreg:$0x3] =	wrdreg $0x9  }
0xb0: {  	_ =	task.clear_ibuf [dreg:s6], $0x4FFFF;
	_ =	strace $0x90000046  }
0xb1: {  	s29 =	simm.s32 $0x9;
	_ =	strace $0x80000048  }
0xb2: {  	_ =	swait.ge [sflag:s29], $0x1  }
0xb3: {  	[sflag:s29] =	ssyncadd.s32 $0xFFFFFFFF  }
0xb4: {  	_ =	strace $0x90000048  }
0xb5: {  	_ =	sfence  }
0xb6: {  	s30 =	sld [smem:$0x0];
	_ =	sdelay $0x2  }
0xb7: {  	s31 =	sshll.u32 s1, $0xD;
	s1 =	sshrl.u32 s1, $0x2  }
0xb8: {  	s3 =	sand.u32 $0x4000, s31;
	s1 =	sadd.s32 s1, s30  }
0xb9: {  	s0 =	sor.u32 s3, s0;
	s1 =	sshll.u32 s1, $0x11  }
0xba: {  	s0 =	sor.u32 s1, s0  }
0xbb: {  	s0 =	sadd.s32 $0x8F2B, s0  }
0xbc: {  	[sflag:s0] =	ssyncadd.remote.s32 $0x1  }
0xbd: {  	_ =	sfence.sel $0xFFFF  }
0xbe: {  	[dreg:$0x0] =	wrdreg $0xFFFFFFFF;
	(pc) =	sbr.abs _section_cstart, $3  }
0xbf: {  	[dreg:$0x1] =	wrdreg $0xFFFFFFFF  }
0xc0: {  	_ =	task.clear_ibuf [dreg:s6], $0x2FFFF;
	_ =	strace $0x9FFFFFFF  }
0xc1: {  	(tm) =	ssettm $0x7FFFFFFF  }
tec
execute0_lowered:
.L_overlay_start_1:
0x0: {  	(tag) =	ssettag $0x1  }
0x1: {  	s1 =	srdreg.scid;
	s0 =	stileid.u32  }
0x2: {  	s3 =	rddreg [dreg:$0x0];
	s8 =	simm.s32 $0x80;
	s9 =	simm.s32 $0x400  }
0x3: {  	s4 =	sand.u32 $0x1, s1;
	s2 =	sshll.u32 s0, $0x1;
	s1 =	rddreg [dreg:$0x1]  }
0x4: {  	s6 =	sshrl.u32 s0, $0x2;
	s5 =	sor.u32 s4, s2;
	s2 =	simm.s32 $0x0  }
0x5: {  	s6 =	smul.u32 $0x14000, s6;
	s4 =	ssub.s32 $0x2, s4;
	s7 =	sshll.u32 s5, $0x7  }
0x6: {  	[smem:$0x7FF] =	sst s2;
	s5 =	smul.u32 $0x271, s5;
	s7 =	sand.u32 $0x380, s7  }
0x7: {  	s31 =	sshrl.u32 s4, $0x1;
	_ =	strace $0x80000047;
	s6 =	sor.u32 s6, s7  }
0x8: {  	s5 =	sadd.s32 s5, s3;
	s7 =	ssub.s32 s4, s31;
	s6 =	sshrl.u32 s6, $0x3  }
0x9: {  	s6 =	sadd.s32 s6, s3;
	s3 =	sadd.s32 $0x5000, s5;
	s5 =	smax.u32 s7, $0x1  }
0xa: {  	v0 =	vimm.f32 $0.0e+00;
	v1 =	vimm.s32 $0x0;
	v2 =	vimm.f32 $1.000000000e+00;
	s7 =	simm.s32 $0x1400;
	s4 =	sadd.s32 $0xF000, s6;
	s6 =	simm.s32 $0x1  }
.LBB2_1:
0xb: {  	s10 =	simm.s32 $0x40;
	s11 =	simm.s32 $0x0  }
.LBB2_2:
0xc: {  	p0 =	sne.s32 s10, $0x9FC0;
	[tilespmem:s11+$0x1400] =	vst v0;
	s11 =	smov.u32 s10;
	s10 =	sadd.s32 $0x40, s10  }
.Ltmp0:
0xd: {  	(pc) =	sbr.rel @p0 .LBB2_2-.Ltmp0, $2  }
0xe: {  	_ =	sdelay $0x2  }
0xf: {  	s11 =	sshra.s32 s11, $0x2  }
0x10: {  	[tilespmem:s11+$0x1400] =	vst v0  }
0x11: {  	s10 =	simm.s32 $0x0;
	[tilespmem:$0x1388] =	vst v1  }
0x12: {  	[tilespmem:s10], [sflag:$0x1] =	stream.linear.gather [hbm4b:s3+s10], $0x1388, $0x38;
	[tilespmem:$0x3C00] =	vst v63  }
0x13: {  	_ =	swait.ge [sflag:s6], $0x1388  }
0x14: {  	[sflag:s6] =	ssyncset.done $0x0  }
0x15: {  	s11 =	simm.s32 $0x0;
	s10 =	simm.s32 $0x40;
	[sflag:s6] =	ssyncadd.s32 $0xFFFFEC78  }
.LBB2_4:
0x16: {  	p0 =	sne.s32 s10, $0x4DC0;
	v3 =	vld [tilespmem:s11+$0x0];
	_ =	sdelay $0x3  }
.Ltmp1:
0x17: {  	(pc) =	sbr.rel @p0 .LBB2_4-.Ltmp1, $2  }
0x18: {  	_ =	sdelay $0x2  }
0x19: {  	s11 =	sshra.s32 s10, $0x2;
	s10 =	sadd.s32 $0x40, s10;
	[tilespmem:v3+s7+$0x0] =	vst.idx.add.f32.msk $0xffff, v2  }
0x1a: {  	v3 =	vld [tilespmem:s11+$0x0];
	_ =	sdelay $0x7  }
0x1b: {  	[tilespmem:v3+s7+$0x0] =	vst.idx.add.f32.msk $0xffff, v2  }
0x1c: {  	v3 =	vld [tilespmem:$0x1380];
	_ =	sdelay $0x5  }
0x1d: {  	s2 =	sadd.s32 $0x1, s2  }
0x1e: {  	p0 =	sne.s32 s2, s5  }
.Ltmp2:
0x1f: {  	[tilespmem:v3+s7+$0x0] =	vst.idx.add.f32.msk $0xff, v2;
	(pc) =	sbr.rel @p0 .LBB2_1-.Ltmp2, $4  }
0x20: {  	[hbm4b:s4+s8] =	stream.strided.scatter [tilespmem:s7], [sflag:$0x1], $0x2800, s9, s8, $0x38;
	[tilespmem:$0x3C00] =	vst v63  }
0x21: {  	_ =	swait.ge [sflag:s6], $0x2800  }
0x22: {  	[sflag:s6] =	ssyncset.done $0x0  }
0x23: {  	[sflag:s6] =	ssyncadd.s32 $0xFFFFD800  }
0x24: {  	_ =	sfence.sel $0x180000  }
0x25: {  	[bflag:$0x0] =	sbarrier.arrive $0xFFFF  }
0x26: {  	p0 =	sne.s32 s0, $0x0;
	_ =	strace $0x90000047  }
0x27: {  	s0 =	sadd.s32 @!p0 $0x100000, s1;
	[bflag:$0x2] =	sbarrier.arrive $0xFFFF  }
0x28: {  	[sflag:s0] =	ssyncadd.tile.s32 @!p0 $0x1;
	_ =	shalt  }
.Lfunc_end2:
_tile_overlayer_lowered:
.L_overlay_start_2:
0x29: {  	(tag) =	ssettag $0x2  }
0x2a: {  	s0 =	rddreg [dreg:$0x0];
	s2 =	stileid.u32  }
0x2b: {  	s1 =	rddreg [dreg:$0x1];
	p0 =	sne.s32 s2, $0x0  }
0x2c: {  	s3 =	rddreg [dreg:$0x2];
	[bflag:$0x3] =	sbarrier.arrive $0xFFFF;
	s2 =	simm.s32 @!p0 $0x1C01  }
0x2d: {  	[timem:s3], [sflag:s2] =	dma.local @!p0 [hbm:s0], s1  }
0x2e: {  	s0 =	simm.s32 @!p0 $0x1  }
0x2f: {  	_ =	swait.ge @!p0 [sflag:s0], s1  }
0x30: {  	s1 =	ssub.s32 @!p0 $0x0, s1;
	[sflag:s0] =	ssyncset.done @!p0 $0x0  }
0x31: {  	[sflag:s0] =	ssyncadd.s32 @!p0 s1  }
0x32: {  	[bflag:$0x3] =	sbarrier.arrive $0xFFFF  }
0x33: {  	_ =	shalt  }

</sc_bundles>
